<compile_context>
chip_gen: v7x
topology: tpu7x:2x2x1
jax: 0.10.2.dev20260603
libtpu: 0.0.44.dev20260713+nightly
codegen_flags: <defaults>
</compile_context>

<pallas_src>
import dataclasses
import functools

import jax
import jax.numpy as jnp
import numpy as np
from jax import lax
from jax.experimental import pallas as pl
from jax.experimental.pallas import tpu as pltpu
from jax.experimental.pallas import tpu_sc as plsc


def _positional_encoding(length: int, depth: int) -> np.ndarray:
    half = depth // 2
    positions = np.arange(length)[:, np.newaxis]
    depths = np.arange(half)[np.newaxis, :] / half
    angle_rates = 1.0 / (10000.0 ** depths)
    angle_rads = positions * angle_rates
    return np.concatenate(
        [np.sin(angle_rads), np.cos(angle_rads)], axis=-1
    ).astype(np.float32)


_NC, _NS, _L = 2, 16, 16
_NW = _NC * _NS
_CB, _CS = 4, 40
_CR = _CB * _CS
_G = 80
_NBUF = 4


def kernel(x, table):
    B, S = x.shape
    V, D = table.shape
    scale = float(np.sqrt(float(D)))
    pe = jnp.asarray(_positional_encoding(S, D))

    assert B % _CB == 0 and S % _CS == 0 and D % _L == 0 and _CS % 8 == 0
    n_chunks = (B // _CB) * (S // _CS)
    assert n_chunks % _NW == 0
    per_w = n_chunks // _NW
    assert per_w % _NBUF == 0 and per_w >= 2 * _NBUF
    n_sgrp = S // _CS
    bsub_per_w = per_w // n_sgrp
    rows_per_w = bsub_per_w * _CB
    n_grp = _CR // _L
    grp_per_g = _G // _L

    xi = x.astype(jnp.int32)

    mesh = plsc.VectorSubcoreMesh(core_axis_name="c", subcore_axis_name="s")

    cp = pltpu.CompilerParams()
    if "needs_layout_passes" in pltpu.CompilerParams.__dataclass_fields__:
        cp = dataclasses.replace(cp, needs_layout_passes=False)

    @functools.partial(
        pl.kernel,
        mesh=mesh,
        compiler_params=cp,
        out_type=jax.ShapeDtypeStruct((B, S, D), jnp.float32),
        scratch_types=[
            pltpu.VMEM((S, D), jnp.float32),
            pltpu.VMEM((rows_per_w, S), jnp.int32),
            pltpu.VMEM((per_w, 2, _G), jnp.int32),
        ]
        + [pltpu.VMEM((_CR, D), jnp.float32) for _ in range(_NBUF)]
        + [pltpu.SemaphoreType.DMA for _ in range(2 * _NBUF)],
    )
    def k(x_hbm, table_hbm, pe_hbm, out_hbm, pe_v, xb_v, idx_v, *bufs):
        rows = bufs[:_NBUF]
        gsem = bufs[_NBUF:2 * _NBUF]
        osem = bufs[2 * _NBUF:]
        wid = lax.axis_index("s") * _NC + lax.axis_index("c")
        b_lo = pl.multiple_of(wid * rows_per_w, rows_per_w)

        pe_copy = pltpu.make_async_copy(pe_hbm, pe_v, osem[0])
        pltpu.sync_copy(x_hbm.at[pl.ds(b_lo, rows_per_w)], xb_v)

        iota = lax.iota(jnp.int32, _L)
        bvs, svs = [], []
        for j in range(n_grp):
            rv = iota + (_L * j)
            bv = rv // _CS
            bvs.append(bv)
            svs.append(rv - bv * _CS)

        def build_idx(t):
            m = t // n_sgrp
            kk = t % n_sgrp
            for j in range(n_grp):
                vals = plsc.load_gather(
                    xb_v, [bvs[j] + m * _CB, svs[j] + kk * _CS])
                idx_v[t, j // grp_per_g,
                      pl.ds((j % grp_per_g) * _L, _L)] = vals

        def gather_start(t, b):
            for g in range(2):
                pltpu.make_async_copy(
                    table_hbm.at[idx_v.at[t, g]],
                    rows[b].at[pl.ds(g * _G, _G)],
                    gsem[b],
                ).start()

        def gather_wait(t, b):
            for g in range(2):
                pltpu.make_async_copy(
                    table_hbm.at[idx_v.at[t, g]],
                    rows[b].at[pl.ds(g * _G, _G)],
                    gsem[b],
                ).wait()

        def out_slot(t):
            m = t // n_sgrp
            kk = t % n_sgrp
            return out_hbm.at[
                pl.ds(b_lo + m * _CB, _CB),
                pl.ds(pl.multiple_of(kk * _CS, _CS), _CS),
                slice(None),
            ]

        def writeback(t, b):
            return pltpu.make_async_copy(
                rows[b].reshape(_CB, _CS, D), out_slot(t), osem[b])

        def compute(t, b):
            kk = t % n_sgrp
            r = rows[b]

            @pl.loop(0, _CS)
            def _(sp):
                pe_regs = [
                    pe_v[kk * _CS + sp, pl.ds(cc * _L, _L)]
                    for cc in range(D // _L)
                ]
                for bp in range(_CB):
                    i = bp * _CS + sp
                    for cc in range(D // _L):
                        sl = pl.ds(cc * _L, _L)
                        r[i, sl] = r[i, sl] * scale + pe_regs[cc]

        def body(t, b):
            pb = (b + 3) % _NBUF
            pl.when(t >= 1)(lambda: writeback(t - 1, pb).wait())
            pl.when(t + 3 < per_w)(lambda: gather_start(t + 3, pb))
            gather_wait(t, b)
            compute(t, b)
            writeback(t, b).start()

        for t0 in range(3):
            build_idx(t0)
            gather_start(t0, t0)
        pe_copy.start()

        @pl.loop(3, per_w)
        def _(t):
            build_idx(t)

        pe_copy.wait()

        @pl.loop(0, per_w, step=_NBUF)
        def _(t):
            for i in range(_NBUF):
                body(t + i, i)

        writeback(per_w - 1, (per_w - 1) % _NBUF).wait()

    return k(xi, table, pe)

# --- scband reference (transcript-rebuilt; emitter-appended) ---
"""Pipeline reference for scband-positional-embedding-46505905881142 (READ-ONLY COPY).

The authoritative reference and input builder live on the scoring server;
editing this copy changes nothing except your own understanding.
"""

import jax, jax.numpy as jnp
import numpy as np

VOCAB = 100000
D_MODEL = 128
MAX_LENGTH = 200
BATCH = 1024
SEQ = 200


def positional_encoding(length, depth):
    half = depth // 2
    positions = np.arange(length)[:, np.newaxis]
    depths = np.arange(half)[np.newaxis, :] / half
    angle_rates = 1.0 / (10000.0 ** depths)
    angle_rads = positions * angle_rates
    pe = np.concatenate([np.sin(angle_rads), np.cos(angle_rads)], axis=-1)
    return jnp.asarray(pe, dtype=jnp.float32)


def setup_inputs(seed: int = 0) -> dict:
    key = jax.random.key(seed)
    k1, k2 = jax.random.split(key)
    x = jax.random.randint(k1, (BATCH, SEQ), 0, VOCAB)
    table = jax.random.normal(k2, (VOCAB, D_MODEL), dtype=jnp.float32) * 0.02
    return {"x": x, "table": table}


def reference(x, table):
    pe = positional_encoding(MAX_LENGTH, D_MODEL)
    length = x.shape[1]
    emb = jnp.take(table, x, axis=0)  # [B, S, D] embedding gather
    emb = emb * jnp.sqrt(jnp.asarray(D_MODEL, dtype=jnp.float32))
    out = emb + pe[jnp.newaxis, :length, :]
    return out

if __name__ == "__main__":
    import jax
    _d = setup_inputs()
    print(jax.jit(kernel)(*tuple(_d.values())))

</pallas_src>

<mosaic_0001>
#map = affine_map<(d0, d1) -> (0, 0)>
#map1 = affine_map<(d0, d1) -> (0, 0, 0)>
module attributes {stable_mosaic.version = 14 : i64} {
  func.func @k(%arg0: i32, %arg1: i32, %arg2: memref<1024x200xi32, #tpu.memory_space<hbm>>, %arg3: memref<100000x128xf32, #tpu.memory_space<hbm>>, %arg4: memref<200x128xf32, #tpu.memory_space<hbm>>, %arg5: memref<1024x200x128xf32, #tpu.memory_space<hbm>>, %arg6: memref<200x128xf32, #tpu.memory_space<vmem>>, %arg7: memref<32x200xi32, #tpu.memory_space<vmem>>, %arg8: memref<40x2x80xi32, #tpu.memory_space<vmem>>, %arg9: memref<160x128xf32, #tpu.memory_space<vmem>>, %arg10: memref<160x128xf32, #tpu.memory_space<vmem>>, %arg11: memref<160x128xf32, #tpu.memory_space<vmem>>, %arg12: memref<160x128xf32, #tpu.memory_space<vmem>>, %arg13: memref<!tpu.dma_semaphore, #tpu.memory_space<semaphore_mem>>, %arg14: memref<!tpu.dma_semaphore, #tpu.memory_space<semaphore_mem>>, %arg15: memref<!tpu.dma_semaphore, #tpu.memory_space<semaphore_mem>>, %arg16: memref<!tpu.dma_semaphore, #tpu.memory_space<semaphore_mem>>, %arg17: memref<!tpu.dma_semaphore, #tpu.memory_space<semaphore_mem>>, %arg18: memref<!tpu.dma_semaphore, #tpu.memory_space<semaphore_mem>>, %arg19: memref<!tpu.dma_semaphore, #tpu.memory_space<semaphore_mem>>, %arg20: memref<!tpu.dma_semaphore, #tpu.memory_space<semaphore_mem>>) attributes {dimension_semantics = [#tpu.dimension_semantics<core_parallel>, #tpu.dimension_semantics<subcore_parallel>], iteration_bounds = array<i64: 2, 16>, scalar_prefetch = 0 : i64, scratch_operands = 15 : i64, tpu.core_type = #tpu.core_type<sc_vector_subcore>, window_params = [{transform_indices = #map}, {transform_indices = #map}, {transform_indices = #map}, {transform_indices = #map1}]} {
    %mul3A = arith.constant 2 : i32
    %mul3A_0 = arith.muli %arg1, %mul3A : i32
    %add3A = arith.addi %mul3A_0, %arg0 : i32
    %mul3A_1 = arith.constant 32 : i32
    %mul3A_2 = arith.muli %add3A, %mul3A_1 : i32
    %multiple_of3A = tpu.assume_multiple %mul3A_2, 32 : i32
    "tpu.region"() ({
      %run_scoped3A = tpu.sem_alloc : memref<!tpu.dma_semaphore, #tpu.memory_space<semaphore_mem>>
      %dma_start3A_846 = arith.constant 0 : i32
      %dma_start3A_847 = tpu.memref_slice %arg2[%multiple_of3A, %dma_start3A_846] : memref<1024x200xi32, #tpu.memory_space<hbm>> -> memref<32x200xi32, #tpu.memory_space<hbm>>
      %dma_start3A_848 = arith.constant 0 : i32
      %dma_start3A_849 = tpu.memref_slice %arg2[%multiple_of3A, %dma_start3A_848] : memref<1024x200xi32, #tpu.memory_space<hbm>> -> memref<32x200xi32, #tpu.memory_space<hbm>>
      tpu.enqueue_dma source(%dma_start3A_849 : memref<32x200xi32, #tpu.memory_space<hbm>>) target(%arg7 : memref<32x200xi32, #tpu.memory_space<vmem>>) target_semaphore(%run_scoped3A : memref<!tpu.dma_semaphore, #tpu.memory_space<semaphore_mem>>)
      %dma_wait3A_850 = arith.constant 0 : i32
      %dma_wait3A_851 = tpu.memref_slice %arg2[%multiple_of3A, %dma_wait3A_850] : memref<1024x200xi32, #tpu.memory_space<hbm>> -> memref<32x200xi32, #tpu.memory_space<hbm>>
      %dma_wait3A_852 = arith.constant 0 : i32
      %dma_wait3A_853 = tpu.memref_slice %arg2[%multiple_of3A, %dma_wait3A_852] : memref<1024x200xi32, #tpu.memory_space<hbm>> -> memref<32x200xi32, #tpu.memory_space<hbm>>
      tpu.wait_dma2 semaphore(%run_scoped3A : memref<!tpu.dma_semaphore, #tpu.memory_space<semaphore_mem>>) src(%dma_wait3A_853 : memref<32x200xi32, #tpu.memory_space<hbm>>) dst(%arg7 : memref<32x200xi32, #tpu.memory_space<vmem>>)
      tpu.yield
    }) : () -> ()
    %iota3A = tpu.iota {dimensions = array<i32: 0>} : vector<16xi32>
    %add3A_3 = arith.constant 0 : i32
    %add3A_4 = vector.broadcast %add3A_3 : i32 to vector<16xi32>
    %add3A_5 = arith.addi %iota3A, %add3A_4 : vector<16xi32>
    %jit3A = arith.constant 40 : i32
    %div3A = vector.broadcast %jit3A : i32 to vector<16xi32>
    %div3A_6 = arith.divsi %add3A_5, %div3A : vector<16xi32>
    %sign3A = arith.constant 0 : i32
    %sign3A_7 = vector.broadcast %sign3A : i32 to vector<16xi32>
    %sign3A_8 = arith.cmpi sgt, %add3A_5, %sign3A_7 : vector<16xi32>
    %sign3A_9 = arith.extui %sign3A_8 : vector<16xi1> to vector<16xi32>
    %sign3A_10 = arith.constant 0 : i32
    %sign3A_11 = vector.broadcast %sign3A_10 : i32 to vector<16xi32>
    %sign3A_12 = arith.cmpi slt, %add3A_5, %sign3A_11 : vector<16xi32>
    %sign3A_13 = arith.extui %sign3A_12 : vector<16xi1> to vector<16xi32>
    %sign3A_14 = arith.subi %sign3A_9, %sign3A_13 : vector<16xi32>
    %sign3A_15 = arith.constant 0 : i32
    %sign3A_16 = arith.cmpi sgt, %jit3A, %sign3A_15 : i32
    %sign3A_17 = arith.extui %sign3A_16 : i1 to i32
    %sign3A_18 = arith.constant 0 : i32
    %sign3A_19 = arith.cmpi slt, %jit3A, %sign3A_18 : i32
    %sign3A_20 = arith.extui %sign3A_19 : i1 to i32
    %sign3A_21 = arith.subi %sign3A_17, %sign3A_20 : i32
    %ne3A = vector.broadcast %sign3A_21 : i32 to vector<16xi32>
    %ne3A_22 = arith.cmpi ne, %sign3A_14, %ne3A : vector<16xi32>
    %rem3A = vector.broadcast %jit3A : i32 to vector<16xi32>
    %rem3A_23 = arith.remsi %add3A_5, %rem3A : vector<16xi32>
    %ne3A_24 = arith.constant 0 : i32
    %ne3A_25 = vector.broadcast %ne3A_24 : i32 to vector<16xi32>
    %ne3A_26 = arith.cmpi ne, %rem3A_23, %ne3A_25 : vector<16xi32>
    %and3A = arith.andi %ne3A_22, %ne3A_26 : vector<16xi1>
    %sub3A = arith.constant 1 : i32
    %sub3A_27 = vector.broadcast %sub3A : i32 to vector<16xi32>
    %sub3A_28 = arith.subi %div3A_6, %sub3A_27 : vector<16xi32>
    %select_n3A = arith.select %and3A, %sub3A_28, %div3A_6 : vector<16xi1>, vector<16xi32>
    %mul3A_29 = arith.constant 40 : i32
    %mul3A_30 = vector.broadcast %mul3A_29 : i32 to vector<16xi32>
    %mul3A_31 = arith.muli %select_n3A, %mul3A_30 : vector<16xi32>
    %sub3A_32 = arith.subi %add3A_5, %mul3A_31 : vector<16xi32>
    %add3A_33 = arith.constant 16 : i32
    %add3A_34 = vector.broadcast %add3A_33 : i32 to vector<16xi32>
    %add3A_35 = arith.addi %iota3A, %add3A_34 : vector<16xi32>
    %jit3A_36 = arith.constant 40 : i32
    %div3A_37 = vector.broadcast %jit3A_36 : i32 to vector<16xi32>
    %div3A_38 = arith.divsi %add3A_35, %div3A_37 : vector<16xi32>
    %sign3A_39 = arith.constant 0 : i32
    %sign3A_40 = vector.broadcast %sign3A_39 : i32 to vector<16xi32>
    %sign3A_41 = arith.cmpi sgt, %add3A_35, %sign3A_40 : vector<16xi32>
    %sign3A_42 = arith.extui %sign3A_41 : vector<16xi1> to vector<16xi32>
    %sign3A_43 = arith.constant 0 : i32
    %sign3A_44 = vector.broadcast %sign3A_43 : i32 to vector<16xi32>
    %sign3A_45 = arith.cmpi slt, %add3A_35, %sign3A_44 : vector<16xi32>
    %sign3A_46 = arith.extui %sign3A_45 : vector<16xi1> to vector<16xi32>
    %sign3A_47 = arith.subi %sign3A_42, %sign3A_46 : vector<16xi32>
    %sign3A_48 = arith.constant 0 : i32
    %sign3A_49 = arith.cmpi sgt, %jit3A_36, %sign3A_48 : i32
    %sign3A_50 = arith.extui %sign3A_49 : i1 to i32
    %sign3A_51 = arith.constant 0 : i32
    %sign3A_52 = arith.cmpi slt, %jit3A_36, %sign3A_51 : i32
    %sign3A_53 = arith.extui %sign3A_52 : i1 to i32
    %sign3A_54 = arith.subi %sign3A_50, %sign3A_53 : i32
    %ne3A_55 = vector.broadcast %sign3A_54 : i32 to vector<16xi32>
    %ne3A_56 = arith.cmpi ne, %sign3A_47, %ne3A_55 : vector<16xi32>
    %rem3A_57 = vector.broadcast %jit3A_36 : i32 to vector<16xi32>
    %rem3A_58 = arith.remsi %add3A_35, %rem3A_57 : vector<16xi32>
    %ne3A_59 = arith.constant 0 : i32
    %ne3A_60 = vector.broadcast %ne3A_59 : i32 to vector<16xi32>
    %ne3A_61 = arith.cmpi ne, %rem3A_58, %ne3A_60 : vector<16xi32>
    %and3A_62 = arith.andi %ne3A_56, %ne3A_61 : vector<16xi1>
    %sub3A_63 = arith.constant 1 : i32
    %sub3A_64 = vector.broadcast %sub3A_63 : i32 to vector<16xi32>
    %sub3A_65 = arith.subi %div3A_38, %sub3A_64 : vector<16xi32>
    %select_n3A_66 = arith.select %and3A_62, %sub3A_65, %div3A_38 : vector<16xi1>, vector<16xi32>
    %mul3A_67 = arith.constant 40 : i32
    %mul3A_68 = vector.broadcast %mul3A_67 : i32 to vector<16xi32>
    %mul3A_69 = arith.muli %select_n3A_66, %mul3A_68 : vector<16xi32>
    %sub3A_70 = arith.subi %add3A_35, %mul3A_69 : vector<16xi32>
    %add3A_71 = arith.constant 32 : i32
    %add3A_72 = vector.broadcast %add3A_71 : i32 to vector<16xi32>
    %add3A_73 = arith.addi %iota3A, %add3A_72 : vector<16xi32>
    %jit3A_74 = arith.constant 40 : i32
    %div3A_75 = vector.broadcast %jit3A_74 : i32 to vector<16xi32>
    %div3A_76 = arith.divsi %add3A_73, %div3A_75 : vector<16xi32>
    %sign3A_77 = arith.constant 0 : i32
    %sign3A_78 = vector.broadcast %sign3A_77 : i32 to vector<16xi32>
    %sign3A_79 = arith.cmpi sgt, %add3A_73, %sign3A_78 : vector<16xi32>
    %sign3A_80 = arith.extui %sign3A_79 : vector<16xi1> to vector<16xi32>
    %sign3A_81 = arith.constant 0 : i32
    %sign3A_82 = vector.broadcast %sign3A_81 : i32 to vector<16xi32>
    %sign3A_83 = arith.cmpi slt, %add3A_73, %sign3A_82 : vector<16xi32>
    %sign3A_84 = arith.extui %sign3A_83 : vector<16xi1> to vector<16xi32>
    %sign3A_85 = arith.subi %sign3A_80, %sign3A_84 : vector<16xi32>
    %sign3A_86 = arith.constant 0 : i32
    %sign3A_87 = arith.cmpi sgt, %jit3A_74, %sign3A_86 : i32
    %sign3A_88 = arith.extui %sign3A_87 : i1 to i32
    %sign3A_89 = arith.constant 0 : i32
    %sign3A_90 = arith.cmpi slt, %jit3A_74, %sign3A_89 : i32
    %sign3A_91 = arith.extui %sign3A_90 : i1 to i32
    %sign3A_92 = arith.subi %sign3A_88, %sign3A_91 : i32
    %ne3A_93 = vector.broadcast %sign3A_92 : i32 to vector<16xi32>
    %ne3A_94 = arith.cmpi ne, %sign3A_85, %ne3A_93 : vector<16xi32>
    %rem3A_95 = vector.broadcast %jit3A_74 : i32 to vector<16xi32>
    %rem3A_96 = arith.remsi %add3A_73, %rem3A_95 : vector<16xi32>
    %ne3A_97 = arith.constant 0 : i32
    %ne3A_98 = vector.broadcast %ne3A_97 : i32 to vector<16xi32>
    %ne3A_99 = arith.cmpi ne, %rem3A_96, %ne3A_98 : vector<16xi32>
    %and3A_100 = arith.andi %ne3A_94, %ne3A_99 : vector<16xi1>
    %sub3A_101 = arith.constant 1 : i32
    %sub3A_102 = vector.broadcast %sub3A_101 : i32 to vector<16xi32>
    %sub3A_103 = arith.subi %div3A_76, %sub3A_102 : vector<16xi32>
    %select_n3A_104 = arith.select %and3A_100, %sub3A_103, %div3A_76 : vector<16xi1>, vector<16xi32>
    %mul3A_105 = arith.constant 40 : i32
    %mul3A_106 = vector.broadcast %mul3A_105 : i32 to vector<16xi32>
    %mul3A_107 = arith.muli %select_n3A_104, %mul3A_106 : vector<16xi32>
    %sub3A_108 = arith.subi %add3A_73, %mul3A_107 : vector<16xi32>
    %add3A_109 = arith.constant 48 : i32
    %add3A_110 = vector.broadcast %add3A_109 : i32 to vector<16xi32>
    %add3A_111 = arith.addi %iota3A, %add3A_110 : vector<16xi32>
    %jit3A_112 = arith.constant 40 : i32
    %div3A_113 = vector.broadcast %jit3A_112 : i32 to vector<16xi32>
    %div3A_114 = arith.divsi %add3A_111, %div3A_113 : vector<16xi32>
    %sign3A_115 = arith.constant 0 : i32
    %sign3A_116 = vector.broadcast %sign3A_115 : i32 to vector<16xi32>
    %sign3A_117 = arith.cmpi sgt, %add3A_111, %sign3A_116 : vector<16xi32>
    %sign3A_118 = arith.extui %sign3A_117 : vector<16xi1> to vector<16xi32>
    %sign3A_119 = arith.constant 0 : i32
    %sign3A_120 = vector.broadcast %sign3A_119 : i32 to vector<16xi32>
    %sign3A_121 = arith.cmpi slt, %add3A_111, %sign3A_120 : vector<16xi32>
    %sign3A_122 = arith.extui %sign3A_121 : vector<16xi1> to vector<16xi32>
    %sign3A_123 = arith.subi %sign3A_118, %sign3A_122 : vector<16xi32>
    %sign3A_124 = arith.constant 0 : i32
    %sign3A_125 = arith.cmpi sgt, %jit3A_112, %sign3A_124 : i32
    %sign3A_126 = arith.extui %sign3A_125 : i1 to i32
    %sign3A_127 = arith.constant 0 : i32
    %sign3A_128 = arith.cmpi slt, %jit3A_112, %sign3A_127 : i32
    %sign3A_129 = arith.extui %sign3A_128 : i1 to i32
    %sign3A_130 = arith.subi %sign3A_126, %sign3A_129 : i32
    %ne3A_131 = vector.broadcast %sign3A_130 : i32 to vector<16xi32>
    %ne3A_132 = arith.cmpi ne, %sign3A_123, %ne3A_131 : vector<16xi32>
    %rem3A_133 = vector.broadcast %jit3A_112 : i32 to vector<16xi32>
    %rem3A_134 = arith.remsi %add3A_111, %rem3A_133 : vector<16xi32>
    %ne3A_135 = arith.constant 0 : i32
    %ne3A_136 = vector.broadcast %ne3A_135 : i32 to vector<16xi32>
    %ne3A_137 = arith.cmpi ne, %rem3A_134, %ne3A_136 : vector<16xi32>
    %and3A_138 = arith.andi %ne3A_132, %ne3A_137 : vector<16xi1>
    %sub3A_139 = arith.constant 1 : i32
    %sub3A_140 = vector.broadcast %sub3A_139 : i32 to vector<16xi32>
    %sub3A_141 = arith.subi %div3A_114, %sub3A_140 : vector<16xi32>
    %select_n3A_142 = arith.select %and3A_138, %sub3A_141, %div3A_114 : vector<16xi1>, vector<16xi32>
    %mul3A_143 = arith.constant 40 : i32
    %mul3A_144 = vector.broadcast %mul3A_143 : i32 to vector<16xi32>
    %mul3A_145 = arith.muli %select_n3A_142, %mul3A_144 : vector<16xi32>
    %sub3A_146 = arith.subi %add3A_111, %mul3A_145 : vector<16xi32>
    %add3A_147 = arith.constant 64 : i32
    %add3A_148 = vector.broadcast %add3A_147 : i32 to vector<16xi32>
    %add3A_149 = arith.addi %iota3A, %add3A_148 : vector<16xi32>
    %jit3A_150 = arith.constant 40 : i32
    %div3A_151 = vector.broadcast %jit3A_150 : i32 to vector<16xi32>
    %div3A_152 = arith.divsi %add3A_149, %div3A_151 : vector<16xi32>
    %sign3A_153 = arith.constant 0 : i32
    %sign3A_154 = vector.broadcast %sign3A_153 : i32 to vector<16xi32>
    %sign3A_155 = arith.cmpi sgt, %add3A_149, %sign3A_154 : vector<16xi32>
    %sign3A_156 = arith.extui %sign3A_155 : vector<16xi1> to vector<16xi32>
    %sign3A_157 = arith.constant 0 : i32
    %sign3A_158 = vector.broadcast %sign3A_157 : i32 to vector<16xi32>
    %sign3A_159 = arith.cmpi slt, %add3A_149, %sign3A_158 : vector<16xi32>
    %sign3A_160 = arith.extui %sign3A_159 : vector<16xi1> to vector<16xi32>
    %sign3A_161 = arith.subi %sign3A_156, %sign3A_160 : vector<16xi32>
    %sign3A_162 = arith.constant 0 : i32
    %sign3A_163 = arith.cmpi sgt, %jit3A_150, %sign3A_162 : i32
    %sign3A_164 = arith.extui %sign3A_163 : i1 to i32
    %sign3A_165 = arith.constant 0 : i32
    %sign3A_166 = arith.cmpi slt, %jit3A_150, %sign3A_165 : i32
    %sign3A_167 = arith.extui %sign3A_166 : i1 to i32
    %sign3A_168 = arith.subi %sign3A_164, %sign3A_167 : i32
    %ne3A_169 = vector.broadcast %sign3A_168 : i32 to vector<16xi32>
    %ne3A_170 = arith.cmpi ne, %sign3A_161, %ne3A_169 : vector<16xi32>
    %rem3A_171 = vector.broadcast %jit3A_150 : i32 to vector<16xi32>
    %rem3A_172 = arith.remsi %add3A_149, %rem3A_171 : vector<16xi32>
    %ne3A_173 = arith.constant 0 : i32
    %ne3A_174 = vector.broadcast %ne3A_173 : i32 to vector<16xi32>
    %ne3A_175 = arith.cmpi ne, %rem3A_172, %ne3A_174 : vector<16xi32>
    %and3A_176 = arith.andi %ne3A_170, %ne3A_175 : vector<16xi1>
    %sub3A_177 = arith.constant 1 : i32
    %sub3A_178 = vector.broadcast %sub3A_177 : i32 to vector<16xi32>
    %sub3A_179 = arith.subi %div3A_152, %sub3A_178 : vector<16xi32>
    %select_n3A_180 = arith.select %and3A_176, %sub3A_179, %div3A_152 : vector<16xi1>, vector<16xi32>
    %mul3A_181 = arith.constant 40 : i32
    %mul3A_182 = vector.broadcast %mul3A_181 : i32 to vector<16xi32>
    %mul3A_183 = arith.muli %select_n3A_180, %mul3A_182 : vector<16xi32>
    %sub3A_184 = arith.subi %add3A_149, %mul3A_183 : vector<16xi32>
    %add3A_185 = arith.constant 80 : i32
    %add3A_186 = vector.broadcast %add3A_185 : i32 to vector<16xi32>
    %add3A_187 = arith.addi %iota3A, %add3A_186 : vector<16xi32>
    %jit3A_188 = arith.constant 40 : i32
    %div3A_189 = vector.broadcast %jit3A_188 : i32 to vector<16xi32>
    %div3A_190 = arith.divsi %add3A_187, %div3A_189 : vector<16xi32>
    %sign3A_191 = arith.constant 0 : i32
    %sign3A_192 = vector.broadcast %sign3A_191 : i32 to vector<16xi32>
    %sign3A_193 = arith.cmpi sgt, %add3A_187, %sign3A_192 : vector<16xi32>
    %sign3A_194 = arith.extui %sign3A_193 : vector<16xi1> to vector<16xi32>
    %sign3A_195 = arith.constant 0 : i32
    %sign3A_196 = vector.broadcast %sign3A_195 : i32 to vector<16xi32>
    %sign3A_197 = arith.cmpi slt, %add3A_187, %sign3A_196 : vector<16xi32>
    %sign3A_198 = arith.extui %sign3A_197 : vector<16xi1> to vector<16xi32>
    %sign3A_199 = arith.subi %sign3A_194, %sign3A_198 : vector<16xi32>
    %sign3A_200 = arith.constant 0 : i32
    %sign3A_201 = arith.cmpi sgt, %jit3A_188, %sign3A_200 : i32
    %sign3A_202 = arith.extui %sign3A_201 : i1 to i32
    %sign3A_203 = arith.constant 0 : i32
    %sign3A_204 = arith.cmpi slt, %jit3A_188, %sign3A_203 : i32
    %sign3A_205 = arith.extui %sign3A_204 : i1 to i32
    %sign3A_206 = arith.subi %sign3A_202, %sign3A_205 : i32
    %ne3A_207 = vector.broadcast %sign3A_206 : i32 to vector<16xi32>
    %ne3A_208 = arith.cmpi ne, %sign3A_199, %ne3A_207 : vector<16xi32>
    %rem3A_209 = vector.broadcast %jit3A_188 : i32 to vector<16xi32>
    %rem3A_210 = arith.remsi %add3A_187, %rem3A_209 : vector<16xi32>
    %ne3A_211 = arith.constant 0 : i32
    %ne3A_212 = vector.broadcast %ne3A_211 : i32 to vector<16xi32>
    %ne3A_213 = arith.cmpi ne, %rem3A_210, %ne3A_212 : vector<16xi32>
    %and3A_214 = arith.andi %ne3A_208, %ne3A_213 : vector<16xi1>
    %sub3A_215 = arith.constant 1 : i32
    %sub3A_216 = vector.broadcast %sub3A_215 : i32 to vector<16xi32>
    %sub3A_217 = arith.subi %div3A_190, %sub3A_216 : vector<16xi32>
    %select_n3A_218 = arith.select %and3A_214, %sub3A_217, %div3A_190 : vector<16xi1>, vector<16xi32>
    %mul3A_219 = arith.constant 40 : i32
    %mul3A_220 = vector.broadcast %mul3A_219 : i32 to vector<16xi32>
    %mul3A_221 = arith.muli %select_n3A_218, %mul3A_220 : vector<16xi32>
    %sub3A_222 = arith.subi %add3A_187, %mul3A_221 : vector<16xi32>
    %add3A_223 = arith.constant 96 : i32
    %add3A_224 = vector.broadcast %add3A_223 : i32 to vector<16xi32>
    %add3A_225 = arith.addi %iota3A, %add3A_224 : vector<16xi32>
    %jit3A_226 = arith.constant 40 : i32
    %div3A_227 = vector.broadcast %jit3A_226 : i32 to vector<16xi32>
    %div3A_228 = arith.divsi %add3A_225, %div3A_227 : vector<16xi32>
    %sign3A_229 = arith.constant 0 : i32
    %sign3A_230 = vector.broadcast %sign3A_229 : i32 to vector<16xi32>
    %sign3A_231 = arith.cmpi sgt, %add3A_225, %sign3A_230 : vector<16xi32>
    %sign3A_232 = arith.extui %sign3A_231 : vector<16xi1> to vector<16xi32>
    %sign3A_233 = arith.constant 0 : i32
    %sign3A_234 = vector.broadcast %sign3A_233 : i32 to vector<16xi32>
    %sign3A_235 = arith.cmpi slt, %add3A_225, %sign3A_234 : vector<16xi32>
    %sign3A_236 = arith.extui %sign3A_235 : vector<16xi1> to vector<16xi32>
    %sign3A_237 = arith.subi %sign3A_232, %sign3A_236 : vector<16xi32>
    %sign3A_238 = arith.constant 0 : i32
    %sign3A_239 = arith.cmpi sgt, %jit3A_226, %sign3A_238 : i32
    %sign3A_240 = arith.extui %sign3A_239 : i1 to i32
    %sign3A_241 = arith.constant 0 : i32
    %sign3A_242 = arith.cmpi slt, %jit3A_226, %sign3A_241 : i32
    %sign3A_243 = arith.extui %sign3A_242 : i1 to i32
    %sign3A_244 = arith.subi %sign3A_240, %sign3A_243 : i32
    %ne3A_245 = vector.broadcast %sign3A_244 : i32 to vector<16xi32>
    %ne3A_246 = arith.cmpi ne, %sign3A_237, %ne3A_245 : vector<16xi32>
    %rem3A_247 = vector.broadcast %jit3A_226 : i32 to vector<16xi32>
    %rem3A_248 = arith.remsi %add3A_225, %rem3A_247 : vector<16xi32>
    %ne3A_249 = arith.constant 0 : i32
    %ne3A_250 = vector.broadcast %ne3A_249 : i32 to vector<16xi32>
    %ne3A_251 = arith.cmpi ne, %rem3A_248, %ne3A_250 : vector<16xi32>
    %and3A_252 = arith.andi %ne3A_246, %ne3A_251 : vector<16xi1>
    %sub3A_253 = arith.constant 1 : i32
    %sub3A_254 = vector.broadcast %sub3A_253 : i32 to vector<16xi32>
    %sub3A_255 = arith.subi %div3A_228, %sub3A_254 : vector<16xi32>
    %select_n3A_256 = arith.select %and3A_252, %sub3A_255, %div3A_228 : vector<16xi1>, vector<16xi32>
    %mul3A_257 = arith.constant 40 : i32
    %mul3A_258 = vector.broadcast %mul3A_257 : i32 to vector<16xi32>
    %mul3A_259 = arith.muli %select_n3A_256, %mul3A_258 : vector<16xi32>
    %sub3A_260 = arith.subi %add3A_225, %mul3A_259 : vector<16xi32>
    %add3A_261 = arith.constant 112 : i32
    %add3A_262 = vector.broadcast %add3A_261 : i32 to vector<16xi32>
    %add3A_263 = arith.addi %iota3A, %add3A_262 : vector<16xi32>
    %jit3A_264 = arith.constant 40 : i32
    %div3A_265 = vector.broadcast %jit3A_264 : i32 to vector<16xi32>
    %div3A_266 = arith.divsi %add3A_263, %div3A_265 : vector<16xi32>
    %sign3A_267 = arith.constant 0 : i32
    %sign3A_268 = vector.broadcast %sign3A_267 : i32 to vector<16xi32>
    %sign3A_269 = arith.cmpi sgt, %add3A_263, %sign3A_268 : vector<16xi32>
    %sign3A_270 = arith.extui %sign3A_269 : vector<16xi1> to vector<16xi32>
    %sign3A_271 = arith.constant 0 : i32
    %sign3A_272 = vector.broadcast %sign3A_271 : i32 to vector<16xi32>
    %sign3A_273 = arith.cmpi slt, %add3A_263, %sign3A_272 : vector<16xi32>
    %sign3A_274 = arith.extui %sign3A_273 : vector<16xi1> to vector<16xi32>
    %sign3A_275 = arith.subi %sign3A_270, %sign3A_274 : vector<16xi32>
    %sign3A_276 = arith.constant 0 : i32
    %sign3A_277 = arith.cmpi sgt, %jit3A_264, %sign3A_276 : i32
    %sign3A_278 = arith.extui %sign3A_277 : i1 to i32
    %sign3A_279 = arith.constant 0 : i32
    %sign3A_280 = arith.cmpi slt, %jit3A_264, %sign3A_279 : i32
    %sign3A_281 = arith.extui %sign3A_280 : i1 to i32
    %sign3A_282 = arith.subi %sign3A_278, %sign3A_281 : i32
    %ne3A_283 = vector.broadcast %sign3A_282 : i32 to vector<16xi32>
    %ne3A_284 = arith.cmpi ne, %sign3A_275, %ne3A_283 : vector<16xi32>
    %rem3A_285 = vector.broadcast %jit3A_264 : i32 to vector<16xi32>
    %rem3A_286 = arith.remsi %add3A_263, %rem3A_285 : vector<16xi32>
    %ne3A_287 = arith.constant 0 : i32
    %ne3A_288 = vector.broadcast %ne3A_287 : i32 to vector<16xi32>
    %ne3A_289 = arith.cmpi ne, %rem3A_286, %ne3A_288 : vector<16xi32>
    %and3A_290 = arith.andi %ne3A_284, %ne3A_289 : vector<16xi1>
    %sub3A_291 = arith.constant 1 : i32
    %sub3A_292 = vector.broadcast %sub3A_291 : i32 to vector<16xi32>
    %sub3A_293 = arith.subi %div3A_266, %sub3A_292 : vector<16xi32>
    %select_n3A_294 = arith.select %and3A_290, %sub3A_293, %div3A_266 : vector<16xi1>, vector<16xi32>
    %mul3A_295 = arith.constant 40 : i32
    %mul3A_296 = vector.broadcast %mul3A_295 : i32 to vector<16xi32>
    %mul3A_297 = arith.muli %select_n3A_294, %mul3A_296 : vector<16xi32>
    %sub3A_298 = arith.subi %add3A_263, %mul3A_297 : vector<16xi32>
    %add3A_299 = arith.constant 128 : i32
    %add3A_300 = vector.broadcast %add3A_299 : i32 to vector<16xi32>
    %add3A_301 = arith.addi %iota3A, %add3A_300 : vector<16xi32>
    %jit3A_302 = arith.constant 40 : i32
    %div3A_303 = vector.broadcast %jit3A_302 : i32 to vector<16xi32>
    %div3A_304 = arith.divsi %add3A_301, %div3A_303 : vector<16xi32>
    %sign3A_305 = arith.constant 0 : i32
    %sign3A_306 = vector.broadcast %sign3A_305 : i32 to vector<16xi32>
    %sign3A_307 = arith.cmpi sgt, %add3A_301, %sign3A_306 : vector<16xi32>
    %sign3A_308 = arith.extui %sign3A_307 : vector<16xi1> to vector<16xi32>
    %sign3A_309 = arith.constant 0 : i32
    %sign3A_310 = vector.broadcast %sign3A_309 : i32 to vector<16xi32>
    %sign3A_311 = arith.cmpi slt, %add3A_301, %sign3A_310 : vector<16xi32>
    %sign3A_312 = arith.extui %sign3A_311 : vector<16xi1> to vector<16xi32>
    %sign3A_313 = arith.subi %sign3A_308, %sign3A_312 : vector<16xi32>
    %sign3A_314 = arith.constant 0 : i32
    %sign3A_315 = arith.cmpi sgt, %jit3A_302, %sign3A_314 : i32
    %sign3A_316 = arith.extui %sign3A_315 : i1 to i32
    %sign3A_317 = arith.constant 0 : i32
    %sign3A_318 = arith.cmpi slt, %jit3A_302, %sign3A_317 : i32
    %sign3A_319 = arith.extui %sign3A_318 : i1 to i32
    %sign3A_320 = arith.subi %sign3A_316, %sign3A_319 : i32
    %ne3A_321 = vector.broadcast %sign3A_320 : i32 to vector<16xi32>
    %ne3A_322 = arith.cmpi ne, %sign3A_313, %ne3A_321 : vector<16xi32>
    %rem3A_323 = vector.broadcast %jit3A_302 : i32 to vector<16xi32>
    %rem3A_324 = arith.remsi %add3A_301, %rem3A_323 : vector<16xi32>
    %ne3A_325 = arith.constant 0 : i32
    %ne3A_326 = vector.broadcast %ne3A_325 : i32 to vector<16xi32>
    %ne3A_327 = arith.cmpi ne, %rem3A_324, %ne3A_326 : vector<16xi32>
    %and3A_328 = arith.andi %ne3A_322, %ne3A_327 : vector<16xi1>
    %sub3A_329 = arith.constant 1 : i32
    %sub3A_330 = vector.broadcast %sub3A_329 : i32 to vector<16xi32>
    %sub3A_331 = arith.subi %div3A_304, %sub3A_330 : vector<16xi32>
    %select_n3A_332 = arith.select %and3A_328, %sub3A_331, %div3A_304 : vector<16xi1>, vector<16xi32>
    %mul3A_333 = arith.constant 40 : i32
    %mul3A_334 = vector.broadcast %mul3A_333 : i32 to vector<16xi32>
    %mul3A_335 = arith.muli %select_n3A_332, %mul3A_334 : vector<16xi32>
    %sub3A_336 = arith.subi %add3A_301, %mul3A_335 : vector<16xi32>
    %add3A_337 = arith.constant 144 : i32
    %add3A_338 = vector.broadcast %add3A_337 : i32 to vector<16xi32>
    %add3A_339 = arith.addi %iota3A, %add3A_338 : vector<16xi32>
    %jit3A_340 = arith.constant 40 : i32
    %div3A_341 = vector.broadcast %jit3A_340 : i32 to vector<16xi32>
    %div3A_342 = arith.divsi %add3A_339, %div3A_341 : vector<16xi32>
    %sign3A_343 = arith.constant 0 : i32
    %sign3A_344 = vector.broadcast %sign3A_343 : i32 to vector<16xi32>
    %sign3A_345 = arith.cmpi sgt, %add3A_339, %sign3A_344 : vector<16xi32>
    %sign3A_346 = arith.extui %sign3A_345 : vector<16xi1> to vector<16xi32>
    %sign3A_347 = arith.constant 0 : i32
    %sign3A_348 = vector.broadcast %sign3A_347 : i32 to vector<16xi32>
    %sign3A_349 = arith.cmpi slt, %add3A_339, %sign3A_348 : vector<16xi32>
    %sign3A_350 = arith.extui %sign3A_349 : vector<16xi1> to vector<16xi32>
    %sign3A_351 = arith.subi %sign3A_346, %sign3A_350 : vector<16xi32>
    %sign3A_352 = arith.constant 0 : i32
    %sign3A_353 = arith.cmpi sgt, %jit3A_340, %sign3A_352 : i32
    %sign3A_354 = arith.extui %sign3A_353 : i1 to i32
    %sign3A_355 = arith.constant 0 : i32
    %sign3A_356 = arith.cmpi slt, %jit3A_340, %sign3A_355 : i32
    %sign3A_357 = arith.extui %sign3A_356 : i1 to i32
    %sign3A_358 = arith.subi %sign3A_354, %sign3A_357 : i32
    %ne3A_359 = vector.broadcast %sign3A_358 : i32 to vector<16xi32>
    %ne3A_360 = arith.cmpi ne, %sign3A_351, %ne3A_359 : vector<16xi32>
    %rem3A_361 = vector.broadcast %jit3A_340 : i32 to vector<16xi32>
    %rem3A_362 = arith.remsi %add3A_339, %rem3A_361 : vector<16xi32>
    %ne3A_363 = arith.constant 0 : i32
    %ne3A_364 = vector.broadcast %ne3A_363 : i32 to vector<16xi32>
    %ne3A_365 = arith.cmpi ne, %rem3A_362, %ne3A_364 : vector<16xi32>
    %and3A_366 = arith.andi %ne3A_360, %ne3A_365 : vector<16xi1>
    %sub3A_367 = arith.constant 1 : i32
    %sub3A_368 = vector.broadcast %sub3A_367 : i32 to vector<16xi32>
    %sub3A_369 = arith.subi %div3A_342, %sub3A_368 : vector<16xi32>
    %select_n3A_370 = arith.select %and3A_366, %sub3A_369, %div3A_342 : vector<16xi1>, vector<16xi32>
    %mul3A_371 = arith.constant 40 : i32
    %mul3A_372 = vector.broadcast %mul3A_371 : i32 to vector<16xi32>
    %mul3A_373 = arith.muli %select_n3A_370, %mul3A_372 : vector<16xi32>
    %sub3A_374 = arith.subi %add3A_339, %mul3A_373 : vector<16xi32>
    %add3A_375 = arith.constant 0 : i32
    %add3A_376 = vector.broadcast %add3A_375 : i32 to vector<16xi32>
    %add3A_377 = arith.addi %select_n3A, %add3A_376 : vector<16xi32>
    %add3A_378 = arith.constant 0 : i32
    %add3A_379 = vector.broadcast %add3A_378 : i32 to vector<16xi32>
    %add3A_380 = arith.addi %sub3A_32, %add3A_379 : vector<16xi32>
    %gather3A = tpu.vector_load_idx %arg7[%add3A_377, %add3A_380] : memref<32x200xi32, #tpu.memory_space<vmem>>[vector<16xi32>, vector<16xi32>], vector<16xi32>,
    %swap3A = arith.constant 0 : i32
    %swap3A_381 = arith.constant 0 : i32
    %swap3A_382 = arith.index_cast %swap3A : i32 to index
    %swap3A_383 = arith.index_cast %swap3A_381 : i32 to index
    %swap3A_384 = arith.constant 0 : index
    %swap3A_385 = tpu.vector_load %arg8[%swap3A_382, %swap3A_383, %swap3A_384] {strides = array<i32>} : memref<40x2x80xi32, #tpu.memory_space<vmem>>, vector<16xi32>,
    tpu.vector_store %arg8[%swap3A_382, %swap3A_383, %swap3A_384], %gather3A {strides = array<i32>} : memref<40x2x80xi32, #tpu.memory_space<vmem>>, vector<16xi32>,
    %add3A_386 = arith.constant 0 : i32
    %add3A_387 = vector.broadcast %add3A_386 : i32 to vector<16xi32>
    %add3A_388 = arith.addi %select_n3A_66, %add3A_387 : vector<16xi32>
    %add3A_389 = arith.constant 0 : i32
    %add3A_390 = vector.broadcast %add3A_389 : i32 to vector<16xi32>
    %add3A_391 = arith.addi %sub3A_70, %add3A_390 : vector<16xi32>
    %gather3A_392 = tpu.vector_load_idx %arg7[%add3A_388, %add3A_391] : memref<32x200xi32, #tpu.memory_space<vmem>>[vector<16xi32>, vector<16xi32>], vector<16xi32>,
    %swap3A_393 = arith.constant 0 : i32
    %swap3A_394 = arith.constant 0 : i32
    %swap3A_395 = arith.index_cast %swap3A_393 : i32 to index
    %swap3A_396 = arith.index_cast %swap3A_394 : i32 to index
    %swap3A_397 = arith.constant 16 : index
    %swap3A_398 = tpu.vector_load %arg8[%swap3A_395, %swap3A_396, %swap3A_397] {strides = array<i32>} : memref<40x2x80xi32, #tpu.memory_space<vmem>>, vector<16xi32>,
    tpu.vector_store %arg8[%swap3A_395, %swap3A_396, %swap3A_397], %gather3A_392 {strides = array<i32>} : memref<40x2x80xi32, #tpu.memory_space<vmem>>, vector<16xi32>,
    %add3A_399 = arith.constant 0 : i32
    %add3A_400 = vector.broadcast %add3A_399 : i32 to vector<16xi32>
    %add3A_401 = arith.addi %select_n3A_104, %add3A_400 : vector<16xi32>
    %add3A_402 = arith.constant 0 : i32
    %add3A_403 = vector.broadcast %add3A_402 : i32 to vector<16xi32>
    %add3A_404 = arith.addi %sub3A_108, %add3A_403 : vector<16xi32>
    %gather3A_405 = tpu.vector_load_idx %arg7[%add3A_401, %add3A_404] : memref<32x200xi32, #tpu.memory_space<vmem>>[vector<16xi32>, vector<16xi32>], vector<16xi32>,
    %swap3A_406 = arith.constant 0 : i32
    %swap3A_407 = arith.constant 0 : i32
    %swap3A_408 = arith.index_cast %swap3A_406 : i32 to index
    %swap3A_409 = arith.index_cast %swap3A_407 : i32 to index
    %swap3A_410 = arith.constant 32 : index
    %swap3A_411 = tpu.vector_load %arg8[%swap3A_408, %swap3A_409, %swap3A_410] {strides = array<i32>} : memref<40x2x80xi32, #tpu.memory_space<vmem>>, vector<16xi32>,
    tpu.vector_store %arg8[%swap3A_408, %swap3A_409, %swap3A_410], %gather3A_405 {strides = array<i32>} : memref<40x2x80xi32, #tpu.memory_space<vmem>>, vector<16xi32>,
    %add3A_412 = arith.constant 0 : i32
    %add3A_413 = vector.broadcast %add3A_412 : i32 to vector<16xi32>
    %add3A_414 = arith.addi %select_n3A_142, %add3A_413 : vector<16xi32>
    %add3A_415 = arith.constant 0 : i32
    %add3A_416 = vector.broadcast %add3A_415 : i32 to vector<16xi32>
    %add3A_417 = arith.addi %sub3A_146, %add3A_416 : vector<16xi32>
    %gather3A_418 = tpu.vector_load_idx %arg7[%add3A_414, %add3A_417] : memref<32x200xi32, #tpu.memory_space<vmem>>[vector<16xi32>, vector<16xi32>], vector<16xi32>,
    %swap3A_419 = arith.constant 0 : i32
    %swap3A_420 = arith.constant 0 : i32
    %swap3A_421 = arith.index_cast %swap3A_419 : i32 to index
    %swap3A_422 = arith.index_cast %swap3A_420 : i32 to index
    %swap3A_423 = arith.constant 48 : index
    %swap3A_424 = tpu.vector_load %arg8[%swap3A_421, %swap3A_422, %swap3A_423] {strides = array<i32>} : memref<40x2x80xi32, #tpu.memory_space<vmem>>, vector<16xi32>,
    tpu.vector_store %arg8[%swap3A_421, %swap3A_422, %swap3A_423], %gather3A_418 {strides = array<i32>} : memref<40x2x80xi32, #tpu.memory_space<vmem>>, vector<16xi32>,
    %add3A_425 = arith.constant 0 : i32
    %add3A_426 = vector.broadcast %add3A_425 : i32 to vector<16xi32>
    %add3A_427 = arith.addi %select_n3A_180, %add3A_426 : vector<16xi32>
    %add3A_428 = arith.constant 0 : i32
    %add3A_429 = vector.broadcast %add3A_428 : i32 to vector<16xi32>
    %add3A_430 = arith.addi %sub3A_184, %add3A_429 : vector<16xi32>
    %gather3A_431 = tpu.vector_load_idx %arg7[%add3A_427, %add3A_430] : memref<32x200xi32, #tpu.memory_space<vmem>>[vector<16xi32>, vector<16xi32>], vector<16xi32>,
    %swap3A_432 = arith.constant 0 : i32
    %swap3A_433 = arith.constant 0 : i32
    %swap3A_434 = arith.index_cast %swap3A_432 : i32 to index
    %swap3A_435 = arith.index_cast %swap3A_433 : i32 to index
    %swap3A_436 = arith.constant 64 : index
    %swap3A_437 = tpu.vector_load %arg8[%swap3A_434, %swap3A_435, %swap3A_436] {strides = array<i32>} : memref<40x2x80xi32, #tpu.memory_space<vmem>>, vector<16xi32>,
    tpu.vector_store %arg8[%swap3A_434, %swap3A_435, %swap3A_436], %gather3A_431 {strides = array<i32>} : memref<40x2x80xi32, #tpu.memory_space<vmem>>, vector<16xi32>,
    %add3A_438 = arith.constant 0 : i32
    %add3A_439 = vector.broadcast %add3A_438 : i32 to vector<16xi32>
    %add3A_440 = arith.addi %select_n3A_218, %add3A_439 : vector<16xi32>
    %add3A_441 = arith.constant 0 : i32
    %add3A_442 = vector.broadcast %add3A_441 : i32 to vector<16xi32>
    %add3A_443 = arith.addi %sub3A_222, %add3A_442 : vector<16xi32>
    %gather3A_444 = tpu.vector_load_idx %arg7[%add3A_440, %add3A_443] : memref<32x200xi32, #tpu.memory_space<vmem>>[vector<16xi32>, vector<16xi32>], vector<16xi32>,
    %swap3A_445 = arith.constant 0 : i32
    %swap3A_446 = arith.constant 1 : i32
    %swap3A_447 = arith.index_cast %swap3A_445 : i32 to index
    %swap3A_448 = arith.index_cast %swap3A_446 : i32 to index
    %swap3A_449 = arith.constant 0 : index
    %swap3A_450 = tpu.vector_load %arg8[%swap3A_447, %swap3A_448, %swap3A_449] {strides = array<i32>} : memref<40x2x80xi32, #tpu.memory_space<vmem>>, vector<16xi32>,
    tpu.vector_store %arg8[%swap3A_447, %swap3A_448, %swap3A_449], %gather3A_444 {strides = array<i32>} : memref<40x2x80xi32, #tpu.memory_space<vmem>>, vector<16xi32>,
    %add3A_451 = arith.constant 0 : i32
    %add3A_452 = vector.broadcast %add3A_451 : i32 to vector<16xi32>
    %add3A_453 = arith.addi %select_n3A_256, %add3A_452 : vector<16xi32>
    %add3A_454 = arith.constant 0 : i32
    %add3A_455 = vector.broadcast %add3A_454 : i32 to vector<16xi32>
    %add3A_456 = arith.addi %sub3A_260, %add3A_455 : vector<16xi32>
    %gather3A_457 = tpu.vector_load_idx %arg7[%add3A_453, %add3A_456] : memref<32x200xi32, #tpu.memory_space<vmem>>[vector<16xi32>, vector<16xi32>], vector<16xi32>,
    %swap3A_458 = arith.constant 0 : i32
    %swap3A_459 = arith.constant 1 : i32
    %swap3A_460 = arith.index_cast %swap3A_458 : i32 to index
    %swap3A_461 = arith.index_cast %swap3A_459 : i32 to index
    %swap3A_462 = arith.constant 16 : index
    %swap3A_463 = tpu.vector_load %arg8[%swap3A_460, %swap3A_461, %swap3A_462] {strides = array<i32>} : memref<40x2x80xi32, #tpu.memory_space<vmem>>, vector<16xi32>,
    tpu.vector_store %arg8[%swap3A_460, %swap3A_461, %swap3A_462], %gather3A_457 {strides = array<i32>} : memref<40x2x80xi32, #tpu.memory_space<vmem>>, vector<16xi32>,
    %add3A_464 = arith.constant 0 : i32
    %add3A_465 = vector.broadcast %add3A_464 : i32 to vector<16xi32>
    %add3A_466 = arith.addi %select_n3A_294, %add3A_465 : vector<16xi32>
    %add3A_467 = arith.constant 0 : i32
    %add3A_468 = vector.broadcast %add3A_467 : i32 to vector<16xi32>
    %add3A_469 = arith.addi %sub3A_298, %add3A_468 : vector<16xi32>
    %gather3A_470 = tpu.vector_load_idx %arg7[%add3A_466, %add3A_469] : memref<32x200xi32, #tpu.memory_space<vmem>>[vector<16xi32>, vector<16xi32>], vector<16xi32>,
    %swap3A_471 = arith.constant 0 : i32
    %swap3A_472 = arith.constant 1 : i32
    %swap3A_473 = arith.index_cast %swap3A_471 : i32 to index
    %swap3A_474 = arith.index_cast %swap3A_472 : i32 to index
    %swap3A_475 = arith.constant 32 : index
    %swap3A_476 = tpu.vector_load %arg8[%swap3A_473, %swap3A_474, %swap3A_475] {strides = array<i32>} : memref<40x2x80xi32, #tpu.memory_space<vmem>>, vector<16xi32>,
    tpu.vector_store %arg8[%swap3A_473, %swap3A_474, %swap3A_475], %gather3A_470 {strides = array<i32>} : memref<40x2x80xi32, #tpu.memory_space<vmem>>, vector<16xi32>,
    %add3A_477 = arith.constant 0 : i32
    %add3A_478 = vector.broadcast %add3A_477 : i32 to vector<16xi32>
    %add3A_479 = arith.addi %select_n3A_332, %add3A_478 : vector<16xi32>
    %add3A_480 = arith.constant 0 : i32
    %add3A_481 = vector.broadcast %add3A_480 : i32 to vector<16xi32>
    %add3A_482 = arith.addi %sub3A_336, %add3A_481 : vector<16xi32>
    %gather3A_483 = tpu.vector_load_idx %arg7[%add3A_479, %add3A_482] : memref<32x200xi32, #tpu.memory_space<vmem>>[vector<16xi32>, vector<16xi32>], vector<16xi32>,
    %swap3A_484 = arith.constant 0 : i32
    %swap3A_485 = arith.constant 1 : i32
    %swap3A_486 = arith.index_cast %swap3A_484 : i32 to index
    %swap3A_487 = arith.index_cast %swap3A_485 : i32 to index
    %swap3A_488 = arith.constant 48 : index
    %swap3A_489 = tpu.vector_load %arg8[%swap3A_486, %swap3A_487, %swap3A_488] {strides = array<i32>} : memref<40x2x80xi32, #tpu.memory_space<vmem>>, vector<16xi32>,
    tpu.vector_store %arg8[%swap3A_486, %swap3A_487, %swap3A_488], %gather3A_483 {strides = array<i32>} : memref<40x2x80xi32, #tpu.memory_space<vmem>>, vector<16xi32>,
    %add3A_490 = arith.constant 0 : i32
    %add3A_491 = vector.broadcast %add3A_490 : i32 to vector<16xi32>
    %add3A_492 = arith.addi %select_n3A_370, %add3A_491 : vector<16xi32>
    %add3A_493 = arith.constant 0 : i32
    %add3A_494 = vector.broadcast %add3A_493 : i32 to vector<16xi32>
    %add3A_495 = arith.addi %sub3A_374, %add3A_494 : vector<16xi32>
    %gather3A_496 = tpu.vector_load_idx %arg7[%add3A_492, %add3A_495] : memref<32x200xi32, #tpu.memory_space<vmem>>[vector<16xi32>, vector<16xi32>], vector<16xi32>,
    %swap3A_497 = arith.constant 0 : i32
    %swap3A_498 = arith.constant 1 : i32
    %swap3A_499 = arith.index_cast %swap3A_497 : i32 to index
    %swap3A_500 = arith.index_cast %swap3A_498 : i32 to index
    %swap3A_501 = arith.constant 64 : index
    %swap3A_502 = tpu.vector_load %arg8[%swap3A_499, %swap3A_500, %swap3A_501] {strides = array<i32>} : memref<40x2x80xi32, #tpu.memory_space<vmem>>, vector<16xi32>,
    tpu.vector_store %arg8[%swap3A_499, %swap3A_500, %swap3A_501], %gather3A_496 {strides = array<i32>} : memref<40x2x80xi32, #tpu.memory_space<vmem>>, vector<16xi32>,
    %dma_start3A = arith.constant 0 : i32
    %dma_start3A_503 = arith.constant 0 : i32
    %dma_start3A_504 = arith.constant 0 : i32
    %dma_start3A_505 = arith.constant 0 : i32
    %dma_start3A_506 = tpu.memref_slice %arg9[%dma_start3A_504, %dma_start3A_505] : memref<160x128xf32, #tpu.memory_space<vmem>> -> memref<80x128xf32, #tpu.memory_space<vmem>>
    %dma_start3A_507 = arith.constant 0 : i32
    %dma_start3A_508 = tpu.memref_slice %arg8[%dma_start3A, %dma_start3A_503, %dma_start3A_507] : memref<40x2x80xi32, #tpu.memory_space<vmem>> -> memref<1x1x80xi32, #tpu.memory_space<vmem>>
    %dma_start3A_509 = tpu.memref_squeeze %dma_start3A_508 : memref<1x1x80xi32, #tpu.memory_space<vmem>> -> memref<80xi32, #tpu.memory_space<vmem>>
    %dma_start3A_510 = arith.constant 0 : i32
    %dma_start3A_511 = arith.constant 0 : i32
    %dma_start3A_512 = tpu.memref_slice %arg3[%dma_start3A_510, %dma_start3A_511] : memref<100000x128xf32, #tpu.memory_space<hbm>> -> memref<100000x128xf32, #tpu.memory_space<hbm>>
    tpu.enqueue_indirect_dma source(%dma_start3A_512 : memref<100000x128xf32, #tpu.memory_space<hbm>>) target(%dma_start3A_506 : memref<80x128xf32, #tpu.memory_space<vmem>>) offsets(%dma_start3A_509 : memref<80xi32, #tpu.memory_space<vmem>>) semaphore(%arg13 : memref<!tpu.dma_semaphore, #tpu.memory_space<semaphore_mem>>)
    %dma_start3A_513 = arith.constant 0 : i32
    %dma_start3A_514 = arith.constant 1 : i32
    %dma_start3A_515 = arith.constant 80 : i32
    %dma_start3A_516 = arith.constant 0 : i32
    %dma_start3A_517 = tpu.memref_slice %arg9[%dma_start3A_515, %dma_start3A_516] : memref<160x128xf32, #tpu.memory_space<vmem>> -> memref<80x128xf32, #tpu.memory_space<vmem>>
    %dma_start3A_518 = arith.constant 0 : i32
    %dma_start3A_519 = tpu.memref_slice %arg8[%dma_start3A_513, %dma_start3A_514, %dma_start3A_518] : memref<40x2x80xi32, #tpu.memory_space<vmem>> -> memref<1x1x80xi32, #tpu.memory_space<vmem>>
    %dma_start3A_520 = tpu.memref_squeeze %dma_start3A_519 : memref<1x1x80xi32, #tpu.memory_space<vmem>> -> memref<80xi32, #tpu.memory_space<vmem>>
    %dma_start3A_521 = arith.constant 0 : i32
    %dma_start3A_522 = arith.constant 0 : i32
    %dma_start3A_523 = tpu.memref_slice %arg3[%dma_start3A_521, %dma_start3A_522] : memref<100000x128xf32, #tpu.memory_space<hbm>> -> memref<100000x128xf32, #tpu.memory_space<hbm>>
    tpu.enqueue_indirect_dma source(%dma_start3A_523 : memref<100000x128xf32, #tpu.memory_space<hbm>>) target(%dma_start3A_517 : memref<80x128xf32, #tpu.memory_space<vmem>>) offsets(%dma_start3A_520 : memref<80xi32, #tpu.memory_space<vmem>>) semaphore(%arg13 : memref<!tpu.dma_semaphore, #tpu.memory_space<semaphore_mem>>)
    %add3A_524 = arith.constant 0 : i32
    %add3A_525 = vector.broadcast %add3A_524 : i32 to vector<16xi32>
    %add3A_526 = arith.addi %select_n3A, %add3A_525 : vector<16xi32>
    %add3A_527 = arith.constant 40 : i32
    %add3A_528 = vector.broadcast %add3A_527 : i32 to vector<16xi32>
    %add3A_529 = arith.addi %sub3A_32, %add3A_528 : vector<16xi32>
    %gather3A_530 = tpu.vector_load_idx %arg7[%add3A_526, %add3A_529] : memref<32x200xi32, #tpu.memory_space<vmem>>[vector<16xi32>, vector<16xi32>], vector<16xi32>,
    %swap3A_531 = arith.constant 1 : i32
    %swap3A_532 = arith.constant 0 : i32
    %swap3A_533 = arith.index_cast %swap3A_531 : i32 to index
    %swap3A_534 = arith.index_cast %swap3A_532 : i32 to index
    %swap3A_535 = arith.constant 0 : index
    %swap3A_536 = tpu.vector_load %arg8[%swap3A_533, %swap3A_534, %swap3A_535] {strides = array<i32>} : memref<40x2x80xi32, #tpu.memory_space<vmem>>, vector<16xi32>,
    tpu.vector_store %arg8[%swap3A_533, %swap3A_534, %swap3A_535], %gather3A_530 {strides = array<i32>} : memref<40x2x80xi32, #tpu.memory_space<vmem>>, vector<16xi32>,
    %add3A_537 = arith.constant 0 : i32
    %add3A_538 = vector.broadcast %add3A_537 : i32 to vector<16xi32>
    %add3A_539 = arith.addi %select_n3A_66, %add3A_538 : vector<16xi32>
    %add3A_540 = arith.constant 40 : i32
    %add3A_541 = vector.broadcast %add3A_540 : i32 to vector<16xi32>
    %add3A_542 = arith.addi %sub3A_70, %add3A_541 : vector<16xi32>
    %gather3A_543 = tpu.vector_load_idx %arg7[%add3A_539, %add3A_542] : memref<32x200xi32, #tpu.memory_space<vmem>>[vector<16xi32>, vector<16xi32>], vector<16xi32>,
    %swap3A_544 = arith.constant 1 : i32
    %swap3A_545 = arith.constant 0 : i32
    %swap3A_546 = arith.index_cast %swap3A_544 : i32 to index
    %swap3A_547 = arith.index_cast %swap3A_545 : i32 to index
    %swap3A_548 = arith.constant 16 : index
    %swap3A_549 = tpu.vector_load %arg8[%swap3A_546, %swap3A_547, %swap3A_548] {strides = array<i32>} : memref<40x2x80xi32, #tpu.memory_space<vmem>>, vector<16xi32>,
    tpu.vector_store %arg8[%swap3A_546, %swap3A_547, %swap3A_548], %gather3A_543 {strides = array<i32>} : memref<40x2x80xi32, #tpu.memory_space<vmem>>, vector<16xi32>,
    %add3A_550 = arith.constant 0 : i32
    %add3A_551 = vector.broadcast %add3A_550 : i32 to vector<16xi32>
    %add3A_552 = arith.addi %select_n3A_104, %add3A_551 : vector<16xi32>
    %add3A_553 = arith.constant 40 : i32
    %add3A_554 = vector.broadcast %add3A_553 : i32 to vector<16xi32>
    %add3A_555 = arith.addi %sub3A_108, %add3A_554 : vector<16xi32>
    %gather3A_556 = tpu.vector_load_idx %arg7[%add3A_552, %add3A_555] : memref<32x200xi32, #tpu.memory_space<vmem>>[vector<16xi32>, vector<16xi32>], vector<16xi32>,
    %swap3A_557 = arith.constant 1 : i32
    %swap3A_558 = arith.constant 0 : i32
    %swap3A_559 = arith.index_cast %swap3A_557 : i32 to index
    %swap3A_560 = arith.index_cast %swap3A_558 : i32 to index
    %swap3A_561 = arith.constant 32 : index
    %swap3A_562 = tpu.vector_load %arg8[%swap3A_559, %swap3A_560, %swap3A_561] {strides = array<i32>} : memref<40x2x80xi32, #tpu.memory_space<vmem>>, vector<16xi32>,
    tpu.vector_store %arg8[%swap3A_559, %swap3A_560, %swap3A_561], %gather3A_556 {strides = array<i32>} : memref<40x2x80xi32, #tpu.memory_space<vmem>>, vector<16xi32>,
    %add3A_563 = arith.constant 0 : i32
    %add3A_564 = vector.broadcast %add3A_563 : i32 to vector<16xi32>
    %add3A_565 = arith.addi %select_n3A_142, %add3A_564 : vector<16xi32>
    %add3A_566 = arith.constant 40 : i32
    %add3A_567 = vector.broadcast %add3A_566 : i32 to vector<16xi32>
    %add3A_568 = arith.addi %sub3A_146, %add3A_567 : vector<16xi32>
    %gather3A_569 = tpu.vector_load_idx %arg7[%add3A_565, %add3A_568] : memref<32x200xi32, #tpu.memory_space<vmem>>[vector<16xi32>, vector<16xi32>], vector<16xi32>,
    %swap3A_570 = arith.constant 1 : i32
    %swap3A_571 = arith.constant 0 : i32
    %swap3A_572 = arith.index_cast %swap3A_570 : i32 to index
    %swap3A_573 = arith.index_cast %swap3A_571 : i32 to index
    %swap3A_574 = arith.constant 48 : index
    %swap3A_575 = tpu.vector_load %arg8[%swap3A_572, %swap3A_573, %swap3A_574] {strides = array<i32>} : memref<40x2x80xi32, #tpu.memory_space<vmem>>, vector<16xi32>,
    tpu.vector_store %arg8[%swap3A_572, %swap3A_573, %swap3A_574], %gather3A_569 {strides = array<i32>} : memref<40x2x80xi32, #tpu.memory_space<vmem>>, vector<16xi32>,
    %add3A_576 = arith.constant 0 : i32
    %add3A_577 = vector.broadcast %add3A_576 : i32 to vector<16xi32>
    %add3A_578 = arith.addi %select_n3A_180, %add3A_577 : vector<16xi32>
    %add3A_579 = arith.constant 40 : i32
    %add3A_580 = vector.broadcast %add3A_579 : i32 to vector<16xi32>
    %add3A_581 = arith.addi %sub3A_184, %add3A_580 : vector<16xi32>
    %gather3A_582 = tpu.vector_load_idx %arg7[%add3A_578, %add3A_581] : memref<32x200xi32, #tpu.memory_space<vmem>>[vector<16xi32>, vector<16xi32>], vector<16xi32>,
    %swap3A_583 = arith.constant 1 : i32
    %swap3A_584 = arith.constant 0 : i32
    %swap3A_585 = arith.index_cast %swap3A_583 : i32 to index
    %swap3A_586 = arith.index_cast %swap3A_584 : i32 to index
    %swap3A_587 = arith.constant 64 : index
    %swap3A_588 = tpu.vector_load %arg8[%swap3A_585, %swap3A_586, %swap3A_587] {strides = array<i32>} : memref<40x2x80xi32, #tpu.memory_space<vmem>>, vector<16xi32>,
    tpu.vector_store %arg8[%swap3A_585, %swap3A_586, %swap3A_587], %gather3A_582 {strides = array<i32>} : memref<40x2x80xi32, #tpu.memory_space<vmem>>, vector<16xi32>,
    %add3A_589 = arith.constant 0 : i32
    %add3A_590 = vector.broadcast %add3A_589 : i32 to vector<16xi32>
    %add3A_591 = arith.addi %select_n3A_218, %add3A_590 : vector<16xi32>
    %add3A_592 = arith.constant 40 : i32
    %add3A_593 = vector.broadcast %add3A_592 : i32 to vector<16xi32>
    %add3A_594 = arith.addi %sub3A_222, %add3A_593 : vector<16xi32>
    %gather3A_595 = tpu.vector_load_idx %arg7[%add3A_591, %add3A_594] : memref<32x200xi32, #tpu.memory_space<vmem>>[vector<16xi32>, vector<16xi32>], vector<16xi32>,
    %swap3A_596 = arith.constant 1 : i32
    %swap3A_597 = arith.constant 1 : i32
    %swap3A_598 = arith.index_cast %swap3A_596 : i32 to index
    %swap3A_599 = arith.index_cast %swap3A_597 : i32 to index
    %swap3A_600 = arith.constant 0 : index
    %swap3A_601 = tpu.vector_load %arg8[%swap3A_598, %swap3A_599, %swap3A_600] {strides = array<i32>} : memref<40x2x80xi32, #tpu.memory_space<vmem>>, vector<16xi32>,
    tpu.vector_store %arg8[%swap3A_598, %swap3A_599, %swap3A_600], %gather3A_595 {strides = array<i32>} : memref<40x2x80xi32, #tpu.memory_space<vmem>>, vector<16xi32>,
    %add3A_602 = arith.constant 0 : i32
    %add3A_603 = vector.broadcast %add3A_602 : i32 to vector<16xi32>
    %add3A_604 = arith.addi %select_n3A_256, %add3A_603 : vector<16xi32>
    %add3A_605 = arith.constant 40 : i32
    %add3A_606 = vector.broadcast %add3A_605 : i32 to vector<16xi32>
    %add3A_607 = arith.addi %sub3A_260, %add3A_606 : vector<16xi32>
    %gather3A_608 = tpu.vector_load_idx %arg7[%add3A_604, %add3A_607] : memref<32x200xi32, #tpu.memory_space<vmem>>[vector<16xi32>, vector<16xi32>], vector<16xi32>,
    %swap3A_609 = arith.constant 1 : i32
    %swap3A_610 = arith.constant 1 : i32
    %swap3A_611 = arith.index_cast %swap3A_609 : i32 to index
    %swap3A_612 = arith.index_cast %swap3A_610 : i32 to index
    %swap3A_613 = arith.constant 16 : index
    %swap3A_614 = tpu.vector_load %arg8[%swap3A_611, %swap3A_612, %swap3A_613] {strides = array<i32>} : memref<40x2x80xi32, #tpu.memory_space<vmem>>, vector<16xi32>,
    tpu.vector_store %arg8[%swap3A_611, %swap3A_612, %swap3A_613], %gather3A_608 {strides = array<i32>} : memref<40x2x80xi32, #tpu.memory_space<vmem>>, vector<16xi32>,
    %add3A_615 = arith.constant 0 : i32
    %add3A_616 = vector.broadcast %add3A_615 : i32 to vector<16xi32>
    %add3A_617 = arith.addi %select_n3A_294, %add3A_616 : vector<16xi32>
    %add3A_618 = arith.constant 40 : i32
    %add3A_619 = vector.broadcast %add3A_618 : i32 to vector<16xi32>
    %add3A_620 = arith.addi %sub3A_298, %add3A_619 : vector<16xi32>
    %gather3A_621 = tpu.vector_load_idx %arg7[%add3A_617, %add3A_620] : memref<32x200xi32, #tpu.memory_space<vmem>>[vector<16xi32>, vector<16xi32>], vector<16xi32>,
    %swap3A_622 = arith.constant 1 : i32
    %swap3A_623 = arith.constant 1 : i32
    %swap3A_624 = arith.index_cast %swap3A_622 : i32 to index
    %swap3A_625 = arith.index_cast %swap3A_623 : i32 to index
    %swap3A_626 = arith.constant 32 : index
    %swap3A_627 = tpu.vector_load %arg8[%swap3A_624, %swap3A_625, %swap3A_626] {strides = array<i32>} : memref<40x2x80xi32, #tpu.memory_space<vmem>>, vector<16xi32>,
    tpu.vector_store %arg8[%swap3A_624, %swap3A_625, %swap3A_626], %gather3A_621 {strides = array<i32>} : memref<40x2x80xi32, #tpu.memory_space<vmem>>, vector<16xi32>,
    %add3A_628 = arith.constant 0 : i32
    %add3A_629 = vector.broadcast %add3A_628 : i32 to vector<16xi32>
    %add3A_630 = arith.addi %select_n3A_332, %add3A_629 : vector<16xi32>
    %add3A_631 = arith.constant 40 : i32
    %add3A_632 = vector.broadcast %add3A_631 : i32 to vector<16xi32>
    %add3A_633 = arith.addi %sub3A_336, %add3A_632 : vector<16xi32>
    %gather3A_634 = tpu.vector_load_idx %arg7[%add3A_630, %add3A_633] : memref<32x200xi32, #tpu.memory_space<vmem>>[vector<16xi32>, vector<16xi32>], vector<16xi32>,
    %swap3A_635 = arith.constant 1 : i32
    %swap3A_636 = arith.constant 1 : i32
    %swap3A_637 = arith.index_cast %swap3A_635 : i32 to index
    %swap3A_638 = arith.index_cast %swap3A_636 : i32 to index
    %swap3A_639 = arith.constant 48 : index
    %swap3A_640 = tpu.vector_load %arg8[%swap3A_637, %swap3A_638, %swap3A_639] {strides = array<i32>} : memref<40x2x80xi32, #tpu.memory_space<vmem>>, vector<16xi32>,
    tpu.vector_store %arg8[%swap3A_637, %swap3A_638, %swap3A_639], %gather3A_634 {strides = array<i32>} : memref<40x2x80xi32, #tpu.memory_space<vmem>>, vector<16xi32>,
    %add3A_641 = arith.constant 0 : i32
    %add3A_642 = vector.broadcast %add3A_641 : i32 to vector<16xi32>
    %add3A_643 = arith.addi %select_n3A_370, %add3A_642 : vector<16xi32>
    %add3A_644 = arith.constant 40 : i32
    %add3A_645 = vector.broadcast %add3A_644 : i32 to vector<16xi32>
    %add3A_646 = arith.addi %sub3A_374, %add3A_645 : vector<16xi32>
    %gather3A_647 = tpu.vector_load_idx %arg7[%add3A_643, %add3A_646] : memref<32x200xi32, #tpu.memory_space<vmem>>[vector<16xi32>, vector<16xi32>], vector<16xi32>,
    %swap3A_648 = arith.constant 1 : i32
    %swap3A_649 = arith.constant 1 : i32
    %swap3A_650 = arith.index_cast %swap3A_648 : i32 to index
    %swap3A_651 = arith.index_cast %swap3A_649 : i32 to index
    %swap3A_652 = arith.constant 64 : index
    %swap3A_653 = tpu.vector_load %arg8[%swap3A_650, %swap3A_651, %swap3A_652] {strides = array<i32>} : memref<40x2x80xi32, #tpu.memory_space<vmem>>, vector<16xi32>,
    tpu.vector_store %arg8[%swap3A_650, %swap3A_651, %swap3A_652], %gather3A_647 {strides = array<i32>} : memref<40x2x80xi32, #tpu.memory_space<vmem>>, vector<16xi32>,
    %dma_start3A_654 = arith.constant 1 : i32
    %dma_start3A_655 = arith.constant 0 : i32
    %dma_start3A_656 = arith.constant 0 : i32
    %dma_start3A_657 = arith.constant 0 : i32
    %dma_start3A_658 = tpu.memref_slice %arg10[%dma_start3A_656, %dma_start3A_657] : memref<160x128xf32, #tpu.memory_space<vmem>> -> memref<80x128xf32, #tpu.memory_space<vmem>>
    %dma_start3A_659 = arith.constant 0 : i32
    %dma_start3A_660 = tpu.memref_slice %arg8[%dma_start3A_654, %dma_start3A_655, %dma_start3A_659] : memref<40x2x80xi32, #tpu.memory_space<vmem>> -> memref<1x1x80xi32, #tpu.memory_space<vmem>>
    %dma_start3A_661 = tpu.memref_squeeze %dma_start3A_660 : memref<1x1x80xi32, #tpu.memory_space<vmem>> -> memref<80xi32, #tpu.memory_space<vmem>>
    %dma_start3A_662 = arith.constant 0 : i32
    %dma_start3A_663 = arith.constant 0 : i32
    %dma_start3A_664 = tpu.memref_slice %arg3[%dma_start3A_662, %dma_start3A_663] : memref<100000x128xf32, #tpu.memory_space<hbm>> -> memref<100000x128xf32, #tpu.memory_space<hbm>>
    tpu.enqueue_indirect_dma source(%dma_start3A_664 : memref<100000x128xf32, #tpu.memory_space<hbm>>) target(%dma_start3A_658 : memref<80x128xf32, #tpu.memory_space<vmem>>) offsets(%dma_start3A_661 : memref<80xi32, #tpu.memory_space<vmem>>) semaphore(%arg14 : memref<!tpu.dma_semaphore, #tpu.memory_space<semaphore_mem>>)
    %dma_start3A_665 = arith.constant 1 : i32
    %dma_start3A_666 = arith.constant 1 : i32
    %dma_start3A_667 = arith.constant 80 : i32
    %dma_start3A_668 = arith.constant 0 : i32
    %dma_start3A_669 = tpu.memref_slice %arg10[%dma_start3A_667, %dma_start3A_668] : memref<160x128xf32, #tpu.memory_space<vmem>> -> memref<80x128xf32, #tpu.memory_space<vmem>>
    %dma_start3A_670 = arith.constant 0 : i32
    %dma_start3A_671 = tpu.memref_slice %arg8[%dma_start3A_665, %dma_start3A_666, %dma_start3A_670] : memref<40x2x80xi32, #tpu.memory_space<vmem>> -> memref<1x1x80xi32, #tpu.memory_space<vmem>>
    %dma_start3A_672 = tpu.memref_squeeze %dma_start3A_671 : memref<1x1x80xi32, #tpu.memory_space<vmem>> -> memref<80xi32, #tpu.memory_space<vmem>>
    %dma_start3A_673 = arith.constant 0 : i32
    %dma_start3A_674 = arith.constant 0 : i32
    %dma_start3A_675 = tpu.memref_slice %arg3[%dma_start3A_673, %dma_start3A_674] : memref<100000x128xf32, #tpu.memory_space<hbm>> -> memref<100000x128xf32, #tpu.memory_space<hbm>>
    tpu.enqueue_indirect_dma source(%dma_start3A_675 : memref<100000x128xf32, #tpu.memory_space<hbm>>) target(%dma_start3A_669 : memref<80x128xf32, #tpu.memory_space<vmem>>) offsets(%dma_start3A_672 : memref<80xi32, #tpu.memory_space<vmem>>) semaphore(%arg14 : memref<!tpu.dma_semaphore, #tpu.memory_space<semaphore_mem>>)
    %add3A_676 = arith.constant 0 : i32
    %add3A_677 = vector.broadcast %add3A_676 : i32 to vector<16xi32>
    %add3A_678 = arith.addi %select_n3A, %add3A_677 : vector<16xi32>
    %add3A_679 = arith.constant 80 : i32
    %add3A_680 = vector.broadcast %add3A_679 : i32 to vector<16xi32>
    %add3A_681 = arith.addi %sub3A_32, %add3A_680 : vector<16xi32>
    %gather3A_682 = tpu.vector_load_idx %arg7[%add3A_678, %add3A_681] : memref<32x200xi32, #tpu.memory_space<vmem>>[vector<16xi32>, vector<16xi32>], vector<16xi32>,
    %swap3A_683 = arith.constant 2 : i32
    %swap3A_684 = arith.constant 0 : i32
    %swap3A_685 = arith.index_cast %swap3A_683 : i32 to index
    %swap3A_686 = arith.index_cast %swap3A_684 : i32 to index
    %swap3A_687 = arith.constant 0 : index
    %swap3A_688 = tpu.vector_load %arg8[%swap3A_685, %swap3A_686, %swap3A_687] {strides = array<i32>} : memref<40x2x80xi32, #tpu.memory_space<vmem>>, vector<16xi32>,
    tpu.vector_store %arg8[%swap3A_685, %swap3A_686, %swap3A_687], %gather3A_682 {strides = array<i32>} : memref<40x2x80xi32, #tpu.memory_space<vmem>>, vector<16xi32>,
    %add3A_689 = arith.constant 0 : i32
    %add3A_690 = vector.broadcast %add3A_689 : i32 to vector<16xi32>
    %add3A_691 = arith.addi %select_n3A_66, %add3A_690 : vector<16xi32>
    %add3A_692 = arith.constant 80 : i32
    %add3A_693 = vector.broadcast %add3A_692 : i32 to vector<16xi32>
    %add3A_694 = arith.addi %sub3A_70, %add3A_693 : vector<16xi32>
    %gather3A_695 = tpu.vector_load_idx %arg7[%add3A_691, %add3A_694] : memref<32x200xi32, #tpu.memory_space<vmem>>[vector<16xi32>, vector<16xi32>], vector<16xi32>,
    %swap3A_696 = arith.constant 2 : i32
    %swap3A_697 = arith.constant 0 : i32
    %swap3A_698 = arith.index_cast %swap3A_696 : i32 to index
    %swap3A_699 = arith.index_cast %swap3A_697 : i32 to index
    %swap3A_700 = arith.constant 16 : index
    %swap3A_701 = tpu.vector_load %arg8[%swap3A_698, %swap3A_699, %swap3A_700] {strides = array<i32>} : memref<40x2x80xi32, #tpu.memory_space<vmem>>, vector<16xi32>,
    tpu.vector_store %arg8[%swap3A_698, %swap3A_699, %swap3A_700], %gather3A_695 {strides = array<i32>} : memref<40x2x80xi32, #tpu.memory_space<vmem>>, vector<16xi32>,
    %add3A_702 = arith.constant 0 : i32
    %add3A_703 = vector.broadcast %add3A_702 : i32 to vector<16xi32>
    %add3A_704 = arith.addi %select_n3A_104, %add3A_703 : vector<16xi32>
    %add3A_705 = arith.constant 80 : i32
    %add3A_706 = vector.broadcast %add3A_705 : i32 to vector<16xi32>
    %add3A_707 = arith.addi %sub3A_108, %add3A_706 : vector<16xi32>
    %gather3A_708 = tpu.vector_load_idx %arg7[%add3A_704, %add3A_707] : memref<32x200xi32, #tpu.memory_space<vmem>>[vector<16xi32>, vector<16xi32>], vector<16xi32>,
    %swap3A_709 = arith.constant 2 : i32
    %swap3A_710 = arith.constant 0 : i32
    %swap3A_711 = arith.index_cast %swap3A_709 : i32 to index
    %swap3A_712 = arith.index_cast %swap3A_710 : i32 to index
    %swap3A_713 = arith.constant 32 : index
    %swap3A_714 = tpu.vector_load %arg8[%swap3A_711, %swap3A_712, %swap3A_713] {strides = array<i32>} : memref<40x2x80xi32, #tpu.memory_space<vmem>>, vector<16xi32>,
    tpu.vector_store %arg8[%swap3A_711, %swap3A_712, %swap3A_713], %gather3A_708 {strides = array<i32>} : memref<40x2x80xi32, #tpu.memory_space<vmem>>, vector<16xi32>,
    %add3A_715 = arith.constant 0 : i32
    %add3A_716 = vector.broadcast %add3A_715 : i32 to vector<16xi32>
    %add3A_717 = arith.addi %select_n3A_142, %add3A_716 : vector<16xi32>
    %add3A_718 = arith.constant 80 : i32
    %add3A_719 = vector.broadcast %add3A_718 : i32 to vector<16xi32>
    %add3A_720 = arith.addi %sub3A_146, %add3A_719 : vector<16xi32>
    %gather3A_721 = tpu.vector_load_idx %arg7[%add3A_717, %add3A_720] : memref<32x200xi32, #tpu.memory_space<vmem>>[vector<16xi32>, vector<16xi32>], vector<16xi32>,
    %swap3A_722 = arith.constant 2 : i32
    %swap3A_723 = arith.constant 0 : i32
    %swap3A_724 = arith.index_cast %swap3A_722 : i32 to index
    %swap3A_725 = arith.index_cast %swap3A_723 : i32 to index
    %swap3A_726 = arith.constant 48 : index
    %swap3A_727 = tpu.vector_load %arg8[%swap3A_724, %swap3A_725, %swap3A_726] {strides = array<i32>} : memref<40x2x80xi32, #tpu.memory_space<vmem>>, vector<16xi32>,
    tpu.vector_store %arg8[%swap3A_724, %swap3A_725, %swap3A_726], %gather3A_721 {strides = array<i32>} : memref<40x2x80xi32, #tpu.memory_space<vmem>>, vector<16xi32>,
    %add3A_728 = arith.constant 0 : i32
    %add3A_729 = vector.broadcast %add3A_728 : i32 to vector<16xi32>
    %add3A_730 = arith.addi %select_n3A_180, %add3A_729 : vector<16xi32>
    %add3A_731 = arith.constant 80 : i32
    %add3A_732 = vector.broadcast %add3A_731 : i32 to vector<16xi32>
    %add3A_733 = arith.addi %sub3A_184, %add3A_732 : vector<16xi32>
    %gather3A_734 = tpu.vector_load_idx %arg7[%add3A_730, %add3A_733] : memref<32x200xi32, #tpu.memory_space<vmem>>[vector<16xi32>, vector<16xi32>], vector<16xi32>,
    %swap3A_735 = arith.constant 2 : i32
    %swap3A_736 = arith.constant 0 : i32
    %swap3A_737 = arith.index_cast %swap3A_735 : i32 to index
    %swap3A_738 = arith.index_cast %swap3A_736 : i32 to index
    %swap3A_739 = arith.constant 64 : index
    %swap3A_740 = tpu.vector_load %arg8[%swap3A_737, %swap3A_738, %swap3A_739] {strides = array<i32>} : memref<40x2x80xi32, #tpu.memory_space<vmem>>, vector<16xi32>,
    tpu.vector_store %arg8[%swap3A_737, %swap3A_738, %swap3A_739], %gather3A_734 {strides = array<i32>} : memref<40x2x80xi32, #tpu.memory_space<vmem>>, vector<16xi32>,
    %add3A_741 = arith.constant 0 : i32
    %add3A_742 = vector.broadcast %add3A_741 : i32 to vector<16xi32>
    %add3A_743 = arith.addi %select_n3A_218, %add3A_742 : vector<16xi32>
    %add3A_744 = arith.constant 80 : i32
    %add3A_745 = vector.broadcast %add3A_744 : i32 to vector<16xi32>
    %add3A_746 = arith.addi %sub3A_222, %add3A_745 : vector<16xi32>
    %gather3A_747 = tpu.vector_load_idx %arg7[%add3A_743, %add3A_746] : memref<32x200xi32, #tpu.memory_space<vmem>>[vector<16xi32>, vector<16xi32>], vector<16xi32>,
    %swap3A_748 = arith.constant 2 : i32
    %swap3A_749 = arith.constant 1 : i32
    %swap3A_750 = arith.index_cast %swap3A_748 : i32 to index
    %swap3A_751 = arith.index_cast %swap3A_749 : i32 to index
    %swap3A_752 = arith.constant 0 : index
    %swap3A_753 = tpu.vector_load %arg8[%swap3A_750, %swap3A_751, %swap3A_752] {strides = array<i32>} : memref<40x2x80xi32, #tpu.memory_space<vmem>>, vector<16xi32>,
    tpu.vector_store %arg8[%swap3A_750, %swap3A_751, %swap3A_752], %gather3A_747 {strides = array<i32>} : memref<40x2x80xi32, #tpu.memory_space<vmem>>, vector<16xi32>,
    %add3A_754 = arith.constant 0 : i32
    %add3A_755 = vector.broadcast %add3A_754 : i32 to vector<16xi32>
    %add3A_756 = arith.addi %select_n3A_256, %add3A_755 : vector<16xi32>
    %add3A_757 = arith.constant 80 : i32
    %add3A_758 = vector.broadcast %add3A_757 : i32 to vector<16xi32>
    %add3A_759 = arith.addi %sub3A_260, %add3A_758 : vector<16xi32>
    %gather3A_760 = tpu.vector_load_idx %arg7[%add3A_756, %add3A_759] : memref<32x200xi32, #tpu.memory_space<vmem>>[vector<16xi32>, vector<16xi32>], vector<16xi32>,
    %swap3A_761 = arith.constant 2 : i32
    %swap3A_762 = arith.constant 1 : i32
    %swap3A_763 = arith.index_cast %swap3A_761 : i32 to index
    %swap3A_764 = arith.index_cast %swap3A_762 : i32 to index
    %swap3A_765 = arith.constant 16 : index
    %swap3A_766 = tpu.vector_load %arg8[%swap3A_763, %swap3A_764, %swap3A_765] {strides = array<i32>} : memref<40x2x80xi32, #tpu.memory_space<vmem>>, vector<16xi32>,
    tpu.vector_store %arg8[%swap3A_763, %swap3A_764, %swap3A_765], %gather3A_760 {strides = array<i32>} : memref<40x2x80xi32, #tpu.memory_space<vmem>>, vector<16xi32>,
    %add3A_767 = arith.constant 0 : i32
    %add3A_768 = vector.broadcast %add3A_767 : i32 to vector<16xi32>
    %add3A_769 = arith.addi %select_n3A_294, %add3A_768 : vector<16xi32>
    %add3A_770 = arith.constant 80 : i32
    %add3A_771 = vector.broadcast %add3A_770 : i32 to vector<16xi32>
    %add3A_772 = arith.addi %sub3A_298, %add3A_771 : vector<16xi32>
    %gather3A_773 = tpu.vector_load_idx %arg7[%add3A_769, %add3A_772] : memref<32x200xi32, #tpu.memory_space<vmem>>[vector<16xi32>, vector<16xi32>], vector<16xi32>,
    %swap3A_774 = arith.constant 2 : i32
    %swap3A_775 = arith.constant 1 : i32
    %swap3A_776 = arith.index_cast %swap3A_774 : i32 to index
    %swap3A_777 = arith.index_cast %swap3A_775 : i32 to index
    %swap3A_778 = arith.constant 32 : index
    %swap3A_779 = tpu.vector_load %arg8[%swap3A_776, %swap3A_777, %swap3A_778] {strides = array<i32>} : memref<40x2x80xi32, #tpu.memory_space<vmem>>, vector<16xi32>,
    tpu.vector_store %arg8[%swap3A_776, %swap3A_777, %swap3A_778], %gather3A_773 {strides = array<i32>} : memref<40x2x80xi32, #tpu.memory_space<vmem>>, vector<16xi32>,
    %add3A_780 = arith.constant 0 : i32
    %add3A_781 = vector.broadcast %add3A_780 : i32 to vector<16xi32>
    %add3A_782 = arith.addi %select_n3A_332, %add3A_781 : vector<16xi32>
    %add3A_783 = arith.constant 80 : i32
    %add3A_784 = vector.broadcast %add3A_783 : i32 to vector<16xi32>
    %add3A_785 = arith.addi %sub3A_336, %add3A_784 : vector<16xi32>
    %gather3A_786 = tpu.vector_load_idx %arg7[%add3A_782, %add3A_785] : memref<32x200xi32, #tpu.memory_space<vmem>>[vector<16xi32>, vector<16xi32>], vector<16xi32>,
    %swap3A_787 = arith.constant 2 : i32
    %swap3A_788 = arith.constant 1 : i32
    %swap3A_789 = arith.index_cast %swap3A_787 : i32 to index
    %swap3A_790 = arith.index_cast %swap3A_788 : i32 to index
    %swap3A_791 = arith.constant 48 : index
    %swap3A_792 = tpu.vector_load %arg8[%swap3A_789, %swap3A_790, %swap3A_791] {strides = array<i32>} : memref<40x2x80xi32, #tpu.memory_space<vmem>>, vector<16xi32>,
    tpu.vector_store %arg8[%swap3A_789, %swap3A_790, %swap3A_791], %gather3A_786 {strides = array<i32>} : memref<40x2x80xi32, #tpu.memory_space<vmem>>, vector<16xi32>,
    %add3A_793 = arith.constant 0 : i32
    %add3A_794 = vector.broadcast %add3A_793 : i32 to vector<16xi32>
    %add3A_795 = arith.addi %select_n3A_370, %add3A_794 : vector<16xi32>
    %add3A_796 = arith.constant 80 : i32
    %add3A_797 = vector.broadcast %add3A_796 : i32 to vector<16xi32>
    %add3A_798 = arith.addi %sub3A_374, %add3A_797 : vector<16xi32>
    %gather3A_799 = tpu.vector_load_idx %arg7[%add3A_795, %add3A_798] : memref<32x200xi32, #tpu.memory_space<vmem>>[vector<16xi32>, vector<16xi32>], vector<16xi32>,
    %swap3A_800 = arith.constant 2 : i32
    %swap3A_801 = arith.constant 1 : i32
    %swap3A_802 = arith.index_cast %swap3A_800 : i32 to index
    %swap3A_803 = arith.index_cast %swap3A_801 : i32 to index
    %swap3A_804 = arith.constant 64 : index
    %swap3A_805 = tpu.vector_load %arg8[%swap3A_802, %swap3A_803, %swap3A_804] {strides = array<i32>} : memref<40x2x80xi32, #tpu.memory_space<vmem>>, vector<16xi32>,
    tpu.vector_store %arg8[%swap3A_802, %swap3A_803, %swap3A_804], %gather3A_799 {strides = array<i32>} : memref<40x2x80xi32, #tpu.memory_space<vmem>>, vector<16xi32>,
    %dma_start3A_806 = arith.constant 2 : i32
    %dma_start3A_807 = arith.constant 0 : i32
    %dma_start3A_808 = arith.constant 0 : i32
    %dma_start3A_809 = arith.constant 0 : i32
    %dma_start3A_810 = tpu.memref_slice %arg11[%dma_start3A_808, %dma_start3A_809] : memref<160x128xf32, #tpu.memory_space<vmem>> -> memref<80x128xf32, #tpu.memory_space<vmem>>
    %dma_start3A_811 = arith.constant 0 : i32
    %dma_start3A_812 = tpu.memref_slice %arg8[%dma_start3A_806, %dma_start3A_807, %dma_start3A_811] : memref<40x2x80xi32, #tpu.memory_space<vmem>> -> memref<1x1x80xi32, #tpu.memory_space<vmem>>
    %dma_start3A_813 = tpu.memref_squeeze %dma_start3A_812 : memref<1x1x80xi32, #tpu.memory_space<vmem>> -> memref<80xi32, #tpu.memory_space<vmem>>
    %dma_start3A_814 = arith.constant 0 : i32
    %dma_start3A_815 = arith.constant 0 : i32
    %dma_start3A_816 = tpu.memref_slice %arg3[%dma_start3A_814, %dma_start3A_815] : memref<100000x128xf32, #tpu.memory_space<hbm>> -> memref<100000x128xf32, #tpu.memory_space<hbm>>
    tpu.enqueue_indirect_dma source(%dma_start3A_816 : memref<100000x128xf32, #tpu.memory_space<hbm>>) target(%dma_start3A_810 : memref<80x128xf32, #tpu.memory_space<vmem>>) offsets(%dma_start3A_813 : memref<80xi32, #tpu.memory_space<vmem>>) semaphore(%arg15 : memref<!tpu.dma_semaphore, #tpu.memory_space<semaphore_mem>>)
    %dma_start3A_817 = arith.constant 2 : i32
    %dma_start3A_818 = arith.constant 1 : i32
    %dma_start3A_819 = arith.constant 80 : i32
    %dma_start3A_820 = arith.constant 0 : i32
    %dma_start3A_821 = tpu.memref_slice %arg11[%dma_start3A_819, %dma_start3A_820] : memref<160x128xf32, #tpu.memory_space<vmem>> -> memref<80x128xf32, #tpu.memory_space<vmem>>
    %dma_start3A_822 = arith.constant 0 : i32
    %dma_start3A_823 = tpu.memref_slice %arg8[%dma_start3A_817, %dma_start3A_818, %dma_start3A_822] : memref<40x2x80xi32, #tpu.memory_space<vmem>> -> memref<1x1x80xi32, #tpu.memory_space<vmem>>
    %dma_start3A_824 = tpu.memref_squeeze %dma_start3A_823 : memref<1x1x80xi32, #tpu.memory_space<vmem>> -> memref<80xi32, #tpu.memory_space<vmem>>
    %dma_start3A_825 = arith.constant 0 : i32
    %dma_start3A_826 = arith.constant 0 : i32
    %dma_start3A_827 = tpu.memref_slice %arg3[%dma_start3A_825, %dma_start3A_826] : memref<100000x128xf32, #tpu.memory_space<hbm>> -> memref<100000x128xf32, #tpu.memory_space<hbm>>
    tpu.enqueue_indirect_dma source(%dma_start3A_827 : memref<100000x128xf32, #tpu.memory_space<hbm>>) target(%dma_start3A_821 : memref<80x128xf32, #tpu.memory_space<vmem>>) offsets(%dma_start3A_824 : memref<80xi32, #tpu.memory_space<vmem>>) semaphore(%arg15 : memref<!tpu.dma_semaphore, #tpu.memory_space<semaphore_mem>>)
    tpu.enqueue_dma source(%arg4 : memref<200x128xf32, #tpu.memory_space<hbm>>) target(%arg6 : memref<200x128xf32, #tpu.memory_space<vmem>>) target_semaphore(%arg17 : memref<!tpu.dma_semaphore, #tpu.memory_space<semaphore_mem>>)
    %scan3A = arith.constant 0 : i32
    %scan3A_828 = arith.constant 37 : i32
    %scan3A_829 = arith.addi %scan3A, %scan3A_828 : i32
    %scan3A_830 = arith.constant 1 : i32
    scf.for %scan3A_846 = %scan3A to %scan3A_829 step %scan3A_830  : i32 {
      %mul3A_847 = arith.constant 1 : i32
      %mul3A_848 = arith.muli %scan3A_846, %mul3A_847 : i32
      %add3A_849 = arith.constant 3 : i32
      %add3A_850 = arith.addi %add3A_849, %mul3A_848 : i32
      %jit3A_851 = arith.constant 5 : i32
      %div3A_852 = arith.divsi %add3A_850, %jit3A_851 : i32
      %sign3A_853 = arith.constant 0 : i32
      %sign3A_854 = arith.cmpi sgt, %add3A_850, %sign3A_853 : i32
      %sign3A_855 = arith.extui %sign3A_854 : i1 to i32
      %sign3A_856 = arith.constant 0 : i32
      %sign3A_857 = arith.cmpi slt, %add3A_850, %sign3A_856 : i32
      %sign3A_858 = arith.extui %sign3A_857 : i1 to i32
      %sign3A_859 = arith.subi %sign3A_855, %sign3A_858 : i32
      %sign3A_860 = arith.constant 0 : i32
      %sign3A_861 = arith.cmpi sgt, %jit3A_851, %sign3A_860 : i32
      %sign3A_862 = arith.extui %sign3A_861 : i1 to i32
      %sign3A_863 = arith.constant 0 : i32
      %sign3A_864 = arith.cmpi slt, %jit3A_851, %sign3A_863 : i32
      %sign3A_865 = arith.extui %sign3A_864 : i1 to i32
      %sign3A_866 = arith.subi %sign3A_862, %sign3A_865 : i32
      %ne3A_867 = arith.cmpi ne, %sign3A_859, %sign3A_866 : i32
      %rem3A_868 = arith.remsi %add3A_850, %jit3A_851 : i32
      %ne3A_869 = arith.constant 0 : i32
      %ne3A_870 = arith.cmpi ne, %rem3A_868, %ne3A_869 : i32
      %and3A_871 = arith.andi %ne3A_867, %ne3A_870 : i1
      %sub3A_872 = arith.constant 1 : i32
      %sub3A_873 = arith.subi %div3A_852, %sub3A_872 : i32
      %select_n3A_874 = arith.select %and3A_871, %sub3A_873, %div3A_852 : i32
      %jit3A_875 = arith.constant 5 : i32
      %eq3A = arith.constant 0 : i32
      %eq3A_876 = arith.cmpi eq, %jit3A_875, %eq3A : i32
      %jit3A_877 = arith.constant 1 : i32
      %select_n3A_878 = arith.select %eq3A_876, %jit3A_877, %jit3A_875 : i32
      %rem3A_879 = arith.remsi %add3A_850, %select_n3A_878 : i32
      %ne3A_880 = arith.constant 0 : i32
      %ne3A_881 = arith.cmpi ne, %rem3A_879, %ne3A_880 : i32
      %lt3A = arith.constant 0 : i32
      %lt3A_882 = arith.cmpi slt, %rem3A_879, %lt3A : i32
      %lt3A_883 = arith.constant 0 : i32
      %lt3A_884 = arith.cmpi slt, %select_n3A_878, %lt3A_883 : i32
      %ne3A_885 = arith.xori %lt3A_882, %lt3A_884 : i1
      %and3A_886 = arith.andi %ne3A_885, %ne3A_881 : i1
      %add3A_887 = arith.addi %rem3A_879, %select_n3A_878 : i32
      %select_n3A_888 = arith.select %and3A_886, %add3A_887, %rem3A_879 : i32
      %mul3A_889 = arith.constant 4 : i32
      %mul3A_890 = arith.muli %select_n3A_874, %mul3A_889 : i32
      %add3A_891 = vector.broadcast %mul3A_890 : i32 to vector<16xi32>
      %add3A_892 = arith.addi %select_n3A, %add3A_891 : vector<16xi32>
      %mul3A_893 = arith.constant 40 : i32
      %mul3A_894 = arith.muli %select_n3A_888, %mul3A_893 : i32
      %add3A_895 = vector.broadcast %mul3A_894 : i32 to vector<16xi32>
      %add3A_896 = arith.addi %sub3A_32, %add3A_895 : vector<16xi32>
      %gather3A_897 = tpu.vector_load_idx %arg7[%add3A_892, %add3A_896] : memref<32x200xi32, #tpu.memory_space<vmem>>[vector<16xi32>, vector<16xi32>], vector<16xi32>,
      %swap3A_898 = arith.constant 0 : i32
      %swap3A_899 = arith.index_cast %add3A_850 : i32 to index
      %swap3A_900 = arith.index_cast %swap3A_898 : i32 to index
      %swap3A_901 = arith.constant 0 : index
      %swap3A_902 = tpu.vector_load %arg8[%swap3A_899, %swap3A_900, %swap3A_901] {strides = array<i32>} : memref<40x2x80xi32, #tpu.memory_space<vmem>>, vector<16xi32>,
      tpu.vector_store %arg8[%swap3A_899, %swap3A_900, %swap3A_901], %gather3A_897 {strides = array<i32>} : memref<40x2x80xi32, #tpu.memory_space<vmem>>, vector<16xi32>,
      %mul3A_903 = arith.constant 4 : i32
      %mul3A_904 = arith.muli %select_n3A_874, %mul3A_903 : i32
      %add3A_905 = vector.broadcast %mul3A_904 : i32 to vector<16xi32>
      %add3A_906 = arith.addi %select_n3A_66, %add3A_905 : vector<16xi32>
      %mul3A_907 = arith.constant 40 : i32
      %mul3A_908 = arith.muli %select_n3A_888, %mul3A_907 : i32
      %add3A_909 = vector.broadcast %mul3A_908 : i32 to vector<16xi32>
      %add3A_910 = arith.addi %sub3A_70, %add3A_909 : vector<16xi32>
      %gather3A_911 = tpu.vector_load_idx %arg7[%add3A_906, %add3A_910] : memref<32x200xi32, #tpu.memory_space<vmem>>[vector<16xi32>, vector<16xi32>], vector<16xi32>,
      %swap3A_912 = arith.constant 0 : i32
      %swap3A_913 = arith.index_cast %add3A_850 : i32 to index
      %swap3A_914 = arith.index_cast %swap3A_912 : i32 to index
      %swap3A_915 = arith.constant 16 : index
      %swap3A_916 = tpu.vector_load %arg8[%swap3A_913, %swap3A_914, %swap3A_915] {strides = array<i32>} : memref<40x2x80xi32, #tpu.memory_space<vmem>>, vector<16xi32>,
      tpu.vector_store %arg8[%swap3A_913, %swap3A_914, %swap3A_915], %gather3A_911 {strides = array<i32>} : memref<40x2x80xi32, #tpu.memory_space<vmem>>, vector<16xi32>,
      %mul3A_917 = arith.constant 4 : i32
      %mul3A_918 = arith.muli %select_n3A_874, %mul3A_917 : i32
      %add3A_919 = vector.broadcast %mul3A_918 : i32 to vector<16xi32>
      %add3A_920 = arith.addi %select_n3A_104, %add3A_919 : vector<16xi32>
      %mul3A_921 = arith.constant 40 : i32
      %mul3A_922 = arith.muli %select_n3A_888, %mul3A_921 : i32
      %add3A_923 = vector.broadcast %mul3A_922 : i32 to vector<16xi32>
      %add3A_924 = arith.addi %sub3A_108, %add3A_923 : vector<16xi32>
      %gather3A_925 = tpu.vector_load_idx %arg7[%add3A_920, %add3A_924] : memref<32x200xi32, #tpu.memory_space<vmem>>[vector<16xi32>, vector<16xi32>], vector<16xi32>,
      %swap3A_926 = arith.constant 0 : i32
      %swap3A_927 = arith.index_cast %add3A_850 : i32 to index
      %swap3A_928 = arith.index_cast %swap3A_926 : i32 to index
      %swap3A_929 = arith.constant 32 : index
      %swap3A_930 = tpu.vector_load %arg8[%swap3A_927, %swap3A_928, %swap3A_929] {strides = array<i32>} : memref<40x2x80xi32, #tpu.memory_space<vmem>>, vector<16xi32>,
      tpu.vector_store %arg8[%swap3A_927, %swap3A_928, %swap3A_929], %gather3A_925 {strides = array<i32>} : memref<40x2x80xi32, #tpu.memory_space<vmem>>, vector<16xi32>,
      %mul3A_931 = arith.constant 4 : i32
      %mul3A_932 = arith.muli %select_n3A_874, %mul3A_931 : i32
      %add3A_933 = vector.broadcast %mul3A_932 : i32 to vector<16xi32>
      %add3A_934 = arith.addi %select_n3A_142, %add3A_933 : vector<16xi32>
      %mul3A_935 = arith.constant 40 : i32
      %mul3A_936 = arith.muli %select_n3A_888, %mul3A_935 : i32
      %add3A_937 = vector.broadcast %mul3A_936 : i32 to vector<16xi32>
      %add3A_938 = arith.addi %sub3A_146, %add3A_937 : vector<16xi32>
      %gather3A_939 = tpu.vector_load_idx %arg7[%add3A_934, %add3A_938] : memref<32x200xi32, #tpu.memory_space<vmem>>[vector<16xi32>, vector<16xi32>], vector<16xi32>,
      %swap3A_940 = arith.constant 0 : i32
      %swap3A_941 = arith.index_cast %add3A_850 : i32 to index
      %swap3A_942 = arith.index_cast %swap3A_940 : i32 to index
      %swap3A_943 = arith.constant 48 : index
      %swap3A_944 = tpu.vector_load %arg8[%swap3A_941, %swap3A_942, %swap3A_943] {strides = array<i32>} : memref<40x2x80xi32, #tpu.memory_space<vmem>>, vector<16xi32>,
      tpu.vector_store %arg8[%swap3A_941, %swap3A_942, %swap3A_943], %gather3A_939 {strides = array<i32>} : memref<40x2x80xi32, #tpu.memory_space<vmem>>, vector<16xi32>,
      %mul3A_945 = arith.constant 4 : i32
      %mul3A_946 = arith.muli %select_n3A_874, %mul3A_945 : i32
      %add3A_947 = vector.broadcast %mul3A_946 : i32 to vector<16xi32>
      %add3A_948 = arith.addi %select_n3A_180, %add3A_947 : vector<16xi32>
      %mul3A_949 = arith.constant 40 : i32
      %mul3A_950 = arith.muli %select_n3A_888, %mul3A_949 : i32
      %add3A_951 = vector.broadcast %mul3A_950 : i32 to vector<16xi32>
      %add3A_952 = arith.addi %sub3A_184, %add3A_951 : vector<16xi32>
      %gather3A_953 = tpu.vector_load_idx %arg7[%add3A_948, %add3A_952] : memref<32x200xi32, #tpu.memory_space<vmem>>[vector<16xi32>, vector<16xi32>], vector<16xi32>,
      %swap3A_954 = arith.constant 0 : i32
      %swap3A_955 = arith.index_cast %add3A_850 : i32 to index
      %swap3A_956 = arith.index_cast %swap3A_954 : i32 to index
      %swap3A_957 = arith.constant 64 : index
      %swap3A_958 = tpu.vector_load %arg8[%swap3A_955, %swap3A_956, %swap3A_957] {strides = array<i32>} : memref<40x2x80xi32, #tpu.memory_space<vmem>>, vector<16xi32>,
      tpu.vector_store %arg8[%swap3A_955, %swap3A_956, %swap3A_957], %gather3A_953 {strides = array<i32>} : memref<40x2x80xi32, #tpu.memory_space<vmem>>, vector<16xi32>,
      %mul3A_959 = arith.constant 4 : i32
      %mul3A_960 = arith.muli %select_n3A_874, %mul3A_959 : i32
      %add3A_961 = vector.broadcast %mul3A_960 : i32 to vector<16xi32>
      %add3A_962 = arith.addi %select_n3A_218, %add3A_961 : vector<16xi32>
      %mul3A_963 = arith.constant 40 : i32
      %mul3A_964 = arith.muli %select_n3A_888, %mul3A_963 : i32
      %add3A_965 = vector.broadcast %mul3A_964 : i32 to vector<16xi32>
      %add3A_966 = arith.addi %sub3A_222, %add3A_965 : vector<16xi32>
      %gather3A_967 = tpu.vector_load_idx %arg7[%add3A_962, %add3A_966] : memref<32x200xi32, #tpu.memory_space<vmem>>[vector<16xi32>, vector<16xi32>], vector<16xi32>,
      %swap3A_968 = arith.constant 1 : i32
      %swap3A_969 = arith.index_cast %add3A_850 : i32 to index
      %swap3A_970 = arith.index_cast %swap3A_968 : i32 to index
      %swap3A_971 = arith.constant 0 : index
      %swap3A_972 = tpu.vector_load %arg8[%swap3A_969, %swap3A_970, %swap3A_971] {strides = array<i32>} : memref<40x2x80xi32, #tpu.memory_space<vmem>>, vector<16xi32>,
      tpu.vector_store %arg8[%swap3A_969, %swap3A_970, %swap3A_971], %gather3A_967 {strides = array<i32>} : memref<40x2x80xi32, #tpu.memory_space<vmem>>, vector<16xi32>,
      %mul3A_973 = arith.constant 4 : i32
      %mul3A_974 = arith.muli %select_n3A_874, %mul3A_973 : i32
      %add3A_975 = vector.broadcast %mul3A_974 : i32 to vector<16xi32>
      %add3A_976 = arith.addi %select_n3A_256, %add3A_975 : vector<16xi32>
      %mul3A_977 = arith.constant 40 : i32
      %mul3A_978 = arith.muli %select_n3A_888, %mul3A_977 : i32
      %add3A_979 = vector.broadcast %mul3A_978 : i32 to vector<16xi32>
      %add3A_980 = arith.addi %sub3A_260, %add3A_979 : vector<16xi32>
      %gather3A_981 = tpu.vector_load_idx %arg7[%add3A_976, %add3A_980] : memref<32x200xi32, #tpu.memory_space<vmem>>[vector<16xi32>, vector<16xi32>], vector<16xi32>,
      %swap3A_982 = arith.constant 1 : i32
      %swap3A_983 = arith.index_cast %add3A_850 : i32 to index
      %swap3A_984 = arith.index_cast %swap3A_982 : i32 to index
      %swap3A_985 = arith.constant 16 : index
      %swap3A_986 = tpu.vector_load %arg8[%swap3A_983, %swap3A_984, %swap3A_985] {strides = array<i32>} : memref<40x2x80xi32, #tpu.memory_space<vmem>>, vector<16xi32>,
      tpu.vector_store %arg8[%swap3A_983, %swap3A_984, %swap3A_985], %gather3A_981 {strides = array<i32>} : memref<40x2x80xi32, #tpu.memory_space<vmem>>, vector<16xi32>,
      %mul3A_987 = arith.constant 4 : i32
      %mul3A_988 = arith.muli %select_n3A_874, %mul3A_987 : i32
      %add3A_989 = vector.broadcast %mul3A_988 : i32 to vector<16xi32>
      %add3A_990 = arith.addi %select_n3A_294, %add3A_989 : vector<16xi32>
      %mul3A_991 = arith.constant 40 : i32
      %mul3A_992 = arith.muli %select_n3A_888, %mul3A_991 : i32
      %add3A_993 = vector.broadcast %mul3A_992 : i32 to vector<16xi32>
      %add3A_994 = arith.addi %sub3A_298, %add3A_993 : vector<16xi32>
      %gather3A_995 = tpu.vector_load_idx %arg7[%add3A_990, %add3A_994] : memref<32x200xi32, #tpu.memory_space<vmem>>[vector<16xi32>, vector<16xi32>], vector<16xi32>,
      %swap3A_996 = arith.constant 1 : i32
      %swap3A_997 = arith.index_cast %add3A_850 : i32 to index
      %swap3A_998 = arith.index_cast %swap3A_996 : i32 to index
      %swap3A_999 = arith.constant 32 : index
      %swap3A_1000 = tpu.vector_load %arg8[%swap3A_997, %swap3A_998, %swap3A_999] {strides = array<i32>} : memref<40x2x80xi32, #tpu.memory_space<vmem>>, vector<16xi32>,
      tpu.vector_store %arg8[%swap3A_997, %swap3A_998, %swap3A_999], %gather3A_995 {strides = array<i32>} : memref<40x2x80xi32, #tpu.memory_space<vmem>>, vector<16xi32>,
      %mul3A_1001 = arith.constant 4 : i32
      %mul3A_1002 = arith.muli %select_n3A_874, %mul3A_1001 : i32
      %add3A_1003 = vector.broadcast %mul3A_1002 : i32 to vector<16xi32>
      %add3A_1004 = arith.addi %select_n3A_332, %add3A_1003 : vector<16xi32>
      %mul3A_1005 = arith.constant 40 : i32
      %mul3A_1006 = arith.muli %select_n3A_888, %mul3A_1005 : i32
      %add3A_1007 = vector.broadcast %mul3A_1006 : i32 to vector<16xi32>
      %add3A_1008 = arith.addi %sub3A_336, %add3A_1007 : vector<16xi32>
      %gather3A_1009 = tpu.vector_load_idx %arg7[%add3A_1004, %add3A_1008] : memref<32x200xi32, #tpu.memory_space<vmem>>[vector<16xi32>, vector<16xi32>], vector<16xi32>,
      %swap3A_1010 = arith.constant 1 : i32
      %swap3A_1011 = arith.index_cast %add3A_850 : i32 to index
      %swap3A_1012 = arith.index_cast %swap3A_1010 : i32 to index
      %swap3A_1013 = arith.constant 48 : index
      %swap3A_1014 = tpu.vector_load %arg8[%swap3A_1011, %swap3A_1012, %swap3A_1013] {strides = array<i32>} : memref<40x2x80xi32, #tpu.memory_space<vmem>>, vector<16xi32>,
      tpu.vector_store %arg8[%swap3A_1011, %swap3A_1012, %swap3A_1013], %gather3A_1009 {strides = array<i32>} : memref<40x2x80xi32, #tpu.memory_space<vmem>>, vector<16xi32>,
      %mul3A_1015 = arith.constant 4 : i32
      %mul3A_1016 = arith.muli %select_n3A_874, %mul3A_1015 : i32
      %add3A_1017 = vector.broadcast %mul3A_1016 : i32 to vector<16xi32>
      %add3A_1018 = arith.addi %select_n3A_370, %add3A_1017 : vector<16xi32>
      %mul3A_1019 = arith.constant 40 : i32
      %mul3A_1020 = arith.muli %select_n3A_888, %mul3A_1019 : i32
      %add3A_1021 = vector.broadcast %mul3A_1020 : i32 to vector<16xi32>
      %add3A_1022 = arith.addi %sub3A_374, %add3A_1021 : vector<16xi32>
      %gather3A_1023 = tpu.vector_load_idx %arg7[%add3A_1018, %add3A_1022] : memref<32x200xi32, #tpu.memory_space<vmem>>[vector<16xi32>, vector<16xi32>], vector<16xi32>,
      %swap3A_1024 = arith.constant 1 : i32
      %swap3A_1025 = arith.index_cast %add3A_850 : i32 to index
      %swap3A_1026 = arith.index_cast %swap3A_1024 : i32 to index
      %swap3A_1027 = arith.constant 64 : index
      %swap3A_1028 = tpu.vector_load %arg8[%swap3A_1025, %swap3A_1026, %swap3A_1027] {strides = array<i32>} : memref<40x2x80xi32, #tpu.memory_space<vmem>>, vector<16xi32>,
      tpu.vector_store %arg8[%swap3A_1025, %swap3A_1026, %swap3A_1027], %gather3A_1023 {strides = array<i32>} : memref<40x2x80xi32, #tpu.memory_space<vmem>>, vector<16xi32>,
    }
    %scan3A_831 = arith.constant 37 : i32
    tpu.wait_dma2 semaphore(%arg17 : memref<!tpu.dma_semaphore, #tpu.memory_space<semaphore_mem>>) src(%arg4 : memref<200x128xf32, #tpu.memory_space<hbm>>) dst(%arg6 : memref<200x128xf32, #tpu.memory_space<vmem>>)
    %scan3A_832 = arith.constant 0 : i32
    %scan3A_833 = arith.constant 10 : i32
    %scan3A_834 = arith.addi %scan3A_832, %scan3A_833 : i32
    %scan3A_835 = arith.constant 1 : i32
    scf.for %scan3A_846 = %scan3A_832 to %scan3A_834 step %scan3A_835  : i32 {
      %mul3A_847 = arith.constant 4 : i32
      %mul3A_848 = arith.muli %scan3A_846, %mul3A_847 : i32
      %add3A_849 = arith.constant 0 : i32
      %add3A_850 = arith.addi %add3A_849, %mul3A_848 : i32
      %add3A_851 = arith.constant 0 : i32
      %add3A_852 = arith.addi %add3A_850, %add3A_851 : i32
      %ge3A = arith.constant 1 : i32
      %ge3A_853 = arith.cmpi sge, %add3A_852, %ge3A : i32
      %convert_element_type3A = arith.extui %ge3A_853 : i1 to i32
      %cond3A = arith.constant 0 : i32
      %cond3A_854 = arith.cmpi ne, %convert_element_type3A, %cond3A : i32
      scf.if %cond3A_854 {
        %sub3A_1274 = arith.constant 1 : i32
        %sub3A_1275 = arith.subi %add3A_852, %sub3A_1274 : i32
        %jit3A_1276 = arith.constant 5 : i32
        %div3A_1277 = arith.divsi %sub3A_1275, %jit3A_1276 : i32
        %sign3A_1278 = arith.constant 0 : i32
        %sign3A_1279 = arith.cmpi sgt, %sub3A_1275, %sign3A_1278 : i32
        %sign3A_1280 = arith.extui %sign3A_1279 : i1 to i32
        %sign3A_1281 = arith.constant 0 : i32
        %sign3A_1282 = arith.cmpi slt, %sub3A_1275, %sign3A_1281 : i32
        %sign3A_1283 = arith.extui %sign3A_1282 : i1 to i32
        %sign3A_1284 = arith.subi %sign3A_1280, %sign3A_1283 : i32
        %sign3A_1285 = arith.constant 0 : i32
        %sign3A_1286 = arith.cmpi sgt, %jit3A_1276, %sign3A_1285 : i32
        %sign3A_1287 = arith.extui %sign3A_1286 : i1 to i32
        %sign3A_1288 = arith.constant 0 : i32
        %sign3A_1289 = arith.cmpi slt, %jit3A_1276, %sign3A_1288 : i32
        %sign3A_1290 = arith.extui %sign3A_1289 : i1 to i32
        %sign3A_1291 = arith.subi %sign3A_1287, %sign3A_1290 : i32
        %ne3A_1292 = arith.cmpi ne, %sign3A_1284, %sign3A_1291 : i32
        %rem3A_1293 = arith.remsi %sub3A_1275, %jit3A_1276 : i32
        %ne3A_1294 = arith.constant 0 : i32
        %ne3A_1295 = arith.cmpi ne, %rem3A_1293, %ne3A_1294 : i32
        %and3A_1296 = arith.andi %ne3A_1292, %ne3A_1295 : i1
        %sub3A_1297 = arith.constant 1 : i32
        %sub3A_1298 = arith.subi %div3A_1277, %sub3A_1297 : i32
        %select_n3A_1299 = arith.select %and3A_1296, %sub3A_1298, %div3A_1277 : i32
        %jit3A_1300 = arith.constant 5 : i32
        %eq3A_1301 = arith.constant 0 : i32
        %eq3A_1302 = arith.cmpi eq, %jit3A_1300, %eq3A_1301 : i32
        %jit3A_1303 = arith.constant 1 : i32
        %select_n3A_1304 = arith.select %eq3A_1302, %jit3A_1303, %jit3A_1300 : i32
        %rem3A_1305 = arith.remsi %sub3A_1275, %select_n3A_1304 : i32
        %ne3A_1306 = arith.constant 0 : i32
        %ne3A_1307 = arith.cmpi ne, %rem3A_1305, %ne3A_1306 : i32
        %lt3A_1308 = arith.constant 0 : i32
        %lt3A_1309 = arith.cmpi slt, %rem3A_1305, %lt3A_1308 : i32
        %lt3A_1310 = arith.constant 0 : i32
        %lt3A_1311 = arith.cmpi slt, %select_n3A_1304, %lt3A_1310 : i32
        %ne3A_1312 = arith.xori %lt3A_1309, %lt3A_1311 : i1
        %and3A_1313 = arith.andi %ne3A_1312, %ne3A_1307 : i1
        %add3A_1314 = arith.addi %rem3A_1305, %select_n3A_1304 : i32
        %select_n3A_1315 = arith.select %and3A_1313, %add3A_1314, %rem3A_1305 : i32
        %mul3A_1316 = arith.constant 4 : i32
        %mul3A_1317 = arith.muli %select_n3A_1299, %mul3A_1316 : i32
        %add3A_1318 = arith.addi %multiple_of3A, %mul3A_1317 : i32
        %mul3A_1319 = arith.constant 40 : i32
        %mul3A_1320 = arith.muli %select_n3A_1315, %mul3A_1319 : i32
        %multiple_of3A_1321 = tpu.assume_multiple %mul3A_1320, 40 : i32
        %dma_wait3A_1322 = tpu.memref_reshape %arg12 : memref<160x128xf32, #tpu.memory_space<vmem>> -> memref<4x40x128xf32, #tpu.memory_space<vmem>>
        %dma_wait3A_1323 = arith.constant 0 : i32
        %dma_wait3A_1324 = tpu.memref_slice %arg5[%add3A_1318, %multiple_of3A_1321, %dma_wait3A_1323] : memref<1024x200x128xf32, #tpu.memory_space<hbm>> -> memref<4x40x128xf32, #tpu.memory_space<hbm>>
        %dma_wait3A_1325 = arith.constant 0 : i32
        %dma_wait3A_1326 = tpu.memref_slice %arg5[%add3A_1318, %multiple_of3A_1321, %dma_wait3A_1325] : memref<1024x200x128xf32, #tpu.memory_space<hbm>> -> memref<4x40x128xf32, #tpu.memory_space<hbm>>
        %dma_wait3A_1327 = tpu.memref_reshape %arg12 : memref<160x128xf32, #tpu.memory_space<vmem>> -> memref<4x40x128xf32, #tpu.memory_space<vmem>>
        tpu.wait_dma2 semaphore(%arg20 : memref<!tpu.dma_semaphore, #tpu.memory_space<semaphore_mem>>) src(%dma_wait3A_1327 : memref<4x40x128xf32, #tpu.memory_space<vmem>>) dst(%dma_wait3A_1326 : memref<4x40x128xf32, #tpu.memory_space<hbm>>)
      } else {
      }
      %add3A_855 = arith.constant 3 : i32
      %add3A_856 = arith.addi %add3A_852, %add3A_855 : i32
      %lt3A = arith.constant 40 : i32
      %lt3A_857 = arith.cmpi slt, %add3A_856, %lt3A : i32
      %convert_element_type3A_858 = arith.extui %lt3A_857 : i1 to i32
      %cond3A_859 = arith.constant 0 : i32
      %cond3A_860 = arith.cmpi ne, %convert_element_type3A_858, %cond3A_859 : i32
      scf.if %cond3A_860 {
        %add3A_1274 = arith.constant 3 : i32
        %add3A_1275 = arith.addi %add3A_852, %add3A_1274 : i32
        %dma_start3A_1276 = arith.constant 0 : i32
        %dma_start3A_1277 = arith.constant 0 : i32
        %dma_start3A_1278 = arith.constant 0 : i32
        %dma_start3A_1279 = tpu.memref_slice %arg12[%dma_start3A_1277, %dma_start3A_1278] : memref<160x128xf32, #tpu.memory_space<vmem>> -> memref<80x128xf32, #tpu.memory_space<vmem>>
        %dma_start3A_1280 = arith.constant 0 : i32
        %dma_start3A_1281 = tpu.memref_slice %arg8[%add3A_1275, %dma_start3A_1276, %dma_start3A_1280] : memref<40x2x80xi32, #tpu.memory_space<vmem>> -> memref<1x1x80xi32, #tpu.memory_space<vmem>>
        %dma_start3A_1282 = tpu.memref_squeeze %dma_start3A_1281 : memref<1x1x80xi32, #tpu.memory_space<vmem>> -> memref<80xi32, #tpu.memory_space<vmem>>
        %dma_start3A_1283 = arith.constant 0 : i32
        %dma_start3A_1284 = arith.constant 0 : i32
        %dma_start3A_1285 = tpu.memref_slice %arg3[%dma_start3A_1283, %dma_start3A_1284] : memref<100000x128xf32, #tpu.memory_space<hbm>> -> memref<100000x128xf32, #tpu.memory_space<hbm>>
        tpu.enqueue_indirect_dma source(%dma_start3A_1285 : memref<100000x128xf32, #tpu.memory_space<hbm>>) target(%dma_start3A_1279 : memref<80x128xf32, #tpu.memory_space<vmem>>) offsets(%dma_start3A_1282 : memref<80xi32, #tpu.memory_space<vmem>>) semaphore(%arg16 : memref<!tpu.dma_semaphore, #tpu.memory_space<semaphore_mem>>)
        %dma_start3A_1286 = arith.constant 1 : i32
        %dma_start3A_1287 = arith.constant 80 : i32
        %dma_start3A_1288 = arith.constant 0 : i32
        %dma_start3A_1289 = tpu.memref_slice %arg12[%dma_start3A_1287, %dma_start3A_1288] : memref<160x128xf32, #tpu.memory_space<vmem>> -> memref<80x128xf32, #tpu.memory_space<vmem>>
        %dma_start3A_1290 = arith.constant 0 : i32
        %dma_start3A_1291 = tpu.memref_slice %arg8[%add3A_1275, %dma_start3A_1286, %dma_start3A_1290] : memref<40x2x80xi32, #tpu.memory_space<vmem>> -> memref<1x1x80xi32, #tpu.memory_space<vmem>>
        %dma_start3A_1292 = tpu.memref_squeeze %dma_start3A_1291 : memref<1x1x80xi32, #tpu.memory_space<vmem>> -> memref<80xi32, #tpu.memory_space<vmem>>
        %dma_start3A_1293 = arith.constant 0 : i32
        %dma_start3A_1294 = arith.constant 0 : i32
        %dma_start3A_1295 = tpu.memref_slice %arg3[%dma_start3A_1293, %dma_start3A_1294] : memref<100000x128xf32, #tpu.memory_space<hbm>> -> memref<100000x128xf32, #tpu.memory_space<hbm>>
        tpu.enqueue_indirect_dma source(%dma_start3A_1295 : memref<100000x128xf32, #tpu.memory_space<hbm>>) target(%dma_start3A_1289 : memref<80x128xf32, #tpu.memory_space<vmem>>) offsets(%dma_start3A_1292 : memref<80xi32, #tpu.memory_space<vmem>>) semaphore(%arg16 : memref<!tpu.dma_semaphore, #tpu.memory_space<semaphore_mem>>)
      } else {
      }
      %dma_wait3A_861 = arith.constant 0 : i32
      %dma_wait3A_862 = arith.constant 0 : i32
      %dma_wait3A_863 = arith.constant 0 : i32
      %dma_wait3A_864 = tpu.memref_slice %arg9[%dma_wait3A_862, %dma_wait3A_863] : memref<160x128xf32, #tpu.memory_space<vmem>> -> memref<80x128xf32, #tpu.memory_space<vmem>>
      %dma_wait3A_865 = arith.constant 0 : i32
      %dma_wait3A_866 = tpu.memref_slice %arg8[%add3A_852, %dma_wait3A_861, %dma_wait3A_865] : memref<40x2x80xi32, #tpu.memory_space<vmem>> -> memref<1x1x80xi32, #tpu.memory_space<vmem>>
      %dma_wait3A_867 = tpu.memref_squeeze %dma_wait3A_866 : memref<1x1x80xi32, #tpu.memory_space<vmem>> -> memref<80xi32, #tpu.memory_space<vmem>>
      %dma_wait3A_868 = arith.constant 0 : i32
      %dma_wait3A_869 = arith.constant 0 : i32
      %dma_wait3A_870 = tpu.memref_slice %arg3[%dma_wait3A_868, %dma_wait3A_869] : memref<100000x128xf32, #tpu.memory_space<hbm>> -> memref<100000x128xf32, #tpu.memory_space<hbm>>
      tpu.wait_indirect_dma semaphore(%arg13 : memref<!tpu.dma_semaphore, #tpu.memory_space<semaphore_mem>>) src(%dma_wait3A_870 : memref<100000x128xf32, #tpu.memory_space<hbm>>) dst(%dma_wait3A_864 : memref<80x128xf32, #tpu.memory_space<vmem>>)
      %dma_wait3A_871 = arith.constant 1 : i32
      %dma_wait3A_872 = arith.constant 80 : i32
      %dma_wait3A_873 = arith.constant 0 : i32
      %dma_wait3A_874 = tpu.memref_slice %arg9[%dma_wait3A_872, %dma_wait3A_873] : memref<160x128xf32, #tpu.memory_space<vmem>> -> memref<80x128xf32, #tpu.memory_space<vmem>>
      %dma_wait3A_875 = arith.constant 0 : i32
      %dma_wait3A_876 = tpu.memref_slice %arg8[%add3A_852, %dma_wait3A_871, %dma_wait3A_875] : memref<40x2x80xi32, #tpu.memory_space<vmem>> -> memref<1x1x80xi32, #tpu.memory_space<vmem>>
      %dma_wait3A_877 = tpu.memref_squeeze %dma_wait3A_876 : memref<1x1x80xi32, #tpu.memory_space<vmem>> -> memref<80xi32, #tpu.memory_space<vmem>>
      %dma_wait3A_878 = arith.constant 0 : i32
      %dma_wait3A_879 = arith.constant 0 : i32
      %dma_wait3A_880 = tpu.memref_slice %arg3[%dma_wait3A_878, %dma_wait3A_879] : memref<100000x128xf32, #tpu.memory_space<hbm>> -> memref<100000x128xf32, #tpu.memory_space<hbm>>
      tpu.wait_indirect_dma semaphore(%arg13 : memref<!tpu.dma_semaphore, #tpu.memory_space<semaphore_mem>>) src(%dma_wait3A_880 : memref<100000x128xf32, #tpu.memory_space<hbm>>) dst(%dma_wait3A_874 : memref<80x128xf32, #tpu.memory_space<vmem>>)
      %jit3A_881 = arith.constant 5 : i32
      %eq3A = arith.constant 0 : i32
      %eq3A_882 = arith.cmpi eq, %jit3A_881, %eq3A : i32
      %jit3A_883 = arith.constant 1 : i32
      %select_n3A_884 = arith.select %eq3A_882, %jit3A_883, %jit3A_881 : i32
      %rem3A_885 = arith.remsi %add3A_852, %select_n3A_884 : i32
      %ne3A_886 = arith.constant 0 : i32
      %ne3A_887 = arith.cmpi ne, %rem3A_885, %ne3A_886 : i32
      %lt3A_888 = arith.constant 0 : i32
      %lt3A_889 = arith.cmpi slt, %rem3A_885, %lt3A_888 : i32
      %lt3A_890 = arith.constant 0 : i32
      %lt3A_891 = arith.cmpi slt, %select_n3A_884, %lt3A_890 : i32
      %ne3A_892 = arith.xori %lt3A_889, %lt3A_891 : i1
      %and3A_893 = arith.andi %ne3A_892, %ne3A_887 : i1
      %add3A_894 = arith.addi %rem3A_885, %select_n3A_884 : i32
      %select_n3A_895 = arith.select %and3A_893, %add3A_894, %rem3A_885 : i32
      %scan3A_896 = arith.constant 0 : i32
      %scan3A_897 = arith.constant 40 : i32
      %scan3A_898 = arith.addi %scan3A_896, %scan3A_897 : i32
      %scan3A_899 = arith.constant 1 : i32
      scf.for %scan3A_1274 = %scan3A_896 to %scan3A_898 step %scan3A_899  : i32 {
        %mul3A_1275 = arith.constant 1 : i32
        %mul3A_1276 = arith.muli %scan3A_1274, %mul3A_1275 : i32
        %add3A_1277 = arith.constant 0 : i32
        %add3A_1278 = arith.addi %add3A_1277, %mul3A_1276 : i32
        %mul3A_1279 = arith.constant 40 : i32
        %mul3A_1280 = arith.muli %select_n3A_895, %mul3A_1279 : i32
        %add3A_1281 = arith.addi %mul3A_1280, %add3A_1278 : i32
        %get3A = arith.index_cast %add3A_1281 : i32 to index
        %get3A_1282 = arith.constant 0 : index
        %get3A_1283 = tpu.vector_load %arg6[%get3A, %get3A_1282] {strides = array<i32>} : memref<200x128xf32, #tpu.memory_space<vmem>>, vector<16xf32>,
        %mul3A_1284 = arith.constant 40 : i32
        %mul3A_1285 = arith.muli %select_n3A_895, %mul3A_1284 : i32
        %add3A_1286 = arith.addi %mul3A_1285, %add3A_1278 : i32
        %get3A_1287 = arith.index_cast %add3A_1286 : i32 to index
        %get3A_1288 = arith.constant 16 : index
        %get3A_1289 = tpu.vector_load %arg6[%get3A_1287, %get3A_1288] {strides = array<i32>} : memref<200x128xf32, #tpu.memory_space<vmem>>, vector<16xf32>,
        %mul3A_1290 = arith.constant 40 : i32
        %mul3A_1291 = arith.muli %select_n3A_895, %mul3A_1290 : i32
        %add3A_1292 = arith.addi %mul3A_1291, %add3A_1278 : i32
        %get3A_1293 = arith.index_cast %add3A_1292 : i32 to index
        %get3A_1294 = arith.constant 32 : index
        %get3A_1295 = tpu.vector_load %arg6[%get3A_1293, %get3A_1294] {strides = array<i32>} : memref<200x128xf32, #tpu.memory_space<vmem>>, vector<16xf32>,
        %mul3A_1296 = arith.constant 40 : i32
        %mul3A_1297 = arith.muli %select_n3A_895, %mul3A_1296 : i32
        %add3A_1298 = arith.addi %mul3A_1297, %add3A_1278 : i32
        %get3A_1299 = arith.index_cast %add3A_1298 : i32 to index
        %get3A_1300 = arith.constant 48 : index
        %get3A_1301 = tpu.vector_load %arg6[%get3A_1299, %get3A_1300] {strides = array<i32>} : memref<200x128xf32, #tpu.memory_space<vmem>>, vector<16xf32>,
        %mul3A_1302 = arith.constant 40 : i32
        %mul3A_1303 = arith.muli %select_n3A_895, %mul3A_1302 : i32
        %add3A_1304 = arith.addi %mul3A_1303, %add3A_1278 : i32
        %get3A_1305 = arith.index_cast %add3A_1304 : i32 to index
        %get3A_1306 = arith.constant 64 : index
        %get3A_1307 = tpu.vector_load %arg6[%get3A_1305, %get3A_1306] {strides = array<i32>} : memref<200x128xf32, #tpu.memory_space<vmem>>, vector<16xf32>,
        %mul3A_1308 = arith.constant 40 : i32
        %mul3A_1309 = arith.muli %select_n3A_895, %mul3A_1308 : i32
        %add3A_1310 = arith.addi %mul3A_1309, %add3A_1278 : i32
        %get3A_1311 = arith.index_cast %add3A_1310 : i32 to index
        %get3A_1312 = arith.constant 80 : index
        %get3A_1313 = tpu.vector_load %arg6[%get3A_1311, %get3A_1312] {strides = array<i32>} : memref<200x128xf32, #tpu.memory_space<vmem>>, vector<16xf32>,
        %mul3A_1314 = arith.constant 40 : i32
        %mul3A_1315 = arith.muli %select_n3A_895, %mul3A_1314 : i32
        %add3A_1316 = arith.addi %mul3A_1315, %add3A_1278 : i32
        %get3A_1317 = arith.index_cast %add3A_1316 : i32 to index
        %get3A_1318 = arith.constant 96 : index
        %get3A_1319 = tpu.vector_load %arg6[%get3A_1317, %get3A_1318] {strides = array<i32>} : memref<200x128xf32, #tpu.memory_space<vmem>>, vector<16xf32>,
        %mul3A_1320 = arith.constant 40 : i32
        %mul3A_1321 = arith.muli %select_n3A_895, %mul3A_1320 : i32
        %add3A_1322 = arith.addi %mul3A_1321, %add3A_1278 : i32
        %get3A_1323 = arith.index_cast %add3A_1322 : i32 to index
        %get3A_1324 = arith.constant 112 : index
        %get3A_1325 = tpu.vector_load %arg6[%get3A_1323, %get3A_1324] {strides = array<i32>} : memref<200x128xf32, #tpu.memory_space<vmem>>, vector<16xf32>,
        %add3A_1326 = arith.constant 0 : i32
        %add3A_1327 = arith.addi %add3A_1326, %add3A_1278 : i32
        %get3A_1328 = arith.index_cast %add3A_1327 : i32 to index
        %get3A_1329 = arith.constant 0 : index
        %get3A_1330 = tpu.vector_load %arg9[%get3A_1328, %get3A_1329] {strides = array<i32>} : memref<160x128xf32, #tpu.memory_space<vmem>>, vector<16xf32>,
        %mul3A_1331 = arith.constant 11.3137083 : f32
        %mul3A_1332 = vector.broadcast %mul3A_1331 : f32 to vector<16xf32>
        %mul3A_1333 = arith.mulf %get3A_1330, %mul3A_1332 : vector<16xf32>
        %add3A_1334 = arith.addf %mul3A_1333, %get3A_1283 : vector<16xf32>
        %swap3A_1335 = arith.index_cast %add3A_1327 : i32 to index
        %swap3A_1336 = arith.constant 0 : index
        %swap3A_1337 = tpu.vector_load %arg9[%swap3A_1335, %swap3A_1336] {strides = array<i32>} : memref<160x128xf32, #tpu.memory_space<vmem>>, vector<16xf32>,
        tpu.vector_store %arg9[%swap3A_1335, %swap3A_1336], %add3A_1334 {strides = array<i32>} : memref<160x128xf32, #tpu.memory_space<vmem>>, vector<16xf32>,
        %get3A_1338 = arith.index_cast %add3A_1327 : i32 to index
        %get3A_1339 = arith.constant 16 : index
        %get3A_1340 = tpu.vector_load %arg9[%get3A_1338, %get3A_1339] {strides = array<i32>} : memref<160x128xf32, #tpu.memory_space<vmem>>, vector<16xf32>,
        %mul3A_1341 = arith.constant 11.3137083 : f32
        %mul3A_1342 = vector.broadcast %mul3A_1341 : f32 to vector<16xf32>
        %mul3A_1343 = arith.mulf %get3A_1340, %mul3A_1342 : vector<16xf32>
        %add3A_1344 = arith.addf %mul3A_1343, %get3A_1289 : vector<16xf32>
        %swap3A_1345 = arith.index_cast %add3A_1327 : i32 to index
        %swap3A_1346 = arith.constant 16 : index
        %swap3A_1347 = tpu.vector_load %arg9[%swap3A_1345, %swap3A_1346] {strides = array<i32>} : memref<160x128xf32, #tpu.memory_space<vmem>>, vector<16xf32>,
        tpu.vector_store %arg9[%swap3A_1345, %swap3A_1346], %add3A_1344 {strides = array<i32>} : memref<160x128xf32, #tpu.memory_space<vmem>>, vector<16xf32>,
        %get3A_1348 = arith.index_cast %add3A_1327 : i32 to index
        %get3A_1349 = arith.constant 32 : index
        %get3A_1350 = tpu.vector_load %arg9[%get3A_1348, %get3A_1349] {strides = array<i32>} : memref<160x128xf32, #tpu.memory_space<vmem>>, vector<16xf32>,
        %mul3A_1351 = arith.constant 11.3137083 : f32
        %mul3A_1352 = vector.broadcast %mul3A_1351 : f32 to vector<16xf32>
        %mul3A_1353 = arith.mulf %get3A_1350, %mul3A_1352 : vector<16xf32>
        %add3A_1354 = arith.addf %mul3A_1353, %get3A_1295 : vector<16xf32>
        %swap3A_1355 = arith.index_cast %add3A_1327 : i32 to index
        %swap3A_1356 = arith.constant 32 : index
        %swap3A_1357 = tpu.vector_load %arg9[%swap3A_1355, %swap3A_1356] {strides = array<i32>} : memref<160x128xf32, #tpu.memory_space<vmem>>, vector<16xf32>,
        tpu.vector_store %arg9[%swap3A_1355, %swap3A_1356], %add3A_1354 {strides = array<i32>} : memref<160x128xf32, #tpu.memory_space<vmem>>, vector<16xf32>,
        %get3A_1358 = arith.index_cast %add3A_1327 : i32 to index
        %get3A_1359 = arith.constant 48 : index
        %get3A_1360 = tpu.vector_load %arg9[%get3A_1358, %get3A_1359] {strides = array<i32>} : memref<160x128xf32, #tpu.memory_space<vmem>>, vector<16xf32>,
        %mul3A_1361 = arith.constant 11.3137083 : f32
        %mul3A_1362 = vector.broadcast %mul3A_1361 : f32 to vector<16xf32>
        %mul3A_1363 = arith.mulf %get3A_1360, %mul3A_1362 : vector<16xf32>
        %add3A_1364 = arith.addf %mul3A_1363, %get3A_1301 : vector<16xf32>
        %swap3A_1365 = arith.index_cast %add3A_1327 : i32 to index
        %swap3A_1366 = arith.constant 48 : index
        %swap3A_1367 = tpu.vector_load %arg9[%swap3A_1365, %swap3A_1366] {strides = array<i32>} : memref<160x128xf32, #tpu.memory_space<vmem>>, vector<16xf32>,
        tpu.vector_store %arg9[%swap3A_1365, %swap3A_1366], %add3A_1364 {strides = array<i32>} : memref<160x128xf32, #tpu.memory_space<vmem>>, vector<16xf32>,
        %get3A_1368 = arith.index_cast %add3A_1327 : i32 to index
        %get3A_1369 = arith.constant 64 : index
        %get3A_1370 = tpu.vector_load %arg9[%get3A_1368, %get3A_1369] {strides = array<i32>} : memref<160x128xf32, #tpu.memory_space<vmem>>, vector<16xf32>,
        %mul3A_1371 = arith.constant 11.3137083 : f32
        %mul3A_1372 = vector.broadcast %mul3A_1371 : f32 to vector<16xf32>
        %mul3A_1373 = arith.mulf %get3A_1370, %mul3A_1372 : vector<16xf32>
        %add3A_1374 = arith.addf %mul3A_1373, %get3A_1307 : vector<16xf32>
        %swap3A_1375 = arith.index_cast %add3A_1327 : i32 to index
        %swap3A_1376 = arith.constant 64 : index
        %swap3A_1377 = tpu.vector_load %arg9[%swap3A_1375, %swap3A_1376] {strides = array<i32>} : memref<160x128xf32, #tpu.memory_space<vmem>>, vector<16xf32>,
        tpu.vector_store %arg9[%swap3A_1375, %swap3A_1376], %add3A_1374 {strides = array<i32>} : memref<160x128xf32, #tpu.memory_space<vmem>>, vector<16xf32>,
        %get3A_1378 = arith.index_cast %add3A_1327 : i32 to index
        %get3A_1379 = arith.constant 80 : index
        %get3A_1380 = tpu.vector_load %arg9[%get3A_1378, %get3A_1379] {strides = array<i32>} : memref<160x128xf32, #tpu.memory_space<vmem>>, vector<16xf32>,
        %mul3A_1381 = arith.constant 11.3137083 : f32
        %mul3A_1382 = vector.broadcast %mul3A_1381 : f32 to vector<16xf32>
        %mul3A_1383 = arith.mulf %get3A_1380, %mul3A_1382 : vector<16xf32>
        %add3A_1384 = arith.addf %mul3A_1383, %get3A_1313 : vector<16xf32>
        %swap3A_1385 = arith.index_cast %add3A_1327 : i32 to index
        %swap3A_1386 = arith.constant 80 : index
        %swap3A_1387 = tpu.vector_load %arg9[%swap3A_1385, %swap3A_1386] {strides = array<i32>} : memref<160x128xf32, #tpu.memory_space<vmem>>, vector<16xf32>,
        tpu.vector_store %arg9[%swap3A_1385, %swap3A_1386], %add3A_1384 {strides = array<i32>} : memref<160x128xf32, #tpu.memory_space<vmem>>, vector<16xf32>,
        %get3A_1388 = arith.index_cast %add3A_1327 : i32 to index
        %get3A_1389 = arith.constant 96 : index
        %get3A_1390 = tpu.vector_load %arg9[%get3A_1388, %get3A_1389] {strides = array<i32>} : memref<160x128xf32, #tpu.memory_space<vmem>>, vector<16xf32>,
        %mul3A_1391 = arith.constant 11.3137083 : f32
        %mul3A_1392 = vector.broadcast %mul3A_1391 : f32 to vector<16xf32>
        %mul3A_1393 = arith.mulf %get3A_1390, %mul3A_1392 : vector<16xf32>
        %add3A_1394 = arith.addf %mul3A_1393, %get3A_1319 : vector<16xf32>
        %swap3A_1395 = arith.index_cast %add3A_1327 : i32 to index
        %swap3A_1396 = arith.constant 96 : index
        %swap3A_1397 = tpu.vector_load %arg9[%swap3A_1395, %swap3A_1396] {strides = array<i32>} : memref<160x128xf32, #tpu.memory_space<vmem>>, vector<16xf32>,
        tpu.vector_store %arg9[%swap3A_1395, %swap3A_1396], %add3A_1394 {strides = array<i32>} : memref<160x128xf32, #tpu.memory_space<vmem>>, vector<16xf32>,
        %get3A_1398 = arith.index_cast %add3A_1327 : i32 to index
        %get3A_1399 = arith.constant 112 : index
        %get3A_1400 = tpu.vector_load %arg9[%get3A_1398, %get3A_1399] {strides = array<i32>} : memref<160x128xf32, #tpu.memory_space<vmem>>, vector<16xf32>,
        %mul3A_1401 = arith.constant 11.3137083 : f32
        %mul3A_1402 = vector.broadcast %mul3A_1401 : f32 to vector<16xf32>
        %mul3A_1403 = arith.mulf %get3A_1400, %mul3A_1402 : vector<16xf32>
        %add3A_1404 = arith.addf %mul3A_1403, %get3A_1325 : vector<16xf32>
        %swap3A_1405 = arith.index_cast %add3A_1327 : i32 to index
        %swap3A_1406 = arith.constant 112 : index
        %swap3A_1407 = tpu.vector_load %arg9[%swap3A_1405, %swap3A_1406] {strides = array<i32>} : memref<160x128xf32, #tpu.memory_space<vmem>>, vector<16xf32>,
        tpu.vector_store %arg9[%swap3A_1405, %swap3A_1406], %add3A_1404 {strides = array<i32>} : memref<160x128xf32, #tpu.memory_space<vmem>>, vector<16xf32>,
        %add3A_1408 = arith.constant 40 : i32
        %add3A_1409 = arith.addi %add3A_1408, %add3A_1278 : i32
        %get3A_1410 = arith.index_cast %add3A_1409 : i32 to index
        %get3A_1411 = arith.constant 0 : index
        %get3A_1412 = tpu.vector_load %arg9[%get3A_1410, %get3A_1411] {strides = array<i32>} : memref<160x128xf32, #tpu.memory_space<vmem>>, vector<16xf32>,
        %mul3A_1413 = arith.constant 11.3137083 : f32
        %mul3A_1414 = vector.broadcast %mul3A_1413 : f32 to vector<16xf32>
        %mul3A_1415 = arith.mulf %get3A_1412, %mul3A_1414 : vector<16xf32>
        %add3A_1416 = arith.addf %mul3A_1415, %get3A_1283 : vector<16xf32>
        %swap3A_1417 = arith.index_cast %add3A_1409 : i32 to index
        %swap3A_1418 = arith.constant 0 : index
        %swap3A_1419 = tpu.vector_load %arg9[%swap3A_1417, %swap3A_1418] {strides = array<i32>} : memref<160x128xf32, #tpu.memory_space<vmem>>, vector<16xf32>,
        tpu.vector_store %arg9[%swap3A_1417, %swap3A_1418], %add3A_1416 {strides = array<i32>} : memref<160x128xf32, #tpu.memory_space<vmem>>, vector<16xf32>,
        %get3A_1420 = arith.index_cast %add3A_1409 : i32 to index
        %get3A_1421 = arith.constant 16 : index
        %get3A_1422 = tpu.vector_load %arg9[%get3A_1420, %get3A_1421] {strides = array<i32>} : memref<160x128xf32, #tpu.memory_space<vmem>>, vector<16xf32>,
        %mul3A_1423 = arith.constant 11.3137083 : f32
        %mul3A_1424 = vector.broadcast %mul3A_1423 : f32 to vector<16xf32>
        %mul3A_1425 = arith.mulf %get3A_1422, %mul3A_1424 : vector<16xf32>
        %add3A_1426 = arith.addf %mul3A_1425, %get3A_1289 : vector<16xf32>
        %swap3A_1427 = arith.index_cast %add3A_1409 : i32 to index
        %swap3A_1428 = arith.constant 16 : index
        %swap3A_1429 = tpu.vector_load %arg9[%swap3A_1427, %swap3A_1428] {strides = array<i32>} : memref<160x128xf32, #tpu.memory_space<vmem>>, vector<16xf32>,
        tpu.vector_store %arg9[%swap3A_1427, %swap3A_1428], %add3A_1426 {strides = array<i32>} : memref<160x128xf32, #tpu.memory_space<vmem>>, vector<16xf32>,
        %get3A_1430 = arith.index_cast %add3A_1409 : i32 to index
        %get3A_1431 = arith.constant 32 : index
        %get3A_1432 = tpu.vector_load %arg9[%get3A_1430, %get3A_1431] {strides = array<i32>} : memref<160x128xf32, #tpu.memory_space<vmem>>, vector<16xf32>,
        %mul3A_1433 = arith.constant 11.3137083 : f32
        %mul3A_1434 = vector.broadcast %mul3A_1433 : f32 to vector<16xf32>
        %mul3A_1435 = arith.mulf %get3A_1432, %mul3A_1434 : vector<16xf32>
        %add3A_1436 = arith.addf %mul3A_1435, %get3A_1295 : vector<16xf32>
        %swap3A_1437 = arith.index_cast %add3A_1409 : i32 to index
        %swap3A_1438 = arith.constant 32 : index
        %swap3A_1439 = tpu.vector_load %arg9[%swap3A_1437, %swap3A_1438] {strides = array<i32>} : memref<160x128xf32, #tpu.memory_space<vmem>>, vector<16xf32>,
        tpu.vector_store %arg9[%swap3A_1437, %swap3A_1438], %add3A_1436 {strides = array<i32>} : memref<160x128xf32, #tpu.memory_space<vmem>>, vector<16xf32>,
        %get3A_1440 = arith.index_cast %add3A_1409 : i32 to index
        %get3A_1441 = arith.constant 48 : index
        %get3A_1442 = tpu.vector_load %arg9[%get3A_1440, %get3A_1441] {strides = array<i32>} : memref<160x128xf32, #tpu.memory_space<vmem>>, vector<16xf32>,
        %mul3A_1443 = arith.constant 11.3137083 : f32
        %mul3A_1444 = vector.broadcast %mul3A_1443 : f32 to vector<16xf32>
        %mul3A_1445 = arith.mulf %get3A_1442, %mul3A_1444 : vector<16xf32>
        %add3A_1446 = arith.addf %mul3A_1445, %get3A_1301 : vector<16xf32>
        %swap3A_1447 = arith.index_cast %add3A_1409 : i32 to index
        %swap3A_1448 = arith.constant 48 : index
        %swap3A_1449 = tpu.vector_load %arg9[%swap3A_1447, %swap3A_1448] {strides = array<i32>} : memref<160x128xf32, #tpu.memory_space<vmem>>, vector<16xf32>,
        tpu.vector_store %arg9[%swap3A_1447, %swap3A_1448], %add3A_1446 {strides = array<i32>} : memref<160x128xf32, #tpu.memory_space<vmem>>, vector<16xf32>,
        %get3A_1450 = arith.index_cast %add3A_1409 : i32 to index
        %get3A_1451 = arith.constant 64 : index
        %get3A_1452 = tpu.vector_load %arg9[%get3A_1450, %get3A_1451] {strides = array<i32>} : memref<160x128xf32, #tpu.memory_space<vmem>>, vector<16xf32>,
        %mul3A_1453 = arith.constant 11.3137083 : f32
        %mul3A_1454 = vector.broadcast %mul3A_1453 : f32 to vector<16xf32>
        %mul3A_1455 = arith.mulf %get3A_1452, %mul3A_1454 : vector<16xf32>
        %add3A_1456 = arith.addf %mul3A_1455, %get3A_1307 : vector<16xf32>
        %swap3A_1457 = arith.index_cast %add3A_1409 : i32 to index
        %swap3A_1458 = arith.constant 64 : index
        %swap3A_1459 = tpu.vector_load %arg9[%swap3A_1457, %swap3A_1458] {strides = array<i32>} : memref<160x128xf32, #tpu.memory_space<vmem>>, vector<16xf32>,
        tpu.vector_store %arg9[%swap3A_1457, %swap3A_1458], %add3A_1456 {strides = array<i32>} : memref<160x128xf32, #tpu.memory_space<vmem>>, vector<16xf32>,
        %get3A_1460 = arith.index_cast %add3A_1409 : i32 to index
        %get3A_1461 = arith.constant 80 : index
        %get3A_1462 = tpu.vector_load %arg9[%get3A_1460, %get3A_1461] {strides = array<i32>} : memref<160x128xf32, #tpu.memory_space<vmem>>, vector<16xf32>,
        %mul3A_1463 = arith.constant 11.3137083 : f32
        %mul3A_1464 = vector.broadcast %mul3A_1463 : f32 to vector<16xf32>
        %mul3A_1465 = arith.mulf %get3A_1462, %mul3A_1464 : vector<16xf32>
        %add3A_1466 = arith.addf %mul3A_1465, %get3A_1313 : vector<16xf32>
        %swap3A_1467 = arith.index_cast %add3A_1409 : i32 to index
        %swap3A_1468 = arith.constant 80 : index
        %swap3A_1469 = tpu.vector_load %arg9[%swap3A_1467, %swap3A_1468] {strides = array<i32>} : memref<160x128xf32, #tpu.memory_space<vmem>>, vector<16xf32>,
        tpu.vector_store %arg9[%swap3A_1467, %swap3A_1468], %add3A_1466 {strides = array<i32>} : memref<160x128xf32, #tpu.memory_space<vmem>>, vector<16xf32>,
        %get3A_1470 = arith.index_cast %add3A_1409 : i32 to index
        %get3A_1471 = arith.constant 96 : index
        %get3A_1472 = tpu.vector_load %arg9[%get3A_1470, %get3A_1471] {strides = array<i32>} : memref<160x128xf32, #tpu.memory_space<vmem>>, vector<16xf32>,
        %mul3A_1473 = arith.constant 11.3137083 : f32
        %mul3A_1474 = vector.broadcast %mul3A_1473 : f32 to vector<16xf32>
        %mul3A_1475 = arith.mulf %get3A_1472, %mul3A_1474 : vector<16xf32>
        %add3A_1476 = arith.addf %mul3A_1475, %get3A_1319 : vector<16xf32>
        %swap3A_1477 = arith.index_cast %add3A_1409 : i32 to index
        %swap3A_1478 = arith.constant 96 : index
        %swap3A_1479 = tpu.vector_load %arg9[%swap3A_1477, %swap3A_1478] {strides = array<i32>} : memref<160x128xf32, #tpu.memory_space<vmem>>, vector<16xf32>,
        tpu.vector_store %arg9[%swap3A_1477, %swap3A_1478], %add3A_1476 {strides = array<i32>} : memref<160x128xf32, #tpu.memory_space<vmem>>, vector<16xf32>,
        %get3A_1480 = arith.index_cast %add3A_1409 : i32 to index
        %get3A_1481 = arith.constant 112 : index
        %get3A_1482 = tpu.vector_load %arg9[%get3A_1480, %get3A_1481] {strides = array<i32>} : memref<160x128xf32, #tpu.memory_space<vmem>>, vector<16xf32>,
        %mul3A_1483 = arith.constant 11.3137083 : f32
        %mul3A_1484 = vector.broadcast %mul3A_1483 : f32 to vector<16xf32>
        %mul3A_1485 = arith.mulf %get3A_1482, %mul3A_1484 : vector<16xf32>
        %add3A_1486 = arith.addf %mul3A_1485, %get3A_1325 : vector<16xf32>
        %swap3A_1487 = arith.index_cast %add3A_1409 : i32 to index
        %swap3A_1488 = arith.constant 112 : index
        %swap3A_1489 = tpu.vector_load %arg9[%swap3A_1487, %swap3A_1488] {strides = array<i32>} : memref<160x128xf32, #tpu.memory_space<vmem>>, vector<16xf32>,
        tpu.vector_store %arg9[%swap3A_1487, %swap3A_1488], %add3A_1486 {strides = array<i32>} : memref<160x128xf32, #tpu.memory_space<vmem>>, vector<16xf32>,
        %add3A_1490 = arith.constant 80 : i32
        %add3A_1491 = arith.addi %add3A_1490, %add3A_1278 : i32
        %get3A_1492 = arith.index_cast %add3A_1491 : i32 to index
        %get3A_1493 = arith.constant 0 : index
        %get3A_1494 = tpu.vector_load %arg9[%get3A_1492, %get3A_1493] {strides = array<i32>} : memref<160x128xf32, #tpu.memory_space<vmem>>, vector<16xf32>,
        %mul3A_1495 = arith.constant 11.3137083 : f32
        %mul3A_1496 = vector.broadcast %mul3A_1495 : f32 to vector<16xf32>
        %mul3A_1497 = arith.mulf %get3A_1494, %mul3A_1496 : vector<16xf32>
        %add3A_1498 = arith.addf %mul3A_1497, %get3A_1283 : vector<16xf32>
        %swap3A_1499 = arith.index_cast %add3A_1491 : i32 to index
        %swap3A_1500 = arith.constant 0 : index
        %swap3A_1501 = tpu.vector_load %arg9[%swap3A_1499, %swap3A_1500] {strides = array<i32>} : memref<160x128xf32, #tpu.memory_space<vmem>>, vector<16xf32>,
        tpu.vector_store %arg9[%swap3A_1499, %swap3A_1500], %add3A_1498 {strides = array<i32>} : memref<160x128xf32, #tpu.memory_space<vmem>>, vector<16xf32>,
        %get3A_1502 = arith.index_cast %add3A_1491 : i32 to index
        %get3A_1503 = arith.constant 16 : index
        %get3A_1504 = tpu.vector_load %arg9[%get3A_1502, %get3A_1503] {strides = array<i32>} : memref<160x128xf32, #tpu.memory_space<vmem>>, vector<16xf32>,
        %mul3A_1505 = arith.constant 11.3137083 : f32
        %mul3A_1506 = vector.broadcast %mul3A_1505 : f32 to vector<16xf32>
        %mul3A_1507 = arith.mulf %get3A_1504, %mul3A_1506 : vector<16xf32>
        %add3A_1508 = arith.addf %mul3A_1507, %get3A_1289 : vector<16xf32>
        %swap3A_1509 = arith.index_cast %add3A_1491 : i32 to index
        %swap3A_1510 = arith.constant 16 : index
        %swap3A_1511 = tpu.vector_load %arg9[%swap3A_1509, %swap3A_1510] {strides = array<i32>} : memref<160x128xf32, #tpu.memory_space<vmem>>, vector<16xf32>,
        tpu.vector_store %arg9[%swap3A_1509, %swap3A_1510], %add3A_1508 {strides = array<i32>} : memref<160x128xf32, #tpu.memory_space<vmem>>, vector<16xf32>,
        %get3A_1512 = arith.index_cast %add3A_1491 : i32 to index
        %get3A_1513 = arith.constant 32 : index
        %get3A_1514 = tpu.vector_load %arg9[%get3A_1512, %get3A_1513] {strides = array<i32>} : memref<160x128xf32, #tpu.memory_space<vmem>>, vector<16xf32>,
        %mul3A_1515 = arith.constant 11.3137083 : f32
        %mul3A_1516 = vector.broadcast %mul3A_1515 : f32 to vector<16xf32>
        %mul3A_1517 = arith.mulf %get3A_1514, %mul3A_1516 : vector<16xf32>
        %add3A_1518 = arith.addf %mul3A_1517, %get3A_1295 : vector<16xf32>
        %swap3A_1519 = arith.index_cast %add3A_1491 : i32 to index
        %swap3A_1520 = arith.constant 32 : index
        %swap3A_1521 = tpu.vector_load %arg9[%swap3A_1519, %swap3A_1520] {strides = array<i32>} : memref<160x128xf32, #tpu.memory_space<vmem>>, vector<16xf32>,
        tpu.vector_store %arg9[%swap3A_1519, %swap3A_1520], %add3A_1518 {strides = array<i32>} : memref<160x128xf32, #tpu.memory_space<vmem>>, vector<16xf32>,
        %get3A_1522 = arith.index_cast %add3A_1491 : i32 to index
        %get3A_1523 = arith.constant 48 : index
        %get3A_1524 = tpu.vector_load %arg9[%get3A_1522, %get3A_1523] {strides = array<i32>} : memref<160x128xf32, #tpu.memory_space<vmem>>, vector<16xf32>,
        %mul3A_1525 = arith.constant 11.3137083 : f32
        %mul3A_1526 = vector.broadcast %mul3A_1525 : f32 to vector<16xf32>
        %mul3A_1527 = arith.mulf %get3A_1524, %mul3A_1526 : vector<16xf32>
        %add3A_1528 = arith.addf %mul3A_1527, %get3A_1301 : vector<16xf32>
        %swap3A_1529 = arith.index_cast %add3A_1491 : i32 to index
        %swap3A_1530 = arith.constant 48 : index
        %swap3A_1531 = tpu.vector_load %arg9[%swap3A_1529, %swap3A_1530] {strides = array<i32>} : memref<160x128xf32, #tpu.memory_space<vmem>>, vector<16xf32>,
        tpu.vector_store %arg9[%swap3A_1529, %swap3A_1530], %add3A_1528 {strides = array<i32>} : memref<160x128xf32, #tpu.memory_space<vmem>>, vector<16xf32>,
        %get3A_1532 = arith.index_cast %add3A_1491 : i32 to index
        %get3A_1533 = arith.constant 64 : index
        %get3A_1534 = tpu.vector_load %arg9[%get3A_1532, %get3A_1533] {strides = array<i32>} : memref<160x128xf32, #tpu.memory_space<vmem>>, vector<16xf32>,
        %mul3A_1535 = arith.constant 11.3137083 : f32
        %mul3A_1536 = vector.broadcast %mul3A_1535 : f32 to vector<16xf32>
        %mul3A_1537 = arith.mulf %get3A_1534, %mul3A_1536 : vector<16xf32>
        %add3A_1538 = arith.addf %mul3A_1537, %get3A_1307 : vector<16xf32>
        %swap3A_1539 = arith.index_cast %add3A_1491 : i32 to index
        %swap3A_1540 = arith.constant 64 : index
        %swap3A_1541 = tpu.vector_load %arg9[%swap3A_1539, %swap3A_1540] {strides = array<i32>} : memref<160x128xf32, #tpu.memory_space<vmem>>, vector<16xf32>,
        tpu.vector_store %arg9[%swap3A_1539, %swap3A_1540], %add3A_1538 {strides = array<i32>} : memref<160x128xf32, #tpu.memory_space<vmem>>, vector<16xf32>,
        %get3A_1542 = arith.index_cast %add3A_1491 : i32 to index
        %get3A_1543 = arith.constant 80 : index
        %get3A_1544 = tpu.vector_load %arg9[%get3A_1542, %get3A_1543] {strides = array<i32>} : memref<160x128xf32, #tpu.memory_space<vmem>>, vector<16xf32>,
        %mul3A_1545 = arith.constant 11.3137083 : f32
        %mul3A_1546 = vector.broadcast %mul3A_1545 : f32 to vector<16xf32>
        %mul3A_1547 = arith.mulf %get3A_1544, %mul3A_1546 : vector<16xf32>
        %add3A_1548 = arith.addf %mul3A_1547, %get3A_1313 : vector<16xf32>
        %swap3A_1549 = arith.index_cast %add3A_1491 : i32 to index
        %swap3A_1550 = arith.constant 80 : index
        %swap3A_1551 = tpu.vector_load %arg9[%swap3A_1549, %swap3A_1550] {strides = array<i32>} : memref<160x128xf32, #tpu.memory_space<vmem>>, vector<16xf32>,
        tpu.vector_store %arg9[%swap3A_1549, %swap3A_1550], %add3A_1548 {strides = array<i32>} : memref<160x128xf32, #tpu.memory_space<vmem>>, vector<16xf32>,
        %get3A_1552 = arith.index_cast %add3A_1491 : i32 to index
        %get3A_1553 = arith.constant 96 : index
        %get3A_1554 = tpu.vector_load %arg9[%get3A_1552, %get3A_1553] {strides = array<i32>} : memref<160x128xf32, #tpu.memory_space<vmem>>, vector<16xf32>,
        %mul3A_1555 = arith.constant 11.3137083 : f32
        %mul3A_1556 = vector.broadcast %mul3A_1555 : f32 to vector<16xf32>
        %mul3A_1557 = arith.mulf %get3A_1554, %mul3A_1556 : vector<16xf32>
        %add3A_1558 = arith.addf %mul3A_1557, %get3A_1319 : vector<16xf32>
        %swap3A_1559 = arith.index_cast %add3A_1491 : i32 to index
        %swap3A_1560 = arith.constant 96 : index
        %swap3A_1561 = tpu.vector_load %arg9[%swap3A_1559, %swap3A_1560] {strides = array<i32>} : memref<160x128xf32, #tpu.memory_space<vmem>>, vector<16xf32>,
        tpu.vector_store %arg9[%swap3A_1559, %swap3A_1560], %add3A_1558 {strides = array<i32>} : memref<160x128xf32, #tpu.memory_space<vmem>>, vector<16xf32>,
        %get3A_1562 = arith.index_cast %add3A_1491 : i32 to index
        %get3A_1563 = arith.constant 112 : index
        %get3A_1564 = tpu.vector_load %arg9[%get3A_1562, %get3A_1563] {strides = array<i32>} : memref<160x128xf32, #tpu.memory_space<vmem>>, vector<16xf32>,
        %mul3A_1565 = arith.constant 11.3137083 : f32
        %mul3A_1566 = vector.broadcast %mul3A_1565 : f32 to vector<16xf32>
        %mul3A_1567 = arith.mulf %get3A_1564, %mul3A_1566 : vector<16xf32>
        %add3A_1568 = arith.addf %mul3A_1567, %get3A_1325 : vector<16xf32>
        %swap3A_1569 = arith.index_cast %add3A_1491 : i32 to index
        %swap3A_1570 = arith.constant 112 : index
        %swap3A_1571 = tpu.vector_load %arg9[%swap3A_1569, %swap3A_1570] {strides = array<i32>} : memref<160x128xf32, #tpu.memory_space<vmem>>, vector<16xf32>,
        tpu.vector_store %arg9[%swap3A_1569, %swap3A_1570], %add3A_1568 {strides = array<i32>} : memref<160x128xf32, #tpu.memory_space<vmem>>, vector<16xf32>,
        %add3A_1572 = arith.constant 120 : i32
        %add3A_1573 = arith.addi %add3A_1572, %add3A_1278 : i32
        %get3A_1574 = arith.index_cast %add3A_1573 : i32 to index
        %get3A_1575 = arith.constant 0 : index
        %get3A_1576 = tpu.vector_load %arg9[%get3A_1574, %get3A_1575] {strides = array<i32>} : memref<160x128xf32, #tpu.memory_space<vmem>>, vector<16xf32>,
        %mul3A_1577 = arith.constant 11.3137083 : f32
        %mul3A_1578 = vector.broadcast %mul3A_1577 : f32 to vector<16xf32>
        %mul3A_1579 = arith.mulf %get3A_1576, %mul3A_1578 : vector<16xf32>
        %add3A_1580 = arith.addf %mul3A_1579, %get3A_1283 : vector<16xf32>
        %swap3A_1581 = arith.index_cast %add3A_1573 : i32 to index
        %swap3A_1582 = arith.constant 0 : index
        %swap3A_1583 = tpu.vector_load %arg9[%swap3A_1581, %swap3A_1582] {strides = array<i32>} : memref<160x128xf32, #tpu.memory_space<vmem>>, vector<16xf32>,
        tpu.vector_store %arg9[%swap3A_1581, %swap3A_1582], %add3A_1580 {strides = array<i32>} : memref<160x128xf32, #tpu.memory_space<vmem>>, vector<16xf32>,
        %get3A_1584 = arith.index_cast %add3A_1573 : i32 to index
        %get3A_1585 = arith.constant 16 : index
        %get3A_1586 = tpu.vector_load %arg9[%get3A_1584, %get3A_1585] {strides = array<i32>} : memref<160x128xf32, #tpu.memory_space<vmem>>, vector<16xf32>,
        %mul3A_1587 = arith.constant 11.3137083 : f32
        %mul3A_1588 = vector.broadcast %mul3A_1587 : f32 to vector<16xf32>
        %mul3A_1589 = arith.mulf %get3A_1586, %mul3A_1588 : vector<16xf32>
        %add3A_1590 = arith.addf %mul3A_1589, %get3A_1289 : vector<16xf32>
        %swap3A_1591 = arith.index_cast %add3A_1573 : i32 to index
        %swap3A_1592 = arith.constant 16 : index
        %swap3A_1593 = tpu.vector_load %arg9[%swap3A_1591, %swap3A_1592] {strides = array<i32>} : memref<160x128xf32, #tpu.memory_space<vmem>>, vector<16xf32>,
        tpu.vector_store %arg9[%swap3A_1591, %swap3A_1592], %add3A_1590 {strides = array<i32>} : memref<160x128xf32, #tpu.memory_space<vmem>>, vector<16xf32>,
        %get3A_1594 = arith.index_cast %add3A_1573 : i32 to index
        %get3A_1595 = arith.constant 32 : index
        %get3A_1596 = tpu.vector_load %arg9[%get3A_1594, %get3A_1595] {strides = array<i32>} : memref<160x128xf32, #tpu.memory_space<vmem>>, vector<16xf32>,
        %mul3A_1597 = arith.constant 11.3137083 : f32
        %mul3A_1598 = vector.broadcast %mul3A_1597 : f32 to vector<16xf32>
        %mul3A_1599 = arith.mulf %get3A_1596, %mul3A_1598 : vector<16xf32>
        %add3A_1600 = arith.addf %mul3A_1599, %get3A_1295 : vector<16xf32>
        %swap3A_1601 = arith.index_cast %add3A_1573 : i32 to index
        %swap3A_1602 = arith.constant 32 : index
        %swap3A_1603 = tpu.vector_load %arg9[%swap3A_1601, %swap3A_1602] {strides = array<i32>} : memref<160x128xf32, #tpu.memory_space<vmem>>, vector<16xf32>,
        tpu.vector_store %arg9[%swap3A_1601, %swap3A_1602], %add3A_1600 {strides = array<i32>} : memref<160x128xf32, #tpu.memory_space<vmem>>, vector<16xf32>,
        %get3A_1604 = arith.index_cast %add3A_1573 : i32 to index
        %get3A_1605 = arith.constant 48 : index
        %get3A_1606 = tpu.vector_load %arg9[%get3A_1604, %get3A_1605] {strides = array<i32>} : memref<160x128xf32, #tpu.memory_space<vmem>>, vector<16xf32>,
        %mul3A_1607 = arith.constant 11.3137083 : f32
        %mul3A_1608 = vector.broadcast %mul3A_1607 : f32 to vector<16xf32>
        %mul3A_1609 = arith.mulf %get3A_1606, %mul3A_1608 : vector<16xf32>
        %add3A_1610 = arith.addf %mul3A_1609, %get3A_1301 : vector<16xf32>
        %swap3A_1611 = arith.index_cast %add3A_1573 : i32 to index
        %swap3A_1612 = arith.constant 48 : index
        %swap3A_1613 = tpu.vector_load %arg9[%swap3A_1611, %swap3A_1612] {strides = array<i32>} : memref<160x128xf32, #tpu.memory_space<vmem>>, vector<16xf32>,
        tpu.vector_store %arg9[%swap3A_1611, %swap3A_1612], %add3A_1610 {strides = array<i32>} : memref<160x128xf32, #tpu.memory_space<vmem>>, vector<16xf32>,
        %get3A_1614 = arith.index_cast %add3A_1573 : i32 to index
        %get3A_1615 = arith.constant 64 : index
        %get3A_1616 = tpu.vector_load %arg9[%get3A_1614, %get3A_1615] {strides = array<i32>} : memref<160x128xf32, #tpu.memory_space<vmem>>, vector<16xf32>,
        %mul3A_1617 = arith.constant 11.3137083 : f32
        %mul3A_1618 = vector.broadcast %mul3A_1617 : f32 to vector<16xf32>
        %mul3A_1619 = arith.mulf %get3A_1616, %mul3A_1618 : vector<16xf32>
        %add3A_1620 = arith.addf %mul3A_1619, %get3A_1307 : vector<16xf32>
        %swap3A_1621 = arith.index_cast %add3A_1573 : i32 to index
        %swap3A_1622 = arith.constant 64 : index
        %swap3A_1623 = tpu.vector_load %arg9[%swap3A_1621, %swap3A_1622] {strides = array<i32>} : memref<160x128xf32, #tpu.memory_space<vmem>>, vector<16xf32>,
        tpu.vector_store %arg9[%swap3A_1621, %swap3A_1622], %add3A_1620 {strides = array<i32>} : memref<160x128xf32, #tpu.memory_space<vmem>>, vector<16xf32>,
        %get3A_1624 = arith.index_cast %add3A_1573 : i32 to index
        %get3A_1625 = arith.constant 80 : index
        %get3A_1626 = tpu.vector_load %arg9[%get3A_1624, %get3A_1625] {strides = array<i32>} : memref<160x128xf32, #tpu.memory_space<vmem>>, vector<16xf32>,
        %mul3A_1627 = arith.constant 11.3137083 : f32
        %mul3A_1628 = vector.broadcast %mul3A_1627 : f32 to vector<16xf32>
        %mul3A_1629 = arith.mulf %get3A_1626, %mul3A_1628 : vector<16xf32>
        %add3A_1630 = arith.addf %mul3A_1629, %get3A_1313 : vector<16xf32>
        %swap3A_1631 = arith.index_cast %add3A_1573 : i32 to index
        %swap3A_1632 = arith.constant 80 : index
        %swap3A_1633 = tpu.vector_load %arg9[%swap3A_1631, %swap3A_1632] {strides = array<i32>} : memref<160x128xf32, #tpu.memory_space<vmem>>, vector<16xf32>,
        tpu.vector_store %arg9[%swap3A_1631, %swap3A_1632], %add3A_1630 {strides = array<i32>} : memref<160x128xf32, #tpu.memory_space<vmem>>, vector<16xf32>,
        %get3A_1634 = arith.index_cast %add3A_1573 : i32 to index
        %get3A_1635 = arith.constant 96 : index
        %get3A_1636 = tpu.vector_load %arg9[%get3A_1634, %get3A_1635] {strides = array<i32>} : memref<160x128xf32, #tpu.memory_space<vmem>>, vector<16xf32>,
        %mul3A_1637 = arith.constant 11.3137083 : f32
        %mul3A_1638 = vector.broadcast %mul3A_1637 : f32 to vector<16xf32>
        %mul3A_1639 = arith.mulf %get3A_1636, %mul3A_1638 : vector<16xf32>
        %add3A_1640 = arith.addf %mul3A_1639, %get3A_1319 : vector<16xf32>
        %swap3A_1641 = arith.index_cast %add3A_1573 : i32 to index
        %swap3A_1642 = arith.constant 96 : index
        %swap3A_1643 = tpu.vector_load %arg9[%swap3A_1641, %swap3A_1642] {strides = array<i32>} : memref<160x128xf32, #tpu.memory_space<vmem>>, vector<16xf32>,
        tpu.vector_store %arg9[%swap3A_1641, %swap3A_1642], %add3A_1640 {strides = array<i32>} : memref<160x128xf32, #tpu.memory_space<vmem>>, vector<16xf32>,
        %get3A_1644 = arith.index_cast %add3A_1573 : i32 to index
        %get3A_1645 = arith.constant 112 : index
        %get3A_1646 = tpu.vector_load %arg9[%get3A_1644, %get3A_1645] {strides = array<i32>} : memref<160x128xf32, #tpu.memory_space<vmem>>, vector<16xf32>,
        %mul3A_1647 = arith.constant 11.3137083 : f32
        %mul3A_1648 = vector.broadcast %mul3A_1647 : f32 to vector<16xf32>
        %mul3A_1649 = arith.mulf %get3A_1646, %mul3A_1648 : vector<16xf32>
        %add3A_1650 = arith.addf %mul3A_1649, %get3A_1325 : vector<16xf32>
        %swap3A_1651 = arith.index_cast %add3A_1573 : i32 to index
        %swap3A_1652 = arith.constant 112 : index
        %swap3A_1653 = tpu.vector_load %arg9[%swap3A_1651, %swap3A_1652] {strides = array<i32>} : memref<160x128xf32, #tpu.memory_space<vmem>>, vector<16xf32>,
        tpu.vector_store %arg9[%swap3A_1651, %swap3A_1652], %add3A_1650 {strides = array<i32>} : memref<160x128xf32, #tpu.memory_space<vmem>>, vector<16xf32>,
      }
      %scan3A_900 = arith.constant 40 : i32
      %jit3A_901 = arith.constant 5 : i32
      %div3A_902 = arith.divsi %add3A_852, %jit3A_901 : i32
      %sign3A_903 = arith.constant 0 : i32
      %sign3A_904 = arith.cmpi sgt, %add3A_852, %sign3A_903 : i32
      %sign3A_905 = arith.extui %sign3A_904 : i1 to i32
      %sign3A_906 = arith.constant 0 : i32
      %sign3A_907 = arith.cmpi slt, %add3A_852, %sign3A_906 : i32
      %sign3A_908 = arith.extui %sign3A_907 : i1 to i32
      %sign3A_909 = arith.subi %sign3A_905, %sign3A_908 : i32
      %sign3A_910 = arith.constant 0 : i32
      %sign3A_911 = arith.cmpi sgt, %jit3A_901, %sign3A_910 : i32
      %sign3A_912 = arith.extui %sign3A_911 : i1 to i32
      %sign3A_913 = arith.constant 0 : i32
      %sign3A_914 = arith.cmpi slt, %jit3A_901, %sign3A_913 : i32
      %sign3A_915 = arith.extui %sign3A_914 : i1 to i32
      %sign3A_916 = arith.subi %sign3A_912, %sign3A_915 : i32
      %ne3A_917 = arith.cmpi ne, %sign3A_909, %sign3A_916 : i32
      %rem3A_918 = arith.remsi %add3A_852, %jit3A_901 : i32
      %ne3A_919 = arith.constant 0 : i32
      %ne3A_920 = arith.cmpi ne, %rem3A_918, %ne3A_919 : i32
      %and3A_921 = arith.andi %ne3A_917, %ne3A_920 : i1
      %sub3A_922 = arith.constant 1 : i32
      %sub3A_923 = arith.subi %div3A_902, %sub3A_922 : i32
      %select_n3A_924 = arith.select %and3A_921, %sub3A_923, %div3A_902 : i32
      %jit3A_925 = arith.constant 5 : i32
      %eq3A_926 = arith.constant 0 : i32
      %eq3A_927 = arith.cmpi eq, %jit3A_925, %eq3A_926 : i32
      %jit3A_928 = arith.constant 1 : i32
      %select_n3A_929 = arith.select %eq3A_927, %jit3A_928, %jit3A_925 : i32
      %rem3A_930 = arith.remsi %add3A_852, %select_n3A_929 : i32
      %ne3A_931 = arith.constant 0 : i32
      %ne3A_932 = arith.cmpi ne, %rem3A_930, %ne3A_931 : i32
      %lt3A_933 = arith.constant 0 : i32
      %lt3A_934 = arith.cmpi slt, %rem3A_930, %lt3A_933 : i32
      %lt3A_935 = arith.constant 0 : i32
      %lt3A_936 = arith.cmpi slt, %select_n3A_929, %lt3A_935 : i32
      %ne3A_937 = arith.xori %lt3A_934, %lt3A_936 : i1
      %and3A_938 = arith.andi %ne3A_937, %ne3A_932 : i1
      %add3A_939 = arith.addi %rem3A_930, %select_n3A_929 : i32
      %select_n3A_940 = arith.select %and3A_938, %add3A_939, %rem3A_930 : i32
      %mul3A_941 = arith.constant 4 : i32
      %mul3A_942 = arith.muli %select_n3A_924, %mul3A_941 : i32
      %add3A_943 = arith.addi %multiple_of3A, %mul3A_942 : i32
      %mul3A_944 = arith.constant 40 : i32
      %mul3A_945 = arith.muli %select_n3A_940, %mul3A_944 : i32
      %multiple_of3A_946 = tpu.assume_multiple %mul3A_945, 40 : i32
      %dma_start3A_947 = tpu.memref_reshape %arg9 : memref<160x128xf32, #tpu.memory_space<vmem>> -> memref<4x40x128xf32, #tpu.memory_space<vmem>>
      %dma_start3A_948 = arith.constant 0 : i32
      %dma_start3A_949 = tpu.memref_slice %arg5[%add3A_943, %multiple_of3A_946, %dma_start3A_948] : memref<1024x200x128xf32, #tpu.memory_space<hbm>> -> memref<4x40x128xf32, #tpu.memory_space<hbm>>
      %dma_start3A_950 = arith.constant 0 : i32
      %dma_start3A_951 = tpu.memref_slice %arg5[%add3A_943, %multiple_of3A_946, %dma_start3A_950] : memref<1024x200x128xf32, #tpu.memory_space<hbm>> -> memref<4x40x128xf32, #tpu.memory_space<hbm>>
      %dma_start3A_952 = tpu.memref_reshape %arg9 : memref<160x128xf32, #tpu.memory_space<vmem>> -> memref<4x40x128xf32, #tpu.memory_space<vmem>>
      tpu.enqueue_dma source(%dma_start3A_952 : memref<4x40x128xf32, #tpu.memory_space<vmem>>) target(%dma_start3A_951 : memref<4x40x128xf32, #tpu.memory_space<hbm>>) target_semaphore(%arg17 : memref<!tpu.dma_semaphore, #tpu.memory_space<semaphore_mem>>)
      %add3A_953 = arith.constant 1 : i32
      %add3A_954 = arith.addi %add3A_850, %add3A_953 : i32
      %ge3A_955 = arith.constant 1 : i32
      %ge3A_956 = arith.cmpi sge, %add3A_954, %ge3A_955 : i32
      %convert_element_type3A_957 = arith.extui %ge3A_956 : i1 to i32
      %cond3A_958 = arith.constant 0 : i32
      %cond3A_959 = arith.cmpi ne, %convert_element_type3A_957, %cond3A_958 : i32
      scf.if %cond3A_959 {
        %sub3A_1274 = arith.constant 1 : i32
        %sub3A_1275 = arith.subi %add3A_954, %sub3A_1274 : i32
        %jit3A_1276 = arith.constant 5 : i32
        %div3A_1277 = arith.divsi %sub3A_1275, %jit3A_1276 : i32
        %sign3A_1278 = arith.constant 0 : i32
        %sign3A_1279 = arith.cmpi sgt, %sub3A_1275, %sign3A_1278 : i32
        %sign3A_1280 = arith.extui %sign3A_1279 : i1 to i32
        %sign3A_1281 = arith.constant 0 : i32
        %sign3A_1282 = arith.cmpi slt, %sub3A_1275, %sign3A_1281 : i32
        %sign3A_1283 = arith.extui %sign3A_1282 : i1 to i32
        %sign3A_1284 = arith.subi %sign3A_1280, %sign3A_1283 : i32
        %sign3A_1285 = arith.constant 0 : i32
        %sign3A_1286 = arith.cmpi sgt, %jit3A_1276, %sign3A_1285 : i32
        %sign3A_1287 = arith.extui %sign3A_1286 : i1 to i32
        %sign3A_1288 = arith.constant 0 : i32
        %sign3A_1289 = arith.cmpi slt, %jit3A_1276, %sign3A_1288 : i32
        %sign3A_1290 = arith.extui %sign3A_1289 : i1 to i32
        %sign3A_1291 = arith.subi %sign3A_1287, %sign3A_1290 : i32
        %ne3A_1292 = arith.cmpi ne, %sign3A_1284, %sign3A_1291 : i32
        %rem3A_1293 = arith.remsi %sub3A_1275, %jit3A_1276 : i32
        %ne3A_1294 = arith.constant 0 : i32
        %ne3A_1295 = arith.cmpi ne, %rem3A_1293, %ne3A_1294 : i32
        %and3A_1296 = arith.andi %ne3A_1292, %ne3A_1295 : i1
        %sub3A_1297 = arith.constant 1 : i32
        %sub3A_1298 = arith.subi %div3A_1277, %sub3A_1297 : i32
        %select_n3A_1299 = arith.select %and3A_1296, %sub3A_1298, %div3A_1277 : i32
        %jit3A_1300 = arith.constant 5 : i32
        %eq3A_1301 = arith.constant 0 : i32
        %eq3A_1302 = arith.cmpi eq, %jit3A_1300, %eq3A_1301 : i32
        %jit3A_1303 = arith.constant 1 : i32
        %select_n3A_1304 = arith.select %eq3A_1302, %jit3A_1303, %jit3A_1300 : i32
        %rem3A_1305 = arith.remsi %sub3A_1275, %select_n3A_1304 : i32
        %ne3A_1306 = arith.constant 0 : i32
        %ne3A_1307 = arith.cmpi ne, %rem3A_1305, %ne3A_1306 : i32
        %lt3A_1308 = arith.constant 0 : i32
        %lt3A_1309 = arith.cmpi slt, %rem3A_1305, %lt3A_1308 : i32
        %lt3A_1310 = arith.constant 0 : i32
        %lt3A_1311 = arith.cmpi slt, %select_n3A_1304, %lt3A_1310 : i32
        %ne3A_1312 = arith.xori %lt3A_1309, %lt3A_1311 : i1
        %and3A_1313 = arith.andi %ne3A_1312, %ne3A_1307 : i1
        %add3A_1314 = arith.addi %rem3A_1305, %select_n3A_1304 : i32
        %select_n3A_1315 = arith.select %and3A_1313, %add3A_1314, %rem3A_1305 : i32
        %mul3A_1316 = arith.constant 4 : i32
        %mul3A_1317 = arith.muli %select_n3A_1299, %mul3A_1316 : i32
        %add3A_1318 = arith.addi %multiple_of3A, %mul3A_1317 : i32
        %mul3A_1319 = arith.constant 40 : i32
        %mul3A_1320 = arith.muli %select_n3A_1315, %mul3A_1319 : i32
        %multiple_of3A_1321 = tpu.assume_multiple %mul3A_1320, 40 : i32
        %dma_wait3A_1322 = tpu.memref_reshape %arg9 : memref<160x128xf32, #tpu.memory_space<vmem>> -> memref<4x40x128xf32, #tpu.memory_space<vmem>>
        %dma_wait3A_1323 = arith.constant 0 : i32
        %dma_wait3A_1324 = tpu.memref_slice %arg5[%add3A_1318, %multiple_of3A_1321, %dma_wait3A_1323] : memref<1024x200x128xf32, #tpu.memory_space<hbm>> -> memref<4x40x128xf32, #tpu.memory_space<hbm>>
        %dma_wait3A_1325 = arith.constant 0 : i32
        %dma_wait3A_1326 = tpu.memref_slice %arg5[%add3A_1318, %multiple_of3A_1321, %dma_wait3A_1325] : memref<1024x200x128xf32, #tpu.memory_space<hbm>> -> memref<4x40x128xf32, #tpu.memory_space<hbm>>
        %dma_wait3A_1327 = tpu.memref_reshape %arg9 : memref<160x128xf32, #tpu.memory_space<vmem>> -> memref<4x40x128xf32, #tpu.memory_space<vmem>>
        tpu.wait_dma2 semaphore(%arg17 : memref<!tpu.dma_semaphore, #tpu.memory_space<semaphore_mem>>) src(%dma_wait3A_1327 : memref<4x40x128xf32, #tpu.memory_space<vmem>>) dst(%dma_wait3A_1326 : memref<4x40x128xf32, #tpu.memory_space<hbm>>)
      } else {
      }
      %add3A_960 = arith.constant 3 : i32
      %add3A_961 = arith.addi %add3A_954, %add3A_960 : i32
      %lt3A_962 = arith.constant 40 : i32
      %lt3A_963 = arith.cmpi slt, %add3A_961, %lt3A_962 : i32
      %convert_element_type3A_964 = arith.extui %lt3A_963 : i1 to i32
      %cond3A_965 = arith.constant 0 : i32
      %cond3A_966 = arith.cmpi ne, %convert_element_type3A_964, %cond3A_965 : i32
      scf.if %cond3A_966 {
        %add3A_1274 = arith.constant 3 : i32
        %add3A_1275 = arith.addi %add3A_954, %add3A_1274 : i32
        %dma_start3A_1276 = arith.constant 0 : i32
        %dma_start3A_1277 = arith.constant 0 : i32
        %dma_start3A_1278 = arith.constant 0 : i32
        %dma_start3A_1279 = tpu.memref_slice %arg9[%dma_start3A_1277, %dma_start3A_1278] : memref<160x128xf32, #tpu.memory_space<vmem>> -> memref<80x128xf32, #tpu.memory_space<vmem>>
        %dma_start3A_1280 = arith.constant 0 : i32
        %dma_start3A_1281 = tpu.memref_slice %arg8[%add3A_1275, %dma_start3A_1276, %dma_start3A_1280] : memref<40x2x80xi32, #tpu.memory_space<vmem>> -> memref<1x1x80xi32, #tpu.memory_space<vmem>>
        %dma_start3A_1282 = tpu.memref_squeeze %dma_start3A_1281 : memref<1x1x80xi32, #tpu.memory_space<vmem>> -> memref<80xi32, #tpu.memory_space<vmem>>
        %dma_start3A_1283 = arith.constant 0 : i32
        %dma_start3A_1284 = arith.constant 0 : i32
        %dma_start3A_1285 = tpu.memref_slice %arg3[%dma_start3A_1283, %dma_start3A_1284] : memref<100000x128xf32, #tpu.memory_space<hbm>> -> memref<100000x128xf32, #tpu.memory_space<hbm>>
        tpu.enqueue_indirect_dma source(%dma_start3A_1285 : memref<100000x128xf32, #tpu.memory_space<hbm>>) target(%dma_start3A_1279 : memref<80x128xf32, #tpu.memory_space<vmem>>) offsets(%dma_start3A_1282 : memref<80xi32, #tpu.memory_space<vmem>>) semaphore(%arg13 : memref<!tpu.dma_semaphore, #tpu.memory_space<semaphore_mem>>)
        %dma_start3A_1286 = arith.constant 1 : i32
        %dma_start3A_1287 = arith.constant 80 : i32
        %dma_start3A_1288 = arith.constant 0 : i32
        %dma_start3A_1289 = tpu.memref_slice %arg9[%dma_start3A_1287, %dma_start3A_1288] : memref<160x128xf32, #tpu.memory_space<vmem>> -> memref<80x128xf32, #tpu.memory_space<vmem>>
        %dma_start3A_1290 = arith.constant 0 : i32
        %dma_start3A_1291 = tpu.memref_slice %arg8[%add3A_1275, %dma_start3A_1286, %dma_start3A_1290] : memref<40x2x80xi32, #tpu.memory_space<vmem>> -> memref<1x1x80xi32, #tpu.memory_space<vmem>>
        %dma_start3A_1292 = tpu.memref_squeeze %dma_start3A_1291 : memref<1x1x80xi32, #tpu.memory_space<vmem>> -> memref<80xi32, #tpu.memory_space<vmem>>
        %dma_start3A_1293 = arith.constant 0 : i32
        %dma_start3A_1294 = arith.constant 0 : i32
        %dma_start3A_1295 = tpu.memref_slice %arg3[%dma_start3A_1293, %dma_start3A_1294] : memref<100000x128xf32, #tpu.memory_space<hbm>> -> memref<100000x128xf32, #tpu.memory_space<hbm>>
        tpu.enqueue_indirect_dma source(%dma_start3A_1295 : memref<100000x128xf32, #tpu.memory_space<hbm>>) target(%dma_start3A_1289 : memref<80x128xf32, #tpu.memory_space<vmem>>) offsets(%dma_start3A_1292 : memref<80xi32, #tpu.memory_space<vmem>>) semaphore(%arg13 : memref<!tpu.dma_semaphore, #tpu.memory_space<semaphore_mem>>)
      } else {
      }
      %dma_wait3A_967 = arith.constant 0 : i32
      %dma_wait3A_968 = arith.constant 0 : i32
      %dma_wait3A_969 = arith.constant 0 : i32
      %dma_wait3A_970 = tpu.memref_slice %arg10[%dma_wait3A_968, %dma_wait3A_969] : memref<160x128xf32, #tpu.memory_space<vmem>> -> memref<80x128xf32, #tpu.memory_space<vmem>>
      %dma_wait3A_971 = arith.constant 0 : i32
      %dma_wait3A_972 = tpu.memref_slice %arg8[%add3A_954, %dma_wait3A_967, %dma_wait3A_971] : memref<40x2x80xi32, #tpu.memory_space<vmem>> -> memref<1x1x80xi32, #tpu.memory_space<vmem>>
      %dma_wait3A_973 = tpu.memref_squeeze %dma_wait3A_972 : memref<1x1x80xi32, #tpu.memory_space<vmem>> -> memref<80xi32, #tpu.memory_space<vmem>>
      %dma_wait3A_974 = arith.constant 0 : i32
      %dma_wait3A_975 = arith.constant 0 : i32
      %dma_wait3A_976 = tpu.memref_slice %arg3[%dma_wait3A_974, %dma_wait3A_975] : memref<100000x128xf32, #tpu.memory_space<hbm>> -> memref<100000x128xf32, #tpu.memory_space<hbm>>
      tpu.wait_indirect_dma semaphore(%arg14 : memref<!tpu.dma_semaphore, #tpu.memory_space<semaphore_mem>>) src(%dma_wait3A_976 : memref<100000x128xf32, #tpu.memory_space<hbm>>) dst(%dma_wait3A_970 : memref<80x128xf32, #tpu.memory_space<vmem>>)
      %dma_wait3A_977 = arith.constant 1 : i32
      %dma_wait3A_978 = arith.constant 80 : i32
      %dma_wait3A_979 = arith.constant 0 : i32
      %dma_wait3A_980 = tpu.memref_slice %arg10[%dma_wait3A_978, %dma_wait3A_979] : memref<160x128xf32, #tpu.memory_space<vmem>> -> memref<80x128xf32, #tpu.memory_space<vmem>>
      %dma_wait3A_981 = arith.constant 0 : i32
      %dma_wait3A_982 = tpu.memref_slice %arg8[%add3A_954, %dma_wait3A_977, %dma_wait3A_981] : memref<40x2x80xi32, #tpu.memory_space<vmem>> -> memref<1x1x80xi32, #tpu.memory_space<vmem>>
      %dma_wait3A_983 = tpu.memref_squeeze %dma_wait3A_982 : memref<1x1x80xi32, #tpu.memory_space<vmem>> -> memref<80xi32, #tpu.memory_space<vmem>>
      %dma_wait3A_984 = arith.constant 0 : i32
      %dma_wait3A_985 = arith.constant 0 : i32
      %dma_wait3A_986 = tpu.memref_slice %arg3[%dma_wait3A_984, %dma_wait3A_985] : memref<100000x128xf32, #tpu.memory_space<hbm>> -> memref<100000x128xf32, #tpu.memory_space<hbm>>
      tpu.wait_indirect_dma semaphore(%arg14 : memref<!tpu.dma_semaphore, #tpu.memory_space<semaphore_mem>>) src(%dma_wait3A_986 : memref<100000x128xf32, #tpu.memory_space<hbm>>) dst(%dma_wait3A_980 : memref<80x128xf32, #tpu.memory_space<vmem>>)
      %jit3A_987 = arith.constant 5 : i32
      %eq3A_988 = arith.constant 0 : i32
      %eq3A_989 = arith.cmpi eq, %jit3A_987, %eq3A_988 : i32
      %jit3A_990 = arith.constant 1 : i32
      %select_n3A_991 = arith.select %eq3A_989, %jit3A_990, %jit3A_987 : i32
      %rem3A_992 = arith.remsi %add3A_954, %select_n3A_991 : i32
      %ne3A_993 = arith.constant 0 : i32
      %ne3A_994 = arith.cmpi ne, %rem3A_992, %ne3A_993 : i32
      %lt3A_995 = arith.constant 0 : i32
      %lt3A_996 = arith.cmpi slt, %rem3A_992, %lt3A_995 : i32
      %lt3A_997 = arith.constant 0 : i32
      %lt3A_998 = arith.cmpi slt, %select_n3A_991, %lt3A_997 : i32
      %ne3A_999 = arith.xori %lt3A_996, %lt3A_998 : i1
      %and3A_1000 = arith.andi %ne3A_999, %ne3A_994 : i1
      %add3A_1001 = arith.addi %rem3A_992, %select_n3A_991 : i32
      %select_n3A_1002 = arith.select %and3A_1000, %add3A_1001, %rem3A_992 : i32
      %scan3A_1003 = arith.constant 0 : i32
      %scan3A_1004 = arith.constant 40 : i32
      %scan3A_1005 = arith.addi %scan3A_1003, %scan3A_1004 : i32
      %scan3A_1006 = arith.constant 1 : i32
      scf.for %scan3A_1274 = %scan3A_1003 to %scan3A_1005 step %scan3A_1006  : i32 {
        %mul3A_1275 = arith.constant 1 : i32
        %mul3A_1276 = arith.muli %scan3A_1274, %mul3A_1275 : i32
        %add3A_1277 = arith.constant 0 : i32
        %add3A_1278 = arith.addi %add3A_1277, %mul3A_1276 : i32
        %mul3A_1279 = arith.constant 40 : i32
        %mul3A_1280 = arith.muli %select_n3A_1002, %mul3A_1279 : i32
        %add3A_1281 = arith.addi %mul3A_1280, %add3A_1278 : i32
        %get3A = arith.index_cast %add3A_1281 : i32 to index
        %get3A_1282 = arith.constant 0 : index
        %get3A_1283 = tpu.vector_load %arg6[%get3A, %get3A_1282] {strides = array<i32>} : memref<200x128xf32, #tpu.memory_space<vmem>>, vector<16xf32>,
        %mul3A_1284 = arith.constant 40 : i32
        %mul3A_1285 = arith.muli %select_n3A_1002, %mul3A_1284 : i32
        %add3A_1286 = arith.addi %mul3A_1285, %add3A_1278 : i32
        %get3A_1287 = arith.index_cast %add3A_1286 : i32 to index
        %get3A_1288 = arith.constant 16 : index
        %get3A_1289 = tpu.vector_load %arg6[%get3A_1287, %get3A_1288] {strides = array<i32>} : memref<200x128xf32, #tpu.memory_space<vmem>>, vector<16xf32>,
        %mul3A_1290 = arith.constant 40 : i32
        %mul3A_1291 = arith.muli %select_n3A_1002, %mul3A_1290 : i32
        %add3A_1292 = arith.addi %mul3A_1291, %add3A_1278 : i32
        %get3A_1293 = arith.index_cast %add3A_1292 : i32 to index
        %get3A_1294 = arith.constant 32 : index
        %get3A_1295 = tpu.vector_load %arg6[%get3A_1293, %get3A_1294] {strides = array<i32>} : memref<200x128xf32, #tpu.memory_space<vmem>>, vector<16xf32>,
        %mul3A_1296 = arith.constant 40 : i32
        %mul3A_1297 = arith.muli %select_n3A_1002, %mul3A_1296 : i32
        %add3A_1298 = arith.addi %mul3A_1297, %add3A_1278 : i32
        %get3A_1299 = arith.index_cast %add3A_1298 : i32 to index
        %get3A_1300 = arith.constant 48 : index
        %get3A_1301 = tpu.vector_load %arg6[%get3A_1299, %get3A_1300] {strides = array<i32>} : memref<200x128xf32, #tpu.memory_space<vmem>>, vector<16xf32>,
        %mul3A_1302 = arith.constant 40 : i32
        %mul3A_1303 = arith.muli %select_n3A_1002, %mul3A_1302 : i32
        %add3A_1304 = arith.addi %mul3A_1303, %add3A_1278 : i32
        %get3A_1305 = arith.index_cast %add3A_1304 : i32 to index
        %get3A_1306 = arith.constant 64 : index
        %get3A_1307 = tpu.vector_load %arg6[%get3A_1305, %get3A_1306] {strides = array<i32>} : memref<200x128xf32, #tpu.memory_space<vmem>>, vector<16xf32>,
        %mul3A_1308 = arith.constant 40 : i32
        %mul3A_1309 = arith.muli %select_n3A_1002, %mul3A_1308 : i32
        %add3A_1310 = arith.addi %mul3A_1309, %add3A_1278 : i32
        %get3A_1311 = arith.index_cast %add3A_1310 : i32 to index
        %get3A_1312 = arith.constant 80 : index
        %get3A_1313 = tpu.vector_load %arg6[%get3A_1311, %get3A_1312] {strides = array<i32>} : memref<200x128xf32, #tpu.memory_space<vmem>>, vector<16xf32>,
        %mul3A_1314 = arith.constant 40 : i32
        %mul3A_1315 = arith.muli %select_n3A_1002, %mul3A_1314 : i32
        %add3A_1316 = arith.addi %mul3A_1315, %add3A_1278 : i32
        %get3A_1317 = arith.index_cast %add3A_1316 : i32 to index
        %get3A_1318 = arith.constant 96 : index
        %get3A_1319 = tpu.vector_load %arg6[%get3A_1317, %get3A_1318] {strides = array<i32>} : memref<200x128xf32, #tpu.memory_space<vmem>>, vector<16xf32>,
        %mul3A_1320 = arith.constant 40 : i32
        %mul3A_1321 = arith.muli %select_n3A_1002, %mul3A_1320 : i32
        %add3A_1322 = arith.addi %mul3A_1321, %add3A_1278 : i32
        %get3A_1323 = arith.index_cast %add3A_1322 : i32 to index
        %get3A_1324 = arith.constant 112 : index
        %get3A_1325 = tpu.vector_load %arg6[%get3A_1323, %get3A_1324] {strides = array<i32>} : memref<200x128xf32, #tpu.memory_space<vmem>>, vector<16xf32>,
        %add3A_1326 = arith.constant 0 : i32
        %add3A_1327 = arith.addi %add3A_1326, %add3A_1278 : i32
        %get3A_1328 = arith.index_cast %add3A_1327 : i32 to index
        %get3A_1329 = arith.constant 0 : index
        %get3A_1330 = tpu.vector_load %arg10[%get3A_1328, %get3A_1329] {strides = array<i32>} : memref<160x128xf32, #tpu.memory_space<vmem>>, vector<16xf32>,
        %mul3A_1331 = arith.constant 11.3137083 : f32
        %mul3A_1332 = vector.broadcast %mul3A_1331 : f32 to vector<16xf32>
        %mul3A_1333 = arith.mulf %get3A_1330, %mul3A_1332 : vector<16xf32>
        %add3A_1334 = arith.addf %mul3A_1333, %get3A_1283 : vector<16xf32>
        %swap3A_1335 = arith.index_cast %add3A_1327 : i32 to index
        %swap3A_1336 = arith.constant 0 : index
        %swap3A_1337 = tpu.vector_load %arg10[%swap3A_1335, %swap3A_1336] {strides = array<i32>} : memref<160x128xf32, #tpu.memory_space<vmem>>, vector<16xf32>,
        tpu.vector_store %arg10[%swap3A_1335, %swap3A_1336], %add3A_1334 {strides = array<i32>} : memref<160x128xf32, #tpu.memory_space<vmem>>, vector<16xf32>,
        %get3A_1338 = arith.index_cast %add3A_1327 : i32 to index
        %get3A_1339 = arith.constant 16 : index
        %get3A_1340 = tpu.vector_load %arg10[%get3A_1338, %get3A_1339] {strides = array<i32>} : memref<160x128xf32, #tpu.memory_space<vmem>>, vector<16xf32>,
        %mul3A_1341 = arith.constant 11.3137083 : f32
        %mul3A_1342 = vector.broadcast %mul3A_1341 : f32 to vector<16xf32>
        %mul3A_1343 = arith.mulf %get3A_1340, %mul3A_1342 : vector<16xf32>
        %add3A_1344 = arith.addf %mul3A_1343, %get3A_1289 : vector<16xf32>
        %swap3A_1345 = arith.index_cast %add3A_1327 : i32 to index
        %swap3A_1346 = arith.constant 16 : index
        %swap3A_1347 = tpu.vector_load %arg10[%swap3A_1345, %swap3A_1346] {strides = array<i32>} : memref<160x128xf32, #tpu.memory_space<vmem>>, vector<16xf32>,
        tpu.vector_store %arg10[%swap3A_1345, %swap3A_1346], %add3A_1344 {strides = array<i32>} : memref<160x128xf32, #tpu.memory_space<vmem>>, vector<16xf32>,
        %get3A_1348 = arith.index_cast %add3A_1327 : i32 to index
        %get3A_1349 = arith.constant 32 : index
        %get3A_1350 = tpu.vector_load %arg10[%get3A_1348, %get3A_1349] {strides = array<i32>} : memref<160x128xf32, #tpu.memory_space<vmem>>, vector<16xf32>,
        %mul3A_1351 = arith.constant 11.3137083 : f32
        %mul3A_1352 = vector.broadcast %mul3A_1351 : f32 to vector<16xf32>
        %mul3A_1353 = arith.mulf %get3A_1350, %mul3A_1352 : vector<16xf32>
        %add3A_1354 = arith.addf %mul3A_1353, %get3A_1295 : vector<16xf32>
        %swap3A_1355 = arith.index_cast %add3A_1327 : i32 to index
        %swap3A_1356 = arith.constant 32 : index
        %swap3A_1357 = tpu.vector_load %arg10[%swap3A_1355, %swap3A_1356] {strides = array<i32>} : memref<160x128xf32, #tpu.memory_space<vmem>>, vector<16xf32>,
        tpu.vector_store %arg10[%swap3A_1355, %swap3A_1356], %add3A_1354 {strides = array<i32>} : memref<160x128xf32, #tpu.memory_space<vmem>>, vector<16xf32>,
        %get3A_1358 = arith.index_cast %add3A_1327 : i32 to index
        %get3A_1359 = arith.constant 48 : index
        %get3A_1360 = tpu.vector_load %arg10[%get3A_1358, %get3A_1359] {strides = array<i32>} : memref<160x128xf32, #tpu.memory_space<vmem>>, vector<16xf32>,
        %mul3A_1361 = arith.constant 11.3137083 : f32
        %mul3A_1362 = vector.broadcast %mul3A_1361 : f32 to vector<16xf32>
        %mul3A_1363 = arith.mulf %get3A_1360, %mul3A_1362 : vector<16xf32>
        %add3A_1364 = arith.addf %mul3A_1363, %get3A_1301 : vector<16xf32>
        %swap3A_1365 = arith.index_cast %add3A_1327 : i32 to index
        %swap3A_1366 = arith.constant 48 : index
        %swap3A_1367 = tpu.vector_load %arg10[%swap3A_1365, %swap3A_1366] {strides = array<i32>} : memref<160x128xf32, #tpu.memory_space<vmem>>, vector<16xf32>,
        tpu.vector_store %arg10[%swap3A_1365, %swap3A_1366], %add3A_1364 {strides = array<i32>} : memref<160x128xf32, #tpu.memory_space<vmem>>, vector<16xf32>,
        %get3A_1368 = arith.index_cast %add3A_1327 : i32 to index
        %get3A_1369 = arith.constant 64 : index
        %get3A_1370 = tpu.vector_load %arg10[%get3A_1368, %get3A_1369] {strides = array<i32>} : memref<160x128xf32, #tpu.memory_space<vmem>>, vector<16xf32>,
        %mul3A_1371 = arith.constant 11.3137083 : f32
        %mul3A_1372 = vector.broadcast %mul3A_1371 : f32 to vector<16xf32>
        %mul3A_1373 = arith.mulf %get3A_1370, %mul3A_1372 : vector<16xf32>
        %add3A_1374 = arith.addf %mul3A_1373, %get3A_1307 : vector<16xf32>
        %swap3A_1375 = arith.index_cast %add3A_1327 : i32 to index
        %swap3A_1376 = arith.constant 64 : index
        %swap3A_1377 = tpu.vector_load %arg10[%swap3A_1375, %swap3A_1376] {strides = array<i32>} : memref<160x128xf32, #tpu.memory_space<vmem>>, vector<16xf32>,
        tpu.vector_store %arg10[%swap3A_1375, %swap3A_1376], %add3A_1374 {strides = array<i32>} : memref<160x128xf32, #tpu.memory_space<vmem>>, vector<16xf32>,
        %get3A_1378 = arith.index_cast %add3A_1327 : i32 to index
        %get3A_1379 = arith.constant 80 : index
        %get3A_1380 = tpu.vector_load %arg10[%get3A_1378, %get3A_1379] {strides = array<i32>} : memref<160x128xf32, #tpu.memory_space<vmem>>, vector<16xf32>,
        %mul3A_1381 = arith.constant 11.3137083 : f32
        %mul3A_1382 = vector.broadcast %mul3A_1381 : f32 to vector<16xf32>
        %mul3A_1383 = arith.mulf %get3A_1380, %mul3A_1382 : vector<16xf32>
        %add3A_1384 = arith.addf %mul3A_1383, %get3A_1313 : vector<16xf32>
        %swap3A_1385 = arith.index_cast %add3A_1327 : i32 to index
        %swap3A_1386 = arith.constant 80 : index
        %swap3A_1387 = tpu.vector_load %arg10[%swap3A_1385, %swap3A_1386] {strides = array<i32>} : memref<160x128xf32, #tpu.memory_space<vmem>>, vector<16xf32>,
        tpu.vector_store %arg10[%swap3A_1385, %swap3A_1386], %add3A_1384 {strides = array<i32>} : memref<160x128xf32, #tpu.memory_space<vmem>>, vector<16xf32>,
        %get3A_1388 = arith.index_cast %add3A_1327 : i32 to index
        %get3A_1389 = arith.constant 96 : index
        %get3A_1390 = tpu.vector_load %arg10[%get3A_1388, %get3A_1389] {strides = array<i32>} : memref<160x128xf32, #tpu.memory_space<vmem>>, vector<16xf32>,
        %mul3A_1391 = arith.constant 11.3137083 : f32
        %mul3A_1392 = vector.broadcast %mul3A_1391 : f32 to vector<16xf32>
        %mul3A_1393 = arith.mulf %get3A_1390, %mul3A_1392 : vector<16xf32>
        %add3A_1394 = arith.addf %mul3A_1393, %get3A_1319 : vector<16xf32>
        %swap3A_1395 = arith.index_cast %add3A_1327 : i32 to index
        %swap3A_1396 = arith.constant 96 : index
        %swap3A_1397 = tpu.vector_load %arg10[%swap3A_1395, %swap3A_1396] {strides = array<i32>} : memref<160x128xf32, #tpu.memory_space<vmem>>, vector<16xf32>,
        tpu.vector_store %arg10[%swap3A_1395, %swap3A_1396], %add3A_1394 {strides = array<i32>} : memref<160x128xf32, #tpu.memory_space<vmem>>, vector<16xf32>,
        %get3A_1398 = arith.index_cast %add3A_1327 : i32 to index
        %get3A_1399 = arith.constant 112 : index
        %get3A_1400 = tpu.vector_load %arg10[%get3A_1398, %get3A_1399] {strides = array<i32>} : memref<160x128xf32, #tpu.memory_space<vmem>>, vector<16xf32>,
        %mul3A_1401 = arith.constant 11.3137083 : f32
        %mul3A_1402 = vector.broadcast %mul3A_1401 : f32 to vector<16xf32>
        %mul3A_1403 = arith.mulf %get3A_1400, %mul3A_1402 : vector<16xf32>
        %add3A_1404 = arith.addf %mul3A_1403, %get3A_1325 : vector<16xf32>
        %swap3A_1405 = arith.index_cast %add3A_1327 : i32 to index
        %swap3A_1406 = arith.constant 112 : index
        %swap3A_1407 = tpu.vector_load %arg10[%swap3A_1405, %swap3A_1406] {strides = array<i32>} : memref<160x128xf32, #tpu.memory_space<vmem>>, vector<16xf32>,
        tpu.vector_store %arg10[%swap3A_1405, %swap3A_1406], %add3A_1404 {strides = array<i32>} : memref<160x128xf32, #tpu.memory_space<vmem>>, vector<16xf32>,
        %add3A_1408 = arith.constant 40 : i32
        %add3A_1409 = arith.addi %add3A_1408, %add3A_1278 : i32
        %get3A_1410 = arith.index_cast %add3A_1409 : i32 to index
        %get3A_1411 = arith.constant 0 : index
        %get3A_1412 = tpu.vector_load %arg10[%get3A_1410, %get3A_1411] {strides = array<i32>} : memref<160x128xf32, #tpu.memory_space<vmem>>, vector<16xf32>,
        %mul3A_1413 = arith.constant 11.3137083 : f32
        %mul3A_1414 = vector.broadcast %mul3A_1413 : f32 to vector<16xf32>
        %mul3A_1415 = arith.mulf %get3A_1412, %mul3A_1414 : vector<16xf32>
        %add3A_1416 = arith.addf %mul3A_1415, %get3A_1283 : vector<16xf32>
        %swap3A_1417 = arith.index_cast %add3A_1409 : i32 to index
        %swap3A_1418 = arith.constant 0 : index
        %swap3A_1419 = tpu.vector_load %arg10[%swap3A_1417, %swap3A_1418] {strides = array<i32>} : memref<160x128xf32, #tpu.memory_space<vmem>>, vector<16xf32>,
        tpu.vector_store %arg10[%swap3A_1417, %swap3A_1418], %add3A_1416 {strides = array<i32>} : memref<160x128xf32, #tpu.memory_space<vmem>>, vector<16xf32>,
        %get3A_1420 = arith.index_cast %add3A_1409 : i32 to index
        %get3A_1421 = arith.constant 16 : index
        %get3A_1422 = tpu.vector_load %arg10[%get3A_1420, %get3A_1421] {strides = array<i32>} : memref<160x128xf32, #tpu.memory_space<vmem>>, vector<16xf32>,
        %mul3A_1423 = arith.constant 11.3137083 : f32
        %mul3A_1424 = vector.broadcast %mul3A_1423 : f32 to vector<16xf32>
        %mul3A_1425 = arith.mulf %get3A_1422, %mul3A_1424 : vector<16xf32>
        %add3A_1426 = arith.addf %mul3A_1425, %get3A_1289 : vector<16xf32>
        %swap3A_1427 = arith.index_cast %add3A_1409 : i32 to index
        %swap3A_1428 = arith.constant 16 : index
        %swap3A_1429 = tpu.vector_load %arg10[%swap3A_1427, %swap3A_1428] {strides = array<i32>} : memref<160x128xf32, #tpu.memory_space<vmem>>, vector<16xf32>,
        tpu.vector_store %arg10[%swap3A_1427, %swap3A_1428], %add3A_1426 {strides = array<i32>} : memref<160x128xf32, #tpu.memory_space<vmem>>, vector<16xf32>,
        %get3A_1430 = arith.index_cast %add3A_1409 : i32 to index
        %get3A_1431 = arith.constant 32 : index
        %get3A_1432 = tpu.vector_load %arg10[%get3A_1430, %get3A_1431] {strides = array<i32>} : memref<160x128xf32, #tpu.memory_space<vmem>>, vector<16xf32>,
        %mul3A_1433 = arith.constant 11.3137083 : f32
        %mul3A_1434 = vector.broadcast %mul3A_1433 : f32 to vector<16xf32>
        %mul3A_1435 = arith.mulf %get3A_1432, %mul3A_1434 : vector<16xf32>
        %add3A_1436 = arith.addf %mul3A_1435, %get3A_1295 : vector<16xf32>
        %swap3A_1437 = arith.index_cast %add3A_1409 : i32 to index
        %swap3A_1438 = arith.constant 32 : index
        %swap3A_1439 = tpu.vector_load %arg10[%swap3A_1437, %swap3A_1438] {strides = array<i32>} : memref<160x128xf32, #tpu.memory_space<vmem>>, vector<16xf32>,
        tpu.vector_store %arg10[%swap3A_1437, %swap3A_1438], %add3A_1436 {strides = array<i32>} : memref<160x128xf32, #tpu.memory_space<vmem>>, vector<16xf32>,
        %get3A_1440 = arith.index_cast %add3A_1409 : i32 to index
        %get3A_1441 = arith.constant 48 : index
        %get3A_1442 = tpu.vector_load %arg10[%get3A_1440, %get3A_1441] {strides = array<i32>} : memref<160x128xf32, #tpu.memory_space<vmem>>, vector<16xf32>,
        %mul3A_1443 = arith.constant 11.3137083 : f32
        %mul3A_1444 = vector.broadcast %mul3A_1443 : f32 to vector<16xf32>
        %mul3A_1445 = arith.mulf %get3A_1442, %mul3A_1444 : vector<16xf32>
        %add3A_1446 = arith.addf %mul3A_1445, %get3A_1301 : vector<16xf32>
        %swap3A_1447 = arith.index_cast %add3A_1409 : i32 to index
        %swap3A_1448 = arith.constant 48 : index
        %swap3A_1449 = tpu.vector_load %arg10[%swap3A_1447, %swap3A_1448] {strides = array<i32>} : memref<160x128xf32, #tpu.memory_space<vmem>>, vector<16xf32>,
        tpu.vector_store %arg10[%swap3A_1447, %swap3A_1448], %add3A_1446 {strides = array<i32>} : memref<160x128xf32, #tpu.memory_space<vmem>>, vector<16xf32>,
        %get3A_1450 = arith.index_cast %add3A_1409 : i32 to index
        %get3A_1451 = arith.constant 64 : index
        %get3A_1452 = tpu.vector_load %arg10[%get3A_1450, %get3A_1451] {strides = array<i32>} : memref<160x128xf32, #tpu.memory_space<vmem>>, vector<16xf32>,
        %mul3A_1453 = arith.constant 11.3137083 : f32
        %mul3A_1454 = vector.broadcast %mul3A_1453 : f32 to vector<16xf32>
        %mul3A_1455 = arith.mulf %get3A_1452, %mul3A_1454 : vector<16xf32>
        %add3A_1456 = arith.addf %mul3A_1455, %get3A_1307 : vector<16xf32>
        %swap3A_1457 = arith.index_cast %add3A_1409 : i32 to index
        %swap3A_1458 = arith.constant 64 : index
        %swap3A_1459 = tpu.vector_load %arg10[%swap3A_1457, %swap3A_1458] {strides = array<i32>} : memref<160x128xf32, #tpu.memory_space<vmem>>, vector<16xf32>,
        tpu.vector_store %arg10[%swap3A_1457, %swap3A_1458], %add3A_1456 {strides = array<i32>} : memref<160x128xf32, #tpu.memory_space<vmem>>, vector<16xf32>,
        %get3A_1460 = arith.index_cast %add3A_1409 : i32 to index
        %get3A_1461 = arith.constant 80 : index
        %get3A_1462 = tpu.vector_load %arg10[%get3A_1460, %get3A_1461] {strides = array<i32>} : memref<160x128xf32, #tpu.memory_space<vmem>>, vector<16xf32>,
        %mul3A_1463 = arith.constant 11.3137083 : f32
        %mul3A_1464 = vector.broadcast %mul3A_1463 : f32 to vector<16xf32>
        %mul3A_1465 = arith.mulf %get3A_1462, %mul3A_1464 : vector<16xf32>
        %add3A_1466 = arith.addf %mul3A_1465, %get3A_1313 : vector<16xf32>
        %swap3A_1467 = arith.index_cast %add3A_1409 : i32 to index
        %swap3A_1468 = arith.constant 80 : index
        %swap3A_1469 = tpu.vector_load %arg10[%swap3A_1467, %swap3A_1468] {strides = array<i32>} : memref<160x128xf32, #tpu.memory_space<vmem>>, vector<16xf32>,
        tpu.vector_store %arg10[%swap3A_1467, %swap3A_1468], %add3A_1466 {strides = array<i32>} : memref<160x128xf32, #tpu.memory_space<vmem>>, vector<16xf32>,
        %get3A_1470 = arith.index_cast %add3A_1409 : i32 to index
        %get3A_1471 = arith.constant 96 : index
        %get3A_1472 = tpu.vector_load %arg10[%get3A_1470, %get3A_1471] {strides = array<i32>} : memref<160x128xf32, #tpu.memory_space<vmem>>, vector<16xf32>,
        %mul3A_1473 = arith.constant 11.3137083 : f32
        %mul3A_1474 = vector.broadcast %mul3A_1473 : f32 to vector<16xf32>
        %mul3A_1475 = arith.mulf %get3A_1472, %mul3A_1474 : vector<16xf32>
        %add3A_1476 = arith.addf %mul3A_1475, %get3A_1319 : vector<16xf32>
        %swap3A_1477 = arith.index_cast %add3A_1409 : i32 to index
        %swap3A_1478 = arith.constant 96 : index
        %swap3A_1479 = tpu.vector_load %arg10[%swap3A_1477, %swap3A_1478] {strides = array<i32>} : memref<160x128xf32, #tpu.memory_space<vmem>>, vector<16xf32>,
        tpu.vector_store %arg10[%swap3A_1477, %swap3A_1478], %add3A_1476 {strides = array<i32>} : memref<160x128xf32, #tpu.memory_space<vmem>>, vector<16xf32>,
        %get3A_1480 = arith.index_cast %add3A_1409 : i32 to index
        %get3A_1481 = arith.constant 112 : index
        %get3A_1482 = tpu.vector_load %arg10[%get3A_1480, %get3A_1481] {strides = array<i32>} : memref<160x128xf32, #tpu.memory_space<vmem>>, vector<16xf32>,
        %mul3A_1483 = arith.constant 11.3137083 : f32
        %mul3A_1484 = vector.broadcast %mul3A_1483 : f32 to vector<16xf32>
        %mul3A_1485 = arith.mulf %get3A_1482, %mul3A_1484 : vector<16xf32>
        %add3A_1486 = arith.addf %mul3A_1485, %get3A_1325 : vector<16xf32>
        %swap3A_1487 = arith.index_cast %add3A_1409 : i32 to index
        %swap3A_1488 = arith.constant 112 : index
        %swap3A_1489 = tpu.vector_load %arg10[%swap3A_1487, %swap3A_1488] {strides = array<i32>} : memref<160x128xf32, #tpu.memory_space<vmem>>, vector<16xf32>,
        tpu.vector_store %arg10[%swap3A_1487, %swap3A_1488], %add3A_1486 {strides = array<i32>} : memref<160x128xf32, #tpu.memory_space<vmem>>, vector<16xf32>,
        %add3A_1490 = arith.constant 80 : i32
        %add3A_1491 = arith.addi %add3A_1490, %add3A_1278 : i32
        %get3A_1492 = arith.index_cast %add3A_1491 : i32 to index
        %get3A_1493 = arith.constant 0 : index
        %get3A_1494 = tpu.vector_load %arg10[%get3A_1492, %get3A_1493] {strides = array<i32>} : memref<160x128xf32, #tpu.memory_space<vmem>>, vector<16xf32>,
        %mul3A_1495 = arith.constant 11.3137083 : f32
        %mul3A_1496 = vector.broadcast %mul3A_1495 : f32 to vector<16xf32>
        %mul3A_1497 = arith.mulf %get3A_1494, %mul3A_1496 : vector<16xf32>
        %add3A_1498 = arith.addf %mul3A_1497, %get3A_1283 : vector<16xf32>
        %swap3A_1499 = arith.index_cast %add3A_1491 : i32 to index
        %swap3A_1500 = arith.constant 0 : index
        %swap3A_1501 = tpu.vector_load %arg10[%swap3A_1499, %swap3A_1500] {strides = array<i32>} : memref<160x128xf32, #tpu.memory_space<vmem>>, vector<16xf32>,
        tpu.vector_store %arg10[%swap3A_1499, %swap3A_1500], %add3A_1498 {strides = array<i32>} : memref<160x128xf32, #tpu.memory_space<vmem>>, vector<16xf32>,
        %get3A_1502 = arith.index_cast %add3A_1491 : i32 to index
        %get3A_1503 = arith.constant 16 : index
        %get3A_1504 = tpu.vector_load %arg10[%get3A_1502, %get3A_1503] {strides = array<i32>} : memref<160x128xf32, #tpu.memory_space<vmem>>, vector<16xf32>,
        %mul3A_1505 = arith.constant 11.3137083 : f32
        %mul3A_1506 = vector.broadcast %mul3A_1505 : f32 to vector<16xf32>
        %mul3A_1507 = arith.mulf %get3A_1504, %mul3A_1506 : vector<16xf32>
        %add3A_1508 = arith.addf %mul3A_1507, %get3A_1289 : vector<16xf32>
        %swap3A_1509 = arith.index_cast %add3A_1491 : i32 to index
        %swap3A_1510 = arith.constant 16 : index
        %swap3A_1511 = tpu.vector_load %arg10[%swap3A_1509, %swap3A_1510] {strides = array<i32>} : memref<160x128xf32, #tpu.memory_space<vmem>>, vector<16xf32>,
        tpu.vector_store %arg10[%swap3A_1509, %swap3A_1510], %add3A_1508 {strides = array<i32>} : memref<160x128xf32, #tpu.memory_space<vmem>>, vector<16xf32>,
        %get3A_1512 = arith.index_cast %add3A_1491 : i32 to index
        %get3A_1513 = arith.constant 32 : index
        %get3A_1514 = tpu.vector_load %arg10[%get3A_1512, %get3A_1513] {strides = array<i32>} : memref<160x128xf32, #tpu.memory_space<vmem>>, vector<16xf32>,
        %mul3A_1515 = arith.constant 11.3137083 : f32
        %mul3A_1516 = vector.broadcast %mul3A_1515 : f32 to vector<16xf32>
        %mul3A_1517 = arith.mulf %get3A_1514, %mul3A_1516 : vector<16xf32>
        %add3A_1518 = arith.addf %mul3A_1517, %get3A_1295 : vector<16xf32>
        %swap3A_1519 = arith.index_cast %add3A_1491 : i32 to index
        %swap3A_1520 = arith.constant 32 : index
        %swap3A_1521 = tpu.vector_load %arg10[%swap3A_1519, %swap3A_1520] {strides = array<i32>} : memref<160x128xf32, #tpu.memory_space<vmem>>, vector<16xf32>,
        tpu.vector_store %arg10[%swap3A_1519, %swap3A_1520], %add3A_1518 {strides = array<i32>} : memref<160x128xf32, #tpu.memory_space<vmem>>, vector<16xf32>,
        %get3A_1522 = arith.index_cast %add3A_1491 : i32 to index
        %get3A_1523 = arith.constant 48 : index
        %get3A_1524 = tpu.vector_load %arg10[%get3A_1522, %get3A_1523] {strides = array<i32>} : memref<160x128xf32, #tpu.memory_space<vmem>>, vector<16xf32>,
        %mul3A_1525 = arith.constant 11.3137083 : f32
        %mul3A_1526 = vector.broadcast %mul3A_1525 : f32 to vector<16xf32>
        %mul3A_1527 = arith.mulf %get3A_1524, %mul3A_1526 : vector<16xf32>
        %add3A_1528 = arith.addf %mul3A_1527, %get3A_1301 : vector<16xf32>
        %swap3A_1529 = arith.index_cast %add3A_1491 : i32 to index
        %swap3A_1530 = arith.constant 48 : index
        %swap3A_1531 = tpu.vector_load %arg10[%swap3A_1529, %swap3A_1530] {strides = array<i32>} : memref<160x128xf32, #tpu.memory_space<vmem>>, vector<16xf32>,
        tpu.vector_store %arg10[%swap3A_1529, %swap3A_1530], %add3A_1528 {strides = array<i32>} : memref<160x128xf32, #tpu.memory_space<vmem>>, vector<16xf32>,
        %get3A_1532 = arith.index_cast %add3A_1491 : i32 to index
        %get3A_1533 = arith.constant 64 : index
        %get3A_1534 = tpu.vector_load %arg10[%get3A_1532, %get3A_1533] {strides = array<i32>} : memref<160x128xf32, #tpu.memory_space<vmem>>, vector<16xf32>,
        %mul3A_1535 = arith.constant 11.3137083 : f32
        %mul3A_1536 = vector.broadcast %mul3A_1535 : f32 to vector<16xf32>
        %mul3A_1537 = arith.mulf %get3A_1534, %mul3A_1536 : vector<16xf32>
        %add3A_1538 = arith.addf %mul3A_1537, %get3A_1307 : vector<16xf32>
        %swap3A_1539 = arith.index_cast %add3A_1491 : i32 to index
        %swap3A_1540 = arith.constant 64 : index
        %swap3A_1541 = tpu.vector_load %arg10[%swap3A_1539, %swap3A_1540] {strides = array<i32>} : memref<160x128xf32, #tpu.memory_space<vmem>>, vector<16xf32>,
        tpu.vector_store %arg10[%swap3A_1539, %swap3A_1540], %add3A_1538 {strides = array<i32>} : memref<160x128xf32, #tpu.memory_space<vmem>>, vector<16xf32>,
        %get3A_1542 = arith.index_cast %add3A_1491 : i32 to index
        %get3A_1543 = arith.constant 80 : index
        %get3A_1544 = tpu.vector_load %arg10[%get3A_1542, %get3A_1543] {strides = array<i32>} : memref<160x128xf32, #tpu.memory_space<vmem>>, vector<16xf32>,
        %mul3A_1545 = arith.constant 11.3137083 : f32
        %mul3A_1546 = vector.broadcast %mul3A_1545 : f32 to vector<16xf32>
        %mul3A_1547 = arith.mulf %get3A_1544, %mul3A_1546 : vector<16xf32>
        %add3A_1548 = arith.addf %mul3A_1547, %get3A_1313 : vector<16xf32>
        %swap3A_1549 = arith.index_cast %add3A_1491 : i32 to index
        %swap3A_1550 = arith.constant 80 : index
        %swap3A_1551 = tpu.vector_load %arg10[%swap3A_1549, %swap3A_1550] {strides = array<i32>} : memref<160x128xf32, #tpu.memory_space<vmem>>, vector<16xf32>,
        tpu.vector_store %arg10[%swap3A_1549, %swap3A_1550], %add3A_1548 {strides = array<i32>} : memref<160x128xf32, #tpu.memory_space<vmem>>, vector<16xf32>,
        %get3A_1552 = arith.index_cast %add3A_1491 : i32 to index
        %get3A_1553 = arith.constant 96 : index
        %get3A_1554 = tpu.vector_load %arg10[%get3A_1552, %get3A_1553] {strides = array<i32>} : memref<160x128xf32, #tpu.memory_space<vmem>>, vector<16xf32>,
        %mul3A_1555 = arith.constant 11.3137083 : f32
        %mul3A_1556 = vector.broadcast %mul3A_1555 : f32 to vector<16xf32>
        %mul3A_1557 = arith.mulf %get3A_1554, %mul3A_1556 : vector<16xf32>
        %add3A_1558 = arith.addf %mul3A_1557, %get3A_1319 : vector<16xf32>
        %swap3A_1559 = arith.index_cast %add3A_1491 : i32 to index
        %swap3A_1560 = arith.constant 96 : index
        %swap3A_1561 = tpu.vector_load %arg10[%swap3A_1559, %swap3A_1560] {strides = array<i32>} : memref<160x128xf32, #tpu.memory_space<vmem>>, vector<16xf32>,
        tpu.vector_store %arg10[%swap3A_1559, %swap3A_1560], %add3A_1558 {strides = array<i32>} : memref<160x128xf32, #tpu.memory_space<vmem>>, vector<16xf32>,
        %get3A_1562 = arith.index_cast %add3A_1491 : i32 to index
        %get3A_1563 = arith.constant 112 : index
        %get3A_1564 = tpu.vector_load %arg10[%get3A_1562, %get3A_1563] {strides = array<i32>} : memref<160x128xf32, #tpu.memory_space<vmem>>, vector<16xf32>,
        %mul3A_1565 = arith.constant 11.3137083 : f32
        %mul3A_1566 = vector.broadcast %mul3A_1565 : f32 to vector<16xf32>
        %mul3A_1567 = arith.mulf %get3A_1564, %mul3A_1566 : vector<16xf32>
        %add3A_1568 = arith.addf %mul3A_1567, %get3A_1325 : vector<16xf32>
        %swap3A_1569 = arith.index_cast %add3A_1491 : i32 to index
        %swap3A_1570 = arith.constant 112 : index
        %swap3A_1571 = tpu.vector_load %arg10[%swap3A_1569, %swap3A_1570] {strides = array<i32>} : memref<160x128xf32, #tpu.memory_space<vmem>>, vector<16xf32>,
        tpu.vector_store %arg10[%swap3A_1569, %swap3A_1570], %add3A_1568 {strides = array<i32>} : memref<160x128xf32, #tpu.memory_space<vmem>>, vector<16xf32>,
        %add3A_1572 = arith.constant 120 : i32
        %add3A_1573 = arith.addi %add3A_1572, %add3A_1278 : i32
        %get3A_1574 = arith.index_cast %add3A_1573 : i32 to index
        %get3A_1575 = arith.constant 0 : index
        %get3A_1576 = tpu.vector_load %arg10[%get3A_1574, %get3A_1575] {strides = array<i32>} : memref<160x128xf32, #tpu.memory_space<vmem>>, vector<16xf32>,
        %mul3A_1577 = arith.constant 11.3137083 : f32
        %mul3A_1578 = vector.broadcast %mul3A_1577 : f32 to vector<16xf32>
        %mul3A_1579 = arith.mulf %get3A_1576, %mul3A_1578 : vector<16xf32>
        %add3A_1580 = arith.addf %mul3A_1579, %get3A_1283 : vector<16xf32>
        %swap3A_1581 = arith.index_cast %add3A_1573 : i32 to index
        %swap3A_1582 = arith.constant 0 : index
        %swap3A_1583 = tpu.vector_load %arg10[%swap3A_1581, %swap3A_1582] {strides = array<i32>} : memref<160x128xf32, #tpu.memory_space<vmem>>, vector<16xf32>,
        tpu.vector_store %arg10[%swap3A_1581, %swap3A_1582], %add3A_1580 {strides = array<i32>} : memref<160x128xf32, #tpu.memory_space<vmem>>, vector<16xf32>,
        %get3A_1584 = arith.index_cast %add3A_1573 : i32 to index
        %get3A_1585 = arith.constant 16 : index
        %get3A_1586 = tpu.vector_load %arg10[%get3A_1584, %get3A_1585] {strides = array<i32>} : memref<160x128xf32, #tpu.memory_space<vmem>>, vector<16xf32>,
        %mul3A_1587 = arith.constant 11.3137083 : f32
        %mul3A_1588 = vector.broadcast %mul3A_1587 : f32 to vector<16xf32>
        %mul3A_1589 = arith.mulf %get3A_1586, %mul3A_1588 : vector<16xf32>
        %add3A_1590 = arith.addf %mul3A_1589, %get3A_1289 : vector<16xf32>
        %swap3A_1591 = arith.index_cast %add3A_1573 : i32 to index
        %swap3A_1592 = arith.constant 16 : index
        %swap3A_1593 = tpu.vector_load %arg10[%swap3A_1591, %swap3A_1592] {strides = array<i32>} : memref<160x128xf32, #tpu.memory_space<vmem>>, vector<16xf32>,
        tpu.vector_store %arg10[%swap3A_1591, %swap3A_1592], %add3A_1590 {strides = array<i32>} : memref<160x128xf32, #tpu.memory_space<vmem>>, vector<16xf32>,
        %get3A_1594 = arith.index_cast %add3A_1573 : i32 to index
        %get3A_1595 = arith.constant 32 : index
        %get3A_1596 = tpu.vector_load %arg10[%get3A_1594, %get3A_1595] {strides = array<i32>} : memref<160x128xf32, #tpu.memory_space<vmem>>, vector<16xf32>,
        %mul3A_1597 = arith.constant 11.3137083 : f32
        %mul3A_1598 = vector.broadcast %mul3A_1597 : f32 to vector<16xf32>
        %mul3A_1599 = arith.mulf %get3A_1596, %mul3A_1598 : vector<16xf32>
        %add3A_1600 = arith.addf %mul3A_1599, %get3A_1295 : vector<16xf32>
        %swap3A_1601 = arith.index_cast %add3A_1573 : i32 to index
        %swap3A_1602 = arith.constant 32 : index
        %swap3A_1603 = tpu.vector_load %arg10[%swap3A_1601, %swap3A_1602] {strides = array<i32>} : memref<160x128xf32, #tpu.memory_space<vmem>>, vector<16xf32>,
        tpu.vector_store %arg10[%swap3A_1601, %swap3A_1602], %add3A_1600 {strides = array<i32>} : memref<160x128xf32, #tpu.memory_space<vmem>>, vector<16xf32>,
        %get3A_1604 = arith.index_cast %add3A_1573 : i32 to index
        %get3A_1605 = arith.constant 48 : index
        %get3A_1606 = tpu.vector_load %arg10[%get3A_1604, %get3A_1605] {strides = array<i32>} : memref<160x128xf32, #tpu.memory_space<vmem>>, vector<16xf32>,
        %mul3A_1607 = arith.constant 11.3137083 : f32
        %mul3A_1608 = vector.broadcast %mul3A_1607 : f32 to vector<16xf32>
        %mul3A_1609 = arith.mulf %get3A_1606, %mul3A_1608 : vector<16xf32>
        %add3A_1610 = arith.addf %mul3A_1609, %get3A_1301 : vector<16xf32>
        %swap3A_1611 = arith.index_cast %add3A_1573 : i32 to index
        %swap3A_1612 = arith.constant 48 : index
        %swap3A_1613 = tpu.vector_load %arg10[%swap3A_1611, %swap3A_1612] {strides = array<i32>} : memref<160x128xf32, #tpu.memory_space<vmem>>, vector<16xf32>,
        tpu.vector_store %arg10[%swap3A_1611, %swap3A_1612], %add3A_1610 {strides = array<i32>} : memref<160x128xf32, #tpu.memory_space<vmem>>, vector<16xf32>,
        %get3A_1614 = arith.index_cast %add3A_1573 : i32 to index
        %get3A_1615 = arith.constant 64 : index
        %get3A_1616 = tpu.vector_load %arg10[%get3A_1614, %get3A_1615] {strides = array<i32>} : memref<160x128xf32, #tpu.memory_space<vmem>>, vector<16xf32>,
        %mul3A_1617 = arith.constant 11.3137083 : f32
        %mul3A_1618 = vector.broadcast %mul3A_1617 : f32 to vector<16xf32>
        %mul3A_1619 = arith.mulf %get3A_1616, %mul3A_1618 : vector<16xf32>
        %add3A_1620 = arith.addf %mul3A_1619, %get3A_1307 : vector<16xf32>
        %swap3A_1621 = arith.index_cast %add3A_1573 : i32 to index
        %swap3A_1622 = arith.constant 64 : index
        %swap3A_1623 = tpu.vector_load %arg10[%swap3A_1621, %swap3A_1622] {strides = array<i32>} : memref<160x128xf32, #tpu.memory_space<vmem>>, vector<16xf32>,
        tpu.vector_store %arg10[%swap3A_1621, %swap3A_1622], %add3A_1620 {strides = array<i32>} : memref<160x128xf32, #tpu.memory_space<vmem>>, vector<16xf32>,
        %get3A_1624 = arith.index_cast %add3A_1573 : i32 to index
        %get3A_1625 = arith.constant 80 : index
        %get3A_1626 = tpu.vector_load %arg10[%get3A_1624, %get3A_1625] {strides = array<i32>} : memref<160x128xf32, #tpu.memory_space<vmem>>, vector<16xf32>,
        %mul3A_1627 = arith.constant 11.3137083 : f32
        %mul3A_1628 = vector.broadcast %mul3A_1627 : f32 to vector<16xf32>
        %mul3A_1629 = arith.mulf %get3A_1626, %mul3A_1628 : vector<16xf32>
        %add3A_1630 = arith.addf %mul3A_1629, %get3A_1313 : vector<16xf32>
        %swap3A_1631 = arith.index_cast %add3A_1573 : i32 to index
        %swap3A_1632 = arith.constant 80 : index
        %swap3A_1633 = tpu.vector_load %arg10[%swap3A_1631, %swap3A_1632] {strides = array<i32>} : memref<160x128xf32, #tpu.memory_space<vmem>>, vector<16xf32>,
        tpu.vector_store %arg10[%swap3A_1631, %swap3A_1632], %add3A_1630 {strides = array<i32>} : memref<160x128xf32, #tpu.memory_space<vmem>>, vector<16xf32>,
        %get3A_1634 = arith.index_cast %add3A_1573 : i32 to index
        %get3A_1635 = arith.constant 96 : index
        %get3A_1636 = tpu.vector_load %arg10[%get3A_1634, %get3A_1635] {strides = array<i32>} : memref<160x128xf32, #tpu.memory_space<vmem>>, vector<16xf32>,
        %mul3A_1637 = arith.constant 11.3137083 : f32
        %mul3A_1638 = vector.broadcast %mul3A_1637 : f32 to vector<16xf32>
        %mul3A_1639 = arith.mulf %get3A_1636, %mul3A_1638 : vector<16xf32>
        %add3A_1640 = arith.addf %mul3A_1639, %get3A_1319 : vector<16xf32>
        %swap3A_1641 = arith.index_cast %add3A_1573 : i32 to index
        %swap3A_1642 = arith.constant 96 : index
        %swap3A_1643 = tpu.vector_load %arg10[%swap3A_1641, %swap3A_1642] {strides = array<i32>} : memref<160x128xf32, #tpu.memory_space<vmem>>, vector<16xf32>,
        tpu.vector_store %arg10[%swap3A_1641, %swap3A_1642], %add3A_1640 {strides = array<i32>} : memref<160x128xf32, #tpu.memory_space<vmem>>, vector<16xf32>,
        %get3A_1644 = arith.index_cast %add3A_1573 : i32 to index
        %get3A_1645 = arith.constant 112 : index
        %get3A_1646 = tpu.vector_load %arg10[%get3A_1644, %get3A_1645] {strides = array<i32>} : memref<160x128xf32, #tpu.memory_space<vmem>>, vector<16xf32>,
        %mul3A_1647 = arith.constant 11.3137083 : f32
        %mul3A_1648 = vector.broadcast %mul3A_1647 : f32 to vector<16xf32>
        %mul3A_1649 = arith.mulf %get3A_1646, %mul3A_1648 : vector<16xf32>
        %add3A_1650 = arith.addf %mul3A_1649, %get3A_1325 : vector<16xf32>
        %swap3A_1651 = arith.index_cast %add3A_1573 : i32 to index
        %swap3A_1652 = arith.constant 112 : index
        %swap3A_1653 = tpu.vector_load %arg10[%swap3A_1651, %swap3A_1652] {strides = array<i32>} : memref<160x128xf32, #tpu.memory_space<vmem>>, vector<16xf32>,
        tpu.vector_store %arg10[%swap3A_1651, %swap3A_1652], %add3A_1650 {strides = array<i32>} : memref<160x128xf32, #tpu.memory_space<vmem>>, vector<16xf32>,
      }
      %scan3A_1007 = arith.constant 40 : i32
      %jit3A_1008 = arith.constant 5 : i32
      %div3A_1009 = arith.divsi %add3A_954, %jit3A_1008 : i32
      %sign3A_1010 = arith.constant 0 : i32
      %sign3A_1011 = arith.cmpi sgt, %add3A_954, %sign3A_1010 : i32
      %sign3A_1012 = arith.extui %sign3A_1011 : i1 to i32
      %sign3A_1013 = arith.constant 0 : i32
      %sign3A_1014 = arith.cmpi slt, %add3A_954, %sign3A_1013 : i32
      %sign3A_1015 = arith.extui %sign3A_1014 : i1 to i32
      %sign3A_1016 = arith.subi %sign3A_1012, %sign3A_1015 : i32
      %sign3A_1017 = arith.constant 0 : i32
      %sign3A_1018 = arith.cmpi sgt, %jit3A_1008, %sign3A_1017 : i32
      %sign3A_1019 = arith.extui %sign3A_1018 : i1 to i32
      %sign3A_1020 = arith.constant 0 : i32
      %sign3A_1021 = arith.cmpi slt, %jit3A_1008, %sign3A_1020 : i32
      %sign3A_1022 = arith.extui %sign3A_1021 : i1 to i32
      %sign3A_1023 = arith.subi %sign3A_1019, %sign3A_1022 : i32
      %ne3A_1024 = arith.cmpi ne, %sign3A_1016, %sign3A_1023 : i32
      %rem3A_1025 = arith.remsi %add3A_954, %jit3A_1008 : i32
      %ne3A_1026 = arith.constant 0 : i32
      %ne3A_1027 = arith.cmpi ne, %rem3A_1025, %ne3A_1026 : i32
      %and3A_1028 = arith.andi %ne3A_1024, %ne3A_1027 : i1
      %sub3A_1029 = arith.constant 1 : i32
      %sub3A_1030 = arith.subi %div3A_1009, %sub3A_1029 : i32
      %select_n3A_1031 = arith.select %and3A_1028, %sub3A_1030, %div3A_1009 : i32
      %jit3A_1032 = arith.constant 5 : i32
      %eq3A_1033 = arith.constant 0 : i32
      %eq3A_1034 = arith.cmpi eq, %jit3A_1032, %eq3A_1033 : i32
      %jit3A_1035 = arith.constant 1 : i32
      %select_n3A_1036 = arith.select %eq3A_1034, %jit3A_1035, %jit3A_1032 : i32
      %rem3A_1037 = arith.remsi %add3A_954, %select_n3A_1036 : i32
      %ne3A_1038 = arith.constant 0 : i32
      %ne3A_1039 = arith.cmpi ne, %rem3A_1037, %ne3A_1038 : i32
      %lt3A_1040 = arith.constant 0 : i32
      %lt3A_1041 = arith.cmpi slt, %rem3A_1037, %lt3A_1040 : i32
      %lt3A_1042 = arith.constant 0 : i32
      %lt3A_1043 = arith.cmpi slt, %select_n3A_1036, %lt3A_1042 : i32
      %ne3A_1044 = arith.xori %lt3A_1041, %lt3A_1043 : i1
      %and3A_1045 = arith.andi %ne3A_1044, %ne3A_1039 : i1
      %add3A_1046 = arith.addi %rem3A_1037, %select_n3A_1036 : i32
      %select_n3A_1047 = arith.select %and3A_1045, %add3A_1046, %rem3A_1037 : i32
      %mul3A_1048 = arith.constant 4 : i32
      %mul3A_1049 = arith.muli %select_n3A_1031, %mul3A_1048 : i32
      %add3A_1050 = arith.addi %multiple_of3A, %mul3A_1049 : i32
      %mul3A_1051 = arith.constant 40 : i32
      %mul3A_1052 = arith.muli %select_n3A_1047, %mul3A_1051 : i32
      %multiple_of3A_1053 = tpu.assume_multiple %mul3A_1052, 40 : i32
      %dma_start3A_1054 = tpu.memref_reshape %arg10 : memref<160x128xf32, #tpu.memory_space<vmem>> -> memref<4x40x128xf32, #tpu.memory_space<vmem>>
      %dma_start3A_1055 = arith.constant 0 : i32
      %dma_start3A_1056 = tpu.memref_slice %arg5[%add3A_1050, %multiple_of3A_1053, %dma_start3A_1055] : memref<1024x200x128xf32, #tpu.memory_space<hbm>> -> memref<4x40x128xf32, #tpu.memory_space<hbm>>
      %dma_start3A_1057 = arith.constant 0 : i32
      %dma_start3A_1058 = tpu.memref_slice %arg5[%add3A_1050, %multiple_of3A_1053, %dma_start3A_1057] : memref<1024x200x128xf32, #tpu.memory_space<hbm>> -> memref<4x40x128xf32, #tpu.memory_space<hbm>>
      %dma_start3A_1059 = tpu.memref_reshape %arg10 : memref<160x128xf32, #tpu.memory_space<vmem>> -> memref<4x40x128xf32, #tpu.memory_space<vmem>>
      tpu.enqueue_dma source(%dma_start3A_1059 : memref<4x40x128xf32, #tpu.memory_space<vmem>>) target(%dma_start3A_1058 : memref<4x40x128xf32, #tpu.memory_space<hbm>>) target_semaphore(%arg18 : memref<!tpu.dma_semaphore, #tpu.memory_space<semaphore_mem>>)
      %add3A_1060 = arith.constant 2 : i32
      %add3A_1061 = arith.addi %add3A_850, %add3A_1060 : i32
      %ge3A_1062 = arith.constant 1 : i32
      %ge3A_1063 = arith.cmpi sge, %add3A_1061, %ge3A_1062 : i32
      %convert_element_type3A_1064 = arith.extui %ge3A_1063 : i1 to i32
      %cond3A_1065 = arith.constant 0 : i32
      %cond3A_1066 = arith.cmpi ne, %convert_element_type3A_1064, %cond3A_1065 : i32
      scf.if %cond3A_1066 {
        %sub3A_1274 = arith.constant 1 : i32
        %sub3A_1275 = arith.subi %add3A_1061, %sub3A_1274 : i32
        %jit3A_1276 = arith.constant 5 : i32
        %div3A_1277 = arith.divsi %sub3A_1275, %jit3A_1276 : i32
        %sign3A_1278 = arith.constant 0 : i32
        %sign3A_1279 = arith.cmpi sgt, %sub3A_1275, %sign3A_1278 : i32
        %sign3A_1280 = arith.extui %sign3A_1279 : i1 to i32
        %sign3A_1281 = arith.constant 0 : i32
        %sign3A_1282 = arith.cmpi slt, %sub3A_1275, %sign3A_1281 : i32
        %sign3A_1283 = arith.extui %sign3A_1282 : i1 to i32
        %sign3A_1284 = arith.subi %sign3A_1280, %sign3A_1283 : i32
        %sign3A_1285 = arith.constant 0 : i32
        %sign3A_1286 = arith.cmpi sgt, %jit3A_1276, %sign3A_1285 : i32
        %sign3A_1287 = arith.extui %sign3A_1286 : i1 to i32
        %sign3A_1288 = arith.constant 0 : i32
        %sign3A_1289 = arith.cmpi slt, %jit3A_1276, %sign3A_1288 : i32
        %sign3A_1290 = arith.extui %sign3A_1289 : i1 to i32
        %sign3A_1291 = arith.subi %sign3A_1287, %sign3A_1290 : i32
        %ne3A_1292 = arith.cmpi ne, %sign3A_1284, %sign3A_1291 : i32
        %rem3A_1293 = arith.remsi %sub3A_1275, %jit3A_1276 : i32
        %ne3A_1294 = arith.constant 0 : i32
        %ne3A_1295 = arith.cmpi ne, %rem3A_1293, %ne3A_1294 : i32
        %and3A_1296 = arith.andi %ne3A_1292, %ne3A_1295 : i1
        %sub3A_1297 = arith.constant 1 : i32
        %sub3A_1298 = arith.subi %div3A_1277, %sub3A_1297 : i32
        %select_n3A_1299 = arith.select %and3A_1296, %sub3A_1298, %div3A_1277 : i32
        %jit3A_1300 = arith.constant 5 : i32
        %eq3A_1301 = arith.constant 0 : i32
        %eq3A_1302 = arith.cmpi eq, %jit3A_1300, %eq3A_1301 : i32
        %jit3A_1303 = arith.constant 1 : i32
        %select_n3A_1304 = arith.select %eq3A_1302, %jit3A_1303, %jit3A_1300 : i32
        %rem3A_1305 = arith.remsi %sub3A_1275, %select_n3A_1304 : i32
        %ne3A_1306 = arith.constant 0 : i32
        %ne3A_1307 = arith.cmpi ne, %rem3A_1305, %ne3A_1306 : i32
        %lt3A_1308 = arith.constant 0 : i32
        %lt3A_1309 = arith.cmpi slt, %rem3A_1305, %lt3A_1308 : i32
        %lt3A_1310 = arith.constant 0 : i32
        %lt3A_1311 = arith.cmpi slt, %select_n3A_1304, %lt3A_1310 : i32
        %ne3A_1312 = arith.xori %lt3A_1309, %lt3A_1311 : i1
        %and3A_1313 = arith.andi %ne3A_1312, %ne3A_1307 : i1
        %add3A_1314 = arith.addi %rem3A_1305, %select_n3A_1304 : i32
        %select_n3A_1315 = arith.select %and3A_1313, %add3A_1314, %rem3A_1305 : i32
        %mul3A_1316 = arith.constant 4 : i32
        %mul3A_1317 = arith.muli %select_n3A_1299, %mul3A_1316 : i32
        %add3A_1318 = arith.addi %multiple_of3A, %mul3A_1317 : i32
        %mul3A_1319 = arith.constant 40 : i32
        %mul3A_1320 = arith.muli %select_n3A_1315, %mul3A_1319 : i32
        %multiple_of3A_1321 = tpu.assume_multiple %mul3A_1320, 40 : i32
        %dma_wait3A_1322 = tpu.memref_reshape %arg10 : memref<160x128xf32, #tpu.memory_space<vmem>> -> memref<4x40x128xf32, #tpu.memory_space<vmem>>
        %dma_wait3A_1323 = arith.constant 0 : i32
        %dma_wait3A_1324 = tpu.memref_slice %arg5[%add3A_1318, %multiple_of3A_1321, %dma_wait3A_1323] : memref<1024x200x128xf32, #tpu.memory_space<hbm>> -> memref<4x40x128xf32, #tpu.memory_space<hbm>>
        %dma_wait3A_1325 = arith.constant 0 : i32
        %dma_wait3A_1326 = tpu.memref_slice %arg5[%add3A_1318, %multiple_of3A_1321, %dma_wait3A_1325] : memref<1024x200x128xf32, #tpu.memory_space<hbm>> -> memref<4x40x128xf32, #tpu.memory_space<hbm>>
        %dma_wait3A_1327 = tpu.memref_reshape %arg10 : memref<160x128xf32, #tpu.memory_space<vmem>> -> memref<4x40x128xf32, #tpu.memory_space<vmem>>
        tpu.wait_dma2 semaphore(%arg18 : memref<!tpu.dma_semaphore, #tpu.memory_space<semaphore_mem>>) src(%dma_wait3A_1327 : memref<4x40x128xf32, #tpu.memory_space<vmem>>) dst(%dma_wait3A_1326 : memref<4x40x128xf32, #tpu.memory_space<hbm>>)
      } else {
      }
      %add3A_1067 = arith.constant 3 : i32
      %add3A_1068 = arith.addi %add3A_1061, %add3A_1067 : i32
      %lt3A_1069 = arith.constant 40 : i32
      %lt3A_1070 = arith.cmpi slt, %add3A_1068, %lt3A_1069 : i32
      %convert_element_type3A_1071 = arith.extui %lt3A_1070 : i1 to i32
      %cond3A_1072 = arith.constant 0 : i32
      %cond3A_1073 = arith.cmpi ne, %convert_element_type3A_1071, %cond3A_1072 : i32
      scf.if %cond3A_1073 {
        %add3A_1274 = arith.constant 3 : i32
        %add3A_1275 = arith.addi %add3A_1061, %add3A_1274 : i32
        %dma_start3A_1276 = arith.constant 0 : i32
        %dma_start3A_1277 = arith.constant 0 : i32
        %dma_start3A_1278 = arith.constant 0 : i32
        %dma_start3A_1279 = tpu.memref_slice %arg10[%dma_start3A_1277, %dma_start3A_1278] : memref<160x128xf32, #tpu.memory_space<vmem>> -> memref<80x128xf32, #tpu.memory_space<vmem>>
        %dma_start3A_1280 = arith.constant 0 : i32
        %dma_start3A_1281 = tpu.memref_slice %arg8[%add3A_1275, %dma_start3A_1276, %dma_start3A_1280] : memref<40x2x80xi32, #tpu.memory_space<vmem>> -> memref<1x1x80xi32, #tpu.memory_space<vmem>>
        %dma_start3A_1282 = tpu.memref_squeeze %dma_start3A_1281 : memref<1x1x80xi32, #tpu.memory_space<vmem>> -> memref<80xi32, #tpu.memory_space<vmem>>
        %dma_start3A_1283 = arith.constant 0 : i32
        %dma_start3A_1284 = arith.constant 0 : i32
        %dma_start3A_1285 = tpu.memref_slice %arg3[%dma_start3A_1283, %dma_start3A_1284] : memref<100000x128xf32, #tpu.memory_space<hbm>> -> memref<100000x128xf32, #tpu.memory_space<hbm>>
        tpu.enqueue_indirect_dma source(%dma_start3A_1285 : memref<100000x128xf32, #tpu.memory_space<hbm>>) target(%dma_start3A_1279 : memref<80x128xf32, #tpu.memory_space<vmem>>) offsets(%dma_start3A_1282 : memref<80xi32, #tpu.memory_space<vmem>>) semaphore(%arg14 : memref<!tpu.dma_semaphore, #tpu.memory_space<semaphore_mem>>)
        %dma_start3A_1286 = arith.constant 1 : i32
        %dma_start3A_1287 = arith.constant 80 : i32
        %dma_start3A_1288 = arith.constant 0 : i32
        %dma_start3A_1289 = tpu.memref_slice %arg10[%dma_start3A_1287, %dma_start3A_1288] : memref<160x128xf32, #tpu.memory_space<vmem>> -> memref<80x128xf32, #tpu.memory_space<vmem>>
        %dma_start3A_1290 = arith.constant 0 : i32
        %dma_start3A_1291 = tpu.memref_slice %arg8[%add3A_1275, %dma_start3A_1286, %dma_start3A_1290] : memref<40x2x80xi32, #tpu.memory_space<vmem>> -> memref<1x1x80xi32, #tpu.memory_space<vmem>>
        %dma_start3A_1292 = tpu.memref_squeeze %dma_start3A_1291 : memref<1x1x80xi32, #tpu.memory_space<vmem>> -> memref<80xi32, #tpu.memory_space<vmem>>
        %dma_start3A_1293 = arith.constant 0 : i32
        %dma_start3A_1294 = arith.constant 0 : i32
        %dma_start3A_1295 = tpu.memref_slice %arg3[%dma_start3A_1293, %dma_start3A_1294] : memref<100000x128xf32, #tpu.memory_space<hbm>> -> memref<100000x128xf32, #tpu.memory_space<hbm>>
        tpu.enqueue_indirect_dma source(%dma_start3A_1295 : memref<100000x128xf32, #tpu.memory_space<hbm>>) target(%dma_start3A_1289 : memref<80x128xf32, #tpu.memory_space<vmem>>) offsets(%dma_start3A_1292 : memref<80xi32, #tpu.memory_space<vmem>>) semaphore(%arg14 : memref<!tpu.dma_semaphore, #tpu.memory_space<semaphore_mem>>)
      } else {
      }
      %dma_wait3A_1074 = arith.constant 0 : i32
      %dma_wait3A_1075 = arith.constant 0 : i32
      %dma_wait3A_1076 = arith.constant 0 : i32
      %dma_wait3A_1077 = tpu.memref_slice %arg11[%dma_wait3A_1075, %dma_wait3A_1076] : memref<160x128xf32, #tpu.memory_space<vmem>> -> memref<80x128xf32, #tpu.memory_space<vmem>>
      %dma_wait3A_1078 = arith.constant 0 : i32
      %dma_wait3A_1079 = tpu.memref_slice %arg8[%add3A_1061, %dma_wait3A_1074, %dma_wait3A_1078] : memref<40x2x80xi32, #tpu.memory_space<vmem>> -> memref<1x1x80xi32, #tpu.memory_space<vmem>>
      %dma_wait3A_1080 = tpu.memref_squeeze %dma_wait3A_1079 : memref<1x1x80xi32, #tpu.memory_space<vmem>> -> memref<80xi32, #tpu.memory_space<vmem>>
      %dma_wait3A_1081 = arith.constant 0 : i32
      %dma_wait3A_1082 = arith.constant 0 : i32
      %dma_wait3A_1083 = tpu.memref_slice %arg3[%dma_wait3A_1081, %dma_wait3A_1082] : memref<100000x128xf32, #tpu.memory_space<hbm>> -> memref<100000x128xf32, #tpu.memory_space<hbm>>
      tpu.wait_indirect_dma semaphore(%arg15 : memref<!tpu.dma_semaphore, #tpu.memory_space<semaphore_mem>>) src(%dma_wait3A_1083 : memref<100000x128xf32, #tpu.memory_space<hbm>>) dst(%dma_wait3A_1077 : memref<80x128xf32, #tpu.memory_space<vmem>>)
      %dma_wait3A_1084 = arith.constant 1 : i32
      %dma_wait3A_1085 = arith.constant 80 : i32
      %dma_wait3A_1086 = arith.constant 0 : i32
      %dma_wait3A_1087 = tpu.memref_slice %arg11[%dma_wait3A_1085, %dma_wait3A_1086] : memref<160x128xf32, #tpu.memory_space<vmem>> -> memref<80x128xf32, #tpu.memory_space<vmem>>
      %dma_wait3A_1088 = arith.constant 0 : i32
      %dma_wait3A_1089 = tpu.memref_slice %arg8[%add3A_1061, %dma_wait3A_1084, %dma_wait3A_1088] : memref<40x2x80xi32, #tpu.memory_space<vmem>> -> memref<1x1x80xi32, #tpu.memory_space<vmem>>
      %dma_wait3A_1090 = tpu.memref_squeeze %dma_wait3A_1089 : memref<1x1x80xi32, #tpu.memory_space<vmem>> -> memref<80xi32, #tpu.memory_space<vmem>>
      %dma_wait3A_1091 = arith.constant 0 : i32
      %dma_wait3A_1092 = arith.constant 0 : i32
      %dma_wait3A_1093 = tpu.memref_slice %arg3[%dma_wait3A_1091, %dma_wait3A_1092] : memref<100000x128xf32, #tpu.memory_space<hbm>> -> memref<100000x128xf32, #tpu.memory_space<hbm>>
      tpu.wait_indirect_dma semaphore(%arg15 : memref<!tpu.dma_semaphore, #tpu.memory_space<semaphore_mem>>) src(%dma_wait3A_1093 : memref<100000x128xf32, #tpu.memory_space<hbm>>) dst(%dma_wait3A_1087 : memref<80x128xf32, #tpu.memory_space<vmem>>)
      %jit3A_1094 = arith.constant 5 : i32
      %eq3A_1095 = arith.constant 0 : i32
      %eq3A_1096 = arith.cmpi eq, %jit3A_1094, %eq3A_1095 : i32
      %jit3A_1097 = arith.constant 1 : i32
      %select_n3A_1098 = arith.select %eq3A_1096, %jit3A_1097, %jit3A_1094 : i32
      %rem3A_1099 = arith.remsi %add3A_1061, %select_n3A_1098 : i32
      %ne3A_1100 = arith.constant 0 : i32
      %ne3A_1101 = arith.cmpi ne, %rem3A_1099, %ne3A_1100 : i32
      %lt3A_1102 = arith.constant 0 : i32
      %lt3A_1103 = arith.cmpi slt, %rem3A_1099, %lt3A_1102 : i32
      %lt3A_1104 = arith.constant 0 : i32
      %lt3A_1105 = arith.cmpi slt, %select_n3A_1098, %lt3A_1104 : i32
      %ne3A_1106 = arith.xori %lt3A_1103, %lt3A_1105 : i1
      %and3A_1107 = arith.andi %ne3A_1106, %ne3A_1101 : i1
      %add3A_1108 = arith.addi %rem3A_1099, %select_n3A_1098 : i32
      %select_n3A_1109 = arith.select %and3A_1107, %add3A_1108, %rem3A_1099 : i32
      %scan3A_1110 = arith.constant 0 : i32
      %scan3A_1111 = arith.constant 40 : i32
      %scan3A_1112 = arith.addi %scan3A_1110, %scan3A_1111 : i32
      %scan3A_1113 = arith.constant 1 : i32
      scf.for %scan3A_1274 = %scan3A_1110 to %scan3A_1112 step %scan3A_1113  : i32 {
        %mul3A_1275 = arith.constant 1 : i32
        %mul3A_1276 = arith.muli %scan3A_1274, %mul3A_1275 : i32
        %add3A_1277 = arith.constant 0 : i32
        %add3A_1278 = arith.addi %add3A_1277, %mul3A_1276 : i32
        %mul3A_1279 = arith.constant 40 : i32
        %mul3A_1280 = arith.muli %select_n3A_1109, %mul3A_1279 : i32
        %add3A_1281 = arith.addi %mul3A_1280, %add3A_1278 : i32
        %get3A = arith.index_cast %add3A_1281 : i32 to index
        %get3A_1282 = arith.constant 0 : index
        %get3A_1283 = tpu.vector_load %arg6[%get3A, %get3A_1282] {strides = array<i32>} : memref<200x128xf32, #tpu.memory_space<vmem>>, vector<16xf32>,
        %mul3A_1284 = arith.constant 40 : i32
        %mul3A_1285 = arith.muli %select_n3A_1109, %mul3A_1284 : i32
        %add3A_1286 = arith.addi %mul3A_1285, %add3A_1278 : i32
        %get3A_1287 = arith.index_cast %add3A_1286 : i32 to index
        %get3A_1288 = arith.constant 16 : index
        %get3A_1289 = tpu.vector_load %arg6[%get3A_1287, %get3A_1288] {strides = array<i32>} : memref<200x128xf32, #tpu.memory_space<vmem>>, vector<16xf32>,
        %mul3A_1290 = arith.constant 40 : i32
        %mul3A_1291 = arith.muli %select_n3A_1109, %mul3A_1290 : i32
        %add3A_1292 = arith.addi %mul3A_1291, %add3A_1278 : i32
        %get3A_1293 = arith.index_cast %add3A_1292 : i32 to index
        %get3A_1294 = arith.constant 32 : index
        %get3A_1295 = tpu.vector_load %arg6[%get3A_1293, %get3A_1294] {strides = array<i32>} : memref<200x128xf32, #tpu.memory_space<vmem>>, vector<16xf32>,
        %mul3A_1296 = arith.constant 40 : i32
        %mul3A_1297 = arith.muli %select_n3A_1109, %mul3A_1296 : i32
        %add3A_1298 = arith.addi %mul3A_1297, %add3A_1278 : i32
        %get3A_1299 = arith.index_cast %add3A_1298 : i32 to index
        %get3A_1300 = arith.constant 48 : index
        %get3A_1301 = tpu.vector_load %arg6[%get3A_1299, %get3A_1300] {strides = array<i32>} : memref<200x128xf32, #tpu.memory_space<vmem>>, vector<16xf32>,
        %mul3A_1302 = arith.constant 40 : i32
        %mul3A_1303 = arith.muli %select_n3A_1109, %mul3A_1302 : i32
        %add3A_1304 = arith.addi %mul3A_1303, %add3A_1278 : i32
        %get3A_1305 = arith.index_cast %add3A_1304 : i32 to index
        %get3A_1306 = arith.constant 64 : index
        %get3A_1307 = tpu.vector_load %arg6[%get3A_1305, %get3A_1306] {strides = array<i32>} : memref<200x128xf32, #tpu.memory_space<vmem>>, vector<16xf32>,
        %mul3A_1308 = arith.constant 40 : i32
        %mul3A_1309 = arith.muli %select_n3A_1109, %mul3A_1308 : i32
        %add3A_1310 = arith.addi %mul3A_1309, %add3A_1278 : i32
        %get3A_1311 = arith.index_cast %add3A_1310 : i32 to index
        %get3A_1312 = arith.constant 80 : index
        %get3A_1313 = tpu.vector_load %arg6[%get3A_1311, %get3A_1312] {strides = array<i32>} : memref<200x128xf32, #tpu.memory_space<vmem>>, vector<16xf32>,
        %mul3A_1314 = arith.constant 40 : i32
        %mul3A_1315 = arith.muli %select_n3A_1109, %mul3A_1314 : i32
        %add3A_1316 = arith.addi %mul3A_1315, %add3A_1278 : i32
        %get3A_1317 = arith.index_cast %add3A_1316 : i32 to index
        %get3A_1318 = arith.constant 96 : index
        %get3A_1319 = tpu.vector_load %arg6[%get3A_1317, %get3A_1318] {strides = array<i32>} : memref<200x128xf32, #tpu.memory_space<vmem>>, vector<16xf32>,
        %mul3A_1320 = arith.constant 40 : i32
        %mul3A_1321 = arith.muli %select_n3A_1109, %mul3A_1320 : i32
        %add3A_1322 = arith.addi %mul3A_1321, %add3A_1278 : i32
        %get3A_1323 = arith.index_cast %add3A_1322 : i32 to index
        %get3A_1324 = arith.constant 112 : index
        %get3A_1325 = tpu.vector_load %arg6[%get3A_1323, %get3A_1324] {strides = array<i32>} : memref<200x128xf32, #tpu.memory_space<vmem>>, vector<16xf32>,
        %add3A_1326 = arith.constant 0 : i32
        %add3A_1327 = arith.addi %add3A_1326, %add3A_1278 : i32
        %get3A_1328 = arith.index_cast %add3A_1327 : i32 to index
        %get3A_1329 = arith.constant 0 : index
        %get3A_1330 = tpu.vector_load %arg11[%get3A_1328, %get3A_1329] {strides = array<i32>} : memref<160x128xf32, #tpu.memory_space<vmem>>, vector<16xf32>,
        %mul3A_1331 = arith.constant 11.3137083 : f32
        %mul3A_1332 = vector.broadcast %mul3A_1331 : f32 to vector<16xf32>
        %mul3A_1333 = arith.mulf %get3A_1330, %mul3A_1332 : vector<16xf32>
        %add3A_1334 = arith.addf %mul3A_1333, %get3A_1283 : vector<16xf32>
        %swap3A_1335 = arith.index_cast %add3A_1327 : i32 to index
        %swap3A_1336 = arith.constant 0 : index
        %swap3A_1337 = tpu.vector_load %arg11[%swap3A_1335, %swap3A_1336] {strides = array<i32>} : memref<160x128xf32, #tpu.memory_space<vmem>>, vector<16xf32>,
        tpu.vector_store %arg11[%swap3A_1335, %swap3A_1336], %add3A_1334 {strides = array<i32>} : memref<160x128xf32, #tpu.memory_space<vmem>>, vector<16xf32>,
        %get3A_1338 = arith.index_cast %add3A_1327 : i32 to index
        %get3A_1339 = arith.constant 16 : index
        %get3A_1340 = tpu.vector_load %arg11[%get3A_1338, %get3A_1339] {strides = array<i32>} : memref<160x128xf32, #tpu.memory_space<vmem>>, vector<16xf32>,
        %mul3A_1341 = arith.constant 11.3137083 : f32
        %mul3A_1342 = vector.broadcast %mul3A_1341 : f32 to vector<16xf32>
        %mul3A_1343 = arith.mulf %get3A_1340, %mul3A_1342 : vector<16xf32>
        %add3A_1344 = arith.addf %mul3A_1343, %get3A_1289 : vector<16xf32>
        %swap3A_1345 = arith.index_cast %add3A_1327 : i32 to index
        %swap3A_1346 = arith.constant 16 : index
        %swap3A_1347 = tpu.vector_load %arg11[%swap3A_1345, %swap3A_1346] {strides = array<i32>} : memref<160x128xf32, #tpu.memory_space<vmem>>, vector<16xf32>,
        tpu.vector_store %arg11[%swap3A_1345, %swap3A_1346], %add3A_1344 {strides = array<i32>} : memref<160x128xf32, #tpu.memory_space<vmem>>, vector<16xf32>,
        %get3A_1348 = arith.index_cast %add3A_1327 : i32 to index
        %get3A_1349 = arith.constant 32 : index
        %get3A_1350 = tpu.vector_load %arg11[%get3A_1348, %get3A_1349] {strides = array<i32>} : memref<160x128xf32, #tpu.memory_space<vmem>>, vector<16xf32>,
        %mul3A_1351 = arith.constant 11.3137083 : f32
        %mul3A_1352 = vector.broadcast %mul3A_1351 : f32 to vector<16xf32>
        %mul3A_1353 = arith.mulf %get3A_1350, %mul3A_1352 : vector<16xf32>
        %add3A_1354 = arith.addf %mul3A_1353, %get3A_1295 : vector<16xf32>
        %swap3A_1355 = arith.index_cast %add3A_1327 : i32 to index
        %swap3A_1356 = arith.constant 32 : index
        %swap3A_1357 = tpu.vector_load %arg11[%swap3A_1355, %swap3A_1356] {strides = array<i32>} : memref<160x128xf32, #tpu.memory_space<vmem>>, vector<16xf32>,
        tpu.vector_store %arg11[%swap3A_1355, %swap3A_1356], %add3A_1354 {strides = array<i32>} : memref<160x128xf32, #tpu.memory_space<vmem>>, vector<16xf32>,
        %get3A_1358 = arith.index_cast %add3A_1327 : i32 to index
        %get3A_1359 = arith.constant 48 : index
        %get3A_1360 = tpu.vector_load %arg11[%get3A_1358, %get3A_1359] {strides = array<i32>} : memref<160x128xf32, #tpu.memory_space<vmem>>, vector<16xf32>,
        %mul3A_1361 = arith.constant 11.3137083 : f32
        %mul3A_1362 = vector.broadcast %mul3A_1361 : f32 to vector<16xf32>
        %mul3A_1363 = arith.mulf %get3A_1360, %mul3A_1362 : vector<16xf32>
        %add3A_1364 = arith.addf %mul3A_1363, %get3A_1301 : vector<16xf32>
        %swap3A_1365 = arith.index_cast %add3A_1327 : i32 to index
        %swap3A_1366 = arith.constant 48 : index
        %swap3A_1367 = tpu.vector_load %arg11[%swap3A_1365, %swap3A_1366] {strides = array<i32>} : memref<160x128xf32, #tpu.memory_space<vmem>>, vector<16xf32>,
        tpu.vector_store %arg11[%swap3A_1365, %swap3A_1366], %add3A_1364 {strides = array<i32>} : memref<160x128xf32, #tpu.memory_space<vmem>>, vector<16xf32>,
        %get3A_1368 = arith.index_cast %add3A_1327 : i32 to index
        %get3A_1369 = arith.constant 64 : index
        %get3A_1370 = tpu.vector_load %arg11[%get3A_1368, %get3A_1369] {strides = array<i32>} : memref<160x128xf32, #tpu.memory_space<vmem>>, vector<16xf32>,
        %mul3A_1371 = arith.constant 11.3137083 : f32
        %mul3A_1372 = vector.broadcast %mul3A_1371 : f32 to vector<16xf32>
        %mul3A_1373 = arith.mulf %get3A_1370, %mul3A_1372 : vector<16xf32>
        %add3A_1374 = arith.addf %mul3A_1373, %get3A_1307 : vector<16xf32>
        %swap3A_1375 = arith.index_cast %add3A_1327 : i32 to index
        %swap3A_1376 = arith.constant 64 : index
        %swap3A_1377 = tpu.vector_load %arg11[%swap3A_1375, %swap3A_1376] {strides = array<i32>} : memref<160x128xf32, #tpu.memory_space<vmem>>, vector<16xf32>,
        tpu.vector_store %arg11[%swap3A_1375, %swap3A_1376], %add3A_1374 {strides = array<i32>} : memref<160x128xf32, #tpu.memory_space<vmem>>, vector<16xf32>,
        %get3A_1378 = arith.index_cast %add3A_1327 : i32 to index
        %get3A_1379 = arith.constant 80 : index
        %get3A_1380 = tpu.vector_load %arg11[%get3A_1378, %get3A_1379] {strides = array<i32>} : memref<160x128xf32, #tpu.memory_space<vmem>>, vector<16xf32>,
        %mul3A_1381 = arith.constant 11.3137083 : f32
        %mul3A_1382 = vector.broadcast %mul3A_1381 : f32 to vector<16xf32>
        %mul3A_1383 = arith.mulf %get3A_1380, %mul3A_1382 : vector<16xf32>
        %add3A_1384 = arith.addf %mul3A_1383, %get3A_1313 : vector<16xf32>
        %swap3A_1385 = arith.index_cast %add3A_1327 : i32 to index
        %swap3A_1386 = arith.constant 80 : index
        %swap3A_1387 = tpu.vector_load %arg11[%swap3A_1385, %swap3A_1386] {strides = array<i32>} : memref<160x128xf32, #tpu.memory_space<vmem>>, vector<16xf32>,
        tpu.vector_store %arg11[%swap3A_1385, %swap3A_1386], %add3A_1384 {strides = array<i32>} : memref<160x128xf32, #tpu.memory_space<vmem>>, vector<16xf32>,
        %get3A_1388 = arith.index_cast %add3A_1327 : i32 to index
        %get3A_1389 = arith.constant 96 : index
        %get3A_1390 = tpu.vector_load %arg11[%get3A_1388, %get3A_1389] {strides = array<i32>} : memref<160x128xf32, #tpu.memory_space<vmem>>, vector<16xf32>,
        %mul3A_1391 = arith.constant 11.3137083 : f32
        %mul3A_1392 = vector.broadcast %mul3A_1391 : f32 to vector<16xf32>
        %mul3A_1393 = arith.mulf %get3A_1390, %mul3A_1392 : vector<16xf32>
        %add3A_1394 = arith.addf %mul3A_1393, %get3A_1319 : vector<16xf32>
        %swap3A_1395 = arith.index_cast %add3A_1327 : i32 to index
        %swap3A_1396 = arith.constant 96 : index
        %swap3A_1397 = tpu.vector_load %arg11[%swap3A_1395, %swap3A_1396] {strides = array<i32>} : memref<160x128xf32, #tpu.memory_space<vmem>>, vector<16xf32>,
        tpu.vector_store %arg11[%swap3A_1395, %swap3A_1396], %add3A_1394 {strides = array<i32>} : memref<160x128xf32, #tpu.memory_space<vmem>>, vector<16xf32>,
        %get3A_1398 = arith.index_cast %add3A_1327 : i32 to index
        %get3A_1399 = arith.constant 112 : index
        %get3A_1400 = tpu.vector_load %arg11[%get3A_1398, %get3A_1399] {strides = array<i32>} : memref<160x128xf32, #tpu.memory_space<vmem>>, vector<16xf32>,
        %mul3A_1401 = arith.constant 11.3137083 : f32
        %mul3A_1402 = vector.broadcast %mul3A_1401 : f32 to vector<16xf32>
        %mul3A_1403 = arith.mulf %get3A_1400, %mul3A_1402 : vector<16xf32>
        %add3A_1404 = arith.addf %mul3A_1403, %get3A_1325 : vector<16xf32>
        %swap3A_1405 = arith.index_cast %add3A_1327 : i32 to index
        %swap3A_1406 = arith.constant 112 : index
        %swap3A_1407 = tpu.vector_load %arg11[%swap3A_1405, %swap3A_1406] {strides = array<i32>} : memref<160x128xf32, #tpu.memory_space<vmem>>, vector<16xf32>,
        tpu.vector_store %arg11[%swap3A_1405, %swap3A_1406], %add3A_1404 {strides = array<i32>} : memref<160x128xf32, #tpu.memory_space<vmem>>, vector<16xf32>,
        %add3A_1408 = arith.constant 40 : i32
        %add3A_1409 = arith.addi %add3A_1408, %add3A_1278 : i32
        %get3A_1410 = arith.index_cast %add3A_1409 : i32 to index
        %get3A_1411 = arith.constant 0 : index
        %get3A_1412 = tpu.vector_load %arg11[%get3A_1410, %get3A_1411] {strides = array<i32>} : memref<160x128xf32, #tpu.memory_space<vmem>>, vector<16xf32>,
        %mul3A_1413 = arith.constant 11.3137083 : f32
        %mul3A_1414 = vector.broadcast %mul3A_1413 : f32 to vector<16xf32>
        %mul3A_1415 = arith.mulf %get3A_1412, %mul3A_1414 : vector<16xf32>
        %add3A_1416 = arith.addf %mul3A_1415, %get3A_1283 : vector<16xf32>
        %swap3A_1417 = arith.index_cast %add3A_1409 : i32 to index
        %swap3A_1418 = arith.constant 0 : index
        %swap3A_1419 = tpu.vector_load %arg11[%swap3A_1417, %swap3A_1418] {strides = array<i32>} : memref<160x128xf32, #tpu.memory_space<vmem>>, vector<16xf32>,
        tpu.vector_store %arg11[%swap3A_1417, %swap3A_1418], %add3A_1416 {strides = array<i32>} : memref<160x128xf32, #tpu.memory_space<vmem>>, vector<16xf32>,
        %get3A_1420 = arith.index_cast %add3A_1409 : i32 to index
        %get3A_1421 = arith.constant 16 : index
        %get3A_1422 = tpu.vector_load %arg11[%get3A_1420, %get3A_1421] {strides = array<i32>} : memref<160x128xf32, #tpu.memory_space<vmem>>, vector<16xf32>,
        %mul3A_1423 = arith.constant 11.3137083 : f32
        %mul3A_1424 = vector.broadcast %mul3A_1423 : f32 to vector<16xf32>
        %mul3A_1425 = arith.mulf %get3A_1422, %mul3A_1424 : vector<16xf32>
        %add3A_1426 = arith.addf %mul3A_1425, %get3A_1289 : vector<16xf32>
        %swap3A_1427 = arith.index_cast %add3A_1409 : i32 to index
        %swap3A_1428 = arith.constant 16 : index
        %swap3A_1429 = tpu.vector_load %arg11[%swap3A_1427, %swap3A_1428] {strides = array<i32>} : memref<160x128xf32, #tpu.memory_space<vmem>>, vector<16xf32>,
        tpu.vector_store %arg11[%swap3A_1427, %swap3A_1428], %add3A_1426 {strides = array<i32>} : memref<160x128xf32, #tpu.memory_space<vmem>>, vector<16xf32>,
        %get3A_1430 = arith.index_cast %add3A_1409 : i32 to index
        %get3A_1431 = arith.constant 32 : index
        %get3A_1432 = tpu.vector_load %arg11[%get3A_1430, %get3A_1431] {strides = array<i32>} : memref<160x128xf32, #tpu.memory_space<vmem>>, vector<16xf32>,
        %mul3A_1433 = arith.constant 11.3137083 : f32
        %mul3A_1434 = vector.broadcast %mul3A_1433 : f32 to vector<16xf32>
        %mul3A_1435 = arith.mulf %get3A_1432, %mul3A_1434 : vector<16xf32>
        %add3A_1436 = arith.addf %mul3A_1435, %get3A_1295 : vector<16xf32>
        %swap3A_1437 = arith.index_cast %add3A_1409 : i32 to index
        %swap3A_1438 = arith.constant 32 : index
        %swap3A_1439 = tpu.vector_load %arg11[%swap3A_1437, %swap3A_1438] {strides = array<i32>} : memref<160x128xf32, #tpu.memory_space<vmem>>, vector<16xf32>,
        tpu.vector_store %arg11[%swap3A_1437, %swap3A_1438], %add3A_1436 {strides = array<i32>} : memref<160x128xf32, #tpu.memory_space<vmem>>, vector<16xf32>,
        %get3A_1440 = arith.index_cast %add3A_1409 : i32 to index
        %get3A_1441 = arith.constant 48 : index
        %get3A_1442 = tpu.vector_load %arg11[%get3A_1440, %get3A_1441] {strides = array<i32>} : memref<160x128xf32, #tpu.memory_space<vmem>>, vector<16xf32>,
        %mul3A_1443 = arith.constant 11.3137083 : f32
        %mul3A_1444 = vector.broadcast %mul3A_1443 : f32 to vector<16xf32>
        %mul3A_1445 = arith.mulf %get3A_1442, %mul3A_1444 : vector<16xf32>
        %add3A_1446 = arith.addf %mul3A_1445, %get3A_1301 : vector<16xf32>
        %swap3A_1447 = arith.index_cast %add3A_1409 : i32 to index
        %swap3A_1448 = arith.constant 48 : index
        %swap3A_1449 = tpu.vector_load %arg11[%swap3A_1447, %swap3A_1448] {strides = array<i32>} : memref<160x128xf32, #tpu.memory_space<vmem>>, vector<16xf32>,
        tpu.vector_store %arg11[%swap3A_1447, %swap3A_1448], %add3A_1446 {strides = array<i32>} : memref<160x128xf32, #tpu.memory_space<vmem>>, vector<16xf32>,
        %get3A_1450 = arith.index_cast %add3A_1409 : i32 to index
        %get3A_1451 = arith.constant 64 : index
        %get3A_1452 = tpu.vector_load %arg11[%get3A_1450, %get3A_1451] {strides = array<i32>} : memref<160x128xf32, #tpu.memory_space<vmem>>, vector<16xf32>,
        %mul3A_1453 = arith.constant 11.3137083 : f32
        %mul3A_1454 = vector.broadcast %mul3A_1453 : f32 to vector<16xf32>
        %mul3A_1455 = arith.mulf %get3A_1452, %mul3A_1454 : vector<16xf32>
        %add3A_1456 = arith.addf %mul3A_1455, %get3A_1307 : vector<16xf32>
        %swap3A_1457 = arith.index_cast %add3A_1409 : i32 to index
        %swap3A_1458 = arith.constant 64 : index
        %swap3A_1459 = tpu.vector_load %arg11[%swap3A_1457, %swap3A_1458] {strides = array<i32>} : memref<160x128xf32, #tpu.memory_space<vmem>>, vector<16xf32>,
        tpu.vector_store %arg11[%swap3A_1457, %swap3A_1458], %add3A_1456 {strides = array<i32>} : memref<160x128xf32, #tpu.memory_space<vmem>>, vector<16xf32>,
        %get3A_1460 = arith.index_cast %add3A_1409 : i32 to index
        %get3A_1461 = arith.constant 80 : index
        %get3A_1462 = tpu.vector_load %arg11[%get3A_1460, %get3A_1461] {strides = array<i32>} : memref<160x128xf32, #tpu.memory_space<vmem>>, vector<16xf32>,
        %mul3A_1463 = arith.constant 11.3137083 : f32
        %mul3A_1464 = vector.broadcast %mul3A_1463 : f32 to vector<16xf32>
        %mul3A_1465 = arith.mulf %get3A_1462, %mul3A_1464 : vector<16xf32>
        %add3A_1466 = arith.addf %mul3A_1465, %get3A_1313 : vector<16xf32>
        %swap3A_1467 = arith.index_cast %add3A_1409 : i32 to index
        %swap3A_1468 = arith.constant 80 : index
        %swap3A_1469 = tpu.vector_load %arg11[%swap3A_1467, %swap3A_1468] {strides = array<i32>} : memref<160x128xf32, #tpu.memory_space<vmem>>, vector<16xf32>,
        tpu.vector_store %arg11[%swap3A_1467, %swap3A_1468], %add3A_1466 {strides = array<i32>} : memref<160x128xf32, #tpu.memory_space<vmem>>, vector<16xf32>,
        %get3A_1470 = arith.index_cast %add3A_1409 : i32 to index
        %get3A_1471 = arith.constant 96 : index
        %get3A_1472 = tpu.vector_load %arg11[%get3A_1470, %get3A_1471] {strides = array<i32>} : memref<160x128xf32, #tpu.memory_space<vmem>>, vector<16xf32>,
        %mul3A_1473 = arith.constant 11.3137083 : f32
        %mul3A_1474 = vector.broadcast %mul3A_1473 : f32 to vector<16xf32>
        %mul3A_1475 = arith.mulf %get3A_1472, %mul3A_1474 : vector<16xf32>
        %add3A_1476 = arith.addf %mul3A_1475, %get3A_1319 : vector<16xf32>
        %swap3A_1477 = arith.index_cast %add3A_1409 : i32 to index
        %swap3A_1478 = arith.constant 96 : index
        %swap3A_1479 = tpu.vector_load %arg11[%swap3A_1477, %swap3A_1478] {strides = array<i32>} : memref<160x128xf32, #tpu.memory_space<vmem>>, vector<16xf32>,
        tpu.vector_store %arg11[%swap3A_1477, %swap3A_1478], %add3A_1476 {strides = array<i32>} : memref<160x128xf32, #tpu.memory_space<vmem>>, vector<16xf32>,
        %get3A_1480 = arith.index_cast %add3A_1409 : i32 to index
        %get3A_1481 = arith.constant 112 : index
        %get3A_1482 = tpu.vector_load %arg11[%get3A_1480, %get3A_1481] {strides = array<i32>} : memref<160x128xf32, #tpu.memory_space<vmem>>, vector<16xf32>,
        %mul3A_1483 = arith.constant 11.3137083 : f32
        %mul3A_1484 = vector.broadcast %mul3A_1483 : f32 to vector<16xf32>
        %mul3A_1485 = arith.mulf %get3A_1482, %mul3A_1484 : vector<16xf32>
        %add3A_1486 = arith.addf %mul3A_1485, %get3A_1325 : vector<16xf32>
        %swap3A_1487 = arith.index_cast %add3A_1409 : i32 to index
        %swap3A_1488 = arith.constant 112 : index
        %swap3A_1489 = tpu.vector_load %arg11[%swap3A_1487, %swap3A_1488] {strides = array<i32>} : memref<160x128xf32, #tpu.memory_space<vmem>>, vector<16xf32>,
        tpu.vector_store %arg11[%swap3A_1487, %swap3A_1488], %add3A_1486 {strides = array<i32>} : memref<160x128xf32, #tpu.memory_space<vmem>>, vector<16xf32>,
        %add3A_1490 = arith.constant 80 : i32
        %add3A_1491 = arith.addi %add3A_1490, %add3A_1278 : i32
        %get3A_1492 = arith.index_cast %add3A_1491 : i32 to index
        %get3A_1493 = arith.constant 0 : index
        %get3A_1494 = tpu.vector_load %arg11[%get3A_1492, %get3A_1493] {strides = array<i32>} : memref<160x128xf32, #tpu.memory_space<vmem>>, vector<16xf32>,
        %mul3A_1495 = arith.constant 11.3137083 : f32
        %mul3A_1496 = vector.broadcast %mul3A_1495 : f32 to vector<16xf32>
        %mul3A_1497 = arith.mulf %get3A_1494, %mul3A_1496 : vector<16xf32>
        %add3A_1498 = arith.addf %mul3A_1497, %get3A_1283 : vector<16xf32>
        %swap3A_1499 = arith.index_cast %add3A_1491 : i32 to index
        %swap3A_1500 = arith.constant 0 : index
        %swap3A_1501 = tpu.vector_load %arg11[%swap3A_1499, %swap3A_1500] {strides = array<i32>} : memref<160x128xf32, #tpu.memory_space<vmem>>, vector<16xf32>,
        tpu.vector_store %arg11[%swap3A_1499, %swap3A_1500], %add3A_1498 {strides = array<i32>} : memref<160x128xf32, #tpu.memory_space<vmem>>, vector<16xf32>,
        %get3A_1502 = arith.index_cast %add3A_1491 : i32 to index
        %get3A_1503 = arith.constant 16 : index
        %get3A_1504 = tpu.vector_load %arg11[%get3A_1502, %get3A_1503] {strides = array<i32>} : memref<160x128xf32, #tpu.memory_space<vmem>>, vector<16xf32>,
        %mul3A_1505 = arith.constant 11.3137083 : f32
        %mul3A_1506 = vector.broadcast %mul3A_1505 : f32 to vector<16xf32>
        %mul3A_1507 = arith.mulf %get3A_1504, %mul3A_1506 : vector<16xf32>
        %add3A_1508 = arith.addf %mul3A_1507, %get3A_1289 : vector<16xf32>
        %swap3A_1509 = arith.index_cast %add3A_1491 : i32 to index
        %swap3A_1510 = arith.constant 16 : index
        %swap3A_1511 = tpu.vector_load %arg11[%swap3A_1509, %swap3A_1510] {strides = array<i32>} : memref<160x128xf32, #tpu.memory_space<vmem>>, vector<16xf32>,
        tpu.vector_store %arg11[%swap3A_1509, %swap3A_1510], %add3A_1508 {strides = array<i32>} : memref<160x128xf32, #tpu.memory_space<vmem>>, vector<16xf32>,
        %get3A_1512 = arith.index_cast %add3A_1491 : i32 to index
        %get3A_1513 = arith.constant 32 : index
        %get3A_1514 = tpu.vector_load %arg11[%get3A_1512, %get3A_1513] {strides = array<i32>} : memref<160x128xf32, #tpu.memory_space<vmem>>, vector<16xf32>,
        %mul3A_1515 = arith.constant 11.3137083 : f32
        %mul3A_1516 = vector.broadcast %mul3A_1515 : f32 to vector<16xf32>
        %mul3A_1517 = arith.mulf %get3A_1514, %mul3A_1516 : vector<16xf32>
        %add3A_1518 = arith.addf %mul3A_1517, %get3A_1295 : vector<16xf32>
        %swap3A_1519 = arith.index_cast %add3A_1491 : i32 to index
        %swap3A_1520 = arith.constant 32 : index
        %swap3A_1521 = tpu.vector_load %arg11[%swap3A_1519, %swap3A_1520] {strides = array<i32>} : memref<160x128xf32, #tpu.memory_space<vmem>>, vector<16xf32>,
        tpu.vector_store %arg11[%swap3A_1519, %swap3A_1520], %add3A_1518 {strides = array<i32>} : memref<160x128xf32, #tpu.memory_space<vmem>>, vector<16xf32>,
        %get3A_1522 = arith.index_cast %add3A_1491 : i32 to index
        %get3A_1523 = arith.constant 48 : index
        %get3A_1524 = tpu.vector_load %arg11[%get3A_1522, %get3A_1523] {strides = array<i32>} : memref<160x128xf32, #tpu.memory_space<vmem>>, vector<16xf32>,
        %mul3A_1525 = arith.constant 11.3137083 : f32
        %mul3A_1526 = vector.broadcast %mul3A_1525 : f32 to vector<16xf32>
        %mul3A_1527 = arith.mulf %get3A_1524, %mul3A_1526 : vector<16xf32>
        %add3A_1528 = arith.addf %mul3A_1527, %get3A_1301 : vector<16xf32>
        %swap3A_1529 = arith.index_cast %add3A_1491 : i32 to index
        %swap3A_1530 = arith.constant 48 : index
        %swap3A_1531 = tpu.vector_load %arg11[%swap3A_1529, %swap3A_1530] {strides = array<i32>} : memref<160x128xf32, #tpu.memory_space<vmem>>, vector<16xf32>,
        tpu.vector_store %arg11[%swap3A_1529, %swap3A_1530], %add3A_1528 {strides = array<i32>} : memref<160x128xf32, #tpu.memory_space<vmem>>, vector<16xf32>,
        %get3A_1532 = arith.index_cast %add3A_1491 : i32 to index
        %get3A_1533 = arith.constant 64 : index
        %get3A_1534 = tpu.vector_load %arg11[%get3A_1532, %get3A_1533] {strides = array<i32>} : memref<160x128xf32, #tpu.memory_space<vmem>>, vector<16xf32>,
        %mul3A_1535 = arith.constant 11.3137083 : f32
        %mul3A_1536 = vector.broadcast %mul3A_1535 : f32 to vector<16xf32>
        %mul3A_1537 = arith.mulf %get3A_1534, %mul3A_1536 : vector<16xf32>
        %add3A_1538 = arith.addf %mul3A_1537, %get3A_1307 : vector<16xf32>
        %swap3A_1539 = arith.index_cast %add3A_1491 : i32 to index
        %swap3A_1540 = arith.constant 64 : index
        %swap3A_1541 = tpu.vector_load %arg11[%swap3A_1539, %swap3A_1540] {strides = array<i32>} : memref<160x128xf32, #tpu.memory_space<vmem>>, vector<16xf32>,
        tpu.vector_store %arg11[%swap3A_1539, %swap3A_1540], %add3A_1538 {strides = array<i32>} : memref<160x128xf32, #tpu.memory_space<vmem>>, vector<16xf32>,
        %get3A_1542 = arith.index_cast %add3A_1491 : i32 to index
        %get3A_1543 = arith.constant 80 : index
        %get3A_1544 = tpu.vector_load %arg11[%get3A_1542, %get3A_1543] {strides = array<i32>} : memref<160x128xf32, #tpu.memory_space<vmem>>, vector<16xf32>,
        %mul3A_1545 = arith.constant 11.3137083 : f32
        %mul3A_1546 = vector.broadcast %mul3A_1545 : f32 to vector<16xf32>
        %mul3A_1547 = arith.mulf %get3A_1544, %mul3A_1546 : vector<16xf32>
        %add3A_1548 = arith.addf %mul3A_1547, %get3A_1313 : vector<16xf32>
        %swap3A_1549 = arith.index_cast %add3A_1491 : i32 to index
        %swap3A_1550 = arith.constant 80 : index
        %swap3A_1551 = tpu.vector_load %arg11[%swap3A_1549, %swap3A_1550] {strides = array<i32>} : memref<160x128xf32, #tpu.memory_space<vmem>>, vector<16xf32>,
        tpu.vector_store %arg11[%swap3A_1549, %swap3A_1550], %add3A_1548 {strides = array<i32>} : memref<160x128xf32, #tpu.memory_space<vmem>>, vector<16xf32>,
        %get3A_1552 = arith.index_cast %add3A_1491 : i32 to index
        %get3A_1553 = arith.constant 96 : index
        %get3A_1554 = tpu.vector_load %arg11[%get3A_1552, %get3A_1553] {strides = array<i32>} : memref<160x128xf32, #tpu.memory_space<vmem>>, vector<16xf32>,
        %mul3A_1555 = arith.constant 11.3137083 : f32
        %mul3A_1556 = vector.broadcast %mul3A_1555 : f32 to vector<16xf32>
        %mul3A_1557 = arith.mulf %get3A_1554, %mul3A_1556 : vector<16xf32>
        %add3A_1558 = arith.addf %mul3A_1557, %get3A_1319 : vector<16xf32>
        %swap3A_1559 = arith.index_cast %add3A_1491 : i32 to index
        %swap3A_1560 = arith.constant 96 : index
        %swap3A_1561 = tpu.vector_load %arg11[%swap3A_1559, %swap3A_1560] {strides = array<i32>} : memref<160x128xf32, #tpu.memory_space<vmem>>, vector<16xf32>,
        tpu.vector_store %arg11[%swap3A_1559, %swap3A_1560], %add3A_1558 {strides = array<i32>} : memref<160x128xf32, #tpu.memory_space<vmem>>, vector<16xf32>,
        %get3A_1562 = arith.index_cast %add3A_1491 : i32 to index
        %get3A_1563 = arith.constant 112 : index
        %get3A_1564 = tpu.vector_load %arg11[%get3A_1562, %get3A_1563] {strides = array<i32>} : memref<160x128xf32, #tpu.memory_space<vmem>>, vector<16xf32>,
        %mul3A_1565 = arith.constant 11.3137083 : f32
        %mul3A_1566 = vector.broadcast %mul3A_1565 : f32 to vector<16xf32>
        %mul3A_1567 = arith.mulf %get3A_1564, %mul3A_1566 : vector<16xf32>
        %add3A_1568 = arith.addf %mul3A_1567, %get3A_1325 : vector<16xf32>
        %swap3A_1569 = arith.index_cast %add3A_1491 : i32 to index
        %swap3A_1570 = arith.constant 112 : index
        %swap3A_1571 = tpu.vector_load %arg11[%swap3A_1569, %swap3A_1570] {strides = array<i32>} : memref<160x128xf32, #tpu.memory_space<vmem>>, vector<16xf32>,
        tpu.vector_store %arg11[%swap3A_1569, %swap3A_1570], %add3A_1568 {strides = array<i32>} : memref<160x128xf32, #tpu.memory_space<vmem>>, vector<16xf32>,
        %add3A_1572 = arith.constant 120 : i32
        %add3A_1573 = arith.addi %add3A_1572, %add3A_1278 : i32
        %get3A_1574 = arith.index_cast %add3A_1573 : i32 to index
        %get3A_1575 = arith.constant 0 : index
        %get3A_1576 = tpu.vector_load %arg11[%get3A_1574, %get3A_1575] {strides = array<i32>} : memref<160x128xf32, #tpu.memory_space<vmem>>, vector<16xf32>,
        %mul3A_1577 = arith.constant 11.3137083 : f32
        %mul3A_1578 = vector.broadcast %mul3A_1577 : f32 to vector<16xf32>
        %mul3A_1579 = arith.mulf %get3A_1576, %mul3A_1578 : vector<16xf32>
        %add3A_1580 = arith.addf %mul3A_1579, %get3A_1283 : vector<16xf32>
        %swap3A_1581 = arith.index_cast %add3A_1573 : i32 to index
        %swap3A_1582 = arith.constant 0 : index
        %swap3A_1583 = tpu.vector_load %arg11[%swap3A_1581, %swap3A_1582] {strides = array<i32>} : memref<160x128xf32, #tpu.memory_space<vmem>>, vector<16xf32>,
        tpu.vector_store %arg11[%swap3A_1581, %swap3A_1582], %add3A_1580 {strides = array<i32>} : memref<160x128xf32, #tpu.memory_space<vmem>>, vector<16xf32>,
        %get3A_1584 = arith.index_cast %add3A_1573 : i32 to index
        %get3A_1585 = arith.constant 16 : index
        %get3A_1586 = tpu.vector_load %arg11[%get3A_1584, %get3A_1585] {strides = array<i32>} : memref<160x128xf32, #tpu.memory_space<vmem>>, vector<16xf32>,
        %mul3A_1587 = arith.constant 11.3137083 : f32
        %mul3A_1588 = vector.broadcast %mul3A_1587 : f32 to vector<16xf32>
        %mul3A_1589 = arith.mulf %get3A_1586, %mul3A_1588 : vector<16xf32>
        %add3A_1590 = arith.addf %mul3A_1589, %get3A_1289 : vector<16xf32>
        %swap3A_1591 = arith.index_cast %add3A_1573 : i32 to index
        %swap3A_1592 = arith.constant 16 : index
        %swap3A_1593 = tpu.vector_load %arg11[%swap3A_1591, %swap3A_1592] {strides = array<i32>} : memref<160x128xf32, #tpu.memory_space<vmem>>, vector<16xf32>,
        tpu.vector_store %arg11[%swap3A_1591, %swap3A_1592], %add3A_1590 {strides = array<i32>} : memref<160x128xf32, #tpu.memory_space<vmem>>, vector<16xf32>,
        %get3A_1594 = arith.index_cast %add3A_1573 : i32 to index
        %get3A_1595 = arith.constant 32 : index
        %get3A_1596 = tpu.vector_load %arg11[%get3A_1594, %get3A_1595] {strides = array<i32>} : memref<160x128xf32, #tpu.memory_space<vmem>>, vector<16xf32>,
        %mul3A_1597 = arith.constant 11.3137083 : f32
        %mul3A_1598 = vector.broadcast %mul3A_1597 : f32 to vector<16xf32>
        %mul3A_1599 = arith.mulf %get3A_1596, %mul3A_1598 : vector<16xf32>
        %add3A_1600 = arith.addf %mul3A_1599, %get3A_1295 : vector<16xf32>
        %swap3A_1601 = arith.index_cast %add3A_1573 : i32 to index
        %swap3A_1602 = arith.constant 32 : index
        %swap3A_1603 = tpu.vector_load %arg11[%swap3A_1601, %swap3A_1602] {strides = array<i32>} : memref<160x128xf32, #tpu.memory_space<vmem>>, vector<16xf32>,
        tpu.vector_store %arg11[%swap3A_1601, %swap3A_1602], %add3A_1600 {strides = array<i32>} : memref<160x128xf32, #tpu.memory_space<vmem>>, vector<16xf32>,
        %get3A_1604 = arith.index_cast %add3A_1573 : i32 to index
        %get3A_1605 = arith.constant 48 : index
        %get3A_1606 = tpu.vector_load %arg11[%get3A_1604, %get3A_1605] {strides = array<i32>} : memref<160x128xf32, #tpu.memory_space<vmem>>, vector<16xf32>,
        %mul3A_1607 = arith.constant 11.3137083 : f32
        %mul3A_1608 = vector.broadcast %mul3A_1607 : f32 to vector<16xf32>
        %mul3A_1609 = arith.mulf %get3A_1606, %mul3A_1608 : vector<16xf32>
        %add3A_1610 = arith.addf %mul3A_1609, %get3A_1301 : vector<16xf32>
        %swap3A_1611 = arith.index_cast %add3A_1573 : i32 to index
        %swap3A_1612 = arith.constant 48 : index
        %swap3A_1613 = tpu.vector_load %arg11[%swap3A_1611, %swap3A_1612] {strides = array<i32>} : memref<160x128xf32, #tpu.memory_space<vmem>>, vector<16xf32>,
        tpu.vector_store %arg11[%swap3A_1611, %swap3A_1612], %add3A_1610 {strides = array<i32>} : memref<160x128xf32, #tpu.memory_space<vmem>>, vector<16xf32>,
        %get3A_1614 = arith.index_cast %add3A_1573 : i32 to index
        %get3A_1615 = arith.constant 64 : index
        %get3A_1616 = tpu.vector_load %arg11[%get3A_1614, %get3A_1615] {strides = array<i32>} : memref<160x128xf32, #tpu.memory_space<vmem>>, vector<16xf32>,
        %mul3A_1617 = arith.constant 11.3137083 : f32
        %mul3A_1618 = vector.broadcast %mul3A_1617 : f32 to vector<16xf32>
        %mul3A_1619 = arith.mulf %get3A_1616, %mul3A_1618 : vector<16xf32>
        %add3A_1620 = arith.addf %mul3A_1619, %get3A_1307 : vector<16xf32>
        %swap3A_1621 = arith.index_cast %add3A_1573 : i32 to index
        %swap3A_1622 = arith.constant 64 : index
        %swap3A_1623 = tpu.vector_load %arg11[%swap3A_1621, %swap3A_1622] {strides = array<i32>} : memref<160x128xf32, #tpu.memory_space<vmem>>, vector<16xf32>,
        tpu.vector_store %arg11[%swap3A_1621, %swap3A_1622], %add3A_1620 {strides = array<i32>} : memref<160x128xf32, #tpu.memory_space<vmem>>, vector<16xf32>,
        %get3A_1624 = arith.index_cast %add3A_1573 : i32 to index
        %get3A_1625 = arith.constant 80 : index
        %get3A_1626 = tpu.vector_load %arg11[%get3A_1624, %get3A_1625] {strides = array<i32>} : memref<160x128xf32, #tpu.memory_space<vmem>>, vector<16xf32>,
        %mul3A_1627 = arith.constant 11.3137083 : f32
        %mul3A_1628 = vector.broadcast %mul3A_1627 : f32 to vector<16xf32>
        %mul3A_1629 = arith.mulf %get3A_1626, %mul3A_1628 : vector<16xf32>
        %add3A_1630 = arith.addf %mul3A_1629, %get3A_1313 : vector<16xf32>
        %swap3A_1631 = arith.index_cast %add3A_1573 : i32 to index
        %swap3A_1632 = arith.constant 80 : index
        %swap3A_1633 = tpu.vector_load %arg11[%swap3A_1631, %swap3A_1632] {strides = array<i32>} : memref<160x128xf32, #tpu.memory_space<vmem>>, vector<16xf32>,
        tpu.vector_store %arg11[%swap3A_1631, %swap3A_1632], %add3A_1630 {strides = array<i32>} : memref<160x128xf32, #tpu.memory_space<vmem>>, vector<16xf32>,
        %get3A_1634 = arith.index_cast %add3A_1573 : i32 to index
        %get3A_1635 = arith.constant 96 : index
        %get3A_1636 = tpu.vector_load %arg11[%get3A_1634, %get3A_1635] {strides = array<i32>} : memref<160x128xf32, #tpu.memory_space<vmem>>, vector<16xf32>,
        %mul3A_1637 = arith.constant 11.3137083 : f32
        %mul3A_1638 = vector.broadcast %mul3A_1637 : f32 to vector<16xf32>
        %mul3A_1639 = arith.mulf %get3A_1636, %mul3A_1638 : vector<16xf32>
        %add3A_1640 = arith.addf %mul3A_1639, %get3A_1319 : vector<16xf32>
        %swap3A_1641 = arith.index_cast %add3A_1573 : i32 to index
        %swap3A_1642 = arith.constant 96 : index
        %swap3A_1643 = tpu.vector_load %arg11[%swap3A_1641, %swap3A_1642] {strides = array<i32>} : memref<160x128xf32, #tpu.memory_space<vmem>>, vector<16xf32>,
        tpu.vector_store %arg11[%swap3A_1641, %swap3A_1642], %add3A_1640 {strides = array<i32>} : memref<160x128xf32, #tpu.memory_space<vmem>>, vector<16xf32>,
        %get3A_1644 = arith.index_cast %add3A_1573 : i32 to index
        %get3A_1645 = arith.constant 112 : index
        %get3A_1646 = tpu.vector_load %arg11[%get3A_1644, %get3A_1645] {strides = array<i32>} : memref<160x128xf32, #tpu.memory_space<vmem>>, vector<16xf32>,
        %mul3A_1647 = arith.constant 11.3137083 : f32
        %mul3A_1648 = vector.broadcast %mul3A_1647 : f32 to vector<16xf32>
        %mul3A_1649 = arith.mulf %get3A_1646, %mul3A_1648 : vector<16xf32>
        %add3A_1650 = arith.addf %mul3A_1649, %get3A_1325 : vector<16xf32>
        %swap3A_1651 = arith.index_cast %add3A_1573 : i32 to index
        %swap3A_1652 = arith.constant 112 : index
        %swap3A_1653 = tpu.vector_load %arg11[%swap3A_1651, %swap3A_1652] {strides = array<i32>} : memref<160x128xf32, #tpu.memory_space<vmem>>, vector<16xf32>,
        tpu.vector_store %arg11[%swap3A_1651, %swap3A_1652], %add3A_1650 {strides = array<i32>} : memref<160x128xf32, #tpu.memory_space<vmem>>, vector<16xf32>,
      }
      %scan3A_1114 = arith.constant 40 : i32
      %jit3A_1115 = arith.constant 5 : i32
      %div3A_1116 = arith.divsi %add3A_1061, %jit3A_1115 : i32
      %sign3A_1117 = arith.constant 0 : i32
      %sign3A_1118 = arith.cmpi sgt, %add3A_1061, %sign3A_1117 : i32
      %sign3A_1119 = arith.extui %sign3A_1118 : i1 to i32
      %sign3A_1120 = arith.constant 0 : i32
      %sign3A_1121 = arith.cmpi slt, %add3A_1061, %sign3A_1120 : i32
      %sign3A_1122 = arith.extui %sign3A_1121 : i1 to i32
      %sign3A_1123 = arith.subi %sign3A_1119, %sign3A_1122 : i32
      %sign3A_1124 = arith.constant 0 : i32
      %sign3A_1125 = arith.cmpi sgt, %jit3A_1115, %sign3A_1124 : i32
      %sign3A_1126 = arith.extui %sign3A_1125 : i1 to i32
      %sign3A_1127 = arith.constant 0 : i32
      %sign3A_1128 = arith.cmpi slt, %jit3A_1115, %sign3A_1127 : i32
      %sign3A_1129 = arith.extui %sign3A_1128 : i1 to i32
      %sign3A_1130 = arith.subi %sign3A_1126, %sign3A_1129 : i32
      %ne3A_1131 = arith.cmpi ne, %sign3A_1123, %sign3A_1130 : i32
      %rem3A_1132 = arith.remsi %add3A_1061, %jit3A_1115 : i32
      %ne3A_1133 = arith.constant 0 : i32
      %ne3A_1134 = arith.cmpi ne, %rem3A_1132, %ne3A_1133 : i32
      %and3A_1135 = arith.andi %ne3A_1131, %ne3A_1134 : i1
      %sub3A_1136 = arith.constant 1 : i32
      %sub3A_1137 = arith.subi %div3A_1116, %sub3A_1136 : i32
      %select_n3A_1138 = arith.select %and3A_1135, %sub3A_1137, %div3A_1116 : i32
      %jit3A_1139 = arith.constant 5 : i32
      %eq3A_1140 = arith.constant 0 : i32
      %eq3A_1141 = arith.cmpi eq, %jit3A_1139, %eq3A_1140 : i32
      %jit3A_1142 = arith.constant 1 : i32
      %select_n3A_1143 = arith.select %eq3A_1141, %jit3A_1142, %jit3A_1139 : i32
      %rem3A_1144 = arith.remsi %add3A_1061, %select_n3A_1143 : i32
      %ne3A_1145 = arith.constant 0 : i32
      %ne3A_1146 = arith.cmpi ne, %rem3A_1144, %ne3A_1145 : i32
      %lt3A_1147 = arith.constant 0 : i32
      %lt3A_1148 = arith.cmpi slt, %rem3A_1144, %lt3A_1147 : i32
      %lt3A_1149 = arith.constant 0 : i32
      %lt3A_1150 = arith.cmpi slt, %select_n3A_1143, %lt3A_1149 : i32
      %ne3A_1151 = arith.xori %lt3A_1148, %lt3A_1150 : i1
      %and3A_1152 = arith.andi %ne3A_1151, %ne3A_1146 : i1
      %add3A_1153 = arith.addi %rem3A_1144, %select_n3A_1143 : i32
      %select_n3A_1154 = arith.select %and3A_1152, %add3A_1153, %rem3A_1144 : i32
      %mul3A_1155 = arith.constant 4 : i32
      %mul3A_1156 = arith.muli %select_n3A_1138, %mul3A_1155 : i32
      %add3A_1157 = arith.addi %multiple_of3A, %mul3A_1156 : i32
      %mul3A_1158 = arith.constant 40 : i32
      %mul3A_1159 = arith.muli %select_n3A_1154, %mul3A_1158 : i32
      %multiple_of3A_1160 = tpu.assume_multiple %mul3A_1159, 40 : i32
      %dma_start3A_1161 = tpu.memref_reshape %arg11 : memref<160x128xf32, #tpu.memory_space<vmem>> -> memref<4x40x128xf32, #tpu.memory_space<vmem>>
      %dma_start3A_1162 = arith.constant 0 : i32
      %dma_start3A_1163 = tpu.memref_slice %arg5[%add3A_1157, %multiple_of3A_1160, %dma_start3A_1162] : memref<1024x200x128xf32, #tpu.memory_space<hbm>> -> memref<4x40x128xf32, #tpu.memory_space<hbm>>
      %dma_start3A_1164 = arith.constant 0 : i32
      %dma_start3A_1165 = tpu.memref_slice %arg5[%add3A_1157, %multiple_of3A_1160, %dma_start3A_1164] : memref<1024x200x128xf32, #tpu.memory_space<hbm>> -> memref<4x40x128xf32, #tpu.memory_space<hbm>>
      %dma_start3A_1166 = tpu.memref_reshape %arg11 : memref<160x128xf32, #tpu.memory_space<vmem>> -> memref<4x40x128xf32, #tpu.memory_space<vmem>>
      tpu.enqueue_dma source(%dma_start3A_1166 : memref<4x40x128xf32, #tpu.memory_space<vmem>>) target(%dma_start3A_1165 : memref<4x40x128xf32, #tpu.memory_space<hbm>>) target_semaphore(%arg19 : memref<!tpu.dma_semaphore, #tpu.memory_space<semaphore_mem>>)
      %add3A_1167 = arith.constant 3 : i32
      %add3A_1168 = arith.addi %add3A_850, %add3A_1167 : i32
      %ge3A_1169 = arith.constant 1 : i32
      %ge3A_1170 = arith.cmpi sge, %add3A_1168, %ge3A_1169 : i32
      %convert_element_type3A_1171 = arith.extui %ge3A_1170 : i1 to i32
      %cond3A_1172 = arith.constant 0 : i32
      %cond3A_1173 = arith.cmpi ne, %convert_element_type3A_1171, %cond3A_1172 : i32
      scf.if %cond3A_1173 {
        %sub3A_1274 = arith.constant 1 : i32
        %sub3A_1275 = arith.subi %add3A_1168, %sub3A_1274 : i32
        %jit3A_1276 = arith.constant 5 : i32
        %div3A_1277 = arith.divsi %sub3A_1275, %jit3A_1276 : i32
        %sign3A_1278 = arith.constant 0 : i32
        %sign3A_1279 = arith.cmpi sgt, %sub3A_1275, %sign3A_1278 : i32
        %sign3A_1280 = arith.extui %sign3A_1279 : i1 to i32
        %sign3A_1281 = arith.constant 0 : i32
        %sign3A_1282 = arith.cmpi slt, %sub3A_1275, %sign3A_1281 : i32
        %sign3A_1283 = arith.extui %sign3A_1282 : i1 to i32
        %sign3A_1284 = arith.subi %sign3A_1280, %sign3A_1283 : i32
        %sign3A_1285 = arith.constant 0 : i32
        %sign3A_1286 = arith.cmpi sgt, %jit3A_1276, %sign3A_1285 : i32
        %sign3A_1287 = arith.extui %sign3A_1286 : i1 to i32
        %sign3A_1288 = arith.constant 0 : i32
        %sign3A_1289 = arith.cmpi slt, %jit3A_1276, %sign3A_1288 : i32
        %sign3A_1290 = arith.extui %sign3A_1289 : i1 to i32
        %sign3A_1291 = arith.subi %sign3A_1287, %sign3A_1290 : i32
        %ne3A_1292 = arith.cmpi ne, %sign3A_1284, %sign3A_1291 : i32
        %rem3A_1293 = arith.remsi %sub3A_1275, %jit3A_1276 : i32
        %ne3A_1294 = arith.constant 0 : i32
        %ne3A_1295 = arith.cmpi ne, %rem3A_1293, %ne3A_1294 : i32
        %and3A_1296 = arith.andi %ne3A_1292, %ne3A_1295 : i1
        %sub3A_1297 = arith.constant 1 : i32
        %sub3A_1298 = arith.subi %div3A_1277, %sub3A_1297 : i32
        %select_n3A_1299 = arith.select %and3A_1296, %sub3A_1298, %div3A_1277 : i32
        %jit3A_1300 = arith.constant 5 : i32
        %eq3A_1301 = arith.constant 0 : i32
        %eq3A_1302 = arith.cmpi eq, %jit3A_1300, %eq3A_1301 : i32
        %jit3A_1303 = arith.constant 1 : i32
        %select_n3A_1304 = arith.select %eq3A_1302, %jit3A_1303, %jit3A_1300 : i32
        %rem3A_1305 = arith.remsi %sub3A_1275, %select_n3A_1304 : i32
        %ne3A_1306 = arith.constant 0 : i32
        %ne3A_1307 = arith.cmpi ne, %rem3A_1305, %ne3A_1306 : i32
        %lt3A_1308 = arith.constant 0 : i32
        %lt3A_1309 = arith.cmpi slt, %rem3A_1305, %lt3A_1308 : i32
        %lt3A_1310 = arith.constant 0 : i32
        %lt3A_1311 = arith.cmpi slt, %select_n3A_1304, %lt3A_1310 : i32
        %ne3A_1312 = arith.xori %lt3A_1309, %lt3A_1311 : i1
        %and3A_1313 = arith.andi %ne3A_1312, %ne3A_1307 : i1
        %add3A_1314 = arith.addi %rem3A_1305, %select_n3A_1304 : i32
        %select_n3A_1315 = arith.select %and3A_1313, %add3A_1314, %rem3A_1305 : i32
        %mul3A_1316 = arith.constant 4 : i32
        %mul3A_1317 = arith.muli %select_n3A_1299, %mul3A_1316 : i32
        %add3A_1318 = arith.addi %multiple_of3A, %mul3A_1317 : i32
        %mul3A_1319 = arith.constant 40 : i32
        %mul3A_1320 = arith.muli %select_n3A_1315, %mul3A_1319 : i32
        %multiple_of3A_1321 = tpu.assume_multiple %mul3A_1320, 40 : i32
        %dma_wait3A_1322 = tpu.memref_reshape %arg11 : memref<160x128xf32, #tpu.memory_space<vmem>> -> memref<4x40x128xf32, #tpu.memory_space<vmem>>
        %dma_wait3A_1323 = arith.constant 0 : i32
        %dma_wait3A_1324 = tpu.memref_slice %arg5[%add3A_1318, %multiple_of3A_1321, %dma_wait3A_1323] : memref<1024x200x128xf32, #tpu.memory_space<hbm>> -> memref<4x40x128xf32, #tpu.memory_space<hbm>>
        %dma_wait3A_1325 = arith.constant 0 : i32
        %dma_wait3A_1326 = tpu.memref_slice %arg5[%add3A_1318, %multiple_of3A_1321, %dma_wait3A_1325] : memref<1024x200x128xf32, #tpu.memory_space<hbm>> -> memref<4x40x128xf32, #tpu.memory_space<hbm>>
        %dma_wait3A_1327 = tpu.memref_reshape %arg11 : memref<160x128xf32, #tpu.memory_space<vmem>> -> memref<4x40x128xf32, #tpu.memory_space<vmem>>
        tpu.wait_dma2 semaphore(%arg19 : memref<!tpu.dma_semaphore, #tpu.memory_space<semaphore_mem>>) src(%dma_wait3A_1327 : memref<4x40x128xf32, #tpu.memory_space<vmem>>) dst(%dma_wait3A_1326 : memref<4x40x128xf32, #tpu.memory_space<hbm>>)
      } else {
      }
      %add3A_1174 = arith.constant 3 : i32
      %add3A_1175 = arith.addi %add3A_1168, %add3A_1174 : i32
      %lt3A_1176 = arith.constant 40 : i32
      %lt3A_1177 = arith.cmpi slt, %add3A_1175, %lt3A_1176 : i32
      %convert_element_type3A_1178 = arith.extui %lt3A_1177 : i1 to i32
      %cond3A_1179 = arith.constant 0 : i32
      %cond3A_1180 = arith.cmpi ne, %convert_element_type3A_1178, %cond3A_1179 : i32
      scf.if %cond3A_1180 {
        %add3A_1274 = arith.constant 3 : i32
        %add3A_1275 = arith.addi %add3A_1168, %add3A_1274 : i32
        %dma_start3A_1276 = arith.constant 0 : i32
        %dma_start3A_1277 = arith.constant 0 : i32
        %dma_start3A_1278 = arith.constant 0 : i32
        %dma_start3A_1279 = tpu.memref_slice %arg11[%dma_start3A_1277, %dma_start3A_1278] : memref<160x128xf32, #tpu.memory_space<vmem>> -> memref<80x128xf32, #tpu.memory_space<vmem>>
        %dma_start3A_1280 = arith.constant 0 : i32
        %dma_start3A_1281 = tpu.memref_slice %arg8[%add3A_1275, %dma_start3A_1276, %dma_start3A_1280] : memref<40x2x80xi32, #tpu.memory_space<vmem>> -> memref<1x1x80xi32, #tpu.memory_space<vmem>>
        %dma_start3A_1282 = tpu.memref_squeeze %dma_start3A_1281 : memref<1x1x80xi32, #tpu.memory_space<vmem>> -> memref<80xi32, #tpu.memory_space<vmem>>
        %dma_start3A_1283 = arith.constant 0 : i32
        %dma_start3A_1284 = arith.constant 0 : i32
        %dma_start3A_1285 = tpu.memref_slice %arg3[%dma_start3A_1283, %dma_start3A_1284] : memref<100000x128xf32, #tpu.memory_space<hbm>> -> memref<100000x128xf32, #tpu.memory_space<hbm>>
        tpu.enqueue_indirect_dma source(%dma_start3A_1285 : memref<100000x128xf32, #tpu.memory_space<hbm>>) target(%dma_start3A_1279 : memref<80x128xf32, #tpu.memory_space<vmem>>) offsets(%dma_start3A_1282 : memref<80xi32, #tpu.memory_space<vmem>>) semaphore(%arg15 : memref<!tpu.dma_semaphore, #tpu.memory_space<semaphore_mem>>)
        %dma_start3A_1286 = arith.constant 1 : i32
        %dma_start3A_1287 = arith.constant 80 : i32
        %dma_start3A_1288 = arith.constant 0 : i32
        %dma_start3A_1289 = tpu.memref_slice %arg11[%dma_start3A_1287, %dma_start3A_1288] : memref<160x128xf32, #tpu.memory_space<vmem>> -> memref<80x128xf32, #tpu.memory_space<vmem>>
        %dma_start3A_1290 = arith.constant 0 : i32
        %dma_start3A_1291 = tpu.memref_slice %arg8[%add3A_1275, %dma_start3A_1286, %dma_start3A_1290] : memref<40x2x80xi32, #tpu.memory_space<vmem>> -> memref<1x1x80xi32, #tpu.memory_space<vmem>>
        %dma_start3A_1292 = tpu.memref_squeeze %dma_start3A_1291 : memref<1x1x80xi32, #tpu.memory_space<vmem>> -> memref<80xi32, #tpu.memory_space<vmem>>
        %dma_start3A_1293 = arith.constant 0 : i32
        %dma_start3A_1294 = arith.constant 0 : i32
        %dma_start3A_1295 = tpu.memref_slice %arg3[%dma_start3A_1293, %dma_start3A_1294] : memref<100000x128xf32, #tpu.memory_space<hbm>> -> memref<100000x128xf32, #tpu.memory_space<hbm>>
        tpu.enqueue_indirect_dma source(%dma_start3A_1295 : memref<100000x128xf32, #tpu.memory_space<hbm>>) target(%dma_start3A_1289 : memref<80x128xf32, #tpu.memory_space<vmem>>) offsets(%dma_start3A_1292 : memref<80xi32, #tpu.memory_space<vmem>>) semaphore(%arg15 : memref<!tpu.dma_semaphore, #tpu.memory_space<semaphore_mem>>)
      } else {
      }
      %dma_wait3A_1181 = arith.constant 0 : i32
      %dma_wait3A_1182 = arith.constant 0 : i32
      %dma_wait3A_1183 = arith.constant 0 : i32
      %dma_wait3A_1184 = tpu.memref_slice %arg12[%dma_wait3A_1182, %dma_wait3A_1183] : memref<160x128xf32, #tpu.memory_space<vmem>> -> memref<80x128xf32, #tpu.memory_space<vmem>>
      %dma_wait3A_1185 = arith.constant 0 : i32
      %dma_wait3A_1186 = tpu.memref_slice %arg8[%add3A_1168, %dma_wait3A_1181, %dma_wait3A_1185] : memref<40x2x80xi32, #tpu.memory_space<vmem>> -> memref<1x1x80xi32, #tpu.memory_space<vmem>>
      %dma_wait3A_1187 = tpu.memref_squeeze %dma_wait3A_1186 : memref<1x1x80xi32, #tpu.memory_space<vmem>> -> memref<80xi32, #tpu.memory_space<vmem>>
      %dma_wait3A_1188 = arith.constant 0 : i32
      %dma_wait3A_1189 = arith.constant 0 : i32
      %dma_wait3A_1190 = tpu.memref_slice %arg3[%dma_wait3A_1188, %dma_wait3A_1189] : memref<100000x128xf32, #tpu.memory_space<hbm>> -> memref<100000x128xf32, #tpu.memory_space<hbm>>
      tpu.wait_indirect_dma semaphore(%arg16 : memref<!tpu.dma_semaphore, #tpu.memory_space<semaphore_mem>>) src(%dma_wait3A_1190 : memref<100000x128xf32, #tpu.memory_space<hbm>>) dst(%dma_wait3A_1184 : memref<80x128xf32, #tpu.memory_space<vmem>>)
      %dma_wait3A_1191 = arith.constant 1 : i32
      %dma_wait3A_1192 = arith.constant 80 : i32
      %dma_wait3A_1193 = arith.constant 0 : i32
      %dma_wait3A_1194 = tpu.memref_slice %arg12[%dma_wait3A_1192, %dma_wait3A_1193] : memref<160x128xf32, #tpu.memory_space<vmem>> -> memref<80x128xf32, #tpu.memory_space<vmem>>
      %dma_wait3A_1195 = arith.constant 0 : i32
      %dma_wait3A_1196 = tpu.memref_slice %arg8[%add3A_1168, %dma_wait3A_1191, %dma_wait3A_1195] : memref<40x2x80xi32, #tpu.memory_space<vmem>> -> memref<1x1x80xi32, #tpu.memory_space<vmem>>
      %dma_wait3A_1197 = tpu.memref_squeeze %dma_wait3A_1196 : memref<1x1x80xi32, #tpu.memory_space<vmem>> -> memref<80xi32, #tpu.memory_space<vmem>>
      %dma_wait3A_1198 = arith.constant 0 : i32
      %dma_wait3A_1199 = arith.constant 0 : i32
      %dma_wait3A_1200 = tpu.memref_slice %arg3[%dma_wait3A_1198, %dma_wait3A_1199] : memref<100000x128xf32, #tpu.memory_space<hbm>> -> memref<100000x128xf32, #tpu.memory_space<hbm>>
      tpu.wait_indirect_dma semaphore(%arg16 : memref<!tpu.dma_semaphore, #tpu.memory_space<semaphore_mem>>) src(%dma_wait3A_1200 : memref<100000x128xf32, #tpu.memory_space<hbm>>) dst(%dma_wait3A_1194 : memref<80x128xf32, #tpu.memory_space<vmem>>)
      %jit3A_1201 = arith.constant 5 : i32
      %eq3A_1202 = arith.constant 0 : i32
      %eq3A_1203 = arith.cmpi eq, %jit3A_1201, %eq3A_1202 : i32
      %jit3A_1204 = arith.constant 1 : i32
      %select_n3A_1205 = arith.select %eq3A_1203, %jit3A_1204, %jit3A_1201 : i32
      %rem3A_1206 = arith.remsi %add3A_1168, %select_n3A_1205 : i32
      %ne3A_1207 = arith.constant 0 : i32
      %ne3A_1208 = arith.cmpi ne, %rem3A_1206, %ne3A_1207 : i32
      %lt3A_1209 = arith.constant 0 : i32
      %lt3A_1210 = arith.cmpi slt, %rem3A_1206, %lt3A_1209 : i32
      %lt3A_1211 = arith.constant 0 : i32
      %lt3A_1212 = arith.cmpi slt, %select_n3A_1205, %lt3A_1211 : i32
      %ne3A_1213 = arith.xori %lt3A_1210, %lt3A_1212 : i1
      %and3A_1214 = arith.andi %ne3A_1213, %ne3A_1208 : i1
      %add3A_1215 = arith.addi %rem3A_1206, %select_n3A_1205 : i32
      %select_n3A_1216 = arith.select %and3A_1214, %add3A_1215, %rem3A_1206 : i32
      %scan3A_1217 = arith.constant 0 : i32
      %scan3A_1218 = arith.constant 40 : i32
      %scan3A_1219 = arith.addi %scan3A_1217, %scan3A_1218 : i32
      %scan3A_1220 = arith.constant 1 : i32
      scf.for %scan3A_1274 = %scan3A_1217 to %scan3A_1219 step %scan3A_1220  : i32 {
        %mul3A_1275 = arith.constant 1 : i32
        %mul3A_1276 = arith.muli %scan3A_1274, %mul3A_1275 : i32
        %add3A_1277 = arith.constant 0 : i32
        %add3A_1278 = arith.addi %add3A_1277, %mul3A_1276 : i32
        %mul3A_1279 = arith.constant 40 : i32
        %mul3A_1280 = arith.muli %select_n3A_1216, %mul3A_1279 : i32
        %add3A_1281 = arith.addi %mul3A_1280, %add3A_1278 : i32
        %get3A = arith.index_cast %add3A_1281 : i32 to index
        %get3A_1282 = arith.constant 0 : index
        %get3A_1283 = tpu.vector_load %arg6[%get3A, %get3A_1282] {strides = array<i32>} : memref<200x128xf32, #tpu.memory_space<vmem>>, vector<16xf32>,
        %mul3A_1284 = arith.constant 40 : i32
        %mul3A_1285 = arith.muli %select_n3A_1216, %mul3A_1284 : i32
        %add3A_1286 = arith.addi %mul3A_1285, %add3A_1278 : i32
        %get3A_1287 = arith.index_cast %add3A_1286 : i32 to index
        %get3A_1288 = arith.constant 16 : index
        %get3A_1289 = tpu.vector_load %arg6[%get3A_1287, %get3A_1288] {strides = array<i32>} : memref<200x128xf32, #tpu.memory_space<vmem>>, vector<16xf32>,
        %mul3A_1290 = arith.constant 40 : i32
        %mul3A_1291 = arith.muli %select_n3A_1216, %mul3A_1290 : i32
        %add3A_1292 = arith.addi %mul3A_1291, %add3A_1278 : i32
        %get3A_1293 = arith.index_cast %add3A_1292 : i32 to index
        %get3A_1294 = arith.constant 32 : index
        %get3A_1295 = tpu.vector_load %arg6[%get3A_1293, %get3A_1294] {strides = array<i32>} : memref<200x128xf32, #tpu.memory_space<vmem>>, vector<16xf32>,
        %mul3A_1296 = arith.constant 40 : i32
        %mul3A_1297 = arith.muli %select_n3A_1216, %mul3A_1296 : i32
        %add3A_1298 = arith.addi %mul3A_1297, %add3A_1278 : i32
        %get3A_1299 = arith.index_cast %add3A_1298 : i32 to index
        %get3A_1300 = arith.constant 48 : index
        %get3A_1301 = tpu.vector_load %arg6[%get3A_1299, %get3A_1300] {strides = array<i32>} : memref<200x128xf32, #tpu.memory_space<vmem>>, vector<16xf32>,
        %mul3A_1302 = arith.constant 40 : i32
        %mul3A_1303 = arith.muli %select_n3A_1216, %mul3A_1302 : i32
        %add3A_1304 = arith.addi %mul3A_1303, %add3A_1278 : i32
        %get3A_1305 = arith.index_cast %add3A_1304 : i32 to index
        %get3A_1306 = arith.constant 64 : index
        %get3A_1307 = tpu.vector_load %arg6[%get3A_1305, %get3A_1306] {strides = array<i32>} : memref<200x128xf32, #tpu.memory_space<vmem>>, vector<16xf32>,
        %mul3A_1308 = arith.constant 40 : i32
        %mul3A_1309 = arith.muli %select_n3A_1216, %mul3A_1308 : i32
        %add3A_1310 = arith.addi %mul3A_1309, %add3A_1278 : i32
        %get3A_1311 = arith.index_cast %add3A_1310 : i32 to index
        %get3A_1312 = arith.constant 80 : index
        %get3A_1313 = tpu.vector_load %arg6[%get3A_1311, %get3A_1312] {strides = array<i32>} : memref<200x128xf32, #tpu.memory_space<vmem>>, vector<16xf32>,
        %mul3A_1314 = arith.constant 40 : i32
        %mul3A_1315 = arith.muli %select_n3A_1216, %mul3A_1314 : i32
        %add3A_1316 = arith.addi %mul3A_1315, %add3A_1278 : i32
        %get3A_1317 = arith.index_cast %add3A_1316 : i32 to index
        %get3A_1318 = arith.constant 96 : index
        %get3A_1319 = tpu.vector_load %arg6[%get3A_1317, %get3A_1318] {strides = array<i32>} : memref<200x128xf32, #tpu.memory_space<vmem>>, vector<16xf32>,
        %mul3A_1320 = arith.constant 40 : i32
        %mul3A_1321 = arith.muli %select_n3A_1216, %mul3A_1320 : i32
        %add3A_1322 = arith.addi %mul3A_1321, %add3A_1278 : i32
        %get3A_1323 = arith.index_cast %add3A_1322 : i32 to index
        %get3A_1324 = arith.constant 112 : index
        %get3A_1325 = tpu.vector_load %arg6[%get3A_1323, %get3A_1324] {strides = array<i32>} : memref<200x128xf32, #tpu.memory_space<vmem>>, vector<16xf32>,
        %add3A_1326 = arith.constant 0 : i32
        %add3A_1327 = arith.addi %add3A_1326, %add3A_1278 : i32
        %get3A_1328 = arith.index_cast %add3A_1327 : i32 to index
        %get3A_1329 = arith.constant 0 : index
        %get3A_1330 = tpu.vector_load %arg12[%get3A_1328, %get3A_1329] {strides = array<i32>} : memref<160x128xf32, #tpu.memory_space<vmem>>, vector<16xf32>,
        %mul3A_1331 = arith.constant 11.3137083 : f32
        %mul3A_1332 = vector.broadcast %mul3A_1331 : f32 to vector<16xf32>
        %mul3A_1333 = arith.mulf %get3A_1330, %mul3A_1332 : vector<16xf32>
        %add3A_1334 = arith.addf %mul3A_1333, %get3A_1283 : vector<16xf32>
        %swap3A_1335 = arith.index_cast %add3A_1327 : i32 to index
        %swap3A_1336 = arith.constant 0 : index
        %swap3A_1337 = tpu.vector_load %arg12[%swap3A_1335, %swap3A_1336] {strides = array<i32>} : memref<160x128xf32, #tpu.memory_space<vmem>>, vector<16xf32>,
        tpu.vector_store %arg12[%swap3A_1335, %swap3A_1336], %add3A_1334 {strides = array<i32>} : memref<160x128xf32, #tpu.memory_space<vmem>>, vector<16xf32>,
        %get3A_1338 = arith.index_cast %add3A_1327 : i32 to index
        %get3A_1339 = arith.constant 16 : index
        %get3A_1340 = tpu.vector_load %arg12[%get3A_1338, %get3A_1339] {strides = array<i32>} : memref<160x128xf32, #tpu.memory_space<vmem>>, vector<16xf32>,
        %mul3A_1341 = arith.constant 11.3137083 : f32
        %mul3A_1342 = vector.broadcast %mul3A_1341 : f32 to vector<16xf32>
        %mul3A_1343 = arith.mulf %get3A_1340, %mul3A_1342 : vector<16xf32>
        %add3A_1344 = arith.addf %mul3A_1343, %get3A_1289 : vector<16xf32>
        %swap3A_1345 = arith.index_cast %add3A_1327 : i32 to index
        %swap3A_1346 = arith.constant 16 : index
        %swap3A_1347 = tpu.vector_load %arg12[%swap3A_1345, %swap3A_1346] {strides = array<i32>} : memref<160x128xf32, #tpu.memory_space<vmem>>, vector<16xf32>,
        tpu.vector_store %arg12[%swap3A_1345, %swap3A_1346], %add3A_1344 {strides = array<i32>} : memref<160x128xf32, #tpu.memory_space<vmem>>, vector<16xf32>,
        %get3A_1348 = arith.index_cast %add3A_1327 : i32 to index
        %get3A_1349 = arith.constant 32 : index
        %get3A_1350 = tpu.vector_load %arg12[%get3A_1348, %get3A_1349] {strides = array<i32>} : memref<160x128xf32, #tpu.memory_space<vmem>>, vector<16xf32>,
        %mul3A_1351 = arith.constant 11.3137083 : f32
        %mul3A_1352 = vector.broadcast %mul3A_1351 : f32 to vector<16xf32>
        %mul3A_1353 = arith.mulf %get3A_1350, %mul3A_1352 : vector<16xf32>
        %add3A_1354 = arith.addf %mul3A_1353, %get3A_1295 : vector<16xf32>
        %swap3A_1355 = arith.index_cast %add3A_1327 : i32 to index
        %swap3A_1356 = arith.constant 32 : index
        %swap3A_1357 = tpu.vector_load %arg12[%swap3A_1355, %swap3A_1356] {strides = array<i32>} : memref<160x128xf32, #tpu.memory_space<vmem>>, vector<16xf32>,
        tpu.vector_store %arg12[%swap3A_1355, %swap3A_1356], %add3A_1354 {strides = array<i32>} : memref<160x128xf32, #tpu.memory_space<vmem>>, vector<16xf32>,
        %get3A_1358 = arith.index_cast %add3A_1327 : i32 to index
        %get3A_1359 = arith.constant 48 : index
        %get3A_1360 = tpu.vector_load %arg12[%get3A_1358, %get3A_1359] {strides = array<i32>} : memref<160x128xf32, #tpu.memory_space<vmem>>, vector<16xf32>,
        %mul3A_1361 = arith.constant 11.3137083 : f32
        %mul3A_1362 = vector.broadcast %mul3A_1361 : f32 to vector<16xf32>
        %mul3A_1363 = arith.mulf %get3A_1360, %mul3A_1362 : vector<16xf32>
        %add3A_1364 = arith.addf %mul3A_1363, %get3A_1301 : vector<16xf32>
        %swap3A_1365 = arith.index_cast %add3A_1327 : i32 to index
        %swap3A_1366 = arith.constant 48 : index
        %swap3A_1367 = tpu.vector_load %arg12[%swap3A_1365, %swap3A_1366] {strides = array<i32>} : memref<160x128xf32, #tpu.memory_space<vmem>>, vector<16xf32>,
        tpu.vector_store %arg12[%swap3A_1365, %swap3A_1366], %add3A_1364 {strides = array<i32>} : memref<160x128xf32, #tpu.memory_space<vmem>>, vector<16xf32>,
        %get3A_1368 = arith.index_cast %add3A_1327 : i32 to index
        %get3A_1369 = arith.constant 64 : index
        %get3A_1370 = tpu.vector_load %arg12[%get3A_1368, %get3A_1369] {strides = array<i32>} : memref<160x128xf32, #tpu.memory_space<vmem>>, vector<16xf32>,
        %mul3A_1371 = arith.constant 11.3137083 : f32
        %mul3A_1372 = vector.broadcast %mul3A_1371 : f32 to vector<16xf32>
        %mul3A_1373 = arith.mulf %get3A_1370, %mul3A_1372 : vector<16xf32>
        %add3A_1374 = arith.addf %mul3A_1373, %get3A_1307 : vector<16xf32>
        %swap3A_1375 = arith.index_cast %add3A_1327 : i32 to index
        %swap3A_1376 = arith.constant 64 : index
        %swap3A_1377 = tpu.vector_load %arg12[%swap3A_1375, %swap3A_1376] {strides = array<i32>} : memref<160x128xf32, #tpu.memory_space<vmem>>, vector<16xf32>,
        tpu.vector_store %arg12[%swap3A_1375, %swap3A_1376], %add3A_1374 {strides = array<i32>} : memref<160x128xf32, #tpu.memory_space<vmem>>, vector<16xf32>,
        %get3A_1378 = arith.index_cast %add3A_1327 : i32 to index
        %get3A_1379 = arith.constant 80 : index
        %get3A_1380 = tpu.vector_load %arg12[%get3A_1378, %get3A_1379] {strides = array<i32>} : memref<160x128xf32, #tpu.memory_space<vmem>>, vector<16xf32>,
        %mul3A_1381 = arith.constant 11.3137083 : f32
        %mul3A_1382 = vector.broadcast %mul3A_1381 : f32 to vector<16xf32>
        %mul3A_1383 = arith.mulf %get3A_1380, %mul3A_1382 : vector<16xf32>
        %add3A_1384 = arith.addf %mul3A_1383, %get3A_1313 : vector<16xf32>
        %swap3A_1385 = arith.index_cast %add3A_1327 : i32 to index
        %swap3A_1386 = arith.constant 80 : index
        %swap3A_1387 = tpu.vector_load %arg12[%swap3A_1385, %swap3A_1386] {strides = array<i32>} : memref<160x128xf32, #tpu.memory_space<vmem>>, vector<16xf32>,
        tpu.vector_store %arg12[%swap3A_1385, %swap3A_1386], %add3A_1384 {strides = array<i32>} : memref<160x128xf32, #tpu.memory_space<vmem>>, vector<16xf32>,
        %get3A_1388 = arith.index_cast %add3A_1327 : i32 to index
        %get3A_1389 = arith.constant 96 : index
        %get3A_1390 = tpu.vector_load %arg12[%get3A_1388, %get3A_1389] {strides = array<i32>} : memref<160x128xf32, #tpu.memory_space<vmem>>, vector<16xf32>,
        %mul3A_1391 = arith.constant 11.3137083 : f32
        %mul3A_1392 = vector.broadcast %mul3A_1391 : f32 to vector<16xf32>
        %mul3A_1393 = arith.mulf %get3A_1390, %mul3A_1392 : vector<16xf32>
        %add3A_1394 = arith.addf %mul3A_1393, %get3A_1319 : vector<16xf32>
        %swap3A_1395 = arith.index_cast %add3A_1327 : i32 to index
        %swap3A_1396 = arith.constant 96 : index
        %swap3A_1397 = tpu.vector_load %arg12[%swap3A_1395, %swap3A_1396] {strides = array<i32>} : memref<160x128xf32, #tpu.memory_space<vmem>>, vector<16xf32>,
        tpu.vector_store %arg12[%swap3A_1395, %swap3A_1396], %add3A_1394 {strides = array<i32>} : memref<160x128xf32, #tpu.memory_space<vmem>>, vector<16xf32>,
        %get3A_1398 = arith.index_cast %add3A_1327 : i32 to index
        %get3A_1399 = arith.constant 112 : index
        %get3A_1400 = tpu.vector_load %arg12[%get3A_1398, %get3A_1399] {strides = array<i32>} : memref<160x128xf32, #tpu.memory_space<vmem>>, vector<16xf32>,
        %mul3A_1401 = arith.constant 11.3137083 : f32
        %mul3A_1402 = vector.broadcast %mul3A_1401 : f32 to vector<16xf32>
        %mul3A_1403 = arith.mulf %get3A_1400, %mul3A_1402 : vector<16xf32>
        %add3A_1404 = arith.addf %mul3A_1403, %get3A_1325 : vector<16xf32>
        %swap3A_1405 = arith.index_cast %add3A_1327 : i32 to index
        %swap3A_1406 = arith.constant 112 : index
        %swap3A_1407 = tpu.vector_load %arg12[%swap3A_1405, %swap3A_1406] {strides = array<i32>} : memref<160x128xf32, #tpu.memory_space<vmem>>, vector<16xf32>,
        tpu.vector_store %arg12[%swap3A_1405, %swap3A_1406], %add3A_1404 {strides = array<i32>} : memref<160x128xf32, #tpu.memory_space<vmem>>, vector<16xf32>,
        %add3A_1408 = arith.constant 40 : i32
        %add3A_1409 = arith.addi %add3A_1408, %add3A_1278 : i32
        %get3A_1410 = arith.index_cast %add3A_1409 : i32 to index
        %get3A_1411 = arith.constant 0 : index
        %get3A_1412 = tpu.vector_load %arg12[%get3A_1410, %get3A_1411] {strides = array<i32>} : memref<160x128xf32, #tpu.memory_space<vmem>>, vector<16xf32>,
        %mul3A_1413 = arith.constant 11.3137083 : f32
        %mul3A_1414 = vector.broadcast %mul3A_1413 : f32 to vector<16xf32>
        %mul3A_1415 = arith.mulf %get3A_1412, %mul3A_1414 : vector<16xf32>
        %add3A_1416 = arith.addf %mul3A_1415, %get3A_1283 : vector<16xf32>
        %swap3A_1417 = arith.index_cast %add3A_1409 : i32 to index
        %swap3A_1418 = arith.constant 0 : index
        %swap3A_1419 = tpu.vector_load %arg12[%swap3A_1417, %swap3A_1418] {strides = array<i32>} : memref<160x128xf32, #tpu.memory_space<vmem>>, vector<16xf32>,
        tpu.vector_store %arg12[%swap3A_1417, %swap3A_1418], %add3A_1416 {strides = array<i32>} : memref<160x128xf32, #tpu.memory_space<vmem>>, vector<16xf32>,
        %get3A_1420 = arith.index_cast %add3A_1409 : i32 to index
        %get3A_1421 = arith.constant 16 : index
        %get3A_1422 = tpu.vector_load %arg12[%get3A_1420, %get3A_1421] {strides = array<i32>} : memref<160x128xf32, #tpu.memory_space<vmem>>, vector<16xf32>,
        %mul3A_1423 = arith.constant 11.3137083 : f32
        %mul3A_1424 = vector.broadcast %mul3A_1423 : f32 to vector<16xf32>
        %mul3A_1425 = arith.mulf %get3A_1422, %mul3A_1424 : vector<16xf32>
        %add3A_1426 = arith.addf %mul3A_1425, %get3A_1289 : vector<16xf32>
        %swap3A_1427 = arith.index_cast %add3A_1409 : i32 to index
        %swap3A_1428 = arith.constant 16 : index
        %swap3A_1429 = tpu.vector_load %arg12[%swap3A_1427, %swap3A_1428] {strides = array<i32>} : memref<160x128xf32, #tpu.memory_space<vmem>>, vector<16xf32>,
        tpu.vector_store %arg12[%swap3A_1427, %swap3A_1428], %add3A_1426 {strides = array<i32>} : memref<160x128xf32, #tpu.memory_space<vmem>>, vector<16xf32>,
        %get3A_1430 = arith.index_cast %add3A_1409 : i32 to index
        %get3A_1431 = arith.constant 32 : index
        %get3A_1432 = tpu.vector_load %arg12[%get3A_1430, %get3A_1431] {strides = array<i32>} : memref<160x128xf32, #tpu.memory_space<vmem>>, vector<16xf32>,
        %mul3A_1433 = arith.constant 11.3137083 : f32
        %mul3A_1434 = vector.broadcast %mul3A_1433 : f32 to vector<16xf32>
        %mul3A_1435 = arith.mulf %get3A_1432, %mul3A_1434 : vector<16xf32>
        %add3A_1436 = arith.addf %mul3A_1435, %get3A_1295 : vector<16xf32>
        %swap3A_1437 = arith.index_cast %add3A_1409 : i32 to index
        %swap3A_1438 = arith.constant 32 : index
        %swap3A_1439 = tpu.vector_load %arg12[%swap3A_1437, %swap3A_1438] {strides = array<i32>} : memref<160x128xf32, #tpu.memory_space<vmem>>, vector<16xf32>,
        tpu.vector_store %arg12[%swap3A_1437, %swap3A_1438], %add3A_1436 {strides = array<i32>} : memref<160x128xf32, #tpu.memory_space<vmem>>, vector<16xf32>,
        %get3A_1440 = arith.index_cast %add3A_1409 : i32 to index
        %get3A_1441 = arith.constant 48 : index
        %get3A_1442 = tpu.vector_load %arg12[%get3A_1440, %get3A_1441] {strides = array<i32>} : memref<160x128xf32, #tpu.memory_space<vmem>>, vector<16xf32>,
        %mul3A_1443 = arith.constant 11.3137083 : f32
        %mul3A_1444 = vector.broadcast %mul3A_1443 : f32 to vector<16xf32>
        %mul3A_1445 = arith.mulf %get3A_1442, %mul3A_1444 : vector<16xf32>
        %add3A_1446 = arith.addf %mul3A_1445, %get3A_1301 : vector<16xf32>
        %swap3A_1447 = arith.index_cast %add3A_1409 : i32 to index
        %swap3A_1448 = arith.constant 48 : index
        %swap3A_1449 = tpu.vector_load %arg12[%swap3A_1447, %swap3A_1448] {strides = array<i32>} : memref<160x128xf32, #tpu.memory_space<vmem>>, vector<16xf32>,
        tpu.vector_store %arg12[%swap3A_1447, %swap3A_1448], %add3A_1446 {strides = array<i32>} : memref<160x128xf32, #tpu.memory_space<vmem>>, vector<16xf32>,
        %get3A_1450 = arith.index_cast %add3A_1409 : i32 to index
        %get3A_1451 = arith.constant 64 : index
        %get3A_1452 = tpu.vector_load %arg12[%get3A_1450, %get3A_1451] {strides = array<i32>} : memref<160x128xf32, #tpu.memory_space<vmem>>, vector<16xf32>,
        %mul3A_1453 = arith.constant 11.3137083 : f32
        %mul3A_1454 = vector.broadcast %mul3A_1453 : f32 to vector<16xf32>
        %mul3A_1455 = arith.mulf %get3A_1452, %mul3A_1454 : vector<16xf32>
        %add3A_1456 = arith.addf %mul3A_1455, %get3A_1307 : vector<16xf32>
        %swap3A_1457 = arith.index_cast %add3A_1409 : i32 to index
        %swap3A_1458 = arith.constant 64 : index
        %swap3A_1459 = tpu.vector_load %arg12[%swap3A_1457, %swap3A_1458] {strides = array<i32>} : memref<160x128xf32, #tpu.memory_space<vmem>>, vector<16xf32>,
        tpu.vector_store %arg12[%swap3A_1457, %swap3A_1458], %add3A_1456 {strides = array<i32>} : memref<160x128xf32, #tpu.memory_space<vmem>>, vector<16xf32>,
        %get3A_1460 = arith.index_cast %add3A_1409 : i32 to index
        %get3A_1461 = arith.constant 80 : index
        %get3A_1462 = tpu.vector_load %arg12[%get3A_1460, %get3A_1461] {strides = array<i32>} : memref<160x128xf32, #tpu.memory_space<vmem>>, vector<16xf32>,
        %mul3A_1463 = arith.constant 11.3137083 : f32
        %mul3A_1464 = vector.broadcast %mul3A_1463 : f32 to vector<16xf32>
        %mul3A_1465 = arith.mulf %get3A_1462, %mul3A_1464 : vector<16xf32>
        %add3A_1466 = arith.addf %mul3A_1465, %get3A_1313 : vector<16xf32>
        %swap3A_1467 = arith.index_cast %add3A_1409 : i32 to index
        %swap3A_1468 = arith.constant 80 : index
        %swap3A_1469 = tpu.vector_load %arg12[%swap3A_1467, %swap3A_1468] {strides = array<i32>} : memref<160x128xf32, #tpu.memory_space<vmem>>, vector<16xf32>,
        tpu.vector_store %arg12[%swap3A_1467, %swap3A_1468], %add3A_1466 {strides = array<i32>} : memref<160x128xf32, #tpu.memory_space<vmem>>, vector<16xf32>,
        %get3A_1470 = arith.index_cast %add3A_1409 : i32 to index
        %get3A_1471 = arith.constant 96 : index
        %get3A_1472 = tpu.vector_load %arg12[%get3A_1470, %get3A_1471] {strides = array<i32>} : memref<160x128xf32, #tpu.memory_space<vmem>>, vector<16xf32>,
        %mul3A_1473 = arith.constant 11.3137083 : f32
        %mul3A_1474 = vector.broadcast %mul3A_1473 : f32 to vector<16xf32>
        %mul3A_1475 = arith.mulf %get3A_1472, %mul3A_1474 : vector<16xf32>
        %add3A_1476 = arith.addf %mul3A_1475, %get3A_1319 : vector<16xf32>
        %swap3A_1477 = arith.index_cast %add3A_1409 : i32 to index
        %swap3A_1478 = arith.constant 96 : index
        %swap3A_1479 = tpu.vector_load %arg12[%swap3A_1477, %swap3A_1478] {strides = array<i32>} : memref<160x128xf32, #tpu.memory_space<vmem>>, vector<16xf32>,
        tpu.vector_store %arg12[%swap3A_1477, %swap3A_1478], %add3A_1476 {strides = array<i32>} : memref<160x128xf32, #tpu.memory_space<vmem>>, vector<16xf32>,
        %get3A_1480 = arith.index_cast %add3A_1409 : i32 to index
        %get3A_1481 = arith.constant 112 : index
        %get3A_1482 = tpu.vector_load %arg12[%get3A_1480, %get3A_1481] {strides = array<i32>} : memref<160x128xf32, #tpu.memory_space<vmem>>, vector<16xf32>,
        %mul3A_1483 = arith.constant 11.3137083 : f32
        %mul3A_1484 = vector.broadcast %mul3A_1483 : f32 to vector<16xf32>
        %mul3A_1485 = arith.mulf %get3A_1482, %mul3A_1484 : vector<16xf32>
        %add3A_1486 = arith.addf %mul3A_1485, %get3A_1325 : vector<16xf32>
        %swap3A_1487 = arith.index_cast %add3A_1409 : i32 to index
        %swap3A_1488 = arith.constant 112 : index
        %swap3A_1489 = tpu.vector_load %arg12[%swap3A_1487, %swap3A_1488] {strides = array<i32>} : memref<160x128xf32, #tpu.memory_space<vmem>>, vector<16xf32>,
        tpu.vector_store %arg12[%swap3A_1487, %swap3A_1488], %add3A_1486 {strides = array<i32>} : memref<160x128xf32, #tpu.memory_space<vmem>>, vector<16xf32>,
        %add3A_1490 = arith.constant 80 : i32
        %add3A_1491 = arith.addi %add3A_1490, %add3A_1278 : i32
        %get3A_1492 = arith.index_cast %add3A_1491 : i32 to index
        %get3A_1493 = arith.constant 0 : index
        %get3A_1494 = tpu.vector_load %arg12[%get3A_1492, %get3A_1493] {strides = array<i32>} : memref<160x128xf32, #tpu.memory_space<vmem>>, vector<16xf32>,
        %mul3A_1495 = arith.constant 11.3137083 : f32
        %mul3A_1496 = vector.broadcast %mul3A_1495 : f32 to vector<16xf32>
        %mul3A_1497 = arith.mulf %get3A_1494, %mul3A_1496 : vector<16xf32>
        %add3A_1498 = arith.addf %mul3A_1497, %get3A_1283 : vector<16xf32>
        %swap3A_1499 = arith.index_cast %add3A_1491 : i32 to index
        %swap3A_1500 = arith.constant 0 : index
        %swap3A_1501 = tpu.vector_load %arg12[%swap3A_1499, %swap3A_1500] {strides = array<i32>} : memref<160x128xf32, #tpu.memory_space<vmem>>, vector<16xf32>,
        tpu.vector_store %arg12[%swap3A_1499, %swap3A_1500], %add3A_1498 {strides = array<i32>} : memref<160x128xf32, #tpu.memory_space<vmem>>, vector<16xf32>,
        %get3A_1502 = arith.index_cast %add3A_1491 : i32 to index
        %get3A_1503 = arith.constant 16 : index
        %get3A_1504 = tpu.vector_load %arg12[%get3A_1502, %get3A_1503] {strides = array<i32>} : memref<160x128xf32, #tpu.memory_space<vmem>>, vector<16xf32>,
        %mul3A_1505 = arith.constant 11.3137083 : f32
        %mul3A_1506 = vector.broadcast %mul3A_1505 : f32 to vector<16xf32>
        %mul3A_1507 = arith.mulf %get3A_1504, %mul3A_1506 : vector<16xf32>
        %add3A_1508 = arith.addf %mul3A_1507, %get3A_1289 : vector<16xf32>
        %swap3A_1509 = arith.index_cast %add3A_1491 : i32 to index
        %swap3A_1510 = arith.constant 16 : index
        %swap3A_1511 = tpu.vector_load %arg12[%swap3A_1509, %swap3A_1510] {strides = array<i32>} : memref<160x128xf32, #tpu.memory_space<vmem>>, vector<16xf32>,
        tpu.vector_store %arg12[%swap3A_1509, %swap3A_1510], %add3A_1508 {strides = array<i32>} : memref<160x128xf32, #tpu.memory_space<vmem>>, vector<16xf32>,
        %get3A_1512 = arith.index_cast %add3A_1491 : i32 to index
        %get3A_1513 = arith.constant 32 : index
        %get3A_1514 = tpu.vector_load %arg12[%get3A_1512, %get3A_1513] {strides = array<i32>} : memref<160x128xf32, #tpu.memory_space<vmem>>, vector<16xf32>,
        %mul3A_1515 = arith.constant 11.3137083 : f32
        %mul3A_1516 = vector.broadcast %mul3A_1515 : f32 to vector<16xf32>
        %mul3A_1517 = arith.mulf %get3A_1514, %mul3A_1516 : vector<16xf32>
        %add3A_1518 = arith.addf %mul3A_1517, %get3A_1295 : vector<16xf32>
        %swap3A_1519 = arith.index_cast %add3A_1491 : i32 to index
        %swap3A_1520 = arith.constant 32 : index
        %swap3A_1521 = tpu.vector_load %arg12[%swap3A_1519, %swap3A_1520] {strides = array<i32>} : memref<160x128xf32, #tpu.memory_space<vmem>>, vector<16xf32>,
        tpu.vector_store %arg12[%swap3A_1519, %swap3A_1520], %add3A_1518 {strides = array<i32>} : memref<160x128xf32, #tpu.memory_space<vmem>>, vector<16xf32>,
        %get3A_1522 = arith.index_cast %add3A_1491 : i32 to index
        %get3A_1523 = arith.constant 48 : index
        %get3A_1524 = tpu.vector_load %arg12[%get3A_1522, %get3A_1523] {strides = array<i32>} : memref<160x128xf32, #tpu.memory_space<vmem>>, vector<16xf32>,
        %mul3A_1525 = arith.constant 11.3137083 : f32
        %mul3A_1526 = vector.broadcast %mul3A_1525 : f32 to vector<16xf32>
        %mul3A_1527 = arith.mulf %get3A_1524, %mul3A_1526 : vector<16xf32>
        %add3A_1528 = arith.addf %mul3A_1527, %get3A_1301 : vector<16xf32>
        %swap3A_1529 = arith.index_cast %add3A_1491 : i32 to index
        %swap3A_1530 = arith.constant 48 : index
        %swap3A_1531 = tpu.vector_load %arg12[%swap3A_1529, %swap3A_1530] {strides = array<i32>} : memref<160x128xf32, #tpu.memory_space<vmem>>, vector<16xf32>,
        tpu.vector_store %arg12[%swap3A_1529, %swap3A_1530], %add3A_1528 {strides = array<i32>} : memref<160x128xf32, #tpu.memory_space<vmem>>, vector<16xf32>,
        %get3A_1532 = arith.index_cast %add3A_1491 : i32 to index
        %get3A_1533 = arith.constant 64 : index
        %get3A_1534 = tpu.vector_load %arg12[%get3A_1532, %get3A_1533] {strides = array<i32>} : memref<160x128xf32, #tpu.memory_space<vmem>>, vector<16xf32>,
        %mul3A_1535 = arith.constant 11.3137083 : f32
        %mul3A_1536 = vector.broadcast %mul3A_1535 : f32 to vector<16xf32>
        %mul3A_1537 = arith.mulf %get3A_1534, %mul3A_1536 : vector<16xf32>
        %add3A_1538 = arith.addf %mul3A_1537, %get3A_1307 : vector<16xf32>
        %swap3A_1539 = arith.index_cast %add3A_1491 : i32 to index
        %swap3A_1540 = arith.constant 64 : index
        %swap3A_1541 = tpu.vector_load %arg12[%swap3A_1539, %swap3A_1540] {strides = array<i32>} : memref<160x128xf32, #tpu.memory_space<vmem>>, vector<16xf32>,
        tpu.vector_store %arg12[%swap3A_1539, %swap3A_1540], %add3A_1538 {strides = array<i32>} : memref<160x128xf32, #tpu.memory_space<vmem>>, vector<16xf32>,
        %get3A_1542 = arith.index_cast %add3A_1491 : i32 to index
        %get3A_1543 = arith.constant 80 : index
        %get3A_1544 = tpu.vector_load %arg12[%get3A_1542, %get3A_1543] {strides = array<i32>} : memref<160x128xf32, #tpu.memory_space<vmem>>, vector<16xf32>,
        %mul3A_1545 = arith.constant 11.3137083 : f32
        %mul3A_1546 = vector.broadcast %mul3A_1545 : f32 to vector<16xf32>
        %mul3A_1547 = arith.mulf %get3A_1544, %mul3A_1546 : vector<16xf32>
        %add3A_1548 = arith.addf %mul3A_1547, %get3A_1313 : vector<16xf32>
        %swap3A_1549 = arith.index_cast %add3A_1491 : i32 to index
        %swap3A_1550 = arith.constant 80 : index
        %swap3A_1551 = tpu.vector_load %arg12[%swap3A_1549, %swap3A_1550] {strides = array<i32>} : memref<160x128xf32, #tpu.memory_space<vmem>>, vector<16xf32>,
        tpu.vector_store %arg12[%swap3A_1549, %swap3A_1550], %add3A_1548 {strides = array<i32>} : memref<160x128xf32, #tpu.memory_space<vmem>>, vector<16xf32>,
        %get3A_1552 = arith.index_cast %add3A_1491 : i32 to index
        %get3A_1553 = arith.constant 96 : index
        %get3A_1554 = tpu.vector_load %arg12[%get3A_1552, %get3A_1553] {strides = array<i32>} : memref<160x128xf32, #tpu.memory_space<vmem>>, vector<16xf32>,
        %mul3A_1555 = arith.constant 11.3137083 : f32
        %mul3A_1556 = vector.broadcast %mul3A_1555 : f32 to vector<16xf32>
        %mul3A_1557 = arith.mulf %get3A_1554, %mul3A_1556 : vector<16xf32>
        %add3A_1558 = arith.addf %mul3A_1557, %get3A_1319 : vector<16xf32>
        %swap3A_1559 = arith.index_cast %add3A_1491 : i32 to index
        %swap3A_1560 = arith.constant 96 : index
        %swap3A_1561 = tpu.vector_load %arg12[%swap3A_1559, %swap3A_1560] {strides = array<i32>} : memref<160x128xf32, #tpu.memory_space<vmem>>, vector<16xf32>,
        tpu.vector_store %arg12[%swap3A_1559, %swap3A_1560], %add3A_1558 {strides = array<i32>} : memref<160x128xf32, #tpu.memory_space<vmem>>, vector<16xf32>,
        %get3A_1562 = arith.index_cast %add3A_1491 : i32 to index
        %get3A_1563 = arith.constant 112 : index
        %get3A_1564 = tpu.vector_load %arg12[%get3A_1562, %get3A_1563] {strides = array<i32>} : memref<160x128xf32, #tpu.memory_space<vmem>>, vector<16xf32>,
        %mul3A_1565 = arith.constant 11.3137083 : f32
        %mul3A_1566 = vector.broadcast %mul3A_1565 : f32 to vector<16xf32>
        %mul3A_1567 = arith.mulf %get3A_1564, %mul3A_1566 : vector<16xf32>
        %add3A_1568 = arith.addf %mul3A_1567, %get3A_1325 : vector<16xf32>
        %swap3A_1569 = arith.index_cast %add3A_1491 : i32 to index
        %swap3A_1570 = arith.constant 112 : index
        %swap3A_1571 = tpu.vector_load %arg12[%swap3A_1569, %swap3A_1570] {strides = array<i32>} : memref<160x128xf32, #tpu.memory_space<vmem>>, vector<16xf32>,
        tpu.vector_store %arg12[%swap3A_1569, %swap3A_1570], %add3A_1568 {strides = array<i32>} : memref<160x128xf32, #tpu.memory_space<vmem>>, vector<16xf32>,
        %add3A_1572 = arith.constant 120 : i32
        %add3A_1573 = arith.addi %add3A_1572, %add3A_1278 : i32
        %get3A_1574 = arith.index_cast %add3A_1573 : i32 to index
        %get3A_1575 = arith.constant 0 : index
        %get3A_1576 = tpu.vector_load %arg12[%get3A_1574, %get3A_1575] {strides = array<i32>} : memref<160x128xf32, #tpu.memory_space<vmem>>, vector<16xf32>,
        %mul3A_1577 = arith.constant 11.3137083 : f32
        %mul3A_1578 = vector.broadcast %mul3A_1577 : f32 to vector<16xf32>
        %mul3A_1579 = arith.mulf %get3A_1576, %mul3A_1578 : vector<16xf32>
        %add3A_1580 = arith.addf %mul3A_1579, %get3A_1283 : vector<16xf32>
        %swap3A_1581 = arith.index_cast %add3A_1573 : i32 to index
        %swap3A_1582 = arith.constant 0 : index
        %swap3A_1583 = tpu.vector_load %arg12[%swap3A_1581, %swap3A_1582] {strides = array<i32>} : memref<160x128xf32, #tpu.memory_space<vmem>>, vector<16xf32>,
        tpu.vector_store %arg12[%swap3A_1581, %swap3A_1582], %add3A_1580 {strides = array<i32>} : memref<160x128xf32, #tpu.memory_space<vmem>>, vector<16xf32>,
        %get3A_1584 = arith.index_cast %add3A_1573 : i32 to index
        %get3A_1585 = arith.constant 16 : index
        %get3A_1586 = tpu.vector_load %arg12[%get3A_1584, %get3A_1585] {strides = array<i32>} : memref<160x128xf32, #tpu.memory_space<vmem>>, vector<16xf32>,
        %mul3A_1587 = arith.constant 11.3137083 : f32
        %mul3A_1588 = vector.broadcast %mul3A_1587 : f32 to vector<16xf32>
        %mul3A_1589 = arith.mulf %get3A_1586, %mul3A_1588 : vector<16xf32>
        %add3A_1590 = arith.addf %mul3A_1589, %get3A_1289 : vector<16xf32>
        %swap3A_1591 = arith.index_cast %add3A_1573 : i32 to index
        %swap3A_1592 = arith.constant 16 : index
        %swap3A_1593 = tpu.vector_load %arg12[%swap3A_1591, %swap3A_1592] {strides = array<i32>} : memref<160x128xf32, #tpu.memory_space<vmem>>, vector<16xf32>,
        tpu.vector_store %arg12[%swap3A_1591, %swap3A_1592], %add3A_1590 {strides = array<i32>} : memref<160x128xf32, #tpu.memory_space<vmem>>, vector<16xf32>,
        %get3A_1594 = arith.index_cast %add3A_1573 : i32 to index
        %get3A_1595 = arith.constant 32 : index
        %get3A_1596 = tpu.vector_load %arg12[%get3A_1594, %get3A_1595] {strides = array<i32>} : memref<160x128xf32, #tpu.memory_space<vmem>>, vector<16xf32>,
        %mul3A_1597 = arith.constant 11.3137083 : f32
        %mul3A_1598 = vector.broadcast %mul3A_1597 : f32 to vector<16xf32>
        %mul3A_1599 = arith.mulf %get3A_1596, %mul3A_1598 : vector<16xf32>
        %add3A_1600 = arith.addf %mul3A_1599, %get3A_1295 : vector<16xf32>
        %swap3A_1601 = arith.index_cast %add3A_1573 : i32 to index
        %swap3A_1602 = arith.constant 32 : index
        %swap3A_1603 = tpu.vector_load %arg12[%swap3A_1601, %swap3A_1602] {strides = array<i32>} : memref<160x128xf32, #tpu.memory_space<vmem>>, vector<16xf32>,
        tpu.vector_store %arg12[%swap3A_1601, %swap3A_1602], %add3A_1600 {strides = array<i32>} : memref<160x128xf32, #tpu.memory_space<vmem>>, vector<16xf32>,
        %get3A_1604 = arith.index_cast %add3A_1573 : i32 to index
        %get3A_1605 = arith.constant 48 : index
        %get3A_1606 = tpu.vector_load %arg12[%get3A_1604, %get3A_1605] {strides = array<i32>} : memref<160x128xf32, #tpu.memory_space<vmem>>, vector<16xf32>,
        %mul3A_1607 = arith.constant 11.3137083 : f32
        %mul3A_1608 = vector.broadcast %mul3A_1607 : f32 to vector<16xf32>
        %mul3A_1609 = arith.mulf %get3A_1606, %mul3A_1608 : vector<16xf32>
        %add3A_1610 = arith.addf %mul3A_1609, %get3A_1301 : vector<16xf32>
        %swap3A_1611 = arith.index_cast %add3A_1573 : i32 to index
        %swap3A_1612 = arith.constant 48 : index
        %swap3A_1613 = tpu.vector_load %arg12[%swap3A_1611, %swap3A_1612] {strides = array<i32>} : memref<160x128xf32, #tpu.memory_space<vmem>>, vector<16xf32>,
        tpu.vector_store %arg12[%swap3A_1611, %swap3A_1612], %add3A_1610 {strides = array<i32>} : memref<160x128xf32, #tpu.memory_space<vmem>>, vector<16xf32>,
        %get3A_1614 = arith.index_cast %add3A_1573 : i32 to index
        %get3A_1615 = arith.constant 64 : index
        %get3A_1616 = tpu.vector_load %arg12[%get3A_1614, %get3A_1615] {strides = array<i32>} : memref<160x128xf32, #tpu.memory_space<vmem>>, vector<16xf32>,
        %mul3A_1617 = arith.constant 11.3137083 : f32
        %mul3A_1618 = vector.broadcast %mul3A_1617 : f32 to vector<16xf32>
        %mul3A_1619 = arith.mulf %get3A_1616, %mul3A_1618 : vector<16xf32>
        %add3A_1620 = arith.addf %mul3A_1619, %get3A_1307 : vector<16xf32>
        %swap3A_1621 = arith.index_cast %add3A_1573 : i32 to index
        %swap3A_1622 = arith.constant 64 : index
        %swap3A_1623 = tpu.vector_load %arg12[%swap3A_1621, %swap3A_1622] {strides = array<i32>} : memref<160x128xf32, #tpu.memory_space<vmem>>, vector<16xf32>,
        tpu.vector_store %arg12[%swap3A_1621, %swap3A_1622], %add3A_1620 {strides = array<i32>} : memref<160x128xf32, #tpu.memory_space<vmem>>, vector<16xf32>,
        %get3A_1624 = arith.index_cast %add3A_1573 : i32 to index
        %get3A_1625 = arith.constant 80 : index
        %get3A_1626 = tpu.vector_load %arg12[%get3A_1624, %get3A_1625] {strides = array<i32>} : memref<160x128xf32, #tpu.memory_space<vmem>>, vector<16xf32>,
        %mul3A_1627 = arith.constant 11.3137083 : f32
        %mul3A_1628 = vector.broadcast %mul3A_1627 : f32 to vector<16xf32>
        %mul3A_1629 = arith.mulf %get3A_1626, %mul3A_1628 : vector<16xf32>
        %add3A_1630 = arith.addf %mul3A_1629, %get3A_1313 : vector<16xf32>
        %swap3A_1631 = arith.index_cast %add3A_1573 : i32 to index
        %swap3A_1632 = arith.constant 80 : index
        %swap3A_1633 = tpu.vector_load %arg12[%swap3A_1631, %swap3A_1632] {strides = array<i32>} : memref<160x128xf32, #tpu.memory_space<vmem>>, vector<16xf32>,
        tpu.vector_store %arg12[%swap3A_1631, %swap3A_1632], %add3A_1630 {strides = array<i32>} : memref<160x128xf32, #tpu.memory_space<vmem>>, vector<16xf32>,
        %get3A_1634 = arith.index_cast %add3A_1573 : i32 to index
        %get3A_1635 = arith.constant 96 : index
        %get3A_1636 = tpu.vector_load %arg12[%get3A_1634, %get3A_1635] {strides = array<i32>} : memref<160x128xf32, #tpu.memory_space<vmem>>, vector<16xf32>,
        %mul3A_1637 = arith.constant 11.3137083 : f32
        %mul3A_1638 = vector.broadcast %mul3A_1637 : f32 to vector<16xf32>
        %mul3A_1639 = arith.mulf %get3A_1636, %mul3A_1638 : vector<16xf32>
        %add3A_1640 = arith.addf %mul3A_1639, %get3A_1319 : vector<16xf32>
        %swap3A_1641 = arith.index_cast %add3A_1573 : i32 to index
        %swap3A_1642 = arith.constant 96 : index
        %swap3A_1643 = tpu.vector_load %arg12[%swap3A_1641, %swap3A_1642] {strides = array<i32>} : memref<160x128xf32, #tpu.memory_space<vmem>>, vector<16xf32>,
        tpu.vector_store %arg12[%swap3A_1641, %swap3A_1642], %add3A_1640 {strides = array<i32>} : memref<160x128xf32, #tpu.memory_space<vmem>>, vector<16xf32>,
        %get3A_1644 = arith.index_cast %add3A_1573 : i32 to index
        %get3A_1645 = arith.constant 112 : index
        %get3A_1646 = tpu.vector_load %arg12[%get3A_1644, %get3A_1645] {strides = array<i32>} : memref<160x128xf32, #tpu.memory_space<vmem>>, vector<16xf32>,
        %mul3A_1647 = arith.constant 11.3137083 : f32
        %mul3A_1648 = vector.broadcast %mul3A_1647 : f32 to vector<16xf32>
        %mul3A_1649 = arith.mulf %get3A_1646, %mul3A_1648 : vector<16xf32>
        %add3A_1650 = arith.addf %mul3A_1649, %get3A_1325 : vector<16xf32>
        %swap3A_1651 = arith.index_cast %add3A_1573 : i32 to index
        %swap3A_1652 = arith.constant 112 : index
        %swap3A_1653 = tpu.vector_load %arg12[%swap3A_1651, %swap3A_1652] {strides = array<i32>} : memref<160x128xf32, #tpu.memory_space<vmem>>, vector<16xf32>,
        tpu.vector_store %arg12[%swap3A_1651, %swap3A_1652], %add3A_1650 {strides = array<i32>} : memref<160x128xf32, #tpu.memory_space<vmem>>, vector<16xf32>,
      }
      %scan3A_1221 = arith.constant 40 : i32
      %jit3A_1222 = arith.constant 5 : i32
      %div3A_1223 = arith.divsi %add3A_1168, %jit3A_1222 : i32
      %sign3A_1224 = arith.constant 0 : i32
      %sign3A_1225 = arith.cmpi sgt, %add3A_1168, %sign3A_1224 : i32
      %sign3A_1226 = arith.extui %sign3A_1225 : i1 to i32
      %sign3A_1227 = arith.constant 0 : i32
      %sign3A_1228 = arith.cmpi slt, %add3A_1168, %sign3A_1227 : i32
      %sign3A_1229 = arith.extui %sign3A_1228 : i1 to i32
      %sign3A_1230 = arith.subi %sign3A_1226, %sign3A_1229 : i32
      %sign3A_1231 = arith.constant 0 : i32
      %sign3A_1232 = arith.cmpi sgt, %jit3A_1222, %sign3A_1231 : i32
      %sign3A_1233 = arith.extui %sign3A_1232 : i1 to i32
      %sign3A_1234 = arith.constant 0 : i32
      %sign3A_1235 = arith.cmpi slt, %jit3A_1222, %sign3A_1234 : i32
      %sign3A_1236 = arith.extui %sign3A_1235 : i1 to i32
      %sign3A_1237 = arith.subi %sign3A_1233, %sign3A_1236 : i32
      %ne3A_1238 = arith.cmpi ne, %sign3A_1230, %sign3A_1237 : i32
      %rem3A_1239 = arith.remsi %add3A_1168, %jit3A_1222 : i32
      %ne3A_1240 = arith.constant 0 : i32
      %ne3A_1241 = arith.cmpi ne, %rem3A_1239, %ne3A_1240 : i32
      %and3A_1242 = arith.andi %ne3A_1238, %ne3A_1241 : i1
      %sub3A_1243 = arith.constant 1 : i32
      %sub3A_1244 = arith.subi %div3A_1223, %sub3A_1243 : i32
      %select_n3A_1245 = arith.select %and3A_1242, %sub3A_1244, %div3A_1223 : i32
      %jit3A_1246 = arith.constant 5 : i32
      %eq3A_1247 = arith.constant 0 : i32
      %eq3A_1248 = arith.cmpi eq, %jit3A_1246, %eq3A_1247 : i32
      %jit3A_1249 = arith.constant 1 : i32
      %select_n3A_1250 = arith.select %eq3A_1248, %jit3A_1249, %jit3A_1246 : i32
      %rem3A_1251 = arith.remsi %add3A_1168, %select_n3A_1250 : i32
      %ne3A_1252 = arith.constant 0 : i32
      %ne3A_1253 = arith.cmpi ne, %rem3A_1251, %ne3A_1252 : i32
      %lt3A_1254 = arith.constant 0 : i32
      %lt3A_1255 = arith.cmpi slt, %rem3A_1251, %lt3A_1254 : i32
      %lt3A_1256 = arith.constant 0 : i32
      %lt3A_1257 = arith.cmpi slt, %select_n3A_1250, %lt3A_1256 : i32
      %ne3A_1258 = arith.xori %lt3A_1255, %lt3A_1257 : i1
      %and3A_1259 = arith.andi %ne3A_1258, %ne3A_1253 : i1
      %add3A_1260 = arith.addi %rem3A_1251, %select_n3A_1250 : i32
      %select_n3A_1261 = arith.select %and3A_1259, %add3A_1260, %rem3A_1251 : i32
      %mul3A_1262 = arith.constant 4 : i32
      %mul3A_1263 = arith.muli %select_n3A_1245, %mul3A_1262 : i32
      %add3A_1264 = arith.addi %multiple_of3A, %mul3A_1263 : i32
      %mul3A_1265 = arith.constant 40 : i32
      %mul3A_1266 = arith.muli %select_n3A_1261, %mul3A_1265 : i32
      %multiple_of3A_1267 = tpu.assume_multiple %mul3A_1266, 40 : i32
      %dma_start3A_1268 = tpu.memref_reshape %arg12 : memref<160x128xf32, #tpu.memory_space<vmem>> -> memref<4x40x128xf32, #tpu.memory_space<vmem>>
      %dma_start3A_1269 = arith.constant 0 : i32
      %dma_start3A_1270 = tpu.memref_slice %arg5[%add3A_1264, %multiple_of3A_1267, %dma_start3A_1269] : memref<1024x200x128xf32, #tpu.memory_space<hbm>> -> memref<4x40x128xf32, #tpu.memory_space<hbm>>
      %dma_start3A_1271 = arith.constant 0 : i32
      %dma_start3A_1272 = tpu.memref_slice %arg5[%add3A_1264, %multiple_of3A_1267, %dma_start3A_1271] : memref<1024x200x128xf32, #tpu.memory_space<hbm>> -> memref<4x40x128xf32, #tpu.memory_space<hbm>>
      %dma_start3A_1273 = tpu.memref_reshape %arg12 : memref<160x128xf32, #tpu.memory_space<vmem>> -> memref<4x40x128xf32, #tpu.memory_space<vmem>>
      tpu.enqueue_dma source(%dma_start3A_1273 : memref<4x40x128xf32, #tpu.memory_space<vmem>>) target(%dma_start3A_1272 : memref<4x40x128xf32, #tpu.memory_space<hbm>>) target_semaphore(%arg20 : memref<!tpu.dma_semaphore, #tpu.memory_space<semaphore_mem>>)
    }
    %scan3A_836 = arith.constant 10 : i32
    %add3A_837 = arith.constant 28 : i32
    %add3A_838 = arith.addi %multiple_of3A, %add3A_837 : i32
    %multiple_of3A_839 = arith.constant 160 : i32
    %multiple_of3A_840 = tpu.assume_multiple %multiple_of3A_839, 40 : i32
    %dma_wait3A = tpu.memref_reshape %arg12 : memref<160x128xf32, #tpu.memory_space<vmem>> -> memref<4x40x128xf32, #tpu.memory_space<vmem>>
    %dma_wait3A_841 = arith.constant 0 : i32
    %dma_wait3A_842 = tpu.memref_slice %arg5[%add3A_838, %multiple_of3A_840, %dma_wait3A_841] : memref<1024x200x128xf32, #tpu.memory_space<hbm>> -> memref<4x40x128xf32, #tpu.memory_space<hbm>>
    %dma_wait3A_843 = arith.constant 0 : i32
    %dma_wait3A_844 = tpu.memref_slice %arg5[%add3A_838, %multiple_of3A_840, %dma_wait3A_843] : memref<1024x200x128xf32, #tpu.memory_space<hbm>> -> memref<4x40x128xf32, #tpu.memory_space<hbm>>
    %dma_wait3A_845 = tpu.memref_reshape %arg12 : memref<160x128xf32, #tpu.memory_space<vmem>> -> memref<4x40x128xf32, #tpu.memory_space<vmem>>
    tpu.wait_dma2 semaphore(%arg20 : memref<!tpu.dma_semaphore, #tpu.memory_space<semaphore_mem>>) src(%dma_wait3A_845 : memref<4x40x128xf32, #tpu.memory_space<vmem>>) dst(%dma_wait3A_844 : memref<4x40x128xf32, #tpu.memory_space<hbm>>)
    return
  }
}

</mosaic_0001>

<sc_bundles>
// kernel: kernel.3.cloned.1.call-start
scs
__scs_entry_jumppad:
0x0: {  	(pc) =	sbr.rel $0x88, $3  }
0x1: {  	(tag) =	ssettag $0x0;
	lr =	simm.s32 $0x1  }
0x2: {  	[smem:$0x3F9F] =	sst lr;
	_ =	strace $0xD0000000  }
0x3: {  	_ = 	snop  }
0x4: {  	_ = 	snop  }
0x5: {  	_ = 	snop  }
0x6: {  	_ = 	snop  }
0x7: {  	_ = 	snop  }
__scs_overlays_trampoline_lowered:
0x8: {  	[smem:$0x3FAE] =	sst s0  }
0x9: {  	[smem:$0x3FAF] =	sst s1  }
0xa: {  	[smem:$0x3FB0] =	sst s2  }
0xb: {  	[smem:$0x3FB1] =	sst s3  }
0xc: {  	[smem:$0x3FB2] =	sst s4  }
0xd: {  	[smem:$0x3FB3] =	sst s5  }
0xe: {  	[smem:$0x3FB4] =	sst s6  }
0xf: {  	[smem:$0x3FB5] =	sst s7  }
0x10: {  	[smem:$0x3FB6] =	sst s8  }
0x11: {  	[smem:$0x3FB7] =	sst s9;
	s0 =	simm.s32 @!p0 $0x0  }
0x12: {  	s1 =	sld [smem:$0x3F9D];
	s0 =	simm.s32 @p0 $0x1  }
0x13: {  	[smem:$0x3FB8] =	sst s0;
	s0 =	simm.s32 @!p1 $0x0  }
0x14: {  	s2 =	sld [smem:$0x3F9C];
	s0 =	simm.s32 @p1 $0x1  }
0x15: {  	[smem:$0x3FB9] =	sst s0;
	s0 =	simm.s32 @!p2 $0x0  }
0x16: {  	s3 =	sld [smem:$0x3FDB];
	s0 =	simm.s32 @p2 $0x1  }
0x17: {  	s4 =	simm.s32 $0x1BF5;
	[smem:$0x3FBB] =	sst s0  }
0x18: {  	s0 =	sld [smem:$0x3F9E];
	_ =	swait.ge [sflag:s4], $0x0  }
0x19: {  	s7 =	sld [smem:$0x3F9F]  }
0x1a: {  	s8 =	sadd.s32 $0xFFFFE003, lr  }
0x1b: {  	s9 =	sadd.s32 $0xFFFFFEF7, lr;
	s5 =	simm.s32 $0xFFFFFFFF;
	p2 =	slt.u32 s8, $0xFFFFF086  }
0x1c: {  	p1 =	slt.u32 s9, $0xF7A;
	s5 =	simm.s32 @!p2 $0x0  }
0x1d: {  	s5 =	simm.s32 @p1 $0x1;
	p0 =	seq.s32 s7, s2  }
0x1e: {  	s7 =	smul.u32 @!p0 $0xF7A, s2;
	p2 =	seq.s32 @!p0 s5, $0x0  }
0x1f: {  	s9 =	smul.u32 $0xF7A, s1;
	s8 =	simm.s32 @!p0 $0x1BF5;
	p2 =	por !p2, p0  }
0x20: {  	[sflag:s8] =	ssyncset.s32 @!p0 $0xFFFFF086;
	s6 =	sadd.s32 @!p0 s3, s7;
	s7 =	simm.s32 @!p0 $0x108  }
0x21: {  	s3 =	sadd.s32 s3, s9;
	s6 =	sadd.s32 @!p0 $0x88, s6;
	s7 =	simm.s32 @p2 $0x1082  }
0x22: {  	[simem:s7], [sflag:s8] =	dma.local @!p0 [hbm:s6], $0xF7A  }
0x23: {  	s9 =	sor.u32 $0xD0000000, s2;
	s6 =	simm.s32 $0x108;
	_ =	swait.ge @!p0 [sflag:s8], $0x0  }
0x24: {  	s3 =	sadd.s32 $0x88, s3;
	s6 =	simm.s32 @!p1 $0x1082;
	[sflag:s4] =	ssyncset.s32 $0xFFFFF086  }
0x25: {  	[simem:s6], [sflag:s4] =	dma.local [hbm:s3], $0xF7A  }
0x26: {  	[smem:$0x3F9F] =	sst s1;
	(tag) =	ssettag s2;
	_ =	strace s9  }
0x27: {  	s1 =	sld [smem:$0x3FAF]  }
0x28: {  	s2 =	sld [smem:$0x3FB0]  }
0x29: {  	s4 =	sld [smem:$0x3FB2]  }
0x2a: {  	p0 =	seq.s32 s5, $0x0;
	s5 =	sld [smem:$0x3FB3]  }
0x2b: {  	s6 =	sld [smem:$0x3FB4]  }
0x2c: {  	s7 =	sld [smem:$0x3FB5]  }
0x2d: {  	s3 =	simm.s32 $0x108;
	s8 =	sld [smem:$0x3FB6]  }
0x2e: {  	s3 =	simm.s32 @!p0 $0x1082;
	s9 =	sld [smem:$0x3FB7]  }
0x2f: {  	lr =	sadd.s32 s0, s3;
	s0 =	sld [smem:$0x3FAE]  }
0x30: {  	s3 =	sld [smem:$0x3FB1]  }
0x31: {  	[smem:$0x3FBA] =	sst s10  }
0x32: {  	s10 =	sld [smem:$0x3FB8];
	_ =	sdelay $0x3  }
0x33: {  	p0 =	seq.s32 s10, $0x1;
	s10 =	sld [smem:$0x3FBA];
	_ =	sdelay $0x3  }
0x34: {  	[smem:$0x3FBA] =	sst s10  }
0x35: {  	s10 =	sld [smem:$0x3FB9];
	_ =	sdelay $0x3  }
0x36: {  	p1 =	seq.s32 s10, $0x1;
	s10 =	sld [smem:$0x3FBA];
	_ =	sdelay $0x3  }
0x37: {  	[smem:$0x3FBA] =	sst s10  }
0x38: {  	s10 =	sld [smem:$0x3FBB]  }
0x39: {  	_ = 	snop;
	(pc) =	sbr.ind lr, $3  }
0x3a: {  	_ = 	snop  }
0x3b: {  	_ = 	snop  }
0x3c: {  	p2 =	seq.s32 s10, $0x1;
	s10 =	sld [smem:$0x3FBA]  }
0x3d: {  	_ =	shalt  }
0x3e: {  	_ =	shalt  }
0x3f: {  	_ =	shalt  }
0x40: {  	_ =	shalt  }
0x41: {  	_ =	shalt  }
0x42: {  	_ =	shalt  }
0x43: {  	_ =	shalt  }
0x44: {  	_ =	shalt  }
0x45: {  	_ =	shalt  }
0x46: {  	_ =	shalt  }
0x47: {  	_ =	shalt  }
0x48: {  	_ =	shalt  }
0x49: {  	_ =	shalt  }
0x4a: {  	_ =	shalt  }
0x4b: {  	_ =	shalt  }
0x4c: {  	_ =	shalt  }
0x4d: {  	_ =	shalt  }
0x4e: {  	_ =	shalt  }
0x4f: {  	_ =	shalt  }
0x50: {  	_ =	shalt  }
0x51: {  	_ =	shalt  }
0x52: {  	_ =	shalt  }
0x53: {  	_ =	shalt  }
0x54: {  	_ =	shalt  }
0x55: {  	_ =	shalt  }
0x56: {  	_ =	shalt  }
0x57: {  	_ =	shalt  }
0x58: {  	_ =	shalt  }
0x59: {  	_ =	shalt  }
0x5a: {  	_ =	shalt  }
0x5b: {  	_ =	shalt  }
0x5c: {  	_ =	shalt  }
0x5d: {  	_ =	shalt  }
0x5e: {  	_ =	shalt  }
0x5f: {  	_ =	shalt  }
0x60: {  	_ =	shalt  }
0x61: {  	_ =	shalt  }
0x62: {  	_ =	shalt  }
0x63: {  	_ =	shalt  }
0x64: {  	_ =	shalt  }
0x65: {  	_ =	shalt  }
0x66: {  	_ =	shalt  }
0x67: {  	_ =	shalt  }
0x68: {  	_ =	shalt  }
0x69: {  	_ =	shalt  }
0x6a: {  	_ =	shalt  }
0x6b: {  	_ =	shalt  }
0x6c: {  	_ =	shalt  }
0x6d: {  	_ =	shalt  }
0x6e: {  	_ =	shalt  }
0x6f: {  	_ =	shalt  }
0x70: {  	_ =	shalt  }
0x71: {  	_ =	shalt  }
0x72: {  	_ =	shalt  }
0x73: {  	_ =	shalt  }
0x74: {  	_ =	shalt  }
0x75: {  	_ =	shalt  }
0x76: {  	_ =	shalt  }
0x77: {  	_ =	shalt  }
0x78: {  	_ =	shalt  }
0x79: {  	_ =	shalt  }
0x7a: {  	_ =	shalt  }
0x7b: {  	_ =	shalt  }
0x7c: {  	_ =	shalt  }
0x7d: {  	_ =	shalt  }
0x7e: {  	_ =	shalt  }
0x7f: {  	_ =	shalt  }
0x80: {  	_ =	shalt  }
0x81: {  	_ =	shalt  }
0x82: {  	_ =	shalt  }
0x83: {  	_ =	shalt  }
0x84: {  	_ =	shalt  }
0x85: {  	_ =	shalt  }
0x86: {  	_ =	shalt  }
0x87: {  	_ =	shalt  }
.Lfunc_end0:
.L_simem_size_0:
called_computation_lowered:
.L_overlay_start_0:
0x88: {  	s2 =	sld [smem:$0x3FD9]  }
0x89: {  	s3 =	sld [smem:$0x3FFE];
	_ =	sdelay $0x1  }
0x8a: {  	s1 =	srdreg.scid  }
0x8b: {  	s0 =	sand.u32 $0x1, s1  }
0x8c: {  	s17 =	sshll.u32 s0, $0xA;
	s2 =	sadd.s32 s3, s2  }
0x8d: {  	s2 =	sadd.s32 s2, s17  }
0x8e: {  	[smem:$0x3FC6] =	sst s2  }
0x8f: {  	_ = 	snop  }
0x90: {  	s2 =	sld [smem:$0x3FC8]  }
0x91: {  	s18 =	sld [smem:$0x3FD0];
	(tm) =	ssettm $0x1  }
0x92: {  	s4 =	sld [smem:$0x3FFB];
	_ =	sdelay $0x3  }
0x93: {  	_ =	strace s4  }
0x94: {  	s4 =	sld [smem:$0x3FFC];
	_ =	sdelay $0x3  }
0x95: {  	_ =	strace s4  }
0x96: {  	s4 =	sld [smem:$0x3FFD];
	_ =	sdelay $0x3  }
0x97: {  	_ =	strace s4  }
0x98: {  	_ =	strace $0x8FFFFFFF  }
0x99: {  	s19 =	sld [smem:$0x3FDB];
	_ =	sdelay $0x1  }
0x9a: {  	s5 =	simm.s32 $_scs_section_size  }
0x9b: {  	s6 =	simm.s32 $_size__tile_overlayer_lowered;
	s7 =	simm.s32 $_tile_overlayer_lowered  }
0x9c: {  	s22 =	simm.s32 $0x1BFF;
	s21 =	sshll.u32 s7, $0x1;
	s4 =	sadd.s32 s5, s19  }
0x9d: {  	s8 =	simm.s32 $0x0;
	s20 =	sshll.u32 s6, $0x1;
	s6 =	sadd.s32 s21, s4  }
0x9e: {  	[timem:s8], [sflag:s22] =	dma.local [hbm:s6], s20  }
0x9f: {  	_ =	swait.ge [sflag:s22], s20  }
0xa0: {  	s5 =	ssub.s32 $0x0, s20;
	[sflag:s22] =	ssyncset.done $0x0  }
0xa1: {  	[sflag:s22] =	ssyncadd.s32 s5;
	_ =	sdelay $0x1  }
0xa2: {  	s23 =	simm.s32 $0x1B8B  }
0xa3: {  	_ =	swait.ge [sflag:s23], $0x1  }
0xa4: {  	[sflag:s23] =	ssyncset.done $0x0  }
0xa5: {  	s25 =	simm.s32 $0x1B8E;
	s24 =	sld [smem:$0x3FFE];
	[sflag:s23] =	ssyncadd.s32 $0xFFFFFFFF  }
0xa6: {  	s26 =	simm.s32 $execute0_lowered;
	[smem:$0x3FD2] =	sst s25  }
0xa7: {  	s6 =	sshll.u32 s26, $0x1;
	_ =	strace $0x80000046;
	[dreg:$0x1] =	wrdreg $0xFFFFFFFF  }
0xa8: {  	s28 =	simm.s32 $_size_execute0_lowered;
	s4 =	sadd.s32 s4, s6;
	[dreg:$0x0] =	wrdreg $0x0  }
0xa9: {  	s6 =	sshll.u32 s28, $0x1;
	[dreg:$0x2] =	wrdreg s4  }
0xaa: {  	[dreg:$0x3] =	wrdreg s6  }
0xab: {  	[dreg:$0x4] =	wrdreg $0xC0  }
0xac: {  	_ =	task [dreg:s8], $0x5FFFF  }
0xad: {  	[dreg:$0x1] =	wrdreg $0xFFFFFFFF  }
0xae: {  	[dreg:$0x0] =	wrdreg $0x60  }
0xaf: {  	[dreg:$0x2] =	wrdreg s24  }
0xb0: {  	[dreg:$0x3] =	wrdreg s2  }
0xb1: {  	[dreg:$0x4] =	wrdreg s18  }
0xb2: {  	[dreg:$0x5] =	wrdreg $0x9  }
0xb3: {  	_ =	task.clear_ibuf [dreg:s8], $0x6FFFF;
	_ =	strace $0x90000046  }
0xb4: {  	s29 =	simm.s32 $0x9;
	_ =	strace $0x80000048  }
0xb5: {  	_ =	swait.ge [sflag:s29], $0x1  }
0xb6: {  	[sflag:s29] =	ssyncadd.s32 $0xFFFFFFFF  }
0xb7: {  	_ =	strace $0x90000048  }
0xb8: {  	_ =	sfence  }
0xb9: {  	s30 =	sld [smem:$0x0];
	_ =	sdelay $0x2  }
0xba: {  	s31 =	sshll.u32 s1, $0xD;
	s1 =	sshrl.u32 s1, $0x2  }
0xbb: {  	s3 =	sand.u32 $0x4000, s31;
	s1 =	sadd.s32 s1, s30  }
0xbc: {  	s0 =	sor.u32 s3, s0;
	s1 =	sshll.u32 s1, $0x11  }
0xbd: {  	s0 =	sor.u32 s1, s0  }
0xbe: {  	s0 =	sadd.s32 $0x8F2B, s0  }
0xbf: {  	[sflag:s0] =	ssyncadd.remote.s32 $0x1  }
0xc0: {  	_ =	sfence.sel $0xFFFF  }
0xc1: {  	[dreg:$0x0] =	wrdreg $0xFFFFFFFF;
	(pc) =	sbr.abs _section_cstart, $3  }
0xc2: {  	[dreg:$0x1] =	wrdreg $0xFFFFFFFF  }
0xc3: {  	_ =	task.clear_ibuf [dreg:s8], $0x2FFFF;
	_ =	strace $0x9FFFFFFF  }
0xc4: {  	(tm) =	ssettm $0x7FFFFFFF  }
0xc5: {  	_ =	shalt  }
tec
execute0_lowered:
.L_overlay_start_1:
0x0: {  	(tag) =	ssettag $0x1  }
0x1: {  	v1 =	vimm.s32 $0x83828180;
	v0 =	vlaneseq.u32;
	v2 =	vimm.s32 $0x87868584  }
0x2: {  	vm0 =	vcmask $0x1F10;
	v3 =	vimm.s32 $0x23222120;
	v4 =	vimm.s32 $0x187  }
0x3: {  	vm15 =	vcmask $0x300;
	v5 =	vimm.s32 $0x27262524;
	vm14 =	vcmask $0x704  }
0x4: {  	vm13 =	vcmask $0xB08;
	vm12 =	vcmask $0xF0C;
	vm11 =	vcmask $0x1310  }
0x5: {  	vm10 =	vcmask $0x1714;
	vm9 =	vcmask $0x1B18;
	v1 =	vunpack.c.0.s8.s32 v1  }
0x6: {  	v2 =	vunpack.c.0.s8.s32 v2;
	v3 =	vunpack.c.0.s8.s32 v3;
	v5 =	vunpack.c.0.s8.s32 v5  }
0x7: {  	vm8 =	vcmask $0x1F1C;
	vm7 =	vcmask $0x2320;
	v4 =	vsel vm15, $0x120, v4  }
0x8: {  	v4 =	vsel vm14, $0x121, v4;
	v1 =	vsel vm0, v2, v1;
	v32 =	vsel vm0, v5, v3  }
0x9: {  	vm6 =	vcmask $0x2724;
	v2 =	vsel vm13, $0x122, v4;
	v3 =	vcombine.low v32, v1  }
0xa: {  	vm5 =	vcmask $0x2B28;
	vm4 =	vcmask $0x2F2C;
	v2 =	vsel vm12, $0x123, v2  }
0xb: {  	vm3 =	vcmask $0x3330;
	v2 =	vsel vm11, $0x124, v2;
	v3 =	vand.u32 $0xFF, v3  }
0xc: {  	vm2 =	vcmask $0x3734;
	v2 =	vsel vm10, $0x125, v2;
	[tilespmem:$0x1FF10] =	vst v3;
	v3 =	vadd.s32 $0x88, v0  }
0xd: {  	vm1 =	vcmask $0x3B38;
	v2 =	vsel vm9, $0x126, v2;
	[tilespmem:$0x1FF20] =	vst v3;
	v3 =	vadd.s32 $0x98, v0  }
0xe: {  	v52 =	vimm.s32 $0xABAAA9A8;
	v2 =	vsel vm8, $0x127, v2;
	[tilespmem:$0x1FF30] =	vst v3;
	v3 =	vor.u32 $0x100, v0  }
0xf: {  	v53 =	vimm.s32 $0xAFAEADAC;
	v2 =	vsel vm7, $0x180, v2;
	[tilespmem:$0x1FF40] =	vst v3;
	v3 =	vor.u32 $0x110, v0  }
0x10: {  	v7 =	vimm.s32 $0x4B4A4948;
	v2 =	vsel vm6, $0x181, v2;
	[tilespmem:$0x1FF50] =	vst v3;
	v3 =	vimm.s32 $0x1AF  }
0x11: {  	v8 =	vimm.s32 $0x4F4E4D4C;
	v2 =	vsel vm5, $0x182, v2;
	v3 =	vsel vm15, $0x148, v3  }
0x12: {  	v9 =	vunpack.c.0.s8.s32 v7;
	v2 =	vsel vm4, $0x183, v2;
	v3 =	vsel vm14, $0x149, v3  }
0x13: {  	v10 =	vunpack.c.0.s8.s32 v8;
	v2 =	vsel vm3, $0x184, v2;
	v3 =	vsel vm13, $0x14A, v3  }
0x14: {  	v4 =	vunpack.c.0.s8.s32 v52;
	v2 =	vsel vm2, $0x185, v2;
	v3 =	vsel vm12, $0x14B, v3  }
0x15: {  	v5 =	vunpack.c.0.s8.s32 v53;
	v2 =	vsel vm1, $0x186, v2;
	v3 =	vsel vm11, $0x14C, v3  }
0x16: {  	[tilespmem:$0x1FF60] =	vst v2;
	v2 =	vadd.s32 $0x188, v0;
	v3 =	vsel vm10, $0x14D, v3  }
0x17: {  	v54 =	vsel vm0, v10, v9;
	[tilespmem:$0x1FF70] =	vst v2;
	v2 =	vsel vm9, $0x14E, v3;
	v3 =	vsel vm0, v5, v4  }
0x18: {  	v3 =	vcombine.low v54, v3  }
0x19: {  	v60 =	vimm.s32 $0xD3D2D1D0  }
0x1a: {  	v61 =	vimm.s32 $0xD7D6D5D4;
	v17 =	vimm.s32 $0x73727170;
	v3 =	vand.u32 $0xFF, v3  }
0x1b: {  	v18 =	vimm.s32 $0x77767574;
	v55 =	vadd.s32 $0x198, v0;
	[tilespmem:$0x1FFB0] =	vst v3;
	v3 =	vor.u32 $0xB0, v0  }
0x1c: {  	v56 =	vadd.s32 $0x28, v0;
	v57 =	vadd.s32 $0x38, v0;
	[tilespmem:$0x1FFC0] =	vst v3;
	v3 =	vor.u32 $0xC0, v0  }
0x1d: {  	v58 =	vadd.s32 $0x128, v0;
	v2 =	vsel vm8, $0x14F, v2;
	[tilespmem:$0x1FFD0] =	vst v3;
	v3 =	vimm.s32 $0x1D7  }
0x1e: {  	v59 =	vadd.s32 $0x138, v0;
	v2 =	vsel vm7, $0x1A8, v2;
	v3 =	vsel vm15, $0x170, v3  }
0x1f: {  	v19 =	vunpack.c.0.s8.s32 v17;
	v2 =	vsel vm6, $0x1A9, v2;
	v3 =	vsel vm14, $0x171, v3  }
0x20: {  	v20 =	vunpack.c.0.s8.s32 v18;
	v2 =	vsel vm5, $0x1AA, v2;
	v3 =	vsel vm13, $0x172, v3  }
0x21: {  	s2 =	rddreg [dreg:$0x0];
	v18 =	vor.u32 $0x1B0, v0;
	v2 =	vsel vm4, $0x1AB, v2;
	v3 =	vsel vm12, $0x173, v3  }
0x22: {  	s0 =	rddreg [dreg:$0x1];
	v21 =	vor.u32 $0x60, v0;
	v2 =	vsel vm3, $0x1AC, v2;
	v3 =	vsel vm11, $0x174, v3  }
0x23: {  	s1 =	rddreg [dreg:$0x2];
	v4 =	vunpack.c.0.s8.s32 v60;
	v2 =	vsel vm2, $0x1AD, v2;
	v3 =	vsel vm10, $0x175, v3  }
0x24: {  	s3 =	srdreg.scid;
	s5 =	simm.s32 $0x0;
	s4 =	stileid.u32;
	v5 =	vunpack.c.0.s8.s32 v61;
	v17 =	vsel vm1, $0x1AE, v2;
	v2 =	vsel vm9, $0x176, v3  }
0x25: {  	s8 =	simm.s32 $0x6400;
	s10 =	simm.s32 $0x50;
	s21 =	simm.s32 $0x14C00;
	v23 =	vadd.s32 $0xD8, v0;
	v24 =	vadd.s32 $0xE8, v0;
	v2 =	vsel vm8, $0x177, v2  }
0x26: {  	s28 =	simm.s32 $0x1;
	s29 =	simm.s32 $0x1400;
	s3 =	sand.u32 $0x1, s3;
	v62 =	vsel vm0, v20, v19;
	v3 =	vsel vm0, v5, v4;
	v2 =	vsel vm7, $0x1D0, v2  }
0x27: {  	s30 =	simm.s32 $0x2;
	s4 =	sshll.u32 s4, $0x6;
	v63 =	vshrl.u32 v0, $0x3;
	[tilespmem:$0x1FF80] =	vst v55;
	s24 =	sshll.u32 s3, $0x5;
	v3 =	vcombine.low v62, v3;
	v2 =	vsel vm6, $0x1D1, v2  }
0x28: {  	s31 =	simm.s32 $0x6;
	[smem:$0x7FF] =	sst s5;
	v25 =	vor.u32 $0x150, v0;
	v27 =	vor.u32 $0x160, v0;
	[tilespmem:$0x1FF90] =	vst v56;
	s5 =	sor.u32 s24, s4;
	v2 =	vsel vm5, $0x1D2, v2  }
0x29: {  	s11 =	simm.s32 $0x4;
	[tilespmem:$0x1FFA0] =	vst v57;
	s3 =	ssub.s32 $0x2, s3;
	s4 =	sshll.u32 s5, $0x5;
	v22 =	vand.u32 $0xFF, v3;
	v3 =	vimm.s32 $0x76543210;
	v2 =	vsel vm4, $0x1D3, v2  }
0x2a: {  	s7 =	simm.s32 $0x0;
	v29 =	vadd.s32 $0x1D8, v0;
	[tilespmem:$0x1FFE0] =	vst v58;
	s25 =	sshrl.u32 s3, $0x1;
	s4 =	sadd.s32 s4, s2;
	v3 =	vunpack.c.l.s4.s8 v3;
	v2 =	vsel vm3, $0x1D4, v2  }
0x2b: {  	v30 =	vadd.s32 $0x1E8, v0;
	v33 =	vadd.s32 $0x8, v0;
	[tilespmem:$0x1FFF0] =	vst v59;
	s24 =	simm.s32 $0x5;
	s2 =	sadd.s32 $0x8400, s2;
	s26 =	sadd.s32 $0x400, s4;
	v2 =	vsel vm2, $0x1D5, v2  }
0x2c: {  	v26 =	vmul.u32 $0x80, v63;
	_ =	strace $0x80000047;
	[dreg:$0x4] =	wrdreg s2;
	s2 =	ssub.s32 s3, s25;
	v28 =	vsel vm1, $0x1D6, v2;
	v2 =	vunpack.c.0.s8.s32 v3  }
0x2d: {  	v34 =	vadd.s32 $0x18, v0;
	v19 =	vor.u32 $0x1C0, v0;
	v20 =	vor.u32 $0x50, v0;
	s4 =	simm.s32 $0x3;
	[dreg:$0x5] =	wrdreg s26;
	s2 =	smax.u32 s2, $0x1  }
0x2e: {  	v1 =	vor.u32 $0x10, v0;
	v31 =	vor.u32 $0x100, v26;
	s25 =	simm.s32 $0x19C00;
	[dreg:$0x6] =	wrdreg s2;
	s2 =	simm.s32 $0x7;
	v32 =	vcombine.low v32, v2  }
.LBB2_1:
0x2f: {  	[dreg:$0x7] =	wrdreg s7  }
0x30: {  	s7 =	simm.s32 $0x0;
	s3 =	rddreg [dreg:$0x5];
	s9 =	simm.s32 $0x9  }
0x31: {  	[tilespmem:s8], [sflag:$0x9] =	stream.linear.gather [hbm4b:s3+s7], $0x2000, $0x38;
	[tilespmem:$0x1EC00] =	vst v63  }
0x32: {  	_ =	swait.ge [sflag:s9], $0x2000  }
0x33: {  	[sflag:s9] =	ssyncset.done $0x0  }
0x34: {  	[sflag:s9] =	ssyncadd.s32 $0xFFFFE000  }
0x35: {  	v2 =	vld.idx.msk [tilespmem:v0+s8+$0x0], $0xffff;
	_ =	sdelay $0x4  }
0x36: {  	[tilespmem:$0x8400] =	vst v2  }
0x37: {  	v2 =	vld.idx.msk [tilespmem:v1+s8+$0x0], $0xffff;
	_ =	sdelay $0x4  }
0x38: {  	[tilespmem:$0x8410] =	vst v2;
	v2 =	vld [tilespmem:$0x1FF10];
	_ =	sdelay $0x7  }
0x39: {  	v2 =	vld.idx.msk [tilespmem:v2+s8+$0x0], $0xffff;
	_ =	sdelay $0x4  }
0x3a: {  	[tilespmem:$0x8420] =	vst v2;
	v2 =	vld [tilespmem:$0x1FF20];
	_ =	sdelay $0x7  }
0x3b: {  	v2 =	vld.idx.msk [tilespmem:v2+s8+$0x0], $0xffff;
	_ =	sdelay $0x4  }
0x3c: {  	[tilespmem:$0x8430] =	vst v2;
	v2 =	vld [tilespmem:$0x1FF30];
	_ =	sdelay $0x7  }
0x3d: {  	v2 =	vld.idx.msk [tilespmem:v2+s8+$0x0], $0xffff;
	_ =	sdelay $0x4  }
0x3e: {  	[tilespmem:$0x8440] =	vst v2;
	v2 =	vld [tilespmem:$0x1FF40];
	_ =	sdelay $0x7  }
0x3f: {  	v2 =	vld.idx.msk [tilespmem:v2+s8+$0x0], $0xffff;
	_ =	sdelay $0x4  }
0x40: {  	[tilespmem:$0x8480] =	vst v2;
	v2 =	vld [tilespmem:$0x1FF50];
	_ =	sdelay $0x7  }
0x41: {  	v2 =	vld.idx.msk [tilespmem:v2+s8+$0x0], $0xffff;
	_ =	sdelay $0x4  }
0x42: {  	[tilespmem:$0x8490] =	vst v2;
	v2 =	vld [tilespmem:$0x1FF60];
	_ =	sdelay $0x7  }
0x43: {  	v2 =	vld.idx.msk [tilespmem:v2+s8+$0x0], $0xffff;
	_ =	sdelay $0x4  }
0x44: {  	[tilespmem:$0x84A0] =	vst v2;
	v2 =	vld [tilespmem:$0x1FF70];
	_ =	sdelay $0x7  }
0x45: {  	v2 =	vld.idx.msk [tilespmem:v2+s8+$0x0], $0xffff;
	_ =	sdelay $0x4  }
0x46: {  	[tilespmem:$0x84B0] =	vst v2;
	v2 =	vld [tilespmem:$0x1FF80];
	_ =	sdelay $0x7  }
0x47: {  	v2 =	vld.idx.msk [tilespmem:v2+s8+$0x0], $0xffff;
	_ =	sdelay $0x4  }
0x48: {  	[tilespmem:$0x84C0] =	vst v2;
	v2 =	vld [tilespmem:$0x1FF90];
	_ =	sdelay $0x3  }
0x49: {  	s12 =	simm.s32 $0x8400;
	s6 =	simm.s32 $0xAC00  }
0x4a: {  	[tilespmem:s6], [sflag:$0x1] =	stream.indirect.gather [hbm4b:s0+s10], $0x80, s12, s10, $0xb8;
	[tilespmem:$0x1EC00] =	vst v63  }
0x4b: {  	s13 =	simm.s32 $0x8480;
	s14 =	simm.s32 $0xD400  }
0x4c: {  	[tilespmem:s14], [sflag:$0x1] =	stream.indirect.gather [hbm4b:s0+s10], $0x80, s13, s10, $0xb8;
	[tilespmem:$0x1EC00] =	vst v63  }
0x4d: {  	v2 =	vld.idx.msk [tilespmem:v2+s8+$0x0], $0xffff;
	_ =	sdelay $0x4  }
0x4e: {  	[tilespmem:$0x8500] =	vst v2;
	v2 =	vld [tilespmem:$0x1FFA0];
	_ =	sdelay $0x7  }
0x4f: {  	v2 =	vld.idx.msk [tilespmem:v2+s8+$0x0], $0xffff;
	_ =	sdelay $0x4  }
0x50: {  	[tilespmem:$0x8510] =	vst v2;
	v2 =	vld [tilespmem:$0x1FFB0];
	_ =	sdelay $0x7  }
0x51: {  	v2 =	vld.idx.msk [tilespmem:v2+s8+$0x0], $0xffff;
	_ =	sdelay $0x4  }
0x52: {  	[tilespmem:$0x8520] =	vst v2;
	v2 =	vld [tilespmem:$0x1FFC0];
	_ =	sdelay $0x7  }
0x53: {  	v2 =	vld.idx.msk [tilespmem:v2+s8+$0x0], $0xffff;
	_ =	sdelay $0x4  }
0x54: {  	[tilespmem:$0x8530] =	vst v2;
	v2 =	vld [tilespmem:$0x1FFD0];
	_ =	sdelay $0x7  }
0x55: {  	v2 =	vld.idx.msk [tilespmem:v2+s8+$0x0], $0xffff;
	_ =	sdelay $0x4  }
0x56: {  	[tilespmem:$0x8540] =	vst v2;
	v2 =	vld [tilespmem:$0x1FFE0];
	_ =	sdelay $0x7  }
0x57: {  	v2 =	vld.idx.msk [tilespmem:v2+s8+$0x0], $0xffff;
	_ =	sdelay $0x4  }
0x58: {  	[tilespmem:$0x8580] =	vst v2;
	v2 =	vld [tilespmem:$0x1FFF0];
	_ =	sdelay $0x7  }
0x59: {  	v2 =	vld.idx.msk [tilespmem:v2+s8+$0x0], $0xffff;
	_ =	sdelay $0x4  }
0x5a: {  	[tilespmem:$0x8590] =	vst v2  }
0x5b: {  	v2 =	vld.idx.msk [tilespmem:v17+s8+$0x0], $0xffff;
	_ =	sdelay $0x4  }
0x5c: {  	[tilespmem:$0x85A0] =	vst v2  }
0x5d: {  	v2 =	vld.idx.msk [tilespmem:v18+s8+$0x0], $0xffff;
	_ =	sdelay $0x4  }
0x5e: {  	[tilespmem:$0x85B0] =	vst v2  }
0x5f: {  	v2 =	vld.idx.msk [tilespmem:v19+s8+$0x0], $0xffff;
	_ =	sdelay $0x4  }
0x60: {  	s15 =	simm.s32 $0x8500;
	s16 =	simm.s32 $0xFC00;
	[tilespmem:$0x85C0] =	vst v2  }
0x61: {  	[tilespmem:s16], [sflag:$0x2] =	stream.indirect.gather [hbm4b:s0+s10], $0x80, s15, s10, $0xb8;
	[tilespmem:$0x1EC00] =	vst v63  }
0x62: {  	s17 =	simm.s32 $0x8580;
	s18 =	simm.s32 $0x12400  }
0x63: {  	[tilespmem:s18], [sflag:$0x2] =	stream.indirect.gather [hbm4b:s0+s10], $0x80, s17, s10, $0xb8;
	[tilespmem:$0x1EC00] =	vst v63  }
0x64: {  	v2 =	vld.idx.msk [tilespmem:v20+s8+$0x0], $0xffff;
	_ =	sdelay $0x4  }
0x65: {  	[tilespmem:$0x8600] =	vst v2  }
0x66: {  	v2 =	vld.idx.msk [tilespmem:v21+s8+$0x0], $0xffff;
	_ =	sdelay $0x4  }
0x67: {  	[tilespmem:$0x8610] =	vst v2  }
0x68: {  	v2 =	vld.idx.msk [tilespmem:v22+s8+$0x0], $0xffff;
	_ =	sdelay $0x4  }
0x69: {  	[tilespmem:$0x8620] =	vst v2  }
0x6a: {  	v2 =	vld.idx.msk [tilespmem:v23+s8+$0x0], $0xffff;
	_ =	sdelay $0x4  }
0x6b: {  	[tilespmem:$0x8630] =	vst v2  }
0x6c: {  	v2 =	vld.idx.msk [tilespmem:v24+s8+$0x0], $0xffff;
	_ =	sdelay $0x4  }
0x6d: {  	[tilespmem:$0x8640] =	vst v2  }
0x6e: {  	v2 =	vld.idx.msk [tilespmem:v25+s8+$0x0], $0xffff;
	_ =	sdelay $0x4  }
0x6f: {  	[tilespmem:$0x8680] =	vst v2  }
0x70: {  	v2 =	vld.idx.msk [tilespmem:v27+s8+$0x0], $0xffff;
	_ =	sdelay $0x4  }
0x71: {  	[tilespmem:$0x8690] =	vst v2  }
0x72: {  	v2 =	vld.idx.msk [tilespmem:v28+s8+$0x0], $0xffff;
	_ =	sdelay $0x1  }
0x73: {  	s19 =	smul.u32 $0xCD, s4;
	_ =	sdelay $0x1  }
0x74: {  	s3 =	sshrl.u32 s19, $0x8  }
0x75: {  	s3 =	sand.u32 $0xFC, s3;
	[tilespmem:$0x86A0] =	vst v2  }
0x76: {  	s20 =	sshrl.u32 s3, $0x2;
	v2 =	vld.idx.msk [tilespmem:v29+s8+$0x0], $0xffff  }
0x77: {  	s6 =	smul.u32 $0x5, s20;
	_ =	sdelay $0x1  }
0x78: {  	s6 =	ssub.s32 $0x3, s6  }
0x79: {  	s6 =	smul.u32 $0x28, s6  }
0x7a: {  	[tilespmem:$0x86B0] =	vst v2  }
0x7b: {  	s6 =	sand.u32 $0xF8, s6;
	v2 =	vld.idx.msk [tilespmem:v30+s8+$0x0], $0xffff  }
0x7c: {  	v3 =	vmov s3;
	v4 =	vadd.s32 s6, v0  }
0x7d: {  	v5 =	vshll.u32 v3, $0x8;
	v35 =	vshll.u32 v4, $0x3  }
0x7e: {  	v5 =	vand.u32 $0x7800, v5;
	v35 =	vand.u32 $0xC00, v35  }
0x7f: {  	v3 =	vshll.u32 v3, $0x7;
	v4 =	vand.u32 $0x7F, v4;
	v36 =	vadd.s32 v5, v35  }
0x80: {  	s22 =	simm.s32 $0x8600;
	v35 =	vand.u32 $0x200, v3;
	[tilespmem:$0x86C0] =	vst v2;
	v2 =	vor.u32 v4, v36  }
0x81: {  	[tilespmem:s21], [sflag:$0x3] =	stream.indirect.gather [hbm4b:s0+s10], $0x80, s22, s10, $0xb8;
	v4 =	vor.u32 v35, v2;
	[tilespmem:$0x1EC00] =	vst v63  }
0x82: {  	s23 =	simm.s32 $0x8680;
	s9 =	simm.s32 $0x17400;
	v49 =	vadd.s32 s6, v1  }
0x83: {  	v37 =	vshll.u32 v49, $0x3;
	[tilespmem:s9], [sflag:$0x3] =	stream.indirect.gather [hbm4b:s0+s10], $0x80, s23, s10, $0xb8;
	[tilespmem:$0x1EC00] =	vst v63  }
0x84: {  	s26 =	rddreg [dreg:$0x4];
	v37 =	vand.u32 $0xC00, v37  }
0x85: {  	v37 =	vadd.s32 v5, v37;
	v36 =	vand.u32 $0x7F, v49;
	[tilespmem:s7], [sflag:$0x5] =	stream.linear.gather [hbm4b:s26+s7], $0x6400, $0x38;
	[tilespmem:$0x1EC00] =	vst v63  }
0x86: {  	v40 =	vor.u32 v36, v37;
	v4 =	vld.idx.msk [tilespmem:v4+s8+$0x0], $0xffff  }
0x87: {  	v36 =	vor.u32 v35, v40;
	_ =	sdelay $0x1  }
0x88: {  	v50 =	vadd.s32 s6, v32  }
0x89: {  	s3 =	simm.s32 $0x87C0;
	v39 =	vor.u32 v26, v3;
	v38 =	vshll.u32 v50, $0x3  }
0x8a: {  	v53 =	vand.u32 $0x280, v39;
	v51 =	vand.u32 $0x7F, v50;
	v52 =	vand.u32 $0xC00, v38;
	[tilespmem:s3+$0xFFFFFF40] =	vst v4  }
0x8b: {  	v55 =	vor.u32 v53, v51;
	v41 =	vadd.s32 v5, v52;
	v54 =	vld.idx.msk [tilespmem:v36+s8+$0x0], $0xffff  }
0x8c: {  	v37 =	vor.u32 v41, v55  }
0x8d: {  	v36 =	vadd.s32 s6, v33  }
0x8e: {  	v56 =	vshll.u32 v36, $0x3  }
0x8f: {  	v38 =	vand.u32 $0xC00, v56  }
0x90: {  	v57 =	vand.u32 $0x7F, v36;
	v38 =	vadd.s32 v5, v38;
	[tilespmem:s3+$0xFFFFFF50] =	vst v54  }
0x91: {  	v43 =	vor.u32 $0x80, v35;
	v58 =	vor.u32 v57, v38;
	v42 =	vld.idx.msk [tilespmem:v37+s8+$0x0], $0xffff  }
0x92: {  	v44 =	vor.u32 v43, v58  }
0x93: {  	v37 =	vadd.s32 s6, v34  }
0x94: {  	v59 =	vshll.u32 v37, $0x3  }
0x95: {  	v39 =	vand.u32 $0xC00, v59  }
0x96: {  	v60 =	vand.u32 $0x7F, v37;
	v39 =	vadd.s32 v5, v39;
	[tilespmem:s3+$0xFFFFFF60] =	vst v42  }
0x97: {  	v42 =	vor.u32 v60, v39;
	v61 =	vld.idx.msk [tilespmem:v44+s8+$0x0], $0xffff  }
0x98: {  	v42 =	vor.u32 v43, v42;
	_ =	sdelay $0x3  }
0x99: {  	[tilespmem:s3+$0xFFFFFF70] =	vst v61  }
0x9a: {  	v62 =	vor.u32 $0x100, v35;
	v5 =	vld.idx.msk [tilespmem:v42+s8+$0x0], $0xffff  }
0x9b: {  	v2 =	vor.u32 v62, v2;
	_ =	sdelay $0x3  }
0x9c: {  	[tilespmem:s3+$0xFFFFFF80] =	vst v5  }
0x9d: {  	v2 =	vld.idx.msk [tilespmem:v2+s8+$0x0], $0xffff  }
0x9e: {  	v63 =	vor.u32 v62, v40;
	_ =	sdelay $0x2  }
0x9f: {  	v3 =	vor.u32 v31, v3  }
0xa0: {  	[tilespmem:s3+$0xFFFFFFC0] =	vst v2;
	v2 =	vand.u32 $0x380, v3  }
0xa1: {  	v3 =	vld.idx.msk [tilespmem:v63+s8+$0x0], $0xffff;
	v2 =	vor.u32 v2, v51  }
0xa2: {  	v2 =	vor.u32 v41, v2;
	_ =	sdelay $0x3  }
0xa3: {  	s6 =	simm.s32 $0x4;
	[tilespmem:s3+$0xFFFFFFD0] =	vst v3  }
0xa4: {  	s7 =	simm.s32 $0x5;
	s9 =	smul.u32 $0xCD, s6;
	v2 =	vld.idx.msk [tilespmem:v2+s8+$0x0], $0xffff  }
.LBB2_2:
0xa5: {  	p0 =	sne.s32 s7, $0x27;
	v3 =	vor.u32 $0x180, v35;
	v4 =	vor.u32 v36, v38  }
0xa6: {  	s9 =	sshrl.u32 s9, $0x8;
	v4 =	vor.u32 v3, v4  }
0xa7: {  	s12 =	sand.u32 $0xFC, s9  }
0xa8: {  	s9 =	sshrl.u32 s12, $0x2  }
0xa9: {  	s9 =	smul.u32 $0x5, s9  }
0xaa: {  	[tilespmem:s3+$0xFFFFFFE0] =	vst v2  }
0xab: {  	s9 =	ssub.s32 s6, s9;
	v2 =	vld.idx.msk [tilespmem:v4+s8+$0x0], $0xffff;
	s6 =	smov.u32 s7  }
0xac: {  	v4 =	vor.u32 v37, v39;
	s9 =	smul.u32 $0x28, s9  }
0xad: {  	v3 =	vor.u32 v3, v4  }
0xae: {  	s9 =	sand.u32 $0xF8, s9  }
0xaf: {  	v4 =	vmov s12;
	v5 =	vadd.s32 s9, v0  }
0xb0: {  	v35 =	vshll.u32 v4, $0x8;
	v36 =	vshll.u32 v5, $0x3  }
0xb1: {  	v39 =	vand.u32 $0x7800, v35;
	v35 =	vand.u32 $0xC00, v36;
	[tilespmem:s3+$0xFFFFFFF0] =	vst v2  }
0xb2: {  	v4 =	vshll.u32 v4, $0x7;
	v2 =	vand.u32 $0x7F, v5;
	v5 =	vadd.s32 v39, v35;
	v3 =	vld.idx.msk [tilespmem:v3+s8+$0x0], $0xffff  }
0xb3: {  	v35 =	vand.u32 $0x200, v4;
	v2 =	vor.u32 v2, v5  }
0xb4: {  	v5 =	vor.u32 v35, v2;
	_ =	sdelay $0x1  }
0xb5: {  	v36 =	vadd.s32 s9, v1  }
0xb6: {  	v37 =	vshll.u32 v36, $0x3  }
0xb7: {  	v37 =	vand.u32 $0xC00, v37;
	[tilespmem:s3+$0x0] =	vst v3  }
0xb8: {  	v3 =	vld.idx.msk [tilespmem:v5+s8+$0x0], $0xffff;
	v5 =	vand.u32 $0x7F, v36;
	v36 =	vadd.s32 v39, v37  }
0xb9: {  	v5 =	vor.u32 v5, v36  }
0xba: {  	v36 =	vor.u32 v35, v5;
	_ =	sdelay $0x2  }
0xbb: {  	s3 =	sadd.s32 $0x100, s3;
	v37 =	vadd.s32 s9, v32  }
0xbc: {  	v38 =	vor.u32 v26, v4;
	[tilespmem:s3+$0xFFFFFF40] =	vst v3;
	v3 =	vshll.u32 v37, $0x3  }
0xbd: {  	v41 =	vand.u32 $0x7F, v37;
	v40 =	vld.idx.msk [tilespmem:v36+s8+$0x0], $0xffff;
	v3 =	vand.u32 $0xC00, v3;
	v36 =	vand.u32 $0x280, v38  }
0xbe: {  	v3 =	vadd.s32 v39, v3;
	v36 =	vor.u32 v36, v41  }
0xbf: {  	v37 =	vor.u32 v3, v36;
	_ =	sdelay $0x1  }
0xc0: {  	v36 =	vadd.s32 s9, v33  }
0xc1: {  	v38 =	vshll.u32 v36, $0x3  }
0xc2: {  	v38 =	vand.u32 $0xC00, v38;
	[tilespmem:s3+$0xFFFFFF50] =	vst v40  }
0xc3: {  	v38 =	vadd.s32 v39, v38;
	v40 =	vld.idx.msk [tilespmem:v37+s8+$0x0], $0xffff;
	v37 =	vand.u32 $0x7F, v36  }
0xc4: {  	v42 =	vor.u32 $0x80, v35;
	v37 =	vor.u32 v37, v38  }
0xc5: {  	v43 =	vor.u32 v42, v37;
	_ =	sdelay $0x1  }
0xc6: {  	v37 =	vadd.s32 s9, v34  }
0xc7: {  	v44 =	vshll.u32 v37, $0x3  }
0xc8: {  	[tilespmem:s3+$0xFFFFFF60] =	vst v40;
	v40 =	vand.u32 $0xC00, v44  }
0xc9: {  	v44 =	vand.u32 $0x7F, v37;
	v43 =	vld.idx.msk [tilespmem:v43+s8+$0x0], $0xffff;
	v39 =	vadd.s32 v39, v40  }
0xca: {  	v40 =	vor.u32 v44, v39  }
0xcb: {  	v40 =	vor.u32 v42, v40;
	_ =	sdelay $0x3  }
0xcc: {  	[tilespmem:s3+$0xFFFFFF70] =	vst v43  }
0xcd: {  	v40 =	vld.idx.msk [tilespmem:v40+s8+$0x0], $0xffff  }
0xce: {  	v42 =	vor.u32 $0x100, v35  }
0xcf: {  	v2 =	vor.u32 v42, v2;
	_ =	sdelay $0x3  }
0xd0: {  	[tilespmem:s3+$0xFFFFFF80] =	vst v40  }
0xd1: {  	v2 =	vld.idx.msk [tilespmem:v2+s8+$0x0], $0xffff;
	_ =	sdelay $0x1  }
0xd2: {  	v5 =	vor.u32 v42, v5;
	_ =	sdelay $0x3  }
0xd3: {  	[tilespmem:s3+$0xFFFFFFC0] =	vst v2;
	v2 =	vor.u32 v31, v4  }
0xd4: {  	v4 =	vld.idx.msk [tilespmem:v5+s8+$0x0], $0xffff;
	v2 =	vand.u32 $0x380, v2  }
0xd5: {  	v2 =	vor.u32 v2, v41  }
0xd6: {  	v2 =	vor.u32 v3, v2  }
.Ltmp0:
0xd7: {  	(pc) =	sbr.rel @p0 .LBB2_2-.Ltmp0, $3  }
0xd8: {  	_ =	sdelay $0x1  }
0xd9: {  	[tilespmem:s3+$0xFFFFFFD0] =	vst v4  }
0xda: {  	s7 =	sadd.s32 $0x1, s7;
	s9 =	smul.u32 $0xCD, s6;
	v2 =	vld.idx.msk [tilespmem:v2+s8+$0x0], $0xffff  }
0xdb: {  	_ = 	snop  }
0xdc: {  	s7 =	sshrl.u32 s9, $0x8  }
0xdd: {  	v3 =	vor.u32 $0x180, v35;
	v4 =	vor.u32 v36, v38;
	s7 =	sand.u32 $0xFC, s7  }
0xde: {  	v4 =	vor.u32 v3, v4;
	s23 =	sshrl.u32 s7, $0x2  }
0xdf: {  	s9 =	smul.u32 $0x5, s23;
	_ =	sdelay $0x1  }
0xe0: {  	s6 =	ssub.s32 s6, s9  }
0xe1: {  	[tilespmem:s3+$0xFFFFFFE0] =	vst v2;
	s6 =	smul.u32 $0x28, s6  }
0xe2: {  	v44 =	vor.u32 v37, v39;
	v2 =	vld.idx.msk [tilespmem:v4+s8+$0x0], $0xffff  }
0xe3: {  	v3 =	vor.u32 v3, v44;
	s6 =	sand.u32 $0xF8, s6  }
0xe4: {  	v45 =	vmov s7;
	v5 =	vadd.s32 s6, v0  }
0xe5: {  	v46 =	vshll.u32 v45, $0x8;
	v47 =	vshll.u32 v5, $0x3  }
0xe6: {  	v35 =	vand.u32 $0x7800, v46;
	v36 =	vand.u32 $0xC00, v47  }
0xe7: {  	v4 =	vshll.u32 v45, $0x7;
	[tilespmem:s3+$0xFFFFFFF0] =	vst v2;
	v2 =	vand.u32 $0x7F, v5;
	v48 =	vadd.s32 v35, v36  }
0xe8: {  	v49 =	vand.u32 $0x200, v4;
	v3 =	vld.idx.msk [tilespmem:v3+s8+$0x0], $0xffff;
	v2 =	vor.u32 v2, v48  }
0xe9: {  	v5 =	vor.u32 v49, v2  }
0xea: {  	v50 =	vadd.s32 s6, v1  }
0xeb: {  	v51 =	vshll.u32 v50, $0x3  }
0xec: {  	v38 =	vand.u32 $0xC00, v51  }
0xed: {  	v52 =	vadd.s32 v35, v38;
	[tilespmem:s3+$0x0] =	vst v3;
	v3 =	vand.u32 $0x7F, v50  }
0xee: {  	v3 =	vor.u32 v3, v52;
	v5 =	vld.idx.msk [tilespmem:v5+s8+$0x0], $0xffff  }
0xef: {  	v37 =	vor.u32 v49, v3;
	_ =	sdelay $0x1  }
0xf0: {  	v53 =	vadd.s32 s6, v32  }
0xf1: {  	s26 =	sadd.s32 $0x100, s3;
	v40 =	vor.u32 v26, v4;
	v54 =	vshll.u32 v53, $0x3  }
0xf2: {  	v57 =	vand.u32 $0x280, v40;
	v55 =	vand.u32 $0x7F, v53;
	v56 =	vand.u32 $0xC00, v54;
	[tilespmem:s26+$0xFFFFFF40] =	vst v5  }
0xf3: {  	v39 =	vor.u32 v57, v55;
	v38 =	vadd.s32 v35, v56;
	v37 =	vld.idx.msk [tilespmem:v37+s8+$0x0], $0xffff  }
0xf4: {  	v39 =	vor.u32 v38, v39  }
0xf5: {  	v58 =	vadd.s32 s6, v33  }
0xf6: {  	v41 =	vshll.u32 v58, $0x3  }
0xf7: {  	v41 =	vand.u32 $0xC00, v41  }
0xf8: {  	v59 =	vand.u32 $0x7F, v58;
	v41 =	vadd.s32 v35, v41;
	[tilespmem:s26+$0xFFFFFF50] =	vst v37  }
0xf9: {  	v42 =	vor.u32 $0x80, v49;
	v37 =	vor.u32 v59, v41;
	v39 =	vld.idx.msk [tilespmem:v39+s8+$0x0], $0xffff  }
0xfa: {  	v37 =	vor.u32 v42, v37  }
0xfb: {  	v43 =	vadd.s32 s6, v34  }
0xfc: {  	v44 =	vshll.u32 v43, $0x3  }
0xfd: {  	v44 =	vand.u32 $0xC00, v44  }
0xfe: {  	v60 =	vand.u32 $0x7F, v43;
	v35 =	vadd.s32 v35, v44;
	[tilespmem:s26+$0xFFFFFF60] =	vst v39  }
0xff: {  	v39 =	vor.u32 v60, v35;
	v37 =	vld.idx.msk [tilespmem:v37+s8+$0x0], $0xffff  }
0x100: {  	v39 =	vor.u32 v42, v39;
	_ =	sdelay $0x3  }
0x101: {  	[tilespmem:s26+$0xFFFFFF70] =	vst v37  }
0x102: {  	v61 =	vor.u32 $0x100, v49;
	v37 =	vld.idx.msk [tilespmem:v39+s8+$0x0], $0xffff  }
0x103: {  	v2 =	vor.u32 v61, v2;
	_ =	sdelay $0x3  }
0x104: {  	[tilespmem:s26+$0xFFFFFF80] =	vst v37  }
0x105: {  	v2 =	vld.idx.msk [tilespmem:v2+s8+$0x0], $0xffff  }
0x106: {  	v3 =	vor.u32 v61, v3;
	_ =	sdelay $0x2  }
0x107: {  	v4 =	vor.u32 v31, v4  }
0x108: {  	[tilespmem:s26+$0xFFFFFFC0] =	vst v2;
	v2 =	vand.u32 $0x380, v4  }
0x109: {  	v3 =	vld.idx.msk [tilespmem:v3+s8+$0x0], $0xffff;
	v2 =	vor.u32 v2, v55  }
0x10a: {  	v2 =	vor.u32 v38, v2;
	_ =	sdelay $0x3  }
0x10b: {  	[tilespmem:s26+$0xFFFFFFD0] =	vst v3  }
0x10c: {  	v62 =	vor.u32 v58, v41;
	v3 =	vor.u32 $0x180, v49;
	v2 =	vld.idx.msk [tilespmem:v2+s8+$0x0], $0xffff  }
0x10d: {  	v4 =	vor.u32 v3, v62;
	_ =	sdelay $0x3  }
0x10e: {  	[tilespmem:s26+$0xFFFFFFE0] =	vst v2  }
0x10f: {  	v63 =	vor.u32 v43, v35;
	v2 =	vld.idx.msk [tilespmem:v4+s8+$0x0], $0xffff  }
0x110: {  	v3 =	vor.u32 v3, v63;
	_ =	sdelay $0x3  }
0x111: {  	[tilespmem:s26+$0xFFFFFFF0] =	vst v2  }
0x112: {  	v2 =	vld.idx.msk [tilespmem:v3+s8+$0x0], $0xffff;
	_ =	sdelay $0x4  }
0x113: {  	[tilespmem:s26+$0x0] =	vst v2  }
0x114: {  	s15 =	simm.s32 $0x0;
	s17 =	simm.s32 $0x1;
	_ =	swait.ge [sflag:s24], $0x6400  }
0x115: {  	s19 =	simm.s32 $0x2;
	s20 =	simm.s32 $0x3;
	[sflag:s24] =	ssyncset.done $0x0  }
0x116: {  	s22 =	simm.s32 $0x0;
	s23 =	simm.s32 $0x0;
	[sflag:s24] =	ssyncadd.s32 $0xFFFF9C00  }
.LBB2_4:
0x117: {  	s7 =	sshll.u32 s23, $0x2;
	p0 =	seq.s32 s23, $0x0  }
0x118: {  	s6 =	simm.s32 @!p0 $0x8;
	s3 =	sor.u32 $0x3, s7  }
0x119: {  	_ =	swait.ge @!p0 [sflag:s6], $0x5000;
	s9 =	sshll.u32 s3, $0x8  }
0x11a: {  	[sflag:s6] =	ssyncset.done @!p0 $0x0;
	s9 =	sand.u32 $0x3FFFFF00, s9  }
0x11b: {  	[sflag:s6] =	ssyncadd.s32 @!p0 $0xFFFFB000;
	s26 =	sadd.s32 $0x8400, s9  }
0x11c: {  	[tilespmem:s25], [sflag:$0x4] =	stream.indirect.gather [hbm4b:s0+s10], $0x80, s26, s10, $0xb8;
	[tilespmem:$0x1EC00] =	vst v63  }
0x11d: {  	s13 =	simm.s32 $0x1C400;
	s12 =	sadd.s32 $0x8480, s9  }
0x11e: {  	[tilespmem:s13], [sflag:$0x4] =	stream.indirect.gather [hbm4b:s0+s10], $0x80, s12, s10, $0xb8;
	[tilespmem:$0x1EC00] =	vst v63  }
0x11f: {  	_ =	swait.ge [sflag:s28], $0x2800  }
0x120: {  	[sflag:s28] =	ssyncset.done $0x0  }
0x121: {  	[sflag:s28] =	ssyncadd.s32 $0xFFFFD800  }
0x122: {  	_ =	swait.ge [sflag:s28], $0x2800  }
0x123: {  	[sflag:s28] =	ssyncset.done $0x0  }
0x124: {  	s18 =	simm.s32 $0x0;
	[sflag:s28] =	ssyncadd.s32 $0xFFFFD800  }
0x125: {  	v2 =	vld [tilespmem:s18+$0xD440]  }
0x126: {  	v3 =	vld [tilespmem:s18+$0xE810]  }
0x127: {  	v4 =	vld [tilespmem:s18+$0xE830]  }
0x128: {  	v5 =	vld [tilespmem:s18+$0xD470]  }
0x129: {  	v50 =	vld [tilespmem:s18+$0xE800]  }
0x12a: {  	v45 =	vld [tilespmem:s18+$0xE820]  }
0x12b: {  	v51 =	vld [tilespmem:s18+$0xE840]  }
0x12c: {  	v48 =	vld [tilespmem:s18+$0xD460]  }
0x12d: {  	v52 =	vld [tilespmem:s18+$0xD400]  }
0x12e: {  	v40 =	vld [tilespmem:s18+$0xD430]  }
0x12f: {  	v49 =	vld [tilespmem:s18+$0xD450]  }
0x130: {  	s14 =	smulhi.u32 $0xCCCCCCCD, s15;
	v54 =	vld [tilespmem:s18+$0xE870]  }
0x131: {  	v53 =	vld [tilespmem:s18+$0xE860]  }
0x132: {  	s6 =	sshrl.u32 s14, $0x2;
	v55 =	vld [tilespmem:s18+$0xC030]  }
0x133: {  	s6 =	smul.u32 $0xFFFE7000, s6;
	v43 =	vld [tilespmem:s18+$0xC040]  }
0x134: {  	v56 =	vld [tilespmem:s18+$0xE850]  }
0x135: {  	s6 =	sshra.s32 s6, $0x2;
	v57 =	vld [tilespmem:s18+$0xAC00]  }
0x136: {  	s6 =	sadd.s32 s6, s22;
	v58 =	vld [tilespmem:s18+$0xAC10]  }
0x137: {  	v35 =	vmov s6;
	v59 =	vld [tilespmem:s18+$0xD410]  }
0x138: {  	v61 =	vld [tilespmem:s18+$0xAC20]  }
0x139: {  	v60 =	vld [tilespmem:s18+$0xC050]  }
0x13a: {  	v62 =	vld [tilespmem:s18+$0xC010]  }
0x13b: {  	v6 =	vld [tilespmem:s18+$0xAC50]  }
0x13c: {  	v38 =	vld.idx.msk [tilespmem:v35+s18+$0x30 ss:$0x1], $0xffff;
	v40 =	vmul.f32 $1.131370830e+01, v40;
	v2 =	vmul.f32 $1.131370830e+01, v2  }
0x13d: {  	v37 =	vld.idx.msk [tilespmem:v35+s18+$0x40 ss:$0x1], $0xffff;
	v43 =	vmul.f32 $1.131370830e+01, v43;
	v9 =	vmul.f32 $1.131370830e+01, v49  }
0x13e: {  	v39 =	vld.idx.msk [tilespmem:v35+s18+$0x20 ss:$0x1], $0xffff;
	v14 =	vmul.f32 $1.131370830e+01, v45;
	v49 =	vmul.f32 $1.131370830e+01, v53  }
0x13f: {  	v36 =	vld.idx.msk [tilespmem:v35+s18+$0x0 ss:$0x1], $0xffff;
	v45 =	vmul.f32 $1.131370830e+01, v55;
	v10 =	vmul.f32 $1.131370830e+01, v48  }
0x140: {  	v8 =	vld [tilespmem:s18+$0xC020];
	v52 =	vmul.f32 $1.131370830e+01, v52;
	v48 =	vmul.f32 $1.131370830e+01, v62  }
0x141: {  	v63 =	vld [tilespmem:s18+$0xAC60];
	v12 =	vmul.f32 $1.131370830e+01, v50;
	v3 =	vmul.f32 $1.131370830e+01, v3  }
0x142: {  	s16 =	smulhi.u32 $0xCCCCCCCD, s20;
	v46 =	vld.idx.msk [tilespmem:v35+s18+$0x10 ss:$0x1], $0xffff;
	v51 =	vmul.f32 $1.131370830e+01, v51;
	v50 =	vmul.f32 $1.131370830e+01, v6  }
0x143: {  	s26 =	smulhi.u32 $0xCCCCCCCD, s19;
	v42 =	vld.idx.msk [tilespmem:v35+s18+$0x70 ss:$0x1], $0xffff;
	v4 =	vmul.f32 $1.131370830e+01, v4;
	v13 =	vmul.f32 $1.131370830e+01, v59;
	v7 =	vadd.f32 v40, v38  }
0x144: {  	s12 =	smulhi.u32 $0xCCCCCCCD, s17;
	v47 =	vld.idx.msk [tilespmem:v35+s18+$0x60 ss:$0x1], $0xffff;
	v54 =	vmul.f32 $1.131370830e+01, v54;
	v2 =	vadd.f32 v2, v37;
	v11 =	vadd.f32 v14, v39  }
0x145: {  	s13 =	smul.u32 $0xCD, s7;
	s9 =	sshrl.u32 s26, $0x2;
	v44 =	vld.idx.msk [tilespmem:v35+s18+$0x50 ss:$0x1], $0xffff;
	v8 =	vmul.f32 $1.131370830e+01, v8;
	v52 =	vadd.f32 v52, v36;
	v6 =	vadd.f32 v12, v36;
	[tilespmem:s18+$0xD430] =	vst v7  }
0x146: {  	s9 =	smul.u32 $0xFFFE7000, s9;
	s6 =	sshrl.u32 s16, $0x2;
	v40 =	vmul.f32 $1.131370830e+01, v60;
	v51 =	vadd.f32 v51, v37;
	v59 =	vadd.f32 v4, v38;
	v7 =	vld [tilespmem:s18+$0xC000];
	[tilespmem:s18+$0xD440] =	vst v2  }
0x147: {  	s12 =	sshrl.u32 s12, $0x2;
	s13 =	sshrl.u32 s13, $0xA;
	s6 =	smul.u32 $0xFFFE7000, s6;
	v4 =	vmul.f32 $1.131370830e+01, v58;
	v60 =	vadd.f32 v13, v46;
	v2 =	vmul.f32 $1.131370830e+01, v5;
	v5 =	vld [tilespmem:s18+$0xAC30];
	[tilespmem:s18+$0xE820] =	vst v11  }
0x148: {  	s12 =	smul.u32 $0xFFFE7000, s12;
	s13 =	sand.u32 $0x3F, s13;
	v55 =	vld [tilespmem:s18+$0xAC40];
	v14 =	vmul.f32 $1.131370830e+01, v57;
	v3 =	vadd.f32 v3, v46;
	v57 =	vadd.f32 v54, v42;
	[tilespmem:s18+$0xD400] =	vst v52  }
0x149: {  	s9 =	sshra.s32 s9, $0x2;
	s13 =	smul.u32 $0x5, s13;
	v62 =	vld [tilespmem:s18+$0xC060];
	v11 =	vmul.f32 $1.131370830e+01, v56;
	[tilespmem:s18+$0xE800] =	vst v6;
	v52 =	vadd.f32 v4, v46;
	v4 =	vadd.f32 v10, v47  }
0x14a: {  	s26 =	simm.s32 $0x200;
	s9 =	sadd.s32 s9, s22;
	v41 =	vld [tilespmem:s18+$0xAC70];
	v53 =	vmul.f32 $1.131370830e+01, v63;
	[tilespmem:s18+$0xE840] =	vst v51;
	v54 =	vadd.f32 v14, v36;
	v6 =	vadd.f32 v2, v42  }
0x14b: {  	s6 =	sshra.s32 s6, $0x2;
	s12 =	sshra.s32 s12, $0x2;
	s13 =	ssub.s32 s7, s13;
	v61 =	vmul.f32 $1.131370830e+01, v61;
	v63 =	vld [tilespmem:s18+$0xC070];
	[tilespmem:s18+$0xE810] =	vst v3;
	v51 =	vadd.f32 v8, v39;
	v58 =	vadd.f32 v11, v44  }
0x14c: {  	s6 =	sadd.s32 s6, s22;
	s14 =	sadd.s32 s12, s22;
	s13 =	sand.u32 $0xFF, s13;
	v3 =	vld [tilespmem:s18+$0xD420];
	[tilespmem:s18+$0xD470] =	vst v6;
	v56 =	vmul.f32 $1.131370830e+01, v7;
	v2 =	vmul.f32 $1.131370830e+01, v5;
	v5 =	vadd.f32 v9, v44  }
.LBB2_5:
0x14d: {  	s12 =	sshra.s32 s26, $0x2;
	p0 =	sne.s32 s26, $0x4E00;
	s26 =	sadd.s32 $0x200, s26;
	v6 =	vadd.f32 v61, v39;
	v7 =	vmul.f32 $1.131370830e+01, v55;
	[tilespmem:s18+$0xD460] =	vst v4;
	v4 =	vadd.f32 v49, v47  }
0x14e: {  	v9 =	vadd.f32 v48, v46;
	v8 =	vld [tilespmem:s12+$0xD440];
	v2 =	vadd.f32 v2, v38;
	v10 =	vmul.f32 $1.131370830e+01, v62;
	[tilespmem:s18+$0xD450] =	vst v5  }
0x14f: {  	v11 =	vadd.f32 v53, v47;
	v41 =	vmul.f32 $1.131370830e+01, v41;
	v5 =	vld [tilespmem:s12+$0xE810];
	v7 =	vadd.f32 v7, v37;
	[tilespmem:s18+$0xE830] =	vst v59  }
0x150: {  	v46 =	vadd.f32 v50, v44;
	v55 =	vld [tilespmem:s12+$0xE830];
	v10 =	vadd.f32 v10, v47;
	v47 =	vmul.f32 $1.131370830e+01, v63;
	[tilespmem:s18+$0xE860] =	vst v4  }
0x151: {  	v40 =	vadd.f32 v40, v44;
	v41 =	vadd.f32 v41, v42;
	v4 =	vld [tilespmem:s12+$0xD470];
	[tilespmem:s18+$0xD410] =	vst v60;
	v3 =	vmul.f32 $1.131370830e+01, v3  }
0x152: {  	v44 =	vld [tilespmem:s12+$0xE800];
	[tilespmem:s18+$0xAC60] =	vst v11;
	v11 =	vadd.f32 v43, v37;
	v37 =	vadd.f32 v47, v42  }
0x153: {  	v38 =	vadd.f32 v45, v38;
	v47 =	vld [tilespmem:s12+$0xE820];
	[tilespmem:s18+$0xC060] =	vst v10;
	v3 =	vadd.f32 v3, v39  }
0x154: {  	v10 =	vld [tilespmem:s12+$0xE840];
	[tilespmem:s18+$0xC040] =	vst v11  }
0x155: {  	v11 =	vld [tilespmem:s12+$0xD460];
	[tilespmem:s18+$0xC030] =	vst v38  }
0x156: {  	v50 =	vld [tilespmem:s12+$0xD400];
	[tilespmem:s18+$0xD420] =	vst v3  }
0x157: {  	v3 =	vld [tilespmem:s12+$0xD430];
	[tilespmem:s18+$0xE870] =	vst v57  }
0x158: {  	v39 =	vld [tilespmem:s12+$0xD450];
	[tilespmem:s18+$0xC010] =	vst v9  }
0x159: {  	v9 =	vld [tilespmem:s12+$0xE870];
	[tilespmem:s18+$0xAC50] =	vst v46  }
0x15a: {  	v36 =	vadd.f32 v56, v36;
	v42 =	vld [tilespmem:s12+$0xE860];
	[tilespmem:s18+$0xC070] =	vst v37  }
0x15b: {  	v45 =	vld [tilespmem:s12+$0xC030];
	[tilespmem:s18+$0xAC70] =	vst v41  }
0x15c: {  	v37 =	vld [tilespmem:s12+$0xC040];
	[tilespmem:s18+$0xE850] =	vst v58  }
0x15d: {  	v56 =	vld [tilespmem:s12+$0xE850];
	[tilespmem:s18+$0xAC00] =	vst v54  }
0x15e: {  	v54 =	vld [tilespmem:s12+$0xAC00];
	[tilespmem:s18+$0xAC10] =	vst v52  }
0x15f: {  	v52 =	vld [tilespmem:s12+$0xAC10];
	[tilespmem:s18+$0xAC30] =	vst v2  }
0x160: {  	v2 =	vld [tilespmem:s12+$0xD410];
	[tilespmem:s18+$0xAC20] =	vst v6  }
0x161: {  	v6 =	vld [tilespmem:s12+$0xAC20];
	[tilespmem:s18+$0xC050] =	vst v40  }
0x162: {  	v40 =	vld [tilespmem:s12+$0xC050];
	[tilespmem:s18+$0xC000] =	vst v36  }
0x163: {  	v46 =	vld [tilespmem:s12+$0xC010];
	[tilespmem:s18+$0xC020] =	vst v51  }
0x164: {  	v41 =	vld [tilespmem:s12+$0xAC70];
	[tilespmem:s18+$0xAC40] =	vst v7;
	s18 =	smov.u32 s12  }
0x165: {  	v7 =	vld [tilespmem:s18+$0xAC60]  }
0x166: {  	v3 =	vmul.f32 $1.131370830e+01, v3;
	v43 =	vmul.f32 $1.131370830e+01, v37;
	v51 =	vld [tilespmem:s18+$0xAC50]  }
0x167: {  	v8 =	vmul.f32 $1.131370830e+01, v8;
	v38 =	vld.idx.msk [tilespmem:v35+s18+$0x30 ss:$0x1], $0xffff;
	v40 =	vmul.f32 $1.131370830e+01, v40  }
0x168: {  	v12 =	vmul.f32 $1.131370830e+01, v39;
	v49 =	vmul.f32 $1.131370830e+01, v42;
	v37 =	vld.idx.msk [tilespmem:v35+s18+$0x40 ss:$0x1], $0xffff  }
0x169: {  	v11 =	vmul.f32 $1.131370830e+01, v11;
	v45 =	vmul.f32 $1.131370830e+01, v45;
	v39 =	vld.idx.msk [tilespmem:v35+s18+$0x20 ss:$0x1], $0xffff  }
0x16a: {  	v4 =	vmul.f32 $1.131370830e+01, v4;
	v48 =	vmul.f32 $1.131370830e+01, v46;
	v36 =	vld.idx.msk [tilespmem:v35+s18+$0x0 ss:$0x1], $0xffff  }
0x16b: {  	v53 =	vmul.f32 $1.131370830e+01, v7;
	v7 =	vmul.f32 $1.131370830e+01, v44;
	v42 =	vld.idx.msk [tilespmem:v35+s18+$0x70 ss:$0x1], $0xffff  }
0x16c: {  	v5 =	vmul.f32 $1.131370830e+01, v5;
	v57 =	vmul.f32 $1.131370830e+01, v50;
	v46 =	vld.idx.msk [tilespmem:v35+s18+$0x10 ss:$0x1], $0xffff  }
0x16d: {  	v50 =	vmul.f32 $1.131370830e+01, v51;
	v51 =	vmul.f32 $1.131370830e+01, v47;
	v3 =	vadd.f32 v3, v38;
	v44 =	vld.idx.msk [tilespmem:v35+s18+$0x50 ss:$0x1], $0xffff  }
0x16e: {  	v55 =	vmul.f32 $1.131370830e+01, v55;
	v2 =	vmul.f32 $1.131370830e+01, v2;
	v8 =	vadd.f32 v8, v37;
	v47 =	vld.idx.msk [tilespmem:v35+s18+$0x60 ss:$0x1], $0xffff  }
0x16f: {  	v10 =	vmul.f32 $1.131370830e+01, v10;
	v9 =	vmul.f32 $1.131370830e+01, v9;
	v58 =	vld [tilespmem:s18+$0xC020];
	[tilespmem:s18+$0xD430] =	vst v3;
	v3 =	vadd.f32 v51, v39  }
0x170: {  	v59 =	vadd.f32 v55, v38;
	v57 =	vadd.f32 v57, v36;
	v51 =	vld [tilespmem:s18+$0xC000];
	[tilespmem:s18+$0xD440] =	vst v8;
	v8 =	vmul.f32 $1.131370830e+01, v56  }
0x171: {  	v54 =	vmul.f32 $1.131370830e+01, v54;
	v7 =	vadd.f32 v7, v36;
	v13 =	vld [tilespmem:s18+$0xAC30];
	[tilespmem:s18+$0xE820] =	vst v3;
	v3 =	vadd.f32 v10, v37  }
.Ltmp1:
0x172: {  	v10 =	vmul.f32 $1.131370830e+01, v52;
	v60 =	vadd.f32 v2, v46;
	v55 =	vld [tilespmem:s18+$0xAC40];
	[tilespmem:s18+$0xD400] =	vst v57;
	v57 =	vadd.f32 v9, v42;
	(pc) =	sbr.rel @p0 .LBB2_5-.Ltmp1, $4  }
0x173: {  	v61 =	vmul.f32 $1.131370830e+01, v6;
	v6 =	vadd.f32 v4, v42;
	v2 =	vadd.f32 v5, v46;
	v62 =	vld [tilespmem:s18+$0xC060];
	[tilespmem:s18+$0xE800] =	vst v7  }
0x174: {  	v52 =	vadd.f32 v10, v46;
	v4 =	vadd.f32 v11, v47;
	v5 =	vmul.f32 $1.131370830e+01, v58;
	[tilespmem:s18+$0xE840] =	vst v3  }
0x175: {  	v54 =	vadd.f32 v54, v36;
	v58 =	vadd.f32 v8, v44;
	v56 =	vmul.f32 $1.131370830e+01, v51;
	v63 =	vld [tilespmem:s18+$0xC070];
	[tilespmem:s18+$0xE810] =	vst v2  }
0x176: {  	v2 =	vmul.f32 $1.131370830e+01, v13;
	v51 =	vadd.f32 v5, v39;
	v3 =	vld [tilespmem:s18+$0xD420];
	v5 =	vadd.f32 v12, v44;
	[tilespmem:s18+$0xD470] =	vst v6  }
0x177: {  	[tilespmem:s18+$0xD460] =	vst v4  }
0x178: {  	[tilespmem:s18+$0xE830] =	vst v59  }
0x179: {  	[tilespmem:s18+$0xD410] =	vst v60  }
0x17a: {  	[tilespmem:s18+$0xE870] =	vst v57  }
0x17b: {  	[tilespmem:s18+$0xE850] =	vst v58  }
0x17c: {  	[tilespmem:s18+$0xAC00] =	vst v54  }
0x17d: {  	[tilespmem:s18+$0xAC10] =	vst v52  }
0x17e: {  	v4 =	vadd.f32 v49, v47;
	[tilespmem:s18+$0xD450] =	vst v5  }
0x17f: {  	v6 =	vadd.f32 v53, v47;
	[tilespmem:s18+$0xC020] =	vst v51  }
0x180: {  	v5 =	vmul.f32 $1.131370830e+01, v62;
	v2 =	vadd.f32 v2, v38;
	[tilespmem:s18+$0xE860] =	vst v4  }
0x181: {  	[tilespmem:s18+$0xAC60] =	vst v6;
	v6 =	vadd.f32 v45, v38  }
0x182: {  	v4 =	vadd.f32 v5, v47;
	[tilespmem:s18+$0xAC30] =	vst v2  }
0x183: {  	v5 =	vadd.f32 v43, v37;
	[tilespmem:s18+$0xC030] =	vst v6  }
0x184: {  	v3 =	vmul.f32 $1.131370830e+01, v3;
	v6 =	vadd.f32 v50, v44;
	[tilespmem:s18+$0xC060] =	vst v4  }
0x185: {  	s12 =	smulhi.u32 $0x66666667, s7;
	v2 =	vmul.f32 $1.131370830e+01, v55;
	[tilespmem:s18+$0xC040] =	vst v5;
	v4 =	vadd.f32 v48, v46  }
0x186: {  	v5 =	vmul.f32 $1.131370830e+01, v63;
	v3 =	vadd.f32 v3, v39;
	[tilespmem:s18+$0xAC50] =	vst v6  }
0x187: {  	s12 =	sshll.u32 s12, $0x1;
	v2 =	vadd.f32 v2, v37;
	[tilespmem:s18+$0xC010] =	vst v4  }
0x188: {  	s12 =	sand.u32 $0x3FFFFC, s12;
	v5 =	vadd.f32 v5, v42;
	[tilespmem:s18+$0xD420] =	vst v3;
	v3 =	vmul.f32 $1.131370830e+01, v41  }
0x189: {  	s13 =	smul.u32 $0x1400, s13;
	s12 =	sadd.s32 s5, s12;
	v4 =	vadd.f32 v40, v44;
	[tilespmem:s18+$0xAC40] =	vst v2  }
0x18a: {  	s12 =	smul.u32 $0x6400, s12;
	[tilespmem:s18+$0xC070] =	vst v5;
	v3 =	vadd.f32 v3, v42  }
0x18b: {  	v5 =	vadd.f32 v56, v36;
	[tilespmem:s18+$0xC050] =	vst v4  }
0x18c: {  	s12 =	sadd.s32 s13, s12;
	[tilespmem:s18+$0xAC70] =	vst v3;
	v3 =	vadd.f32 v61, v39  }
0x18d: {  	s12 =	sshrl.u32 s12, $0x3;
	[tilespmem:s18+$0xC000] =	vst v5  }
0x18e: {  	s26 =	simm.s32 $0xAC00;
	p0 =	seq.s32 s23, $0x9;
	s12 =	sadd.s32 s1, s12;
	[tilespmem:s18+$0xAC20] =	vst v3  }
0x18f: {  	[hbm4b:s12+s29] =	stream.strided.scatter [tilespmem:s26], [sflag:$0x5], $0x5000, s8, s29, $0x38;
	[tilespmem:$0x1EC00] =	vst v63  }
0x190: {  	s12 =	sshll.u32 @!p0 s23, $0xA;
	_ =	swait.ge [sflag:s24], $0x5000  }
0x191: {  	s16 =	simm.s32 @!p0 $0xAC00;
	s18 =	sand.u32 @!p0 $0x3FFFFC00, s12;
	[sflag:s24] =	ssyncset.done $0x0  }
0x192: {  	s13 =	simm.s32 @!p0 $0x50;
	s12 =	sadd.s32 @!p0 $0x8800, s18;
	[sflag:s24] =	ssyncadd.s32 $0xFFFFB000  }
0x193: {  	[tilespmem:s16], [sflag:$0x1] =	stream.indirect.gather @!p0 [hbm4b:s0+s13], $0x80, s12, s13, $0xb8;
	[tilespmem:$0x1EC00] =	vst v63  }
0x194: {  	s12 =	sadd.s32 @!p0 $0x8880, s18;
	s16 =	simm.s32 @!p0 $0xD400  }
0x195: {  	[tilespmem:s16], [sflag:$0x1] =	stream.indirect.gather @!p0 [hbm4b:s0+s13], $0x80, s12, s13, $0xb8;
	[tilespmem:$0x1EC00] =	vst v63  }
0x196: {  	_ =	swait.ge [sflag:s30], $0x2800  }
0x197: {  	[sflag:s30] =	ssyncset.done $0x0  }
0x198: {  	[sflag:s30] =	ssyncadd.s32 $0xFFFFD800  }
0x199: {  	_ =	swait.ge [sflag:s30], $0x2800  }
0x19a: {  	[sflag:s30] =	ssyncset.done $0x0  }
0x19b: {  	s13 =	simm.s32 $0x1440;
	[sflag:s30] =	ssyncadd.s32 $0xFFFFD800  }
0x19c: {  	v2 =	vld [tilespmem:s13+$0x11000]  }
0x19d: {  	v3 =	vld [tilespmem:s13+$0x123D0]  }
0x19e: {  	v4 =	vld [tilespmem:s13+$0x123F0]  }
0x19f: {  	v5 =	vld [tilespmem:s13+$0x11030]  }
0x1a0: {  	v6 =	vld [tilespmem:s13+$0x123C0]  }
0x1a1: {  	v7 =	vld [tilespmem:s13+$0x123E0]  }
0x1a2: {  	v8 =	vld [tilespmem:s13+$0x12400]  }
0x1a3: {  	v9 =	vld [tilespmem:s13+$0x11020]  }
0x1a4: {  	v10 =	vld [tilespmem:s13+$0x10FC0]  }
0x1a5: {  	v11 =	vld [tilespmem:s13+$0x10FF0]  }
0x1a6: {  	v12 =	vld [tilespmem:s13+$0x11010]  }
0x1a7: {  	v13 =	vld [tilespmem:s13+$0x12430]  }
0x1a8: {  	v45 =	vld [tilespmem:s13+$0x12420]  }
0x1a9: {  	v48 =	vld [tilespmem:s13+$0xFBF0]  }
0x1aa: {  	v14 =	vld [tilespmem:s13+$0xFC00]  }
0x1ab: {  	v50 =	vld [tilespmem:s13+$0x12410]  }
0x1ac: {  	v54 =	vld [tilespmem:s13+$0xE7C0]  }
0x1ad: {  	v55 =	vld [tilespmem:s13+$0xE7D0]  }
0x1ae: {  	v56 =	vld [tilespmem:s13+$0x10FD0]  }
0x1af: {  	v35 =	vmov s14;
	v60 =	vld [tilespmem:s13+$0xFC10]  }
0x1b0: {  	v57 =	vld [tilespmem:s13+$0xE7E0]  }
0x1b1: {  	v61 =	vld [tilespmem:s13+$0xFBD0]  }
0x1b2: {  	v62 =	vld [tilespmem:s13+$0xE820]  }
0x1b3: {  	v63 =	vld [tilespmem:s13+$0xE810];
	v11 =	vmul.f32 $1.131370830e+01, v11;
	v2 =	vmul.f32 $1.131370830e+01, v2  }
0x1b4: {  	v38 =	vld.idx.msk [tilespmem:v35+s13+$0xFFFFFFF0 ss:$0x1], $0xffff;
	v43 =	vmul.f32 $1.131370830e+01, v14;
	v40 =	vmul.f32 $1.131370830e+01, v60  }
0x1b5: {  	v37 =	vld.idx.msk [tilespmem:v35+s13+$0x0 ss:$0x1], $0xffff;
	v12 =	vmul.f32 $1.131370830e+01, v12;
	v7 =	vmul.f32 $1.131370830e+01, v7  }
0x1b6: {  	v39 =	vld.idx.msk [tilespmem:v35+s13+$0xFFFFFFE0 ss:$0x1], $0xffff;
	v51 =	vmul.f32 $1.131370830e+01, v45;
	v45 =	vmul.f32 $1.131370830e+01, v48  }
0x1b7: {  	v36 =	vld.idx.msk [tilespmem:v35+s13+$0xFFFFFFC0 ss:$0x1], $0xffff;
	v9 =	vmul.f32 $1.131370830e+01, v9;
	v10 =	vmul.f32 $1.131370830e+01, v10  }
0x1b8: {  	v42 =	vld.idx.msk [tilespmem:v35+s13+$0x30 ss:$0x1], $0xffff;
	v49 =	vmul.f32 $1.131370830e+01, v61;
	v53 =	vmul.f32 $1.131370830e+01, v62  }
0x1b9: {  	v46 =	vld.idx.msk [tilespmem:v35+s13+$0xFFFFFFD0 ss:$0x1], $0xffff;
	v6 =	vmul.f32 $1.131370830e+01, v6;
	v3 =	vmul.f32 $1.131370830e+01, v3  }
0x1ba: {  	v44 =	vld.idx.msk [tilespmem:v35+s13+$0x10 ss:$0x1], $0xffff;
	v52 =	vmul.f32 $1.131370830e+01, v63;
	v4 =	vmul.f32 $1.131370830e+01, v4;
	v11 =	vadd.f32 v11, v38  }
0x1bb: {  	v47 =	vld.idx.msk [tilespmem:v35+s13+$0x20 ss:$0x1], $0xffff;
	v48 =	vmul.f32 $1.131370830e+01, v54;
	v2 =	vadd.f32 v2, v37;
	v7 =	vadd.f32 v7, v39  }
0x1bc: {  	v14 =	vld [tilespmem:s13+$0xFBE0];
	v61 =	vmul.f32 $1.131370830e+01, v57;
	v10 =	vadd.f32 v10, v36;
	v6 =	vadd.f32 v6, v36;
	[tilespmem:s13+$0x10FF0] =	vst v11  }
0x1bd: {  	s12 =	sor.u32 $0x1, s7;
	v59 =	vadd.f32 v4, v38;
	v4 =	vmul.f32 $1.131370830e+01, v55;
	v11 =	vld [tilespmem:s13+$0xFBC0];
	[tilespmem:s13+$0x123E0] =	vst v7;
	v7 =	vmul.f32 $1.131370830e+01, v8  }
0x1be: {  	s16 =	smulhi.u32 $0x66666667, s12;
	v3 =	vadd.f32 v3, v46;
	v54 =	vadd.f32 v48, v36;
	[tilespmem:s13+$0x11000] =	vst v2;
	v2 =	vmul.f32 $1.131370830e+01, v5;
	v5 =	vld [tilespmem:s13+$0xE7F0]  }
0x1bf: {  	v58 =	vld [tilespmem:s13+$0xE800];
	[tilespmem:s13+$0x10FC0] =	vst v10;
	v8 =	vmul.f32 $1.131370830e+01, v56;
	v10 =	vmul.f32 $1.131370830e+01, v13;
	v7 =	vadd.f32 v7, v37  }
0x1c0: {  	s14 =	sshrl.u32 s16, $0x1;
	v63 =	vld [tilespmem:s13+$0xFC20];
	v13 =	vmul.f32 $1.131370830e+01, v50;
	[tilespmem:s13+$0x123C0] =	vst v6;
	v50 =	vadd.f32 v4, v46;
	v4 =	vadd.f32 v9, v47  }
0x1c1: {  	s26 =	smul.u32 $0x5, s14;
	v41 =	vld [tilespmem:s13+$0xE830];
	v60 =	vadd.f32 v8, v46;
	v6 =	vadd.f32 v2, v42;
	[tilespmem:s13+$0x12400] =	vst v7;
	v7 =	vmul.f32 $1.131370830e+01, v14  }
0x1c2: {  	v62 =	vld [tilespmem:s13+$0xFC30];
	[tilespmem:s13+$0x123D0] =	vst v3;
	v56 =	vadd.f32 v10, v42;
	v57 =	vadd.f32 v13, v44;
	v55 =	vmul.f32 $1.131370830e+01, v11  }
0x1c3: {  	s26 =	ssub.s32 s12, s26;
	s12 =	simm.s32 $0x5300;
	v2 =	vld [tilespmem:s13+$0x10FE0];
	[tilespmem:s13+$0x11030] =	vst v6;
	v3 =	vmul.f32 $1.131370830e+01, v5;
	v5 =	vadd.f32 v12, v44;
	v48 =	vadd.f32 v7, v39  }
.LBB2_7:
0x1c4: {  	s16 =	sshra.s32 s12, $0x2;
	p1 =	sne.s32 s12, $0x9F00;
	s12 =	sadd.s32 $0x200, s12;
	v6 =	vadd.f32 v61, v39;
	v7 =	vmul.f32 $1.131370830e+01, v58;
	[tilespmem:s13+$0x11020] =	vst v4;
	v4 =	vadd.f32 v51, v47  }
0x1c5: {  	v9 =	vadd.f32 v49, v46;
	v8 =	vld [tilespmem:s16+$0x11000];
	v3 =	vadd.f32 v3, v38;
	v10 =	vmul.f32 $1.131370830e+01, v63;
	[tilespmem:s13+$0x11010] =	vst v5  }
0x1c6: {  	v11 =	vadd.f32 v53, v47;
	v12 =	vmul.f32 $1.131370830e+01, v41;
	v5 =	vld [tilespmem:s16+$0x123D0];
	v7 =	vadd.f32 v7, v37;
	[tilespmem:s13+$0x123F0] =	vst v59  }
0x1c7: {  	v14 =	vadd.f32 v52, v44;
	v13 =	vld [tilespmem:s16+$0x123F0];
	v10 =	vadd.f32 v10, v47;
	v41 =	vmul.f32 $1.131370830e+01, v62;
	[tilespmem:s13+$0x12420] =	vst v4  }
0x1c8: {  	v40 =	vadd.f32 v40, v44;
	v12 =	vadd.f32 v12, v42;
	v4 =	vld [tilespmem:s16+$0x11030];
	[tilespmem:s13+$0x10FD0] =	vst v60;
	v2 =	vmul.f32 $1.131370830e+01, v2  }
0x1c9: {  	v44 =	vld [tilespmem:s16+$0x123C0];
	[tilespmem:s13+$0xE820] =	vst v11;
	v11 =	vadd.f32 v43, v37;
	v37 =	vadd.f32 v41, v42  }
0x1ca: {  	v38 =	vadd.f32 v45, v38;
	v47 =	vld [tilespmem:s16+$0x123E0];
	[tilespmem:s13+$0xFC20] =	vst v10;
	v2 =	vadd.f32 v2, v39  }
0x1cb: {  	v10 =	vld [tilespmem:s16+$0x12400];
	[tilespmem:s13+$0xFC00] =	vst v11  }
0x1cc: {  	v11 =	vld [tilespmem:s16+$0x11020];
	[tilespmem:s13+$0xFBF0] =	vst v38  }
0x1cd: {  	v52 =	vld [tilespmem:s16+$0x10FC0];
	[tilespmem:s13+$0x10FE0] =	vst v2  }
0x1ce: {  	v2 =	vld [tilespmem:s16+$0x10FF0];
	[tilespmem:s13+$0x12430] =	vst v56  }
0x1cf: {  	v39 =	vld [tilespmem:s16+$0x11010];
	[tilespmem:s13+$0xFBD0] =	vst v9  }
0x1d0: {  	v9 =	vld [tilespmem:s16+$0x12430];
	[tilespmem:s13+$0xE810] =	vst v14  }
0x1d1: {  	v36 =	vadd.f32 v55, v36;
	v14 =	vld [tilespmem:s16+$0x12420];
	[tilespmem:s13+$0xFC30] =	vst v37  }
0x1d2: {  	v42 =	vld [tilespmem:s16+$0xFBF0];
	[tilespmem:s13+$0xE830] =	vst v12  }
0x1d3: {  	v12 =	vld [tilespmem:s16+$0xFC00];
	[tilespmem:s13+$0x12410] =	vst v57  }
0x1d4: {  	v55 =	vld [tilespmem:s16+$0x12410];
	[tilespmem:s13+$0xE7C0] =	vst v54  }
0x1d5: {  	v54 =	vld [tilespmem:s16+$0xE7C0];
	[tilespmem:s13+$0xE7D0] =	vst v50  }
0x1d6: {  	v50 =	vld [tilespmem:s16+$0xE7D0];
	[tilespmem:s13+$0xE7F0] =	vst v3  }
0x1d7: {  	v3 =	vld [tilespmem:s16+$0x10FD0];
	[tilespmem:s13+$0xE7E0] =	vst v6  }
0x1d8: {  	v6 =	vld [tilespmem:s16+$0xE7E0];
	[tilespmem:s13+$0xFC10] =	vst v40  }
0x1d9: {  	v37 =	vld [tilespmem:s16+$0xFC10];
	[tilespmem:s13+$0xFBC0] =	vst v36  }
0x1da: {  	v46 =	vld [tilespmem:s16+$0xFBD0];
	[tilespmem:s13+$0xFBE0] =	vst v48  }
0x1db: {  	v41 =	vld [tilespmem:s16+$0xE830];
	[tilespmem:s13+$0xE800] =	vst v7;
	s13 =	smov.u32 s16  }
0x1dc: {  	v7 =	vld [tilespmem:s13+$0xE820]  }
0x1dd: {  	v2 =	vmul.f32 $1.131370830e+01, v2;
	v43 =	vmul.f32 $1.131370830e+01, v12;
	v48 =	vld [tilespmem:s13+$0xE810]  }
0x1de: {  	v8 =	vmul.f32 $1.131370830e+01, v8;
	v38 =	vld.idx.msk [tilespmem:v35+s13+$0xFFFFFFF0 ss:$0x1], $0xffff;
	v40 =	vmul.f32 $1.131370830e+01, v37  }
0x1df: {  	v51 =	vmul.f32 $1.131370830e+01, v14;
	v12 =	vmul.f32 $1.131370830e+01, v39;
	v37 =	vld.idx.msk [tilespmem:v35+s13+$0x0 ss:$0x1], $0xffff  }
0x1e0: {  	v11 =	vmul.f32 $1.131370830e+01, v11;
	v45 =	vmul.f32 $1.131370830e+01, v42;
	v39 =	vld.idx.msk [tilespmem:v35+s13+$0xFFFFFFE0 ss:$0x1], $0xffff  }
0x1e1: {  	v4 =	vmul.f32 $1.131370830e+01, v4;
	v49 =	vmul.f32 $1.131370830e+01, v46;
	v36 =	vld.idx.msk [tilespmem:v35+s13+$0xFFFFFFC0 ss:$0x1], $0xffff  }
0x1e2: {  	v53 =	vmul.f32 $1.131370830e+01, v7;
	v7 =	vmul.f32 $1.131370830e+01, v44;
	v42 =	vld.idx.msk [tilespmem:v35+s13+$0x30 ss:$0x1], $0xffff  }
0x1e3: {  	v5 =	vmul.f32 $1.131370830e+01, v5;
	v14 =	vmul.f32 $1.131370830e+01, v52;
	v46 =	vld.idx.msk [tilespmem:v35+s13+$0xFFFFFFD0 ss:$0x1], $0xffff  }
0x1e4: {  	v52 =	vmul.f32 $1.131370830e+01, v48;
	v48 =	vmul.f32 $1.131370830e+01, v47;
	v2 =	vadd.f32 v2, v38;
	v44 =	vld.idx.msk [tilespmem:v35+s13+$0x10 ss:$0x1], $0xffff  }
0x1e5: {  	v13 =	vmul.f32 $1.131370830e+01, v13;
	v3 =	vmul.f32 $1.131370830e+01, v3;
	v8 =	vadd.f32 v8, v37;
	v47 =	vld.idx.msk [tilespmem:v35+s13+$0x20 ss:$0x1], $0xffff  }
0x1e6: {  	v10 =	vmul.f32 $1.131370830e+01, v10;
	v9 =	vmul.f32 $1.131370830e+01, v9;
	v57 =	vld [tilespmem:s13+$0xFBE0];
	[tilespmem:s13+$0x10FF0] =	vst v2;
	v2 =	vadd.f32 v48, v39  }
0x1e7: {  	v59 =	vadd.f32 v13, v38;
	v14 =	vadd.f32 v14, v36;
	v48 =	vld [tilespmem:s13+$0xFBC0];
	[tilespmem:s13+$0x11000] =	vst v8;
	v8 =	vmul.f32 $1.131370830e+01, v55  }
0x1e8: {  	v13 =	vmul.f32 $1.131370830e+01, v54;
	v7 =	vadd.f32 v7, v36;
	v15 =	vld [tilespmem:s13+$0xE7F0];
	[tilespmem:s13+$0x123E0] =	vst v2;
	v2 =	vadd.f32 v10, v37  }
.Ltmp2:
0x1e9: {  	v56 =	vadd.f32 v9, v42;
	v10 =	vmul.f32 $1.131370830e+01, v50;
	v60 =	vadd.f32 v3, v46;
	v58 =	vld [tilespmem:s13+$0xE800];
	[tilespmem:s13+$0x10FC0] =	vst v14;
	(pc) =	sbr.rel @p1 .LBB2_7-.Ltmp2, $4  }
0x1ea: {  	v61 =	vmul.f32 $1.131370830e+01, v6;
	v6 =	vadd.f32 v4, v42;
	v3 =	vadd.f32 v5, v46;
	v63 =	vld [tilespmem:s13+$0xFC20];
	[tilespmem:s13+$0x123C0] =	vst v7  }
0x1eb: {  	v50 =	vadd.f32 v10, v46;
	v4 =	vadd.f32 v11, v47;
	v5 =	vmul.f32 $1.131370830e+01, v57;
	[tilespmem:s13+$0x12400] =	vst v2  }
0x1ec: {  	v54 =	vadd.f32 v13, v36;
	v57 =	vadd.f32 v8, v44;
	v55 =	vmul.f32 $1.131370830e+01, v48;
	v62 =	vld [tilespmem:s13+$0xFC30];
	[tilespmem:s13+$0x123D0] =	vst v3  }
0x1ed: {  	v3 =	vmul.f32 $1.131370830e+01, v15;
	v48 =	vadd.f32 v5, v39;
	v2 =	vld [tilespmem:s13+$0x10FE0];
	v5 =	vadd.f32 v12, v44;
	[tilespmem:s13+$0x11030] =	vst v6  }
0x1ee: {  	[tilespmem:s13+$0x11020] =	vst v4  }
0x1ef: {  	[tilespmem:s13+$0x123F0] =	vst v59  }
0x1f0: {  	[tilespmem:s13+$0x10FD0] =	vst v60  }
0x1f1: {  	[tilespmem:s13+$0x12430] =	vst v56  }
0x1f2: {  	[tilespmem:s13+$0x12410] =	vst v57  }
0x1f3: {  	[tilespmem:s13+$0xE7C0] =	vst v54  }
0x1f4: {  	[tilespmem:s13+$0xE7D0] =	vst v50  }
0x1f5: {  	v6 =	vadd.f32 v53, v47;
	[tilespmem:s13+$0x11010] =	vst v5  }
0x1f6: {  	v4 =	vadd.f32 v51, v47;
	v5 =	vmul.f32 $1.131370830e+01, v63;
	[tilespmem:s13+$0xFBE0] =	vst v48  }
0x1f7: {  	[tilespmem:s13+$0xE820] =	vst v6;
	v6 =	vadd.f32 v45, v38;
	v2 =	vmul.f32 $1.131370830e+01, v2  }
0x1f8: {  	[tilespmem:s13+$0x12420] =	vst v4;
	v4 =	vadd.f32 v5, v47  }
0x1f9: {  	[tilespmem:s13+$0xFBF0] =	vst v6;
	v2 =	vadd.f32 v2, v39  }
0x1fa: {  	v5 =	vadd.f32 v43, v37;
	[tilespmem:s13+$0xFC20] =	vst v4  }
0x1fb: {  	v6 =	vadd.f32 v52, v44;
	[tilespmem:s13+$0x10FE0] =	vst v2;
	v2 =	vmul.f32 $1.131370830e+01, v41  }
0x1fc: {  	[tilespmem:s13+$0xFC00] =	vst v5;
	v4 =	vadd.f32 v49, v46;
	v5 =	vmul.f32 $1.131370830e+01, v62  }
0x1fd: {  	[tilespmem:s13+$0xE810] =	vst v6;
	v2 =	vadd.f32 v2, v42  }
0x1fe: {  	v5 =	vadd.f32 v5, v42;
	[tilespmem:s13+$0xFBD0] =	vst v4  }
0x1ff: {  	s12 =	sshll.u32 s14, $0x2;
	[tilespmem:s13+$0xE830] =	vst v2;
	v2 =	vadd.f32 v3, v38  }
0x200: {  	s26 =	smul.u32 $0x1400, s26;
	s12 =	sadd.s32 s5, s12;
	v4 =	vadd.f32 v40, v44;
	[tilespmem:s13+$0xFC30] =	vst v5  }
0x201: {  	s12 =	smul.u32 $0x6400, s12;
	v5 =	vadd.f32 v55, v36;
	[tilespmem:s13+$0xE7F0] =	vst v2;
	v2 =	vmul.f32 $1.131370830e+01, v58  }
0x202: {  	[tilespmem:s13+$0xFC10] =	vst v4;
	v3 =	vadd.f32 v61, v39  }
0x203: {  	s12 =	sadd.s32 s26, s12;
	[tilespmem:s13+$0xFBC0] =	vst v5;
	v2 =	vadd.f32 v2, v37  }
0x204: {  	s12 =	sshrl.u32 s12, $0x3;
	[tilespmem:s13+$0xE7E0] =	vst v3  }
0x205: {  	s14 =	simm.s32 $0xFC00;
	s12 =	sadd.s32 s1, s12;
	[tilespmem:s13+$0xE800] =	vst v2  }
0x206: {  	[hbm4b:s12+s29] =	stream.strided.scatter [tilespmem:s14], [sflag:$0x6], $0x5000, s8, s29, $0x38;
	[tilespmem:$0x1EC00] =	vst v63  }
0x207: {  	_ =	swait.ge [sflag:s31], $0x5000  }
0x208: {  	s13 =	simm.s32 @!p0 $0x50;
	[sflag:s31] =	ssyncset.done $0x0  }
0x209: {  	s12 =	sadd.s32 @!p0 $0x8900, s18;
	s14 =	simm.s32 @!p0 $0xFC00;
	[sflag:s31] =	ssyncadd.s32 $0xFFFFB000  }
0x20a: {  	[tilespmem:s14], [sflag:$0x2] =	stream.indirect.gather @!p0 [hbm4b:s0+s13], $0x80, s12, s13, $0xb8;
	[tilespmem:$0x1EC00] =	vst v63  }
0x20b: {  	s12 =	sadd.s32 @!p0 $0x8980, s18;
	s14 =	simm.s32 @!p0 $0x12400  }
0x20c: {  	[tilespmem:s14], [sflag:$0x2] =	stream.indirect.gather @!p0 [hbm4b:s0+s13], $0x80, s12, s13, $0xb8;
	[tilespmem:$0x1EC00] =	vst v63  }
0x20d: {  	_ =	swait.ge [sflag:s4], $0x2800  }
0x20e: {  	[sflag:s4] =	ssyncset.done $0x0  }
0x20f: {  	[sflag:s4] =	ssyncadd.s32 $0xFFFFD800  }
0x210: {  	_ =	swait.ge [sflag:s4], $0x2800  }
0x211: {  	[sflag:s4] =	ssyncset.done $0x0  }
0x212: {  	s13 =	simm.s32 $0x0;
	[sflag:s4] =	ssyncadd.s32 $0xFFFFD800  }
0x213: {  	v2 =	vld [tilespmem:s13+$0x17440]  }
0x214: {  	v3 =	vld [tilespmem:s13+$0x18810]  }
0x215: {  	v4 =	vld [tilespmem:s13+$0x18830]  }
0x216: {  	v5 =	vld [tilespmem:s13+$0x17470]  }
0x217: {  	v6 =	vld [tilespmem:s13+$0x18800]  }
0x218: {  	v7 =	vld [tilespmem:s13+$0x18820]  }
0x219: {  	v8 =	vld [tilespmem:s13+$0x18840]  }
0x21a: {  	v9 =	vld [tilespmem:s13+$0x17460]  }
0x21b: {  	v10 =	vld [tilespmem:s13+$0x17400]  }
0x21c: {  	v11 =	vld [tilespmem:s13+$0x17430]  }
0x21d: {  	v12 =	vld [tilespmem:s13+$0x17450]  }
0x21e: {  	v13 =	vld [tilespmem:s13+$0x18870]  }
0x21f: {  	v14 =	vld [tilespmem:s13+$0x18860]  }
0x220: {  	v15 =	vld [tilespmem:s13+$0x16030]  }
0x221: {  	v40 =	vld [tilespmem:s13+$0x16040]  }
0x222: {  	v48 =	vld [tilespmem:s13+$0x18850]  }
0x223: {  	v50 =	vld [tilespmem:s13+$0x14C00]  }
0x224: {  	v54 =	vld [tilespmem:s13+$0x14C10]  }
0x225: {  	v55 =	vld [tilespmem:s13+$0x17410]  }
0x226: {  	v35 =	vmov s9;
	v60 =	vld [tilespmem:s13+$0x16050]  }
0x227: {  	v57 =	vld [tilespmem:s13+$0x14C20]  }
0x228: {  	v61 =	vld [tilespmem:s13+$0x16010]  }
0x229: {  	v62 =	vld [tilespmem:s13+$0x14C60]  }
0x22a: {  	v63 =	vld [tilespmem:s13+$0x14C50];
	v11 =	vmul.f32 $1.131370830e+01, v11;
	v2 =	vmul.f32 $1.131370830e+01, v2  }
0x22b: {  	v38 =	vld.idx.msk [tilespmem:v35+s13+$0x2830 ss:$0x1], $0xffff;
	v43 =	vmul.f32 $1.131370830e+01, v40;
	v40 =	vmul.f32 $1.131370830e+01, v60  }
0x22c: {  	v37 =	vld.idx.msk [tilespmem:v35+s13+$0x2840 ss:$0x1], $0xffff;
	v12 =	vmul.f32 $1.131370830e+01, v12;
	v7 =	vmul.f32 $1.131370830e+01, v7  }
0x22d: {  	v39 =	vld.idx.msk [tilespmem:v35+s13+$0x2820 ss:$0x1], $0xffff;
	v51 =	vmul.f32 $1.131370830e+01, v14;
	v45 =	vmul.f32 $1.131370830e+01, v15  }
0x22e: {  	v36 =	vld.idx.msk [tilespmem:v35+s13+$0x2800 ss:$0x1], $0xffff;
	v9 =	vmul.f32 $1.131370830e+01, v9;
	v10 =	vmul.f32 $1.131370830e+01, v10  }
0x22f: {  	v42 =	vld.idx.msk [tilespmem:v35+s13+$0x2870 ss:$0x1], $0xffff;
	v49 =	vmul.f32 $1.131370830e+01, v61;
	v53 =	vmul.f32 $1.131370830e+01, v62  }
0x230: {  	v46 =	vld.idx.msk [tilespmem:v35+s13+$0x2810 ss:$0x1], $0xffff;
	v6 =	vmul.f32 $1.131370830e+01, v6;
	v3 =	vmul.f32 $1.131370830e+01, v3  }
0x231: {  	v44 =	vld.idx.msk [tilespmem:v35+s13+$0x2850 ss:$0x1], $0xffff;
	v52 =	vmul.f32 $1.131370830e+01, v63;
	v4 =	vmul.f32 $1.131370830e+01, v4;
	v11 =	vadd.f32 v11, v38  }
0x232: {  	v47 =	vld.idx.msk [tilespmem:v35+s13+$0x2860 ss:$0x1], $0xffff;
	v14 =	vmul.f32 $1.131370830e+01, v50;
	v2 =	vadd.f32 v2, v37;
	v7 =	vadd.f32 v7, v39  }
0x233: {  	v16 =	vld [tilespmem:s13+$0x16020];
	v61 =	vmul.f32 $1.131370830e+01, v57;
	v10 =	vadd.f32 v10, v36;
	v6 =	vadd.f32 v6, v36;
	[tilespmem:s13+$0x17430] =	vst v11  }
0x234: {  	s16 =	sor.u32 $0x2, s7;
	v59 =	vadd.f32 v4, v38;
	v4 =	vmul.f32 $1.131370830e+01, v54;
	v11 =	vld [tilespmem:s13+$0x16000];
	[tilespmem:s13+$0x18820] =	vst v7;
	v7 =	vmul.f32 $1.131370830e+01, v8  }
0x235: {  	s7 =	smulhi.u32 $0x66666667, s16;
	v3 =	vadd.f32 v3, v46;
	v54 =	vadd.f32 v14, v36;
	[tilespmem:s13+$0x17440] =	vst v2;
	v2 =	vmul.f32 $1.131370830e+01, v5;
	v5 =	vld [tilespmem:s13+$0x14C30]  }
0x236: {  	v58 =	vld [tilespmem:s13+$0x14C40];
	[tilespmem:s13+$0x17400] =	vst v10;
	v8 =	vmul.f32 $1.131370830e+01, v55;
	v55 =	vmul.f32 $1.131370830e+01, v13;
	v7 =	vadd.f32 v7, v37  }
0x237: {  	s7 =	sshrl.u32 s7, $0x1;
	v63 =	vld [tilespmem:s13+$0x16060];
	v13 =	vmul.f32 $1.131370830e+01, v48;
	[tilespmem:s13+$0x18800] =	vst v6;
	v50 =	vadd.f32 v4, v46;
	v4 =	vadd.f32 v9, v47  }
0x238: {  	s26 =	smul.u32 $0x5, s7;
	v41 =	vld [tilespmem:s13+$0x14C70];
	v60 =	vadd.f32 v8, v46;
	v6 =	vadd.f32 v2, v42;
	[tilespmem:s13+$0x18840] =	vst v7;
	v7 =	vmul.f32 $1.131370830e+01, v16  }
0x239: {  	v62 =	vld [tilespmem:s13+$0x16070];
	[tilespmem:s13+$0x18810] =	vst v3;
	v56 =	vadd.f32 v55, v42;
	v57 =	vadd.f32 v13, v44;
	v55 =	vmul.f32 $1.131370830e+01, v11  }
0x23a: {  	s9 =	ssub.s32 s16, s26;
	s12 =	simm.s32 $0x200;
	v2 =	vld [tilespmem:s13+$0x17420];
	[tilespmem:s13+$0x17470] =	vst v6;
	v3 =	vmul.f32 $1.131370830e+01, v5;
	v5 =	vadd.f32 v12, v44;
	v48 =	vadd.f32 v7, v39  }
.LBB2_9:
0x23b: {  	s14 =	sshra.s32 s12, $0x2;
	p1 =	sne.s32 s12, $0x4E00;
	s12 =	sadd.s32 $0x200, s12;
	v6 =	vadd.f32 v61, v39;
	v7 =	vmul.f32 $1.131370830e+01, v58;
	[tilespmem:s13+$0x17460] =	vst v4;
	v4 =	vadd.f32 v51, v47  }
0x23c: {  	v9 =	vadd.f32 v49, v46;
	v8 =	vld [tilespmem:s14+$0x17440];
	v3 =	vadd.f32 v3, v38;
	v10 =	vmul.f32 $1.131370830e+01, v63;
	[tilespmem:s13+$0x17450] =	vst v5  }
0x23d: {  	v11 =	vadd.f32 v53, v47;
	v12 =	vmul.f32 $1.131370830e+01, v41;
	v5 =	vld [tilespmem:s14+$0x18810];
	v7 =	vadd.f32 v7, v37;
	[tilespmem:s13+$0x18830] =	vst v59  }
0x23e: {  	v14 =	vadd.f32 v52, v44;
	v13 =	vld [tilespmem:s14+$0x18830];
	v10 =	vadd.f32 v10, v47;
	v15 =	vmul.f32 $1.131370830e+01, v62;
	[tilespmem:s13+$0x18860] =	vst v4  }
0x23f: {  	v16 =	vadd.f32 v40, v44;
	v12 =	vadd.f32 v12, v42;
	v4 =	vld [tilespmem:s14+$0x17470];
	[tilespmem:s13+$0x17410] =	vst v60;
	v2 =	vmul.f32 $1.131370830e+01, v2  }
0x240: {  	v44 =	vld [tilespmem:s14+$0x18800];
	[tilespmem:s13+$0x14C60] =	vst v11;
	v11 =	vadd.f32 v43, v37;
	v15 =	vadd.f32 v15, v42  }
0x241: {  	v37 =	vadd.f32 v45, v38;
	v47 =	vld [tilespmem:s14+$0x18820];
	[tilespmem:s13+$0x16060] =	vst v10;
	v2 =	vadd.f32 v2, v39  }
0x242: {  	v10 =	vld [tilespmem:s14+$0x18840];
	[tilespmem:s13+$0x16040] =	vst v11  }
0x243: {  	v11 =	vld [tilespmem:s14+$0x17460];
	[tilespmem:s13+$0x16030] =	vst v37  }
0x244: {  	v52 =	vld [tilespmem:s14+$0x17400];
	[tilespmem:s13+$0x17420] =	vst v2  }
0x245: {  	v2 =	vld [tilespmem:s14+$0x17430];
	[tilespmem:s13+$0x18870] =	vst v56  }
0x246: {  	v39 =	vld [tilespmem:s14+$0x17450];
	[tilespmem:s13+$0x16010] =	vst v9  }
0x247: {  	v9 =	vld [tilespmem:s14+$0x18870];
	[tilespmem:s13+$0x14C50] =	vst v14  }
0x248: {  	v36 =	vadd.f32 v55, v36;
	v14 =	vld [tilespmem:s14+$0x18860];
	[tilespmem:s13+$0x16070] =	vst v15  }
0x249: {  	v15 =	vld [tilespmem:s14+$0x16030];
	[tilespmem:s13+$0x14C70] =	vst v12  }
0x24a: {  	v12 =	vld [tilespmem:s14+$0x16040];
	[tilespmem:s13+$0x18850] =	vst v57  }
0x24b: {  	v55 =	vld [tilespmem:s14+$0x18850];
	[tilespmem:s13+$0x14C00] =	vst v54  }
0x24c: {  	v54 =	vld [tilespmem:s14+$0x14C00];
	[tilespmem:s13+$0x14C10] =	vst v50  }
0x24d: {  	v50 =	vld [tilespmem:s14+$0x14C10];
	[tilespmem:s13+$0x14C30] =	vst v3  }
0x24e: {  	v3 =	vld [tilespmem:s14+$0x17410];
	[tilespmem:s13+$0x14C20] =	vst v6  }
0x24f: {  	v6 =	vld [tilespmem:s14+$0x14C20];
	[tilespmem:s13+$0x16050] =	vst v16  }
0x250: {  	v16 =	vld [tilespmem:s14+$0x16050];
	[tilespmem:s13+$0x16000] =	vst v36  }
0x251: {  	v42 =	vld [tilespmem:s14+$0x16010];
	[tilespmem:s13+$0x16020] =	vst v48  }
0x252: {  	v41 =	vld [tilespmem:s14+$0x14C70];
	[tilespmem:s13+$0x14C40] =	vst v7;
	s13 =	smov.u32 s14  }
0x253: {  	v7 =	vld [tilespmem:s13+$0x14C60]  }
0x254: {  	v2 =	vmul.f32 $1.131370830e+01, v2;
	v43 =	vmul.f32 $1.131370830e+01, v12;
	v48 =	vld [tilespmem:s13+$0x14C50]  }
0x255: {  	v8 =	vmul.f32 $1.131370830e+01, v8;
	v38 =	vld.idx.msk [tilespmem:v35+s13+$0x2830 ss:$0x1], $0xffff;
	v40 =	vmul.f32 $1.131370830e+01, v16  }
0x256: {  	v51 =	vmul.f32 $1.131370830e+01, v14;
	v12 =	vmul.f32 $1.131370830e+01, v39;
	v37 =	vld.idx.msk [tilespmem:v35+s13+$0x2840 ss:$0x1], $0xffff  }
0x257: {  	v11 =	vmul.f32 $1.131370830e+01, v11;
	v45 =	vmul.f32 $1.131370830e+01, v15;
	v39 =	vld.idx.msk [tilespmem:v35+s13+$0x2820 ss:$0x1], $0xffff  }
0x258: {  	v4 =	vmul.f32 $1.131370830e+01, v4;
	v49 =	vmul.f32 $1.131370830e+01, v42;
	v36 =	vld.idx.msk [tilespmem:v35+s13+$0x2800 ss:$0x1], $0xffff  }
0x259: {  	v53 =	vmul.f32 $1.131370830e+01, v7;
	v7 =	vmul.f32 $1.131370830e+01, v44;
	v42 =	vld.idx.msk [tilespmem:v35+s13+$0x2870 ss:$0x1], $0xffff  }
0x25a: {  	v5 =	vmul.f32 $1.131370830e+01, v5;
	v14 =	vmul.f32 $1.131370830e+01, v52;
	v46 =	vld.idx.msk [tilespmem:v35+s13+$0x2810 ss:$0x1], $0xffff  }
0x25b: {  	v15 =	vmul.f32 $1.131370830e+01, v47;
	v52 =	vmul.f32 $1.131370830e+01, v48;
	v2 =	vadd.f32 v2, v38;
	v44 =	vld.idx.msk [tilespmem:v35+s13+$0x2850 ss:$0x1], $0xffff  }
0x25c: {  	v13 =	vmul.f32 $1.131370830e+01, v13;
	v3 =	vmul.f32 $1.131370830e+01, v3;
	v8 =	vadd.f32 v8, v37;
	v47 =	vld.idx.msk [tilespmem:v35+s13+$0x2860 ss:$0x1], $0xffff  }
0x25d: {  	v10 =	vmul.f32 $1.131370830e+01, v10;
	v9 =	vmul.f32 $1.131370830e+01, v9;
	v16 =	vld [tilespmem:s13+$0x16020];
	[tilespmem:s13+$0x17430] =	vst v2;
	v2 =	vadd.f32 v15, v39  }
0x25e: {  	v59 =	vadd.f32 v13, v38;
	v14 =	vadd.f32 v14, v36;
	v15 =	vld [tilespmem:s13+$0x16000];
	[tilespmem:s13+$0x17440] =	vst v8;
	v8 =	vmul.f32 $1.131370830e+01, v55  }
0x25f: {  	v13 =	vmul.f32 $1.131370830e+01, v54;
	v7 =	vadd.f32 v7, v36;
	v48 =	vld [tilespmem:s13+$0x14C30];
	[tilespmem:s13+$0x18820] =	vst v2;
	v2 =	vadd.f32 v10, v37  }
.Ltmp3:
0x260: {  	v56 =	vadd.f32 v9, v42;
	v10 =	vmul.f32 $1.131370830e+01, v50;
	v60 =	vadd.f32 v3, v46;
	v58 =	vld [tilespmem:s13+$0x14C40];
	[tilespmem:s13+$0x17400] =	vst v14;
	(pc) =	sbr.rel @p1 .LBB2_9-.Ltmp3, $4  }
0x261: {  	v61 =	vmul.f32 $1.131370830e+01, v6;
	v6 =	vadd.f32 v4, v42;
	v3 =	vadd.f32 v5, v46;
	v63 =	vld [tilespmem:s13+$0x16060];
	[tilespmem:s13+$0x18800] =	vst v7  }
0x262: {  	v50 =	vadd.f32 v10, v46;
	v4 =	vadd.f32 v11, v47;
	v5 =	vmul.f32 $1.131370830e+01, v16;
	[tilespmem:s13+$0x18840] =	vst v2  }
0x263: {  	v54 =	vadd.f32 v13, v36;
	v57 =	vadd.f32 v8, v44;
	v55 =	vmul.f32 $1.131370830e+01, v15;
	v62 =	vld [tilespmem:s13+$0x16070];
	[tilespmem:s13+$0x18810] =	vst v3  }
0x264: {  	v3 =	vmul.f32 $1.131370830e+01, v48;
	v48 =	vadd.f32 v5, v39;
	v2 =	vld [tilespmem:s13+$0x17420];
	v5 =	vadd.f32 v12, v44;
	[tilespmem:s13+$0x17470] =	vst v6  }
0x265: {  	[tilespmem:s13+$0x17460] =	vst v4  }
0x266: {  	[tilespmem:s13+$0x18830] =	vst v59  }
0x267: {  	[tilespmem:s13+$0x17410] =	vst v60  }
0x268: {  	[tilespmem:s13+$0x18870] =	vst v56  }
0x269: {  	[tilespmem:s13+$0x18850] =	vst v57  }
0x26a: {  	[tilespmem:s13+$0x14C00] =	vst v54  }
0x26b: {  	[tilespmem:s13+$0x14C10] =	vst v50  }
0x26c: {  	v6 =	vadd.f32 v53, v47;
	[tilespmem:s13+$0x17450] =	vst v5  }
0x26d: {  	v4 =	vadd.f32 v51, v47;
	v5 =	vmul.f32 $1.131370830e+01, v63;
	[tilespmem:s13+$0x16020] =	vst v48  }
0x26e: {  	[tilespmem:s13+$0x14C60] =	vst v6;
	v6 =	vadd.f32 v45, v38;
	v2 =	vmul.f32 $1.131370830e+01, v2  }
0x26f: {  	[tilespmem:s13+$0x18860] =	vst v4;
	v4 =	vadd.f32 v5, v47  }
0x270: {  	[tilespmem:s13+$0x16030] =	vst v6;
	v2 =	vadd.f32 v2, v39  }
0x271: {  	v5 =	vadd.f32 v43, v37;
	[tilespmem:s13+$0x16060] =	vst v4  }
0x272: {  	v6 =	vadd.f32 v52, v44;
	[tilespmem:s13+$0x17420] =	vst v2;
	v2 =	vmul.f32 $1.131370830e+01, v41  }
0x273: {  	[tilespmem:s13+$0x16040] =	vst v5;
	v4 =	vadd.f32 v49, v46;
	v5 =	vmul.f32 $1.131370830e+01, v62  }
0x274: {  	[tilespmem:s13+$0x14C50] =	vst v6;
	v2 =	vadd.f32 v2, v42  }
0x275: {  	v5 =	vadd.f32 v5, v42;
	[tilespmem:s13+$0x16010] =	vst v4  }
0x276: {  	s7 =	sshll.u32 s7, $0x2;
	[tilespmem:s13+$0x14C70] =	vst v2;
	v2 =	vadd.f32 v3, v38  }
0x277: {  	s9 =	smul.u32 $0x1400, s9;
	s7 =	sadd.s32 s5, s7;
	v4 =	vadd.f32 v40, v44;
	[tilespmem:s13+$0x16070] =	vst v5  }
0x278: {  	s7 =	smul.u32 $0x6400, s7;
	v5 =	vadd.f32 v55, v36;
	[tilespmem:s13+$0x14C30] =	vst v2;
	v2 =	vmul.f32 $1.131370830e+01, v58  }
0x279: {  	[tilespmem:s13+$0x16050] =	vst v4;
	v3 =	vadd.f32 v61, v39  }
0x27a: {  	s7 =	sadd.s32 s9, s7;
	[tilespmem:s13+$0x16000] =	vst v5;
	v2 =	vadd.f32 v2, v37  }
0x27b: {  	s7 =	sshrl.u32 s7, $0x3;
	[tilespmem:s13+$0x14C20] =	vst v3  }
0x27c: {  	s7 =	sadd.s32 s1, s7;
	[tilespmem:s13+$0x14C40] =	vst v2  }
0x27d: {  	[hbm4b:s7+s29] =	stream.strided.scatter [tilespmem:s21], [sflag:$0x7], $0x5000, s8, s29, $0x38;
	[tilespmem:$0x1EC00] =	vst v63  }
0x27e: {  	_ =	swait.ge [sflag:s2], $0x5000  }
0x27f: {  	s12 =	simm.s32 @!p0 $0x14C00;
	[sflag:s2] =	ssyncset.done $0x0  }
0x280: {  	s9 =	simm.s32 @!p0 $0x50;
	s7 =	sadd.s32 @!p0 $0x8A00, s18;
	[sflag:s2] =	ssyncadd.s32 $0xFFFFB000  }
0x281: {  	[tilespmem:s12], [sflag:$0x3] =	stream.indirect.gather @!p0 [hbm4b:s0+s9], $0x80, s7, s9, $0xb8;
	[tilespmem:$0x1EC00] =	vst v63  }
0x282: {  	s7 =	sadd.s32 @!p0 $0x8A80, s18;
	s12 =	simm.s32 @!p0 $0x17400  }
0x283: {  	[tilespmem:s12], [sflag:$0x3] =	stream.indirect.gather @!p0 [hbm4b:s0+s9], $0x80, s7, s9, $0xb8;
	[tilespmem:$0x1EC00] =	vst v63  }
0x284: {  	_ =	swait.ge [sflag:s11], $0x2800  }
0x285: {  	[sflag:s11] =	ssyncset.done $0x0  }
0x286: {  	[sflag:s11] =	ssyncadd.s32 $0xFFFFD800  }
0x287: {  	_ =	swait.ge [sflag:s11], $0x2800  }
0x288: {  	[sflag:s11] =	ssyncset.done $0x0  }
0x289: {  	s7 =	simm.s32 $0x0;
	[sflag:s11] =	ssyncadd.s32 $0xFFFFD800  }
0x28a: {  	v2 =	vld [tilespmem:s7+$0x1C440]  }
0x28b: {  	v3 =	vld [tilespmem:s7+$0x1D810]  }
0x28c: {  	v4 =	vld [tilespmem:s7+$0x1D830]  }
0x28d: {  	v5 =	vld [tilespmem:s7+$0x1C470]  }
0x28e: {  	v6 =	vld [tilespmem:s7+$0x1D800]  }
0x28f: {  	v7 =	vld [tilespmem:s7+$0x1D820]  }
0x290: {  	v8 =	vld [tilespmem:s7+$0x1D840]  }
0x291: {  	v9 =	vld [tilespmem:s7+$0x1C460]  }
0x292: {  	v10 =	vld [tilespmem:s7+$0x1C400]  }
0x293: {  	v11 =	vld [tilespmem:s7+$0x1C430]  }
0x294: {  	v12 =	vld [tilespmem:s7+$0x1C450]  }
0x295: {  	v13 =	vld [tilespmem:s7+$0x1D870]  }
0x296: {  	v14 =	vld [tilespmem:s7+$0x1D860]  }
0x297: {  	v15 =	vld [tilespmem:s7+$0x1B030]  }
0x298: {  	v16 =	vld [tilespmem:s7+$0x1B040]  }
0x299: {  	v47 =	vld [tilespmem:s7+$0x1D850]  }
0x29a: {  	v50 =	vld [tilespmem:s7+$0x19C00]  }
0x29b: {  	v54 =	vld [tilespmem:s7+$0x19C10]  }
0x29c: {  	v35 =	vmov s6;
	v55 =	vld [tilespmem:s7+$0x1C410]  }
0x29d: {  	v60 =	vld [tilespmem:s7+$0x1B050]  }
0x29e: {  	v61 =	vld [tilespmem:s7+$0x1B010]  }
0x29f: {  	v62 =	vld [tilespmem:s7+$0x19C60]  }
0x2a0: {  	v63 =	vld [tilespmem:s7+$0x19C50]  }
0x2a1: {  	v38 =	vld.idx.msk [tilespmem:v35+s7+$0x3C30 ss:$0x1], $0xffff;
	v11 =	vmul.f32 $1.131370830e+01, v11  }
0x2a2: {  	v37 =	vld.idx.msk [tilespmem:v35+s7+$0x3C40 ss:$0x1], $0xffff;
	v2 =	vmul.f32 $1.131370830e+01, v2;
	v43 =	vmul.f32 $1.131370830e+01, v16  }
0x2a3: {  	v39 =	vld.idx.msk [tilespmem:v35+s7+$0x3C20 ss:$0x1], $0xffff;
	v40 =	vmul.f32 $1.131370830e+01, v60;
	v12 =	vmul.f32 $1.131370830e+01, v12  }
0x2a4: {  	v36 =	vld.idx.msk [tilespmem:v35+s7+$0x3C00 ss:$0x1], $0xffff;
	v7 =	vmul.f32 $1.131370830e+01, v7;
	v51 =	vmul.f32 $1.131370830e+01, v14  }
0x2a5: {  	v57 =	vld [tilespmem:s7+$0x19C20];
	v45 =	vmul.f32 $1.131370830e+01, v15;
	v9 =	vmul.f32 $1.131370830e+01, v9  }
0x2a6: {  	v42 =	vld.idx.msk [tilespmem:v35+s7+$0x3C70 ss:$0x1], $0xffff;
	v10 =	vmul.f32 $1.131370830e+01, v10;
	v49 =	vmul.f32 $1.131370830e+01, v61  }
0x2a7: {  	v46 =	vld.idx.msk [tilespmem:v35+s7+$0x3C10 ss:$0x1], $0xffff;
	v53 =	vmul.f32 $1.131370830e+01, v62;
	v6 =	vmul.f32 $1.131370830e+01, v6;
	v11 =	vadd.f32 v11, v38  }
0x2a8: {  	v44 =	vld.idx.msk [tilespmem:v35+s7+$0x3C50 ss:$0x1], $0xffff;
	v3 =	vmul.f32 $1.131370830e+01, v3;
	v4 =	vmul.f32 $1.131370830e+01, v4;
	v2 =	vadd.f32 v2, v37  }
0x2a9: {  	v48 =	vld.idx.msk [tilespmem:v35+s7+$0x3C60 ss:$0x1], $0xffff;
	v52 =	vmul.f32 $1.131370830e+01, v63;
	v7 =	vadd.f32 v7, v39;
	v10 =	vadd.f32 v10, v36;
	[tilespmem:s7+$0x1C430] =	vst v11  }
0x2aa: {  	v16 =	vld [tilespmem:s7+$0x1B020];
	v59 =	vadd.f32 v4, v38;
	v4 =	vmul.f32 $1.131370830e+01, v54;
	[tilespmem:s7+$0x1C440] =	vst v2;
	v2 =	vmul.f32 $1.131370830e+01, v5  }
0x2ab: {  	v6 =	vadd.f32 v6, v36;
	v11 =	vld [tilespmem:s7+$0x1B000];
	[tilespmem:s7+$0x1D820] =	vst v7;
	v7 =	vmul.f32 $1.131370830e+01, v8;
	v8 =	vmul.f32 $1.131370830e+01, v55  }
0x2ac: {  	s18 =	smulhi.u32 $0x66666667, s3;
	v3 =	vadd.f32 v3, v46;
	v5 =	vld [tilespmem:s7+$0x19C30];
	v55 =	vmul.f32 $1.131370830e+01, v13;
	v13 =	vmul.f32 $1.131370830e+01, v47  }
0x2ad: {  	v58 =	vld [tilespmem:s7+$0x19C40];
	[tilespmem:s7+$0x1C400] =	vst v10;
	v47 =	vmul.f32 $1.131370830e+01, v50;
	v50 =	vadd.f32 v4, v46;
	v7 =	vadd.f32 v7, v37  }
0x2ae: {  	s6 =	sshrl.u32 s18, $0x1;
	v63 =	vld [tilespmem:s7+$0x1B060];
	v61 =	vmul.f32 $1.131370830e+01, v57;
	[tilespmem:s7+$0x1D800] =	vst v6;
	v4 =	vadd.f32 v9, v48;
	v60 =	vadd.f32 v8, v46  }
0x2af: {  	s26 =	smul.u32 $0x5, s6;
	v41 =	vld [tilespmem:s7+$0x19C70];
	v56 =	vadd.f32 v55, v42;
	v6 =	vadd.f32 v2, v42;
	[tilespmem:s7+$0x1D840] =	vst v7;
	v7 =	vmul.f32 $1.131370830e+01, v16  }
0x2b0: {  	v62 =	vld [tilespmem:s7+$0x1B070];
	[tilespmem:s7+$0x1D810] =	vst v3;
	v54 =	vadd.f32 v47, v36;
	v57 =	vadd.f32 v13, v44;
	v55 =	vmul.f32 $1.131370830e+01, v11  }
0x2b1: {  	s9 =	simm.s32 $0x200;
	s3 =	ssub.s32 s3, s26;
	v2 =	vld [tilespmem:s7+$0x1C420];
	[tilespmem:s7+$0x1C470] =	vst v6;
	v3 =	vmul.f32 $1.131370830e+01, v5;
	v5 =	vadd.f32 v12, v44;
	v47 =	vadd.f32 v7, v39  }
.LBB2_11:
0x2b2: {  	s12 =	sshra.s32 s9, $0x2;
	p0 =	sne.s32 s9, $0x4E00;
	s9 =	sadd.s32 $0x200, s9;
	v6 =	vadd.f32 v61, v39;
	v7 =	vmul.f32 $1.131370830e+01, v58;
	[tilespmem:s7+$0x1C460] =	vst v4;
	v4 =	vadd.f32 v51, v48  }
0x2b3: {  	v9 =	vadd.f32 v49, v46;
	v8 =	vld [tilespmem:s12+$0x1C440];
	v3 =	vadd.f32 v3, v38;
	v10 =	vmul.f32 $1.131370830e+01, v63;
	[tilespmem:s7+$0x1C450] =	vst v5  }
0x2b4: {  	v11 =	vadd.f32 v53, v48;
	v12 =	vmul.f32 $1.131370830e+01, v41;
	v5 =	vld [tilespmem:s12+$0x1D810];
	v7 =	vadd.f32 v7, v37;
	[tilespmem:s7+$0x1D830] =	vst v59  }
0x2b5: {  	v14 =	vadd.f32 v52, v44;
	v13 =	vld [tilespmem:s12+$0x1D830];
	v10 =	vadd.f32 v10, v48;
	v15 =	vmul.f32 $1.131370830e+01, v62;
	[tilespmem:s7+$0x1D860] =	vst v4  }
0x2b6: {  	v16 =	vadd.f32 v40, v44;
	v12 =	vadd.f32 v12, v42;
	v4 =	vld [tilespmem:s12+$0x1C470];
	[tilespmem:s7+$0x1C410] =	vst v60;
	v2 =	vmul.f32 $1.131370830e+01, v2  }
0x2b7: {  	v44 =	vld [tilespmem:s12+$0x1D800];
	[tilespmem:s7+$0x19C60] =	vst v11;
	v11 =	vadd.f32 v43, v37;
	v15 =	vadd.f32 v15, v42  }
0x2b8: {  	v37 =	vadd.f32 v45, v38;
	v48 =	vld [tilespmem:s12+$0x1D820];
	[tilespmem:s7+$0x1B060] =	vst v10;
	v2 =	vadd.f32 v2, v39  }
0x2b9: {  	v10 =	vld [tilespmem:s12+$0x1D840];
	[tilespmem:s7+$0x1B040] =	vst v11  }
0x2ba: {  	v11 =	vld [tilespmem:s12+$0x1C460];
	[tilespmem:s7+$0x1B030] =	vst v37  }
0x2bb: {  	v52 =	vld [tilespmem:s12+$0x1C400];
	[tilespmem:s7+$0x1C420] =	vst v2  }
0x2bc: {  	v2 =	vld [tilespmem:s12+$0x1C430];
	[tilespmem:s7+$0x1D870] =	vst v56  }
0x2bd: {  	v39 =	vld [tilespmem:s12+$0x1C450];
	[tilespmem:s7+$0x1B010] =	vst v9  }
0x2be: {  	v9 =	vld [tilespmem:s12+$0x1D870];
	[tilespmem:s7+$0x19C50] =	vst v14  }
0x2bf: {  	v36 =	vadd.f32 v55, v36;
	v14 =	vld [tilespmem:s12+$0x1D860];
	[tilespmem:s7+$0x1B070] =	vst v15  }
0x2c0: {  	v15 =	vld [tilespmem:s12+$0x1B030];
	[tilespmem:s7+$0x19C70] =	vst v12  }
0x2c1: {  	v12 =	vld [tilespmem:s12+$0x1B040];
	[tilespmem:s7+$0x1D850] =	vst v57  }
0x2c2: {  	v55 =	vld [tilespmem:s12+$0x1D850];
	[tilespmem:s7+$0x19C00] =	vst v54  }
0x2c3: {  	v54 =	vld [tilespmem:s12+$0x19C00];
	[tilespmem:s7+$0x19C10] =	vst v50  }
0x2c4: {  	v50 =	vld [tilespmem:s12+$0x19C10];
	[tilespmem:s7+$0x19C30] =	vst v3  }
0x2c5: {  	v3 =	vld [tilespmem:s12+$0x1C410];
	[tilespmem:s7+$0x19C20] =	vst v6  }
0x2c6: {  	v6 =	vld [tilespmem:s12+$0x19C20];
	[tilespmem:s7+$0x1B050] =	vst v16  }
0x2c7: {  	v16 =	vld [tilespmem:s12+$0x1B050];
	[tilespmem:s7+$0x1B000] =	vst v36  }
0x2c8: {  	v42 =	vld [tilespmem:s12+$0x1B010];
	[tilespmem:s7+$0x1B020] =	vst v47  }
0x2c9: {  	v41 =	vld [tilespmem:s12+$0x19C70];
	[tilespmem:s7+$0x19C40] =	vst v7;
	s7 =	smov.u32 s12  }
0x2ca: {  	v7 =	vld [tilespmem:s7+$0x19C60]  }
0x2cb: {  	v2 =	vmul.f32 $1.131370830e+01, v2;
	v43 =	vmul.f32 $1.131370830e+01, v12;
	v47 =	vld [tilespmem:s7+$0x19C50]  }
0x2cc: {  	v8 =	vmul.f32 $1.131370830e+01, v8;
	v38 =	vld.idx.msk [tilespmem:v35+s7+$0x3C30 ss:$0x1], $0xffff;
	v40 =	vmul.f32 $1.131370830e+01, v16  }
0x2cd: {  	v51 =	vmul.f32 $1.131370830e+01, v14;
	v12 =	vmul.f32 $1.131370830e+01, v39;
	v37 =	vld.idx.msk [tilespmem:v35+s7+$0x3C40 ss:$0x1], $0xffff  }
0x2ce: {  	v11 =	vmul.f32 $1.131370830e+01, v11;
	v45 =	vmul.f32 $1.131370830e+01, v15;
	v39 =	vld.idx.msk [tilespmem:v35+s7+$0x3C20 ss:$0x1], $0xffff  }
0x2cf: {  	v4 =	vmul.f32 $1.131370830e+01, v4;
	v49 =	vmul.f32 $1.131370830e+01, v42;
	v36 =	vld.idx.msk [tilespmem:v35+s7+$0x3C00 ss:$0x1], $0xffff  }
0x2d0: {  	v53 =	vmul.f32 $1.131370830e+01, v7;
	v7 =	vmul.f32 $1.131370830e+01, v44;
	v42 =	vld.idx.msk [tilespmem:v35+s7+$0x3C70 ss:$0x1], $0xffff  }
0x2d1: {  	v5 =	vmul.f32 $1.131370830e+01, v5;
	v14 =	vmul.f32 $1.131370830e+01, v52;
	v46 =	vld.idx.msk [tilespmem:v35+s7+$0x3C10 ss:$0x1], $0xffff  }
0x2d2: {  	v15 =	vmul.f32 $1.131370830e+01, v48;
	v52 =	vmul.f32 $1.131370830e+01, v47;
	v2 =	vadd.f32 v2, v38;
	v44 =	vld.idx.msk [tilespmem:v35+s7+$0x3C50 ss:$0x1], $0xffff  }
0x2d3: {  	v13 =	vmul.f32 $1.131370830e+01, v13;
	v3 =	vmul.f32 $1.131370830e+01, v3;
	v8 =	vadd.f32 v8, v37;
	v48 =	vld.idx.msk [tilespmem:v35+s7+$0x3C60 ss:$0x1], $0xffff  }
0x2d4: {  	v10 =	vmul.f32 $1.131370830e+01, v10;
	v9 =	vmul.f32 $1.131370830e+01, v9;
	v16 =	vld [tilespmem:s7+$0x1B020];
	[tilespmem:s7+$0x1C430] =	vst v2;
	v2 =	vadd.f32 v15, v39  }
0x2d5: {  	v59 =	vadd.f32 v13, v38;
	v14 =	vadd.f32 v14, v36;
	v15 =	vld [tilespmem:s7+$0x1B000];
	[tilespmem:s7+$0x1C440] =	vst v8;
	v8 =	vmul.f32 $1.131370830e+01, v55  }
0x2d6: {  	v13 =	vmul.f32 $1.131370830e+01, v54;
	v7 =	vadd.f32 v7, v36;
	v47 =	vld [tilespmem:s7+$0x19C30];
	[tilespmem:s7+$0x1D820] =	vst v2;
	v2 =	vadd.f32 v10, v37  }
.Ltmp4:
0x2d7: {  	v56 =	vadd.f32 v9, v42;
	v10 =	vmul.f32 $1.131370830e+01, v50;
	v60 =	vadd.f32 v3, v46;
	v58 =	vld [tilespmem:s7+$0x19C40];
	[tilespmem:s7+$0x1C400] =	vst v14;
	(pc) =	sbr.rel @p0 .LBB2_11-.Ltmp4, $4  }
0x2d8: {  	v61 =	vmul.f32 $1.131370830e+01, v6;
	v6 =	vadd.f32 v4, v42;
	v3 =	vadd.f32 v5, v46;
	v63 =	vld [tilespmem:s7+$0x1B060];
	[tilespmem:s7+$0x1D800] =	vst v7  }
0x2d9: {  	v50 =	vadd.f32 v10, v46;
	v4 =	vadd.f32 v11, v48;
	v5 =	vmul.f32 $1.131370830e+01, v16;
	[tilespmem:s7+$0x1D840] =	vst v2  }
0x2da: {  	v54 =	vadd.f32 v13, v36;
	v57 =	vadd.f32 v8, v44;
	v55 =	vmul.f32 $1.131370830e+01, v15;
	v62 =	vld [tilespmem:s7+$0x1B070];
	[tilespmem:s7+$0x1D810] =	vst v3  }
0x2db: {  	v3 =	vmul.f32 $1.131370830e+01, v47;
	v47 =	vadd.f32 v5, v39;
	v2 =	vld [tilespmem:s7+$0x1C420];
	v5 =	vadd.f32 v12, v44;
	[tilespmem:s7+$0x1C470] =	vst v6  }
0x2dc: {  	[tilespmem:s7+$0x1C460] =	vst v4  }
0x2dd: {  	[tilespmem:s7+$0x1D830] =	vst v59  }
0x2de: {  	[tilespmem:s7+$0x1C410] =	vst v60  }
0x2df: {  	[tilespmem:s7+$0x1D870] =	vst v56  }
0x2e0: {  	[tilespmem:s7+$0x1D850] =	vst v57  }
0x2e1: {  	[tilespmem:s7+$0x19C00] =	vst v54  }
0x2e2: {  	[tilespmem:s7+$0x19C10] =	vst v50  }
0x2e3: {  	v13 =	vadd.f32 v51, v48;
	[tilespmem:s7+$0x1C450] =	vst v5  }
0x2e4: {  	v6 =	vadd.f32 v53, v48;
	[tilespmem:s7+$0x1B020] =	vst v47  }
0x2e5: {  	v51 =	vadd.f32 v45, v38;
	[tilespmem:s7+$0x1D860] =	vst v13;
	v2 =	vmul.f32 $1.131370830e+01, v2  }
0x2e6: {  	v53 =	vadd.f32 v49, v46;
	[tilespmem:s7+$0x19C60] =	vst v6  }
0x2e7: {  	[tilespmem:s7+$0x1B030] =	vst v51;
	v2 =	vadd.f32 v2, v39  }
0x2e8: {  	v60 =	vadd.f32 v52, v44;
	v14 =	vmul.f32 $1.131370830e+01, v63;
	[tilespmem:s7+$0x1B010] =	vst v53  }
0x2e9: {  	v63 =	vadd.f32 v55, v36;
	[tilespmem:s7+$0x1C420] =	vst v2;
	v2 =	vmul.f32 $1.131370830e+01, v41  }
0x2ea: {  	[tilespmem:s7+$0x19C50] =	vst v60;
	v35 =	vadd.f32 v14, v48  }
0x2eb: {  	[tilespmem:s7+$0x1B000] =	vst v63;
	v2 =	vadd.f32 v2, v42  }
0x2ec: {  	v48 =	vadd.f32 v43, v37;
	[tilespmem:s7+$0x1B060] =	vst v35  }
0x2ed: {  	s6 =	sshll.u32 s6, $0x2;
	v59 =	vmul.f32 $1.131370830e+01, v62;
	[tilespmem:s7+$0x19C70] =	vst v2;
	v2 =	vadd.f32 v3, v38  }
0x2ee: {  	s3 =	smul.u32 $0x1400, s3;
	s23 =	sadd.s32 $0x1, s23;
	s6 =	sadd.s32 s5, s6;
	v62 =	vadd.f32 v40, v44;
	[tilespmem:s7+$0x1B040] =	vst v48  }
0x2ef: {  	p0 =	sne.s32 s23, $0xA;
	s6 =	smul.u32 $0x6400, s6;
	v5 =	vadd.f32 v59, v42;
	[tilespmem:s7+$0x19C30] =	vst v2;
	v2 =	vmul.f32 $1.131370830e+01, v58  }
.Ltmp5:
0x2f0: {  	[tilespmem:s7+$0x1B050] =	vst v62;
	v3 =	vadd.f32 v61, v39;
	(pc) =	sbr.rel @p0 .LBB2_4-.Ltmp5, $4  }
0x2f1: {  	s22 =	sadd.s32 $0x5000, s22;
	s3 =	sadd.s32 s3, s6;
	[tilespmem:s7+$0x1B070] =	vst v5;
	v2 =	vadd.f32 v2, v37  }
0x2f2: {  	s15 =	sadd.s32 $0x4, s15;
	s17 =	sadd.s32 $0x4, s17;
	s3 =	sshrl.u32 s3, $0x3;
	[tilespmem:s7+$0x19C20] =	vst v3  }
0x2f3: {  	s19 =	sadd.s32 $0x4, s19;
	s20 =	sadd.s32 $0x4, s20;
	s3 =	sadd.s32 s1, s3;
	[tilespmem:s7+$0x19C40] =	vst v2  }
0x2f4: {  	[hbm4b:s3+s29] =	stream.strided.scatter [tilespmem:s25], [sflag:$0x8], $0x5000, s8, s29, $0x38;
	[tilespmem:$0x1EC00] =	vst v63  }
0x2f5: {  	s6 =	simm.s32 $0x8  }
0x2f6: {  	_ =	swait.ge [sflag:s6], $0x5000  }
0x2f7: {  	s7 =	rddreg [dreg:$0x7]  }
0x2f8: {  	s3 =	rddreg [dreg:$0x6];
	s7 =	sadd.s32 $0x1, s7  }
0x2f9: {  	p0 =	sne.s32 s7, s3  }
.Ltmp6:
0x2fa: {  	_ = 	snop;
	(pc) =	sbr.rel @p0 .LBB2_1-.Ltmp6, $3  }
0x2fb: {  	_ =	sdelay $0x1  }
0x2fc: {  	[sflag:s6] =	ssyncset.done $0x0  }
0x2fd: {  	[sflag:s6] =	ssyncadd.s32 $0xFFFFB000  }
0x2fe: {  	_ =	sfence.sel $0x180000  }
0x2ff: {  	[bflag:$0x0] =	sbarrier.arrive $0xFFFF  }
0x300: {  	_ =	strace $0x90000047  }
0x301: {  	s0 =	stileid.u32;
	[bflag:$0x2] =	sbarrier.arrive $0xFFFF  }
0x302: {  	p0 =	sne.s32 s0, $0x0;
	s0 =	rddreg [dreg:$0x3]  }
0x303: {  	s0 =	sadd.s32 @!p0 $0x100000, s0  }
0x304: {  	[sflag:s0] =	ssyncadd.tile.s32 @!p0 $0x1;
	_ =	shalt  }
.Lfunc_end2:
_tile_overlayer_lowered:
.L_overlay_start_2:
0x305: {  	(tag) =	ssettag $0x2  }
0x306: {  	s0 =	rddreg [dreg:$0x0];
	s2 =	stileid.u32  }
0x307: {  	s1 =	rddreg [dreg:$0x1];
	p0 =	sne.s32 s2, $0x0  }
0x308: {  	s3 =	rddreg [dreg:$0x2];
	[bflag:$0x3] =	sbarrier.arrive $0xFFFF;
	s2 =	simm.s32 @!p0 $0x1C09  }
0x309: {  	[timem:s3], [sflag:s2] =	dma.local @!p0 [hbm:s0], s1  }
0x30a: {  	s0 =	simm.s32 @!p0 $0x9  }
0x30b: {  	_ =	swait.ge @!p0 [sflag:s0], s1  }
0x30c: {  	s1 =	ssub.s32 @!p0 $0x0, s1;
	[sflag:s0] =	ssyncset.done @!p0 $0x0  }
0x30d: {  	[sflag:s0] =	ssyncadd.s32 @!p0 s1  }
0x30e: {  	[bflag:$0x3] =	sbarrier.arrive $0xFFFF  }
0x30f: {  	_ =	shalt  }

</sc_bundles>
